<compile_context>
chip_gen: v7x
topology: tpu7x:2x2x1
jax: 0.10.2.dev20260603
libtpu: 0.0.44.dev20260713+nightly
codegen_flags: <defaults>
</compile_context>

<pallas_src>
import functools

import jax
import jax.numpy as jnp
from jax import lax
from jax.experimental import pallas as pl
from jax.experimental.pallas import tpu as pltpu
from jax.experimental.pallas import tpu_sc as plsc

BN = 80
SC_NODES = 4480
_NTILES = 32
_C = 2
_L = 16


def _gat_block_tc(a1_ref, a2_ref, mb_a1_ref, mb_a2_ref, ft_ref, out_ref):
    a1 = a1_ref[...]
    a2 = a2_ref[...]
    mb_a1 = mb_a1_ref[...]
    mb_a2 = mb_a2_ref[...]

    b = a2[:, None, :] + mb_a1
    s = jnp.sum(a1[:, None, :] + mb_a2 + b, axis=-1, keepdims=True)
    z = s + b
    z = jnp.where(z >= 0, z, 0.01 * z)
    m = jnp.max(z, axis=1, keepdims=True)
    e = jnp.exp(z - m)
    denom = jnp.sum(e, axis=1)
    num = jnp.sum(e * ft_ref[...], axis=1)
    out_ref[...] = num / denom


def _tc_part(a1, a2, mb_a1, mb_a2, ft, n_tc):
    n, d = a1.shape
    k = mb_a1.shape[1]
    grid = (n_tc // BN,)
    return pl.pallas_call(
        _gat_block_tc,
        grid=grid,
        in_specs=[
            pl.BlockSpec((BN, d), lambda i: (i, 0)),
            pl.BlockSpec((BN, d), lambda i: (i, 0)),
            pl.BlockSpec((BN, k, d), lambda i: (i, 0, 0)),
            pl.BlockSpec((BN, k, d), lambda i: (i, 0, 0)),
            pl.BlockSpec((BN, k, d), lambda i: (i, 0, 0)),
        ],
        out_specs=pl.BlockSpec((BN, d), lambda i: (i, 0)),
        out_shape=jax.ShapeDtypeStruct((n, d), jnp.float32),
    )(a1, a2, mb_a1, mb_a2, ft)


def _lane_sum(v, idxs):
    for idx in idxs:
        v = v + v.at[idx].get(mode="promise_in_bounds")
    return v


def _lane_max(v, idxs):
    for idx in idxs:
        v = jnp.maximum(v, v.at[idx].get(mode="promise_in_bounds"))
    return v


def _sc_body(n_tc, k_sz, d_sz,
             a1_hbm, a2_hbm, mb1_hbm, mb2_hbm, ft_hbm, out_hbm,
             a1_v, a2_v, mb1_v, mb2_v, ft_v, out_v,
             sem_in0, sem_in1, sem_out0, sem_out1):
    nchunk = d_sz // _L
    wid = lax.axis_index("s") * 2 + lax.axis_index("c")
    per_tile = SC_NODES // _NTILES
    nchunks = per_tile // _C
    halfn = nchunks // 2
    my_out0 = wid * per_tile
    my_in0 = n_tc + my_out0

    lanes = lax.iota(jnp.int32, _L)
    idxs = [jnp.bitwise_xor(lanes, sh) for sh in (8, 4, 2, 1)]

    in_sems = (sem_in0, sem_in1)
    out_sems = (sem_out0, sem_out1)

    def in_copies(b, i):
        ib = my_in0 + i * _C
        sem = in_sems[b]
        return [
            pltpu.make_async_copy(a1_hbm.at[pl.ds(ib, _C)], a1_v.at[b], sem),
            pltpu.make_async_copy(a2_hbm.at[pl.ds(ib, _C)], a2_v.at[b], sem),
            pltpu.make_async_copy(mb1_hbm.at[pl.ds(ib, _C)], mb1_v.at[b], sem),
            pltpu.make_async_copy(mb2_hbm.at[pl.ds(ib, _C)], mb2_v.at[b], sem),
            pltpu.make_async_copy(ft_hbm.at[pl.ds(ib, _C)], ft_v.at[b], sem),
        ]

    def start_in(b, i):
        for cp in in_copies(b, i):
            cp.start()

    def wait_in(b, i):
        for cp in in_copies(b, i):
            cp.wait()

    def out_copy(b, i):
        return pltpu.make_async_copy(
            out_v.at[b], out_hbm.at[pl.ds(my_out0 + i * _C, _C)], out_sems[b])

    def compute(b, i):
        for nl in range(_C):
            a2c = [a2_v[b, nl, pl.ds(c * _L, _L)] for c in range(nchunk)]
            s0 = a1_v[b, nl, pl.ds(0, _L)] + a2c[0]
            for c in range(1, nchunk):
                s0 = s0 + a1_v[b, nl, pl.ds(c * _L, _L)] + a2c[c]
            s0 = _lane_sum(s0, idxs)

            def k_body(kk, carry):
                m, den, acc = carry
                bs = []
                svec = jnp.zeros((_L,), jnp.float32)
                for c in range(nchunk):
                    mb1c = mb1_v[b, nl, kk, pl.ds(c * _L, _L)]
                    mb2c = mb2_v[b, nl, kk, pl.ds(c * _L, _L)]
                    bs.append(a2c[c] + mb1c)
                    svec = svec + mb1c + mb2c
                sk = _lane_sum(svec, idxs) + s0
                nm, nden, nacc = [], [], []
                for c in range(nchunk):
                    z = sk + bs[c]
                    z = jnp.maximum(z, 0.01 * z)
                    mi = jnp.maximum(m[c], z)
                    alpha = jnp.exp(m[c] - mi)
                    e = jnp.exp(z - mi)
                    nm.append(mi)
                    nden.append(den[c] * alpha + e)
                    ftc = ft_v[b, nl, kk, pl.ds(c * _L, _L)]
                    nacc.append(acc[c] * alpha + e * ftc)
                return tuple(nm), tuple(nden), tuple(nacc)

            minit = tuple(jnp.full((_L,), -jnp.inf, jnp.float32)
                          for _ in range(nchunk))
            zinit = tuple(jnp.zeros((_L,), jnp.float32) for _ in range(nchunk))
            m, den, acc = plsc.parallel_loop(
                0, k_sz, carry=(minit, zinit, zinit))(
                    lambda kk, carry: k_body(kk, carry))
            for c in range(nchunk):
                out_v[b, nl, pl.ds(c * _L, _L)] = acc[c] / den[c]

    start_in(0, 0)

    def g_body(g, _):
        i0 = 2 * g
        start_in(1, i0 + 1)
        wait_in(0, i0)

        @pl.when(g > 0)
        def _():
            out_copy(0, i0 - 2).wait()

        compute(0, i0)
        out_copy(0, i0).start()

        i1 = 2 * g + 1

        @pl.when(g < halfn - 1)
        def _():
            start_in(0, i1 + 1)

        wait_in(1, i1)

        @pl.when(g > 0)
        def _():
            out_copy(1, i1 - 2).wait()

        compute(1, i1)
        out_copy(1, i1).start()
        return 0

    lax.fori_loop(0, halfn, g_body, 0)
    out_copy(0, 2 * halfn - 2).wait()
    out_copy(1, 2 * halfn - 1).wait()


def _sc_part(a1, a2, mb_a1, mb_a2, ft, n_tc):
    n, d = a1.shape
    k = mb_a1.shape[1]
    mesh = plsc.VectorSubcoreMesh(core_axis_name="c", subcore_axis_name="s")
    f = functools.partial(
        pl.kernel,
        mesh=mesh,
        out_type=jax.ShapeDtypeStruct((SC_NODES, d), jnp.float32),
        scratch_types=[
            pltpu.VMEM((2, _C, d), jnp.float32),
            pltpu.VMEM((2, _C, d), jnp.float32),
            pltpu.VMEM((2, _C, k, d), jnp.float32),
            pltpu.VMEM((2, _C, k, d), jnp.float32),
            pltpu.VMEM((2, _C, k, d), jnp.float32),
            pltpu.VMEM((2, _C, d), jnp.float32),
            pltpu.SemaphoreType.DMA,
            pltpu.SemaphoreType.DMA,
            pltpu.SemaphoreType.DMA,
            pltpu.SemaphoreType.DMA,
        ],
    )(functools.partial(_sc_body, n_tc, k, d))
    return f(a1, a2, mb_a1, mb_a2, ft)


def kernel(a1, a2, mb_a1, mb_a2, ft):
    n = a1.shape[0]
    n_tc = n - SC_NODES
    out_tc = _tc_part(a1, a2, mb_a1, mb_a2, ft, n_tc)
    out_sc = _sc_part(a1, a2, mb_a1, mb_a2, ft, n_tc)
    return lax.dynamic_update_slice(out_tc, out_sc, (n_tc, 0))

# --- scband reference (transcript-rebuilt; emitter-appended) ---
"""Pipeline reference for scband-gat-symmetry-reduce-1451698946384 (READ-ONLY COPY).

The authoritative reference and input builder live on the scoring server;
editing this copy changes nothing except your own understanding.
"""

import jax, jax.numpy as jnp
import numpy as np

N = 10000
K = 32
D = 128

def setup_inputs(seed: int = 0) -> dict:
    key = jax.random.key(seed)
    k1, k2, k3, k4, k5 = jax.random.split(key, 5)
    a1 = jax.random.normal(k1, (N, D), dtype=jnp.float32)
    a2 = jax.random.normal(k2, (N, D), dtype=jnp.float32)
    mb_a1 = jax.random.normal(k3, (N, K, D), dtype=jnp.float32)
    mb_a2 = jax.random.normal(k4, (N, K, D), dtype=jnp.float32)
    ft = jax.random.normal(k5, (N, K, D), dtype=jnp.float32)
    return {"a1": a1, "a2": a2, "mb_a1": mb_a1, "mb_a2": mb_a2, "ft": ft}


def reference(a1, a2, mb_a1, mb_a2, ft):
    # GatSymmetryReduce.forward (DGL reduce function, attn_drop=0 so dropout is disabled)
    # nodes.data['a1'] -> a1 [N, D]; nodes.data['a2'] -> a2 [N, D]
    # nodes.mailbox['a1'] -> mb_a1 [N, K, D]; nodes.mailbox['a2'] -> mb_a2 [N, K, D]
    # nodes.mailbox['ft'] -> ft [N, K, D]
    a1u = a1[:, None, :]          # torch.unsqueeze(nodes.data['a1'], 1) -> [N, 1, D]
    b1u = a2[:, None, :]          # torch.unsqueeze(nodes.data['a2'], 1) -> [N, 1, D]
    a = a1u + mb_a2               # [N, K, D]
    b = b1u + mb_a1               # [N, K, D]
    a = a + b                     # [N, K, D]
    a = jnp.sum(a, axis=-1, keepdims=True)  # [N, K, 1]
    # NOTE: faithful to original (buggy-looking) broadcast: a [N,K,1] + b [N,K,D] -> [N,K,D]
    e = jax.nn.softmax(jax.nn.leaky_relu(a + b, negative_slope=0.01), axis=1)  # [N, K, D]
    accum = jnp.sum(e * ft, axis=1)  # default aggregator: sum over neighbor dim -> [N, D]
    return accum

if __name__ == "__main__":
    import jax
    _d = setup_inputs()
    print(jax.jit(kernel)(*tuple(_d.values())))

</pallas_src>

<mosaic_0001>
#map = affine_map<(d0, d1) -> (0, 0)>
#map1 = affine_map<(d0, d1) -> (0, 0, 0)>
module attributes {stable_mosaic.version = 14 : i64} {
  func.func @_sc_body(%arg0: i32, %arg1: i32, %arg2: memref<10000x128xf32, #tpu.memory_space<hbm>>, %arg3: memref<10000x128xf32, #tpu.memory_space<hbm>>, %arg4: memref<10000x32x128xf32, #tpu.memory_space<hbm>>, %arg5: memref<10000x32x128xf32, #tpu.memory_space<hbm>>, %arg6: memref<10000x32x128xf32, #tpu.memory_space<hbm>>, %arg7: memref<4480x128xf32, #tpu.memory_space<hbm>>, %arg8: memref<2x2x128xf32, #tpu.memory_space<vmem>>, %arg9: memref<2x2x128xf32, #tpu.memory_space<vmem>>, %arg10: memref<2x2x32x128xf32, #tpu.memory_space<vmem>>, %arg11: memref<2x2x32x128xf32, #tpu.memory_space<vmem>>, %arg12: memref<2x2x32x128xf32, #tpu.memory_space<vmem>>, %arg13: memref<2x2x128xf32, #tpu.memory_space<vmem>>, %arg14: memref<!tpu.dma_semaphore, #tpu.memory_space<semaphore_mem>>, %arg15: memref<!tpu.dma_semaphore, #tpu.memory_space<semaphore_mem>>, %arg16: memref<!tpu.dma_semaphore, #tpu.memory_space<semaphore_mem>>, %arg17: memref<!tpu.dma_semaphore, #tpu.memory_space<semaphore_mem>>) attributes {dimension_semantics = [#tpu.dimension_semantics<core_parallel>, #tpu.dimension_semantics<subcore_parallel>], iteration_bounds = array<i64: 2, 16>, scalar_prefetch = 0 : i64, scratch_operands = 10 : i64, tpu.core_type = #tpu.core_type<sc_vector_subcore>, window_params = [{transform_indices = #map}, {transform_indices = #map}, {transform_indices = #map1}, {transform_indices = #map1}, {transform_indices = #map1}, {transform_indices = #map}]} {
    %mul3A = arith.constant 2 : i32
    %mul3A_0 = arith.muli %arg1, %mul3A : i32
    %add3A = arith.addi %mul3A_0, %arg0 : i32
    %mul3A_1 = arith.constant 140 : i32
    %mul3A_2 = arith.muli %add3A, %mul3A_1 : i32
    %add3A_3 = arith.constant 5520 : i32
    %add3A_4 = arith.addi %add3A_3, %mul3A_2 : i32
    %iota3A = tpu.iota {dimensions = array<i32: 0>} : vector<16xi32>
    %xor3A = arith.constant 8 : i32
    %xor3A_5 = vector.broadcast %xor3A : i32 to vector<16xi32>
    %xor3A_6 = arith.xori %iota3A, %xor3A_5 : vector<16xi32>
    %xor3A_7 = arith.constant 4 : i32
    %xor3A_8 = vector.broadcast %xor3A_7 : i32 to vector<16xi32>
    %xor3A_9 = arith.xori %iota3A, %xor3A_8 : vector<16xi32>
    %xor3A_10 = arith.constant 2 : i32
    %xor3A_11 = vector.broadcast %xor3A_10 : i32 to vector<16xi32>
    %xor3A_12 = arith.xori %iota3A, %xor3A_11 : vector<16xi32>
    %xor3A_13 = arith.constant 1 : i32
    %xor3A_14 = vector.broadcast %xor3A_13 : i32 to vector<16xi32>
    %xor3A_15 = arith.xori %iota3A, %xor3A_14 : vector<16xi32>
    %add3A_16 = arith.constant 0 : i32
    %add3A_17 = arith.addi %add3A_4, %add3A_16 : i32
    %dma_start3A = arith.constant 0 : i32
    %dma_start3A_18 = arith.constant 0 : i32
    %dma_start3A_19 = arith.constant 0 : i32
    %dma_start3A_20 = tpu.memref_slice %arg8[%dma_start3A, %dma_start3A_18, %dma_start3A_19] : memref<2x2x128xf32, #tpu.memory_space<vmem>> -> memref<1x2x128xf32, #tpu.memory_space<vmem>>
    %dma_start3A_21 = tpu.memref_squeeze %dma_start3A_20 : memref<1x2x128xf32, #tpu.memory_space<vmem>> -> memref<2x128xf32, #tpu.memory_space<vmem>>
    %dma_start3A_22 = arith.constant 0 : i32
    %dma_start3A_23 = tpu.memref_slice %arg2[%add3A_17, %dma_start3A_22] : memref<10000x128xf32, #tpu.memory_space<hbm>> -> memref<2x128xf32, #tpu.memory_space<hbm>>
    %dma_start3A_24 = arith.constant 0 : i32
    %dma_start3A_25 = arith.constant 0 : i32
    %dma_start3A_26 = tpu.memref_slice %arg8[%dma_start3A, %dma_start3A_24, %dma_start3A_25] : memref<2x2x128xf32, #tpu.memory_space<vmem>> -> memref<1x2x128xf32, #tpu.memory_space<vmem>>
    %dma_start3A_27 = tpu.memref_squeeze %dma_start3A_26 : memref<1x2x128xf32, #tpu.memory_space<vmem>> -> memref<2x128xf32, #tpu.memory_space<vmem>>
    %dma_start3A_28 = arith.constant 0 : i32
    %dma_start3A_29 = tpu.memref_slice %arg2[%add3A_17, %dma_start3A_28] : memref<10000x128xf32, #tpu.memory_space<hbm>> -> memref<2x128xf32, #tpu.memory_space<hbm>>
    tpu.enqueue_dma source(%dma_start3A_29 : memref<2x128xf32, #tpu.memory_space<hbm>>) target(%dma_start3A_27 : memref<2x128xf32, #tpu.memory_space<vmem>>) target_semaphore(%arg14 : memref<!tpu.dma_semaphore, #tpu.memory_space<semaphore_mem>>)
    %dma_start3A_30 = arith.constant 0 : i32
    %dma_start3A_31 = arith.constant 0 : i32
    %dma_start3A_32 = arith.constant 0 : i32
    %dma_start3A_33 = tpu.memref_slice %arg9[%dma_start3A_30, %dma_start3A_31, %dma_start3A_32] : memref<2x2x128xf32, #tpu.memory_space<vmem>> -> memref<1x2x128xf32, #tpu.memory_space<vmem>>
    %dma_start3A_34 = tpu.memref_squeeze %dma_start3A_33 : memref<1x2x128xf32, #tpu.memory_space<vmem>> -> memref<2x128xf32, #tpu.memory_space<vmem>>
    %dma_start3A_35 = arith.constant 0 : i32
    %dma_start3A_36 = tpu.memref_slice %arg3[%add3A_17, %dma_start3A_35] : memref<10000x128xf32, #tpu.memory_space<hbm>> -> memref<2x128xf32, #tpu.memory_space<hbm>>
    %dma_start3A_37 = arith.constant 0 : i32
    %dma_start3A_38 = arith.constant 0 : i32
    %dma_start3A_39 = tpu.memref_slice %arg9[%dma_start3A_30, %dma_start3A_37, %dma_start3A_38] : memref<2x2x128xf32, #tpu.memory_space<vmem>> -> memref<1x2x128xf32, #tpu.memory_space<vmem>>
    %dma_start3A_40 = tpu.memref_squeeze %dma_start3A_39 : memref<1x2x128xf32, #tpu.memory_space<vmem>> -> memref<2x128xf32, #tpu.memory_space<vmem>>
    %dma_start3A_41 = arith.constant 0 : i32
    %dma_start3A_42 = tpu.memref_slice %arg3[%add3A_17, %dma_start3A_41] : memref<10000x128xf32, #tpu.memory_space<hbm>> -> memref<2x128xf32, #tpu.memory_space<hbm>>
    tpu.enqueue_dma source(%dma_start3A_42 : memref<2x128xf32, #tpu.memory_space<hbm>>) target(%dma_start3A_40 : memref<2x128xf32, #tpu.memory_space<vmem>>) target_semaphore(%arg14 : memref<!tpu.dma_semaphore, #tpu.memory_space<semaphore_mem>>)
    %dma_start3A_43 = arith.constant 0 : i32
    %dma_start3A_44 = arith.constant 0 : i32
    %dma_start3A_45 = arith.constant 0 : i32
    %dma_start3A_46 = arith.constant 0 : i32
    %dma_start3A_47 = tpu.memref_slice %arg10[%dma_start3A_43, %dma_start3A_44, %dma_start3A_45, %dma_start3A_46] : memref<2x2x32x128xf32, #tpu.memory_space<vmem>> -> memref<1x2x32x128xf32, #tpu.memory_space<vmem>>
    %dma_start3A_48 = tpu.memref_squeeze %dma_start3A_47 : memref<1x2x32x128xf32, #tpu.memory_space<vmem>> -> memref<2x32x128xf32, #tpu.memory_space<vmem>>
    %dma_start3A_49 = arith.constant 0 : i32
    %dma_start3A_50 = arith.constant 0 : i32
    %dma_start3A_51 = tpu.memref_slice %arg4[%add3A_17, %dma_start3A_49, %dma_start3A_50] : memref<10000x32x128xf32, #tpu.memory_space<hbm>> -> memref<2x32x128xf32, #tpu.memory_space<hbm>>
    %dma_start3A_52 = arith.constant 0 : i32
    %dma_start3A_53 = arith.constant 0 : i32
    %dma_start3A_54 = arith.constant 0 : i32
    %dma_start3A_55 = tpu.memref_slice %arg10[%dma_start3A_43, %dma_start3A_52, %dma_start3A_53, %dma_start3A_54] : memref<2x2x32x128xf32, #tpu.memory_space<vmem>> -> memref<1x2x32x128xf32, #tpu.memory_space<vmem>>
    %dma_start3A_56 = tpu.memref_squeeze %dma_start3A_55 : memref<1x2x32x128xf32, #tpu.memory_space<vmem>> -> memref<2x32x128xf32, #tpu.memory_space<vmem>>
    %dma_start3A_57 = arith.constant 0 : i32
    %dma_start3A_58 = arith.constant 0 : i32
    %dma_start3A_59 = tpu.memref_slice %arg4[%add3A_17, %dma_start3A_57, %dma_start3A_58] : memref<10000x32x128xf32, #tpu.memory_space<hbm>> -> memref<2x32x128xf32, #tpu.memory_space<hbm>>
    tpu.enqueue_dma source(%dma_start3A_59 : memref<2x32x128xf32, #tpu.memory_space<hbm>>) target(%dma_start3A_56 : memref<2x32x128xf32, #tpu.memory_space<vmem>>) target_semaphore(%arg14 : memref<!tpu.dma_semaphore, #tpu.memory_space<semaphore_mem>>)
    %dma_start3A_60 = arith.constant 0 : i32
    %dma_start3A_61 = arith.constant 0 : i32
    %dma_start3A_62 = arith.constant 0 : i32
    %dma_start3A_63 = arith.constant 0 : i32
    %dma_start3A_64 = tpu.memref_slice %arg11[%dma_start3A_60, %dma_start3A_61, %dma_start3A_62, %dma_start3A_63] : memref<2x2x32x128xf32, #tpu.memory_space<vmem>> -> memref<1x2x32x128xf32, #tpu.memory_space<vmem>>
    %dma_start3A_65 = tpu.memref_squeeze %dma_start3A_64 : memref<1x2x32x128xf32, #tpu.memory_space<vmem>> -> memref<2x32x128xf32, #tpu.memory_space<vmem>>
    %dma_start3A_66 = arith.constant 0 : i32
    %dma_start3A_67 = arith.constant 0 : i32
    %dma_start3A_68 = tpu.memref_slice %arg5[%add3A_17, %dma_start3A_66, %dma_start3A_67] : memref<10000x32x128xf32, #tpu.memory_space<hbm>> -> memref<2x32x128xf32, #tpu.memory_space<hbm>>
    %dma_start3A_69 = arith.constant 0 : i32
    %dma_start3A_70 = arith.constant 0 : i32
    %dma_start3A_71 = arith.constant 0 : i32
    %dma_start3A_72 = tpu.memref_slice %arg11[%dma_start3A_60, %dma_start3A_69, %dma_start3A_70, %dma_start3A_71] : memref<2x2x32x128xf32, #tpu.memory_space<vmem>> -> memref<1x2x32x128xf32, #tpu.memory_space<vmem>>
    %dma_start3A_73 = tpu.memref_squeeze %dma_start3A_72 : memref<1x2x32x128xf32, #tpu.memory_space<vmem>> -> memref<2x32x128xf32, #tpu.memory_space<vmem>>
    %dma_start3A_74 = arith.constant 0 : i32
    %dma_start3A_75 = arith.constant 0 : i32
    %dma_start3A_76 = tpu.memref_slice %arg5[%add3A_17, %dma_start3A_74, %dma_start3A_75] : memref<10000x32x128xf32, #tpu.memory_space<hbm>> -> memref<2x32x128xf32, #tpu.memory_space<hbm>>
    tpu.enqueue_dma source(%dma_start3A_76 : memref<2x32x128xf32, #tpu.memory_space<hbm>>) target(%dma_start3A_73 : memref<2x32x128xf32, #tpu.memory_space<vmem>>) target_semaphore(%arg14 : memref<!tpu.dma_semaphore, #tpu.memory_space<semaphore_mem>>)
    %dma_start3A_77 = arith.constant 0 : i32
    %dma_start3A_78 = arith.constant 0 : i32
    %dma_start3A_79 = arith.constant 0 : i32
    %dma_start3A_80 = arith.constant 0 : i32
    %dma_start3A_81 = tpu.memref_slice %arg12[%dma_start3A_77, %dma_start3A_78, %dma_start3A_79, %dma_start3A_80] : memref<2x2x32x128xf32, #tpu.memory_space<vmem>> -> memref<1x2x32x128xf32, #tpu.memory_space<vmem>>
    %dma_start3A_82 = tpu.memref_squeeze %dma_start3A_81 : memref<1x2x32x128xf32, #tpu.memory_space<vmem>> -> memref<2x32x128xf32, #tpu.memory_space<vmem>>
    %dma_start3A_83 = arith.constant 0 : i32
    %dma_start3A_84 = arith.constant 0 : i32
    %dma_start3A_85 = tpu.memref_slice %arg6[%add3A_17, %dma_start3A_83, %dma_start3A_84] : memref<10000x32x128xf32, #tpu.memory_space<hbm>> -> memref<2x32x128xf32, #tpu.memory_space<hbm>>
    %dma_start3A_86 = arith.constant 0 : i32
    %dma_start3A_87 = arith.constant 0 : i32
    %dma_start3A_88 = arith.constant 0 : i32
    %dma_start3A_89 = tpu.memref_slice %arg12[%dma_start3A_77, %dma_start3A_86, %dma_start3A_87, %dma_start3A_88] : memref<2x2x32x128xf32, #tpu.memory_space<vmem>> -> memref<1x2x32x128xf32, #tpu.memory_space<vmem>>
    %dma_start3A_90 = tpu.memref_squeeze %dma_start3A_89 : memref<1x2x32x128xf32, #tpu.memory_space<vmem>> -> memref<2x32x128xf32, #tpu.memory_space<vmem>>
    %dma_start3A_91 = arith.constant 0 : i32
    %dma_start3A_92 = arith.constant 0 : i32
    %dma_start3A_93 = tpu.memref_slice %arg6[%add3A_17, %dma_start3A_91, %dma_start3A_92] : memref<10000x32x128xf32, #tpu.memory_space<hbm>> -> memref<2x32x128xf32, #tpu.memory_space<hbm>>
    tpu.enqueue_dma source(%dma_start3A_93 : memref<2x32x128xf32, #tpu.memory_space<hbm>>) target(%dma_start3A_90 : memref<2x32x128xf32, #tpu.memory_space<vmem>>) target_semaphore(%arg14 : memref<!tpu.dma_semaphore, #tpu.memory_space<semaphore_mem>>)
    %scan3A = arith.constant 0 : i32
    %scan3A_94 = arith.constant 0 : i32
    %scan3A_95 = arith.constant 35 : i32
    %scan3A_96 = arith.addi %scan3A_94, %scan3A_95 : i32
    %scan3A_97 = arith.constant 1 : i32
    %scan3A_98 = scf.for %scan3A_129 = %scan3A_94 to %scan3A_96 step %scan3A_97 iter_args(%scan3A_130 = %scan3A) -> (i32)  : i32 {
      %mul3A_131 = arith.constant 2 : i32
      %mul3A_132 = arith.muli %mul3A_131, %scan3A_129 : i32
      %add3A_133 = arith.constant 1 : i32
      %add3A_134 = arith.addi %mul3A_132, %add3A_133 : i32
      %mul3A_135 = arith.constant 2 : i32
      %mul3A_136 = arith.muli %add3A_134, %mul3A_135 : i32
      %add3A_137 = arith.addi %add3A_4, %mul3A_136 : i32
      %dma_start3A_138 = arith.constant 1 : i32
      %dma_start3A_139 = arith.constant 0 : i32
      %dma_start3A_140 = arith.constant 0 : i32
      %dma_start3A_141 = tpu.memref_slice %arg8[%dma_start3A_138, %dma_start3A_139, %dma_start3A_140] : memref<2x2x128xf32, #tpu.memory_space<vmem>> -> memref<1x2x128xf32, #tpu.memory_space<vmem>>
      %dma_start3A_142 = tpu.memref_squeeze %dma_start3A_141 : memref<1x2x128xf32, #tpu.memory_space<vmem>> -> memref<2x128xf32, #tpu.memory_space<vmem>>
      %dma_start3A_143 = arith.constant 0 : i32
      %dma_start3A_144 = tpu.memref_slice %arg2[%add3A_137, %dma_start3A_143] : memref<10000x128xf32, #tpu.memory_space<hbm>> -> memref<2x128xf32, #tpu.memory_space<hbm>>
      %dma_start3A_145 = arith.constant 0 : i32
      %dma_start3A_146 = arith.constant 0 : i32
      %dma_start3A_147 = tpu.memref_slice %arg8[%dma_start3A_138, %dma_start3A_145, %dma_start3A_146] : memref<2x2x128xf32, #tpu.memory_space<vmem>> -> memref<1x2x128xf32, #tpu.memory_space<vmem>>
      %dma_start3A_148 = tpu.memref_squeeze %dma_start3A_147 : memref<1x2x128xf32, #tpu.memory_space<vmem>> -> memref<2x128xf32, #tpu.memory_space<vmem>>
      %dma_start3A_149 = arith.constant 0 : i32
      %dma_start3A_150 = tpu.memref_slice %arg2[%add3A_137, %dma_start3A_149] : memref<10000x128xf32, #tpu.memory_space<hbm>> -> memref<2x128xf32, #tpu.memory_space<hbm>>
      tpu.enqueue_dma source(%dma_start3A_150 : memref<2x128xf32, #tpu.memory_space<hbm>>) target(%dma_start3A_148 : memref<2x128xf32, #tpu.memory_space<vmem>>) target_semaphore(%arg15 : memref<!tpu.dma_semaphore, #tpu.memory_space<semaphore_mem>>)
      %dma_start3A_151 = arith.constant 1 : i32
      %dma_start3A_152 = arith.constant 0 : i32
      %dma_start3A_153 = arith.constant 0 : i32
      %dma_start3A_154 = tpu.memref_slice %arg9[%dma_start3A_151, %dma_start3A_152, %dma_start3A_153] : memref<2x2x128xf32, #tpu.memory_space<vmem>> -> memref<1x2x128xf32, #tpu.memory_space<vmem>>
      %dma_start3A_155 = tpu.memref_squeeze %dma_start3A_154 : memref<1x2x128xf32, #tpu.memory_space<vmem>> -> memref<2x128xf32, #tpu.memory_space<vmem>>
      %dma_start3A_156 = arith.constant 0 : i32
      %dma_start3A_157 = tpu.memref_slice %arg3[%add3A_137, %dma_start3A_156] : memref<10000x128xf32, #tpu.memory_space<hbm>> -> memref<2x128xf32, #tpu.memory_space<hbm>>
      %dma_start3A_158 = arith.constant 0 : i32
      %dma_start3A_159 = arith.constant 0 : i32
      %dma_start3A_160 = tpu.memref_slice %arg9[%dma_start3A_151, %dma_start3A_158, %dma_start3A_159] : memref<2x2x128xf32, #tpu.memory_space<vmem>> -> memref<1x2x128xf32, #tpu.memory_space<vmem>>
      %dma_start3A_161 = tpu.memref_squeeze %dma_start3A_160 : memref<1x2x128xf32, #tpu.memory_space<vmem>> -> memref<2x128xf32, #tpu.memory_space<vmem>>
      %dma_start3A_162 = arith.constant 0 : i32
      %dma_start3A_163 = tpu.memref_slice %arg3[%add3A_137, %dma_start3A_162] : memref<10000x128xf32, #tpu.memory_space<hbm>> -> memref<2x128xf32, #tpu.memory_space<hbm>>
      tpu.enqueue_dma source(%dma_start3A_163 : memref<2x128xf32, #tpu.memory_space<hbm>>) target(%dma_start3A_161 : memref<2x128xf32, #tpu.memory_space<vmem>>) target_semaphore(%arg15 : memref<!tpu.dma_semaphore, #tpu.memory_space<semaphore_mem>>)
      %dma_start3A_164 = arith.constant 1 : i32
      %dma_start3A_165 = arith.constant 0 : i32
      %dma_start3A_166 = arith.constant 0 : i32
      %dma_start3A_167 = arith.constant 0 : i32
      %dma_start3A_168 = tpu.memref_slice %arg10[%dma_start3A_164, %dma_start3A_165, %dma_start3A_166, %dma_start3A_167] : memref<2x2x32x128xf32, #tpu.memory_space<vmem>> -> memref<1x2x32x128xf32, #tpu.memory_space<vmem>>
      %dma_start3A_169 = tpu.memref_squeeze %dma_start3A_168 : memref<1x2x32x128xf32, #tpu.memory_space<vmem>> -> memref<2x32x128xf32, #tpu.memory_space<vmem>>
      %dma_start3A_170 = arith.constant 0 : i32
      %dma_start3A_171 = arith.constant 0 : i32
      %dma_start3A_172 = tpu.memref_slice %arg4[%add3A_137, %dma_start3A_170, %dma_start3A_171] : memref<10000x32x128xf32, #tpu.memory_space<hbm>> -> memref<2x32x128xf32, #tpu.memory_space<hbm>>
      %dma_start3A_173 = arith.constant 0 : i32
      %dma_start3A_174 = arith.constant 0 : i32
      %dma_start3A_175 = arith.constant 0 : i32
      %dma_start3A_176 = tpu.memref_slice %arg10[%dma_start3A_164, %dma_start3A_173, %dma_start3A_174, %dma_start3A_175] : memref<2x2x32x128xf32, #tpu.memory_space<vmem>> -> memref<1x2x32x128xf32, #tpu.memory_space<vmem>>
      %dma_start3A_177 = tpu.memref_squeeze %dma_start3A_176 : memref<1x2x32x128xf32, #tpu.memory_space<vmem>> -> memref<2x32x128xf32, #tpu.memory_space<vmem>>
      %dma_start3A_178 = arith.constant 0 : i32
      %dma_start3A_179 = arith.constant 0 : i32
      %dma_start3A_180 = tpu.memref_slice %arg4[%add3A_137, %dma_start3A_178, %dma_start3A_179] : memref<10000x32x128xf32, #tpu.memory_space<hbm>> -> memref<2x32x128xf32, #tpu.memory_space<hbm>>
      tpu.enqueue_dma source(%dma_start3A_180 : memref<2x32x128xf32, #tpu.memory_space<hbm>>) target(%dma_start3A_177 : memref<2x32x128xf32, #tpu.memory_space<vmem>>) target_semaphore(%arg15 : memref<!tpu.dma_semaphore, #tpu.memory_space<semaphore_mem>>)
      %dma_start3A_181 = arith.constant 1 : i32
      %dma_start3A_182 = arith.constant 0 : i32
      %dma_start3A_183 = arith.constant 0 : i32
      %dma_start3A_184 = arith.constant 0 : i32
      %dma_start3A_185 = tpu.memref_slice %arg11[%dma_start3A_181, %dma_start3A_182, %dma_start3A_183, %dma_start3A_184] : memref<2x2x32x128xf32, #tpu.memory_space<vmem>> -> memref<1x2x32x128xf32, #tpu.memory_space<vmem>>
      %dma_start3A_186 = tpu.memref_squeeze %dma_start3A_185 : memref<1x2x32x128xf32, #tpu.memory_space<vmem>> -> memref<2x32x128xf32, #tpu.memory_space<vmem>>
      %dma_start3A_187 = arith.constant 0 : i32
      %dma_start3A_188 = arith.constant 0 : i32
      %dma_start3A_189 = tpu.memref_slice %arg5[%add3A_137, %dma_start3A_187, %dma_start3A_188] : memref<10000x32x128xf32, #tpu.memory_space<hbm>> -> memref<2x32x128xf32, #tpu.memory_space<hbm>>
      %dma_start3A_190 = arith.constant 0 : i32
      %dma_start3A_191 = arith.constant 0 : i32
      %dma_start3A_192 = arith.constant 0 : i32
      %dma_start3A_193 = tpu.memref_slice %arg11[%dma_start3A_181, %dma_start3A_190, %dma_start3A_191, %dma_start3A_192] : memref<2x2x32x128xf32, #tpu.memory_space<vmem>> -> memref<1x2x32x128xf32, #tpu.memory_space<vmem>>
      %dma_start3A_194 = tpu.memref_squeeze %dma_start3A_193 : memref<1x2x32x128xf32, #tpu.memory_space<vmem>> -> memref<2x32x128xf32, #tpu.memory_space<vmem>>
      %dma_start3A_195 = arith.constant 0 : i32
      %dma_start3A_196 = arith.constant 0 : i32
      %dma_start3A_197 = tpu.memref_slice %arg5[%add3A_137, %dma_start3A_195, %dma_start3A_196] : memref<10000x32x128xf32, #tpu.memory_space<hbm>> -> memref<2x32x128xf32, #tpu.memory_space<hbm>>
      tpu.enqueue_dma source(%dma_start3A_197 : memref<2x32x128xf32, #tpu.memory_space<hbm>>) target(%dma_start3A_194 : memref<2x32x128xf32, #tpu.memory_space<vmem>>) target_semaphore(%arg15 : memref<!tpu.dma_semaphore, #tpu.memory_space<semaphore_mem>>)
      %dma_start3A_198 = arith.constant 1 : i32
      %dma_start3A_199 = arith.constant 0 : i32
      %dma_start3A_200 = arith.constant 0 : i32
      %dma_start3A_201 = arith.constant 0 : i32
      %dma_start3A_202 = tpu.memref_slice %arg12[%dma_start3A_198, %dma_start3A_199, %dma_start3A_200, %dma_start3A_201] : memref<2x2x32x128xf32, #tpu.memory_space<vmem>> -> memref<1x2x32x128xf32, #tpu.memory_space<vmem>>
      %dma_start3A_203 = tpu.memref_squeeze %dma_start3A_202 : memref<1x2x32x128xf32, #tpu.memory_space<vmem>> -> memref<2x32x128xf32, #tpu.memory_space<vmem>>
      %dma_start3A_204 = arith.constant 0 : i32
      %dma_start3A_205 = arith.constant 0 : i32
      %dma_start3A_206 = tpu.memref_slice %arg6[%add3A_137, %dma_start3A_204, %dma_start3A_205] : memref<10000x32x128xf32, #tpu.memory_space<hbm>> -> memref<2x32x128xf32, #tpu.memory_space<hbm>>
      %dma_start3A_207 = arith.constant 0 : i32
      %dma_start3A_208 = arith.constant 0 : i32
      %dma_start3A_209 = arith.constant 0 : i32
      %dma_start3A_210 = tpu.memref_slice %arg12[%dma_start3A_198, %dma_start3A_207, %dma_start3A_208, %dma_start3A_209] : memref<2x2x32x128xf32, #tpu.memory_space<vmem>> -> memref<1x2x32x128xf32, #tpu.memory_space<vmem>>
      %dma_start3A_211 = tpu.memref_squeeze %dma_start3A_210 : memref<1x2x32x128xf32, #tpu.memory_space<vmem>> -> memref<2x32x128xf32, #tpu.memory_space<vmem>>
      %dma_start3A_212 = arith.constant 0 : i32
      %dma_start3A_213 = arith.constant 0 : i32
      %dma_start3A_214 = tpu.memref_slice %arg6[%add3A_137, %dma_start3A_212, %dma_start3A_213] : memref<10000x32x128xf32, #tpu.memory_space<hbm>> -> memref<2x32x128xf32, #tpu.memory_space<hbm>>
      tpu.enqueue_dma source(%dma_start3A_214 : memref<2x32x128xf32, #tpu.memory_space<hbm>>) target(%dma_start3A_211 : memref<2x32x128xf32, #tpu.memory_space<vmem>>) target_semaphore(%arg15 : memref<!tpu.dma_semaphore, #tpu.memory_space<semaphore_mem>>)
      %mul3A_215 = arith.constant 2 : i32
      %mul3A_216 = arith.muli %mul3A_132, %mul3A_215 : i32
      %add3A_217 = arith.addi %add3A_4, %mul3A_216 : i32
      %dma_wait3A_218 = arith.constant 0 : i32
      %dma_wait3A_219 = arith.constant 0 : i32
      %dma_wait3A_220 = arith.constant 0 : i32
      %dma_wait3A_221 = tpu.memref_slice %arg8[%dma_wait3A_218, %dma_wait3A_219, %dma_wait3A_220] : memref<2x2x128xf32, #tpu.memory_space<vmem>> -> memref<1x2x128xf32, #tpu.memory_space<vmem>>
      %dma_wait3A_222 = tpu.memref_squeeze %dma_wait3A_221 : memref<1x2x128xf32, #tpu.memory_space<vmem>> -> memref<2x128xf32, #tpu.memory_space<vmem>>
      %dma_wait3A_223 = arith.constant 0 : i32
      %dma_wait3A_224 = tpu.memref_slice %arg2[%add3A_217, %dma_wait3A_223] : memref<10000x128xf32, #tpu.memory_space<hbm>> -> memref<2x128xf32, #tpu.memory_space<hbm>>
      %dma_wait3A_225 = arith.constant 0 : i32
      %dma_wait3A_226 = arith.constant 0 : i32
      %dma_wait3A_227 = tpu.memref_slice %arg8[%dma_wait3A_218, %dma_wait3A_225, %dma_wait3A_226] : memref<2x2x128xf32, #tpu.memory_space<vmem>> -> memref<1x2x128xf32, #tpu.memory_space<vmem>>
      %dma_wait3A_228 = tpu.memref_squeeze %dma_wait3A_227 : memref<1x2x128xf32, #tpu.memory_space<vmem>> -> memref<2x128xf32, #tpu.memory_space<vmem>>
      %dma_wait3A_229 = arith.constant 0 : i32
      %dma_wait3A_230 = tpu.memref_slice %arg2[%add3A_217, %dma_wait3A_229] : memref<10000x128xf32, #tpu.memory_space<hbm>> -> memref<2x128xf32, #tpu.memory_space<hbm>>
      tpu.wait_dma2 semaphore(%arg14 : memref<!tpu.dma_semaphore, #tpu.memory_space<semaphore_mem>>) src(%dma_wait3A_230 : memref<2x128xf32, #tpu.memory_space<hbm>>) dst(%dma_wait3A_228 : memref<2x128xf32, #tpu.memory_space<vmem>>)
      %dma_wait3A_231 = arith.constant 0 : i32
      %dma_wait3A_232 = arith.constant 0 : i32
      %dma_wait3A_233 = arith.constant 0 : i32
      %dma_wait3A_234 = tpu.memref_slice %arg9[%dma_wait3A_231, %dma_wait3A_232, %dma_wait3A_233] : memref<2x2x128xf32, #tpu.memory_space<vmem>> -> memref<1x2x128xf32, #tpu.memory_space<vmem>>
      %dma_wait3A_235 = tpu.memref_squeeze %dma_wait3A_234 : memref<1x2x128xf32, #tpu.memory_space<vmem>> -> memref<2x128xf32, #tpu.memory_space<vmem>>
      %dma_wait3A_236 = arith.constant 0 : i32
      %dma_wait3A_237 = tpu.memref_slice %arg3[%add3A_217, %dma_wait3A_236] : memref<10000x128xf32, #tpu.memory_space<hbm>> -> memref<2x128xf32, #tpu.memory_space<hbm>>
      %dma_wait3A_238 = arith.constant 0 : i32
      %dma_wait3A_239 = arith.constant 0 : i32
      %dma_wait3A_240 = tpu.memref_slice %arg9[%dma_wait3A_231, %dma_wait3A_238, %dma_wait3A_239] : memref<2x2x128xf32, #tpu.memory_space<vmem>> -> memref<1x2x128xf32, #tpu.memory_space<vmem>>
      %dma_wait3A_241 = tpu.memref_squeeze %dma_wait3A_240 : memref<1x2x128xf32, #tpu.memory_space<vmem>> -> memref<2x128xf32, #tpu.memory_space<vmem>>
      %dma_wait3A_242 = arith.constant 0 : i32
      %dma_wait3A_243 = tpu.memref_slice %arg3[%add3A_217, %dma_wait3A_242] : memref<10000x128xf32, #tpu.memory_space<hbm>> -> memref<2x128xf32, #tpu.memory_space<hbm>>
      tpu.wait_dma2 semaphore(%arg14 : memref<!tpu.dma_semaphore, #tpu.memory_space<semaphore_mem>>) src(%dma_wait3A_243 : memref<2x128xf32, #tpu.memory_space<hbm>>) dst(%dma_wait3A_241 : memref<2x128xf32, #tpu.memory_space<vmem>>)
      %dma_wait3A_244 = arith.constant 0 : i32
      %dma_wait3A_245 = arith.constant 0 : i32
      %dma_wait3A_246 = arith.constant 0 : i32
      %dma_wait3A_247 = arith.constant 0 : i32
      %dma_wait3A_248 = tpu.memref_slice %arg10[%dma_wait3A_244, %dma_wait3A_245, %dma_wait3A_246, %dma_wait3A_247] : memref<2x2x32x128xf32, #tpu.memory_space<vmem>> -> memref<1x2x32x128xf32, #tpu.memory_space<vmem>>
      %dma_wait3A_249 = tpu.memref_squeeze %dma_wait3A_248 : memref<1x2x32x128xf32, #tpu.memory_space<vmem>> -> memref<2x32x128xf32, #tpu.memory_space<vmem>>
      %dma_wait3A_250 = arith.constant 0 : i32
      %dma_wait3A_251 = arith.constant 0 : i32
      %dma_wait3A_252 = tpu.memref_slice %arg4[%add3A_217, %dma_wait3A_250, %dma_wait3A_251] : memref<10000x32x128xf32, #tpu.memory_space<hbm>> -> memref<2x32x128xf32, #tpu.memory_space<hbm>>
      %dma_wait3A_253 = arith.constant 0 : i32
      %dma_wait3A_254 = arith.constant 0 : i32
      %dma_wait3A_255 = arith.constant 0 : i32
      %dma_wait3A_256 = tpu.memref_slice %arg10[%dma_wait3A_244, %dma_wait3A_253, %dma_wait3A_254, %dma_wait3A_255] : memref<2x2x32x128xf32, #tpu.memory_space<vmem>> -> memref<1x2x32x128xf32, #tpu.memory_space<vmem>>
      %dma_wait3A_257 = tpu.memref_squeeze %dma_wait3A_256 : memref<1x2x32x128xf32, #tpu.memory_space<vmem>> -> memref<2x32x128xf32, #tpu.memory_space<vmem>>
      %dma_wait3A_258 = arith.constant 0 : i32
      %dma_wait3A_259 = arith.constant 0 : i32
      %dma_wait3A_260 = tpu.memref_slice %arg4[%add3A_217, %dma_wait3A_258, %dma_wait3A_259] : memref<10000x32x128xf32, #tpu.memory_space<hbm>> -> memref<2x32x128xf32, #tpu.memory_space<hbm>>
      tpu.wait_dma2 semaphore(%arg14 : memref<!tpu.dma_semaphore, #tpu.memory_space<semaphore_mem>>) src(%dma_wait3A_260 : memref<2x32x128xf32, #tpu.memory_space<hbm>>) dst(%dma_wait3A_257 : memref<2x32x128xf32, #tpu.memory_space<vmem>>)
      %dma_wait3A_261 = arith.constant 0 : i32
      %dma_wait3A_262 = arith.constant 0 : i32
      %dma_wait3A_263 = arith.constant 0 : i32
      %dma_wait3A_264 = arith.constant 0 : i32
      %dma_wait3A_265 = tpu.memref_slice %arg11[%dma_wait3A_261, %dma_wait3A_262, %dma_wait3A_263, %dma_wait3A_264] : memref<2x2x32x128xf32, #tpu.memory_space<vmem>> -> memref<1x2x32x128xf32, #tpu.memory_space<vmem>>
      %dma_wait3A_266 = tpu.memref_squeeze %dma_wait3A_265 : memref<1x2x32x128xf32, #tpu.memory_space<vmem>> -> memref<2x32x128xf32, #tpu.memory_space<vmem>>
      %dma_wait3A_267 = arith.constant 0 : i32
      %dma_wait3A_268 = arith.constant 0 : i32
      %dma_wait3A_269 = tpu.memref_slice %arg5[%add3A_217, %dma_wait3A_267, %dma_wait3A_268] : memref<10000x32x128xf32, #tpu.memory_space<hbm>> -> memref<2x32x128xf32, #tpu.memory_space<hbm>>
      %dma_wait3A_270 = arith.constant 0 : i32
      %dma_wait3A_271 = arith.constant 0 : i32
      %dma_wait3A_272 = arith.constant 0 : i32
      %dma_wait3A_273 = tpu.memref_slice %arg11[%dma_wait3A_261, %dma_wait3A_270, %dma_wait3A_271, %dma_wait3A_272] : memref<2x2x32x128xf32, #tpu.memory_space<vmem>> -> memref<1x2x32x128xf32, #tpu.memory_space<vmem>>
      %dma_wait3A_274 = tpu.memref_squeeze %dma_wait3A_273 : memref<1x2x32x128xf32, #tpu.memory_space<vmem>> -> memref<2x32x128xf32, #tpu.memory_space<vmem>>
      %dma_wait3A_275 = arith.constant 0 : i32
      %dma_wait3A_276 = arith.constant 0 : i32
      %dma_wait3A_277 = tpu.memref_slice %arg5[%add3A_217, %dma_wait3A_275, %dma_wait3A_276] : memref<10000x32x128xf32, #tpu.memory_space<hbm>> -> memref<2x32x128xf32, #tpu.memory_space<hbm>>
      tpu.wait_dma2 semaphore(%arg14 : memref<!tpu.dma_semaphore, #tpu.memory_space<semaphore_mem>>) src(%dma_wait3A_277 : memref<2x32x128xf32, #tpu.memory_space<hbm>>) dst(%dma_wait3A_274 : memref<2x32x128xf32, #tpu.memory_space<vmem>>)
      %dma_wait3A_278 = arith.constant 0 : i32
      %dma_wait3A_279 = arith.constant 0 : i32
      %dma_wait3A_280 = arith.constant 0 : i32
      %dma_wait3A_281 = arith.constant 0 : i32
      %dma_wait3A_282 = tpu.memref_slice %arg12[%dma_wait3A_278, %dma_wait3A_279, %dma_wait3A_280, %dma_wait3A_281] : memref<2x2x32x128xf32, #tpu.memory_space<vmem>> -> memref<1x2x32x128xf32, #tpu.memory_space<vmem>>
      %dma_wait3A_283 = tpu.memref_squeeze %dma_wait3A_282 : memref<1x2x32x128xf32, #tpu.memory_space<vmem>> -> memref<2x32x128xf32, #tpu.memory_space<vmem>>
      %dma_wait3A_284 = arith.constant 0 : i32
      %dma_wait3A_285 = arith.constant 0 : i32
      %dma_wait3A_286 = tpu.memref_slice %arg6[%add3A_217, %dma_wait3A_284, %dma_wait3A_285] : memref<10000x32x128xf32, #tpu.memory_space<hbm>> -> memref<2x32x128xf32, #tpu.memory_space<hbm>>
      %dma_wait3A_287 = arith.constant 0 : i32
      %dma_wait3A_288 = arith.constant 0 : i32
      %dma_wait3A_289 = arith.constant 0 : i32
      %dma_wait3A_290 = tpu.memref_slice %arg12[%dma_wait3A_278, %dma_wait3A_287, %dma_wait3A_288, %dma_wait3A_289] : memref<2x2x32x128xf32, #tpu.memory_space<vmem>> -> memref<1x2x32x128xf32, #tpu.memory_space<vmem>>
      %dma_wait3A_291 = tpu.memref_squeeze %dma_wait3A_290 : memref<1x2x32x128xf32, #tpu.memory_space<vmem>> -> memref<2x32x128xf32, #tpu.memory_space<vmem>>
      %dma_wait3A_292 = arith.constant 0 : i32
      %dma_wait3A_293 = arith.constant 0 : i32
      %dma_wait3A_294 = tpu.memref_slice %arg6[%add3A_217, %dma_wait3A_292, %dma_wait3A_293] : memref<10000x32x128xf32, #tpu.memory_space<hbm>> -> memref<2x32x128xf32, #tpu.memory_space<hbm>>
      tpu.wait_dma2 semaphore(%arg14 : memref<!tpu.dma_semaphore, #tpu.memory_space<semaphore_mem>>) src(%dma_wait3A_294 : memref<2x32x128xf32, #tpu.memory_space<hbm>>) dst(%dma_wait3A_291 : memref<2x32x128xf32, #tpu.memory_space<vmem>>)
      %gt3A = arith.constant 0 : i32
      %gt3A_295 = arith.cmpi sgt, %scan3A_129, %gt3A : i32
      %convert_element_type3A = arith.extui %gt3A_295 : i1 to i32
      %cond3A = arith.constant 0 : i32
      %cond3A_296 = arith.cmpi ne, %convert_element_type3A, %cond3A : i32
      scf.if %cond3A_296 {
        %sub3A = arith.constant 2 : i32
        %sub3A_1532 = arith.subi %mul3A_132, %sub3A : i32
        %mul3A_1533 = arith.constant 2 : i32
        %mul3A_1534 = arith.muli %sub3A_1532, %mul3A_1533 : i32
        %add3A_1535 = arith.addi %mul3A_2, %mul3A_1534 : i32
        %dma_wait3A_1536 = arith.constant 0 : i32
        %dma_wait3A_1537 = arith.constant 0 : i32
        %dma_wait3A_1538 = arith.constant 0 : i32
        %dma_wait3A_1539 = tpu.memref_slice %arg13[%dma_wait3A_1536, %dma_wait3A_1537, %dma_wait3A_1538] : memref<2x2x128xf32, #tpu.memory_space<vmem>> -> memref<1x2x128xf32, #tpu.memory_space<vmem>>
        %dma_wait3A_1540 = tpu.memref_squeeze %dma_wait3A_1539 : memref<1x2x128xf32, #tpu.memory_space<vmem>> -> memref<2x128xf32, #tpu.memory_space<vmem>>
        %dma_wait3A_1541 = arith.constant 0 : i32
        %dma_wait3A_1542 = tpu.memref_slice %arg7[%add3A_1535, %dma_wait3A_1541] : memref<4480x128xf32, #tpu.memory_space<hbm>> -> memref<2x128xf32, #tpu.memory_space<hbm>>
        %dma_wait3A_1543 = arith.constant 0 : i32
        %dma_wait3A_1544 = tpu.memref_slice %arg7[%add3A_1535, %dma_wait3A_1543] : memref<4480x128xf32, #tpu.memory_space<hbm>> -> memref<2x128xf32, #tpu.memory_space<hbm>>
        %dma_wait3A_1545 = arith.constant 0 : i32
        %dma_wait3A_1546 = arith.constant 0 : i32
        %dma_wait3A_1547 = tpu.memref_slice %arg13[%dma_wait3A_1536, %dma_wait3A_1545, %dma_wait3A_1546] : memref<2x2x128xf32, #tpu.memory_space<vmem>> -> memref<1x2x128xf32, #tpu.memory_space<vmem>>
        %dma_wait3A_1548 = tpu.memref_squeeze %dma_wait3A_1547 : memref<1x2x128xf32, #tpu.memory_space<vmem>> -> memref<2x128xf32, #tpu.memory_space<vmem>>
        tpu.wait_dma2 semaphore(%arg16 : memref<!tpu.dma_semaphore, #tpu.memory_space<semaphore_mem>>) src(%dma_wait3A_1548 : memref<2x128xf32, #tpu.memory_space<vmem>>) dst(%dma_wait3A_1544 : memref<2x128xf32, #tpu.memory_space<hbm>>)
      } else {
      }
      %get3A = arith.constant 0 : i32
      %get3A_297 = arith.constant 0 : i32
      %get3A_298 = arith.index_cast %get3A : i32 to index
      %get3A_299 = arith.index_cast %get3A_297 : i32 to index
      %get3A_300 = arith.constant 0 : index
      %get3A_301 = tpu.vector_load %arg9[%get3A_298, %get3A_299, %get3A_300] {strides = array<i32>} : memref<2x2x128xf32, #tpu.memory_space<vmem>>, vector<1x1x16xf32>,
      %get3A_302 = vector.shape_cast %get3A_301 : vector<1x1x16xf32> to vector<16xf32>
      %get3A_303 = arith.constant 0 : i32
      %get3A_304 = arith.constant 0 : i32
      %get3A_305 = arith.index_cast %get3A_303 : i32 to index
      %get3A_306 = arith.index_cast %get3A_304 : i32 to index
      %get3A_307 = arith.constant 16 : index
      %get3A_308 = tpu.vector_load %arg9[%get3A_305, %get3A_306, %get3A_307] {strides = array<i32>} : memref<2x2x128xf32, #tpu.memory_space<vmem>>, vector<1x1x16xf32>,
      %get3A_309 = vector.shape_cast %get3A_308 : vector<1x1x16xf32> to vector<16xf32>
      %get3A_310 = arith.constant 0 : i32
      %get3A_311 = arith.constant 0 : i32
      %get3A_312 = arith.index_cast %get3A_310 : i32 to index
      %get3A_313 = arith.index_cast %get3A_311 : i32 to index
      %get3A_314 = arith.constant 32 : index
      %get3A_315 = tpu.vector_load %arg9[%get3A_312, %get3A_313, %get3A_314] {strides = array<i32>} : memref<2x2x128xf32, #tpu.memory_space<vmem>>, vector<1x1x16xf32>,
      %get3A_316 = vector.shape_cast %get3A_315 : vector<1x1x16xf32> to vector<16xf32>
      %get3A_317 = arith.constant 0 : i32
      %get3A_318 = arith.constant 0 : i32
      %get3A_319 = arith.index_cast %get3A_317 : i32 to index
      %get3A_320 = arith.index_cast %get3A_318 : i32 to index
      %get3A_321 = arith.constant 48 : index
      %get3A_322 = tpu.vector_load %arg9[%get3A_319, %get3A_320, %get3A_321] {strides = array<i32>} : memref<2x2x128xf32, #tpu.memory_space<vmem>>, vector<1x1x16xf32>,
      %get3A_323 = vector.shape_cast %get3A_322 : vector<1x1x16xf32> to vector<16xf32>
      %get3A_324 = arith.constant 0 : i32
      %get3A_325 = arith.constant 0 : i32
      %get3A_326 = arith.index_cast %get3A_324 : i32 to index
      %get3A_327 = arith.index_cast %get3A_325 : i32 to index
      %get3A_328 = arith.constant 64 : index
      %get3A_329 = tpu.vector_load %arg9[%get3A_326, %get3A_327, %get3A_328] {strides = array<i32>} : memref<2x2x128xf32, #tpu.memory_space<vmem>>, vector<1x1x16xf32>,
      %get3A_330 = vector.shape_cast %get3A_329 : vector<1x1x16xf32> to vector<16xf32>
      %get3A_331 = arith.constant 0 : i32
      %get3A_332 = arith.constant 0 : i32
      %get3A_333 = arith.index_cast %get3A_331 : i32 to index
      %get3A_334 = arith.index_cast %get3A_332 : i32 to index
      %get3A_335 = arith.constant 80 : index
      %get3A_336 = tpu.vector_load %arg9[%get3A_333, %get3A_334, %get3A_335] {strides = array<i32>} : memref<2x2x128xf32, #tpu.memory_space<vmem>>, vector<1x1x16xf32>,
      %get3A_337 = vector.shape_cast %get3A_336 : vector<1x1x16xf32> to vector<16xf32>
      %get3A_338 = arith.constant 0 : i32
      %get3A_339 = arith.constant 0 : i32
      %get3A_340 = arith.index_cast %get3A_338 : i32 to index
      %get3A_341 = arith.index_cast %get3A_339 : i32 to index
      %get3A_342 = arith.constant 96 : index
      %get3A_343 = tpu.vector_load %arg9[%get3A_340, %get3A_341, %get3A_342] {strides = array<i32>} : memref<2x2x128xf32, #tpu.memory_space<vmem>>, vector<1x1x16xf32>,
      %get3A_344 = vector.shape_cast %get3A_343 : vector<1x1x16xf32> to vector<16xf32>
      %get3A_345 = arith.constant 0 : i32
      %get3A_346 = arith.constant 0 : i32
      %get3A_347 = arith.index_cast %get3A_345 : i32 to index
      %get3A_348 = arith.index_cast %get3A_346 : i32 to index
      %get3A_349 = arith.constant 112 : index
      %get3A_350 = tpu.vector_load %arg9[%get3A_347, %get3A_348, %get3A_349] {strides = array<i32>} : memref<2x2x128xf32, #tpu.memory_space<vmem>>, vector<1x1x16xf32>,
      %get3A_351 = vector.shape_cast %get3A_350 : vector<1x1x16xf32> to vector<16xf32>
      %get3A_352 = arith.constant 0 : i32
      %get3A_353 = arith.constant 0 : i32
      %get3A_354 = arith.index_cast %get3A_352 : i32 to index
      %get3A_355 = arith.index_cast %get3A_353 : i32 to index
      %get3A_356 = arith.constant 0 : index
      %get3A_357 = tpu.vector_load %arg8[%get3A_354, %get3A_355, %get3A_356] {strides = array<i32>} : memref<2x2x128xf32, #tpu.memory_space<vmem>>, vector<1x1x16xf32>,
      %get3A_358 = vector.shape_cast %get3A_357 : vector<1x1x16xf32> to vector<16xf32>
      %add3A_359 = arith.addf %get3A_358, %get3A_302 : vector<16xf32>
      %get3A_360 = arith.constant 0 : i32
      %get3A_361 = arith.constant 0 : i32
      %get3A_362 = arith.index_cast %get3A_360 : i32 to index
      %get3A_363 = arith.index_cast %get3A_361 : i32 to index
      %get3A_364 = arith.constant 16 : index
      %get3A_365 = tpu.vector_load %arg8[%get3A_362, %get3A_363, %get3A_364] {strides = array<i32>} : memref<2x2x128xf32, #tpu.memory_space<vmem>>, vector<1x1x16xf32>,
      %get3A_366 = vector.shape_cast %get3A_365 : vector<1x1x16xf32> to vector<16xf32>
      %add3A_367 = arith.addf %add3A_359, %get3A_366 : vector<16xf32>
      %add3A_368 = arith.addf %add3A_367, %get3A_309 : vector<16xf32>
      %get3A_369 = arith.constant 0 : i32
      %get3A_370 = arith.constant 0 : i32
      %get3A_371 = arith.index_cast %get3A_369 : i32 to index
      %get3A_372 = arith.index_cast %get3A_370 : i32 to index
      %get3A_373 = arith.constant 32 : index
      %get3A_374 = tpu.vector_load %arg8[%get3A_371, %get3A_372, %get3A_373] {strides = array<i32>} : memref<2x2x128xf32, #tpu.memory_space<vmem>>, vector<1x1x16xf32>,
      %get3A_375 = vector.shape_cast %get3A_374 : vector<1x1x16xf32> to vector<16xf32>
      %add3A_376 = arith.addf %add3A_368, %get3A_375 : vector<16xf32>
      %add3A_377 = arith.addf %add3A_376, %get3A_316 : vector<16xf32>
      %get3A_378 = arith.constant 0 : i32
      %get3A_379 = arith.constant 0 : i32
      %get3A_380 = arith.index_cast %get3A_378 : i32 to index
      %get3A_381 = arith.index_cast %get3A_379 : i32 to index
      %get3A_382 = arith.constant 48 : index
      %get3A_383 = tpu.vector_load %arg8[%get3A_380, %get3A_381, %get3A_382] {strides = array<i32>} : memref<2x2x128xf32, #tpu.memory_space<vmem>>, vector<1x1x16xf32>,
      %get3A_384 = vector.shape_cast %get3A_383 : vector<1x1x16xf32> to vector<16xf32>
      %add3A_385 = arith.addf %add3A_377, %get3A_384 : vector<16xf32>
      %add3A_386 = arith.addf %add3A_385, %get3A_323 : vector<16xf32>
      %get3A_387 = arith.constant 0 : i32
      %get3A_388 = arith.constant 0 : i32
      %get3A_389 = arith.index_cast %get3A_387 : i32 to index
      %get3A_390 = arith.index_cast %get3A_388 : i32 to index
      %get3A_391 = arith.constant 64 : index
      %get3A_392 = tpu.vector_load %arg8[%get3A_389, %get3A_390, %get3A_391] {strides = array<i32>} : memref<2x2x128xf32, #tpu.memory_space<vmem>>, vector<1x1x16xf32>,
      %get3A_393 = vector.shape_cast %get3A_392 : vector<1x1x16xf32> to vector<16xf32>
      %add3A_394 = arith.addf %add3A_386, %get3A_393 : vector<16xf32>
      %add3A_395 = arith.addf %add3A_394, %get3A_330 : vector<16xf32>
      %get3A_396 = arith.constant 0 : i32
      %get3A_397 = arith.constant 0 : i32
      %get3A_398 = arith.index_cast %get3A_396 : i32 to index
      %get3A_399 = arith.index_cast %get3A_397 : i32 to index
      %get3A_400 = arith.constant 80 : index
      %get3A_401 = tpu.vector_load %arg8[%get3A_398, %get3A_399, %get3A_400] {strides = array<i32>} : memref<2x2x128xf32, #tpu.memory_space<vmem>>, vector<1x1x16xf32>,
      %get3A_402 = vector.shape_cast %get3A_401 : vector<1x1x16xf32> to vector<16xf32>
      %add3A_403 = arith.addf %add3A_395, %get3A_402 : vector<16xf32>
      %add3A_404 = arith.addf %add3A_403, %get3A_337 : vector<16xf32>
      %get3A_405 = arith.constant 0 : i32
      %get3A_406 = arith.constant 0 : i32
      %get3A_407 = arith.index_cast %get3A_405 : i32 to index
      %get3A_408 = arith.index_cast %get3A_406 : i32 to index
      %get3A_409 = arith.constant 96 : index
      %get3A_410 = tpu.vector_load %arg8[%get3A_407, %get3A_408, %get3A_409] {strides = array<i32>} : memref<2x2x128xf32, #tpu.memory_space<vmem>>, vector<1x1x16xf32>,
      %get3A_411 = vector.shape_cast %get3A_410 : vector<1x1x16xf32> to vector<16xf32>
      %add3A_412 = arith.addf %add3A_404, %get3A_411 : vector<16xf32>
      %add3A_413 = arith.addf %add3A_412, %get3A_344 : vector<16xf32>
      %get3A_414 = arith.constant 0 : i32
      %get3A_415 = arith.constant 0 : i32
      %get3A_416 = arith.index_cast %get3A_414 : i32 to index
      %get3A_417 = arith.index_cast %get3A_415 : i32 to index
      %get3A_418 = arith.constant 112 : index
      %get3A_419 = tpu.vector_load %arg8[%get3A_416, %get3A_417, %get3A_418] {strides = array<i32>} : memref<2x2x128xf32, #tpu.memory_space<vmem>>, vector<1x1x16xf32>,
      %get3A_420 = vector.shape_cast %get3A_419 : vector<1x1x16xf32> to vector<16xf32>
      %add3A_421 = arith.addf %add3A_413, %get3A_420 : vector<16xf32>
      %add3A_422 = arith.addf %add3A_421, %get3A_351 : vector<16xf32>
      %lt3A = arith.constant 0 : i32
      %lt3A_423 = vector.broadcast %lt3A : i32 to vector<16xi32>
      %lt3A_424 = arith.cmpi slt, %xor3A_6, %lt3A_423 : vector<16xi32>
      %add3A_425 = arith.constant 16 : i32
      %add3A_426 = vector.broadcast %add3A_425 : i32 to vector<16xi32>
      %add3A_427 = arith.addi %xor3A_6, %add3A_426 : vector<16xi32>
      %select_n3A = arith.select %lt3A_424, %add3A_427, %xor3A_6 : vector<16xi1>, vector<16xi32>
      %broadcast_in_dim3A = vector.shape_cast %select_n3A : vector<16xi32> to vector<16x1xi32>
      %gather3A = vector.shape_cast %broadcast_in_dim3A : vector<16x1xi32> to vector<16xi32>
      %gather3A_428 = tpu.dynamic_gather %add3A_422[%gather3A] in [0] : vector<16xf32>, vector<16xi32> -> vector<16xf32>
      %add3A_429 = arith.addf %add3A_422, %gather3A_428 : vector<16xf32>
      %lt3A_430 = arith.constant 0 : i32
      %lt3A_431 = vector.broadcast %lt3A_430 : i32 to vector<16xi32>
      %lt3A_432 = arith.cmpi slt, %xor3A_9, %lt3A_431 : vector<16xi32>
      %add3A_433 = arith.constant 16 : i32
      %add3A_434 = vector.broadcast %add3A_433 : i32 to vector<16xi32>
      %add3A_435 = arith.addi %xor3A_9, %add3A_434 : vector<16xi32>
      %select_n3A_436 = arith.select %lt3A_432, %add3A_435, %xor3A_9 : vector<16xi1>, vector<16xi32>
      %broadcast_in_dim3A_437 = vector.shape_cast %select_n3A_436 : vector<16xi32> to vector<16x1xi32>
      %gather3A_438 = vector.shape_cast %broadcast_in_dim3A_437 : vector<16x1xi32> to vector<16xi32>
      %gather3A_439 = tpu.dynamic_gather %add3A_429[%gather3A_438] in [0] : vector<16xf32>, vector<16xi32> -> vector<16xf32>
      %add3A_440 = arith.addf %add3A_429, %gather3A_439 : vector<16xf32>
      %lt3A_441 = arith.constant 0 : i32
      %lt3A_442 = vector.broadcast %lt3A_441 : i32 to vector<16xi32>
      %lt3A_443 = arith.cmpi slt, %xor3A_12, %lt3A_442 : vector<16xi32>
      %add3A_444 = arith.constant 16 : i32
      %add3A_445 = vector.broadcast %add3A_444 : i32 to vector<16xi32>
      %add3A_446 = arith.addi %xor3A_12, %add3A_445 : vector<16xi32>
      %select_n3A_447 = arith.select %lt3A_443, %add3A_446, %xor3A_12 : vector<16xi1>, vector<16xi32>
      %broadcast_in_dim3A_448 = vector.shape_cast %select_n3A_447 : vector<16xi32> to vector<16x1xi32>
      %gather3A_449 = vector.shape_cast %broadcast_in_dim3A_448 : vector<16x1xi32> to vector<16xi32>
      %gather3A_450 = tpu.dynamic_gather %add3A_440[%gather3A_449] in [0] : vector<16xf32>, vector<16xi32> -> vector<16xf32>
      %add3A_451 = arith.addf %add3A_440, %gather3A_450 : vector<16xf32>
      %lt3A_452 = arith.constant 0 : i32
      %lt3A_453 = vector.broadcast %lt3A_452 : i32 to vector<16xi32>
      %lt3A_454 = arith.cmpi slt, %xor3A_15, %lt3A_453 : vector<16xi32>
      %add3A_455 = arith.constant 16 : i32
      %add3A_456 = vector.broadcast %add3A_455 : i32 to vector<16xi32>
      %add3A_457 = arith.addi %xor3A_15, %add3A_456 : vector<16xi32>
      %select_n3A_458 = arith.select %lt3A_454, %add3A_457, %xor3A_15 : vector<16xi1>, vector<16xi32>
      %broadcast_in_dim3A_459 = vector.shape_cast %select_n3A_458 : vector<16xi32> to vector<16x1xi32>
      %gather3A_460 = vector.shape_cast %broadcast_in_dim3A_459 : vector<16x1xi32> to vector<16xi32>
      %gather3A_461 = tpu.dynamic_gather %add3A_451[%gather3A_460] in [0] : vector<16xf32>, vector<16xi32> -> vector<16xf32>
      %add3A_462 = arith.addf %add3A_451, %gather3A_461 : vector<16xf32>
      %broadcast_in_dim3A_463 = arith.constant 0xFF800000 : f32
      %broadcast_in_dim3A_464 = vector.broadcast %broadcast_in_dim3A_463 : f32 to vector<16xf32>
      %broadcast_in_dim3A_465 = arith.constant 0xFF800000 : f32
      %broadcast_in_dim3A_466 = vector.broadcast %broadcast_in_dim3A_465 : f32 to vector<16xf32>
      %broadcast_in_dim3A_467 = arith.constant 0xFF800000 : f32
      %broadcast_in_dim3A_468 = vector.broadcast %broadcast_in_dim3A_467 : f32 to vector<16xf32>
      %broadcast_in_dim3A_469 = arith.constant 0xFF800000 : f32
      %broadcast_in_dim3A_470 = vector.broadcast %broadcast_in_dim3A_469 : f32 to vector<16xf32>
      %broadcast_in_dim3A_471 = arith.constant 0xFF800000 : f32
      %broadcast_in_dim3A_472 = vector.broadcast %broadcast_in_dim3A_471 : f32 to vector<16xf32>
      %broadcast_in_dim3A_473 = arith.constant 0xFF800000 : f32
      %broadcast_in_dim3A_474 = vector.broadcast %broadcast_in_dim3A_473 : f32 to vector<16xf32>
      %broadcast_in_dim3A_475 = arith.constant 0xFF800000 : f32
      %broadcast_in_dim3A_476 = vector.broadcast %broadcast_in_dim3A_475 : f32 to vector<16xf32>
      %broadcast_in_dim3A_477 = arith.constant 0xFF800000 : f32
      %broadcast_in_dim3A_478 = vector.broadcast %broadcast_in_dim3A_477 : f32 to vector<16xf32>
      %broadcast_in_dim3A_479 = arith.constant 0.000000e+00 : f32
      %broadcast_in_dim3A_480 = vector.broadcast %broadcast_in_dim3A_479 : f32 to vector<16xf32>
      %broadcast_in_dim3A_481 = arith.constant 0.000000e+00 : f32
      %broadcast_in_dim3A_482 = vector.broadcast %broadcast_in_dim3A_481 : f32 to vector<16xf32>
      %broadcast_in_dim3A_483 = arith.constant 0.000000e+00 : f32
      %broadcast_in_dim3A_484 = vector.broadcast %broadcast_in_dim3A_483 : f32 to vector<16xf32>
      %broadcast_in_dim3A_485 = arith.constant 0.000000e+00 : f32
      %broadcast_in_dim3A_486 = vector.broadcast %broadcast_in_dim3A_485 : f32 to vector<16xf32>
      %broadcast_in_dim3A_487 = arith.constant 0.000000e+00 : f32
      %broadcast_in_dim3A_488 = vector.broadcast %broadcast_in_dim3A_487 : f32 to vector<16xf32>
      %broadcast_in_dim3A_489 = arith.constant 0.000000e+00 : f32
      %broadcast_in_dim3A_490 = vector.broadcast %broadcast_in_dim3A_489 : f32 to vector<16xf32>
      %broadcast_in_dim3A_491 = arith.constant 0.000000e+00 : f32
      %broadcast_in_dim3A_492 = vector.broadcast %broadcast_in_dim3A_491 : f32 to vector<16xf32>
      %broadcast_in_dim3A_493 = arith.constant 0.000000e+00 : f32
      %broadcast_in_dim3A_494 = vector.broadcast %broadcast_in_dim3A_493 : f32 to vector<16xf32>
      %parallel_loop3A = arith.constant 0 : i32
      %parallel_loop3A_495 = arith.constant 32 : i32
      %parallel_loop3A_496 = arith.constant 1 : i32
      %parallel_loop3A_497:24 = scf.for %parallel_loop3A_1532 = %parallel_loop3A to %parallel_loop3A_495 step %parallel_loop3A_496 iter_args(%parallel_loop3A_1533 = %broadcast_in_dim3A_464, %parallel_loop3A_1534 = %broadcast_in_dim3A_466, %parallel_loop3A_1535 = %broadcast_in_dim3A_468, %parallel_loop3A_1536 = %broadcast_in_dim3A_470, %parallel_loop3A_1537 = %broadcast_in_dim3A_472, %parallel_loop3A_1538 = %broadcast_in_dim3A_474, %parallel_loop3A_1539 = %broadcast_in_dim3A_476, %parallel_loop3A_1540 = %broadcast_in_dim3A_478, %parallel_loop3A_1541 = %broadcast_in_dim3A_480, %parallel_loop3A_1542 = %broadcast_in_dim3A_482, %parallel_loop3A_1543 = %broadcast_in_dim3A_484, %parallel_loop3A_1544 = %broadcast_in_dim3A_486, %parallel_loop3A_1545 = %broadcast_in_dim3A_488, %parallel_loop3A_1546 = %broadcast_in_dim3A_490, %parallel_loop3A_1547 = %broadcast_in_dim3A_492, %parallel_loop3A_1548 = %broadcast_in_dim3A_494, %parallel_loop3A_1549 = %broadcast_in_dim3A_480, %parallel_loop3A_1550 = %broadcast_in_dim3A_482, %parallel_loop3A_1551 = %broadcast_in_dim3A_484, %parallel_loop3A_1552 = %broadcast_in_dim3A_486, %parallel_loop3A_1553 = %broadcast_in_dim3A_488, %parallel_loop3A_1554 = %broadcast_in_dim3A_490, %parallel_loop3A_1555 = %broadcast_in_dim3A_492, %parallel_loop3A_1556 = %broadcast_in_dim3A_494) -> (vector<16xf32>, vector<16xf32>, vector<16xf32>, vector<16xf32>, vector<16xf32>, vector<16xf32>, vector<16xf32>, vector<16xf32>, vector<16xf32>, vector<16xf32>, vector<16xf32>, vector<16xf32>, vector<16xf32>, vector<16xf32>, vector<16xf32>, vector<16xf32>, vector<16xf32>, vector<16xf32>, vector<16xf32>, vector<16xf32>, vector<16xf32>, vector<16xf32>, vector<16xf32>, vector<16xf32>)  : i32 {
        %parallel_loop3A_1557 = arith.constant 0.000000e+00 : f32
        %parallel_loop3A_1558 = vector.broadcast %parallel_loop3A_1557 : f32 to vector<16xf32>
        %parallel_loop3A_1559 = arith.constant 0 : i32
        %parallel_loop3A_1560 = arith.constant 0 : i32
        %parallel_loop3A_1561 = arith.index_cast %parallel_loop3A_1559 : i32 to index
        %parallel_loop3A_1562 = arith.index_cast %parallel_loop3A_1560 : i32 to index
        %parallel_loop3A_1563 = arith.index_cast %parallel_loop3A_1532 : i32 to index
        %parallel_loop3A_1564 = arith.constant 0 : index
        %parallel_loop3A_1565 = tpu.vector_load %arg10[%parallel_loop3A_1561, %parallel_loop3A_1562, %parallel_loop3A_1563, %parallel_loop3A_1564] {strides = array<i32>} : memref<2x2x32x128xf32, #tpu.memory_space<vmem>>, vector<1x1x1x16xf32>,
        %parallel_loop3A_1566 = vector.shape_cast %parallel_loop3A_1565 : vector<1x1x1x16xf32> to vector<16xf32>
        %parallel_loop3A_1567 = arith.constant 0 : i32
        %parallel_loop3A_1568 = arith.constant 0 : i32
        %parallel_loop3A_1569 = arith.index_cast %parallel_loop3A_1567 : i32 to index
        %parallel_loop3A_1570 = arith.index_cast %parallel_loop3A_1568 : i32 to index
        %parallel_loop3A_1571 = arith.index_cast %parallel_loop3A_1532 : i32 to index
        %parallel_loop3A_1572 = arith.constant 0 : index
        %parallel_loop3A_1573 = tpu.vector_load %arg11[%parallel_loop3A_1569, %parallel_loop3A_1570, %parallel_loop3A_1571, %parallel_loop3A_1572] {strides = array<i32>} : memref<2x2x32x128xf32, #tpu.memory_space<vmem>>, vector<1x1x1x16xf32>,
        %parallel_loop3A_1574 = vector.shape_cast %parallel_loop3A_1573 : vector<1x1x1x16xf32> to vector<16xf32>
        %parallel_loop3A_1575 = arith.addf %get3A_302, %parallel_loop3A_1566 : vector<16xf32>
        %parallel_loop3A_1576 = arith.addf %parallel_loop3A_1558, %parallel_loop3A_1566 : vector<16xf32>
        %parallel_loop3A_1577 = arith.addf %parallel_loop3A_1576, %parallel_loop3A_1574 : vector<16xf32>
        %parallel_loop3A_1578 = arith.constant 0 : i32
        %parallel_loop3A_1579 = arith.constant 0 : i32
        %parallel_loop3A_1580 = arith.index_cast %parallel_loop3A_1578 : i32 to index
        %parallel_loop3A_1581 = arith.index_cast %parallel_loop3A_1579 : i32 to index
        %parallel_loop3A_1582 = arith.index_cast %parallel_loop3A_1532 : i32 to index
        %parallel_loop3A_1583 = arith.constant 16 : index
        %parallel_loop3A_1584 = tpu.vector_load %arg10[%parallel_loop3A_1580, %parallel_loop3A_1581, %parallel_loop3A_1582, %parallel_loop3A_1583] {strides = array<i32>} : memref<2x2x32x128xf32, #tpu.memory_space<vmem>>, vector<1x1x1x16xf32>,
        %parallel_loop3A_1585 = vector.shape_cast %parallel_loop3A_1584 : vector<1x1x1x16xf32> to vector<16xf32>
        %parallel_loop3A_1586 = arith.constant 0 : i32
        %parallel_loop3A_1587 = arith.constant 0 : i32
        %parallel_loop3A_1588 = arith.index_cast %parallel_loop3A_1586 : i32 to index
        %parallel_loop3A_1589 = arith.index_cast %parallel_loop3A_1587 : i32 to index
        %parallel_loop3A_1590 = arith.index_cast %parallel_loop3A_1532 : i32 to index
        %parallel_loop3A_1591 = arith.constant 16 : index
        %parallel_loop3A_1592 = tpu.vector_load %arg11[%parallel_loop3A_1588, %parallel_loop3A_1589, %parallel_loop3A_1590, %parallel_loop3A_1591] {strides = array<i32>} : memref<2x2x32x128xf32, #tpu.memory_space<vmem>>, vector<1x1x1x16xf32>,
        %parallel_loop3A_1593 = vector.shape_cast %parallel_loop3A_1592 : vector<1x1x1x16xf32> to vector<16xf32>
        %parallel_loop3A_1594 = arith.addf %get3A_309, %parallel_loop3A_1585 : vector<16xf32>
        %parallel_loop3A_1595 = arith.addf %parallel_loop3A_1577, %parallel_loop3A_1585 : vector<16xf32>
        %parallel_loop3A_1596 = arith.addf %parallel_loop3A_1595, %parallel_loop3A_1593 : vector<16xf32>
        %parallel_loop3A_1597 = arith.constant 0 : i32
        %parallel_loop3A_1598 = arith.constant 0 : i32
        %parallel_loop3A_1599 = arith.index_cast %parallel_loop3A_1597 : i32 to index
        %parallel_loop3A_1600 = arith.index_cast %parallel_loop3A_1598 : i32 to index
        %parallel_loop3A_1601 = arith.index_cast %parallel_loop3A_1532 : i32 to index
        %parallel_loop3A_1602 = arith.constant 32 : index
        %parallel_loop3A_1603 = tpu.vector_load %arg10[%parallel_loop3A_1599, %parallel_loop3A_1600, %parallel_loop3A_1601, %parallel_loop3A_1602] {strides = array<i32>} : memref<2x2x32x128xf32, #tpu.memory_space<vmem>>, vector<1x1x1x16xf32>,
        %parallel_loop3A_1604 = vector.shape_cast %parallel_loop3A_1603 : vector<1x1x1x16xf32> to vector<16xf32>
        %parallel_loop3A_1605 = arith.constant 0 : i32
        %parallel_loop3A_1606 = arith.constant 0 : i32
        %parallel_loop3A_1607 = arith.index_cast %parallel_loop3A_1605 : i32 to index
        %parallel_loop3A_1608 = arith.index_cast %parallel_loop3A_1606 : i32 to index
        %parallel_loop3A_1609 = arith.index_cast %parallel_loop3A_1532 : i32 to index
        %parallel_loop3A_1610 = arith.constant 32 : index
        %parallel_loop3A_1611 = tpu.vector_load %arg11[%parallel_loop3A_1607, %parallel_loop3A_1608, %parallel_loop3A_1609, %parallel_loop3A_1610] {strides = array<i32>} : memref<2x2x32x128xf32, #tpu.memory_space<vmem>>, vector<1x1x1x16xf32>,
        %parallel_loop3A_1612 = vector.shape_cast %parallel_loop3A_1611 : vector<1x1x1x16xf32> to vector<16xf32>
        %parallel_loop3A_1613 = arith.addf %get3A_316, %parallel_loop3A_1604 : vector<16xf32>
        %parallel_loop3A_1614 = arith.addf %parallel_loop3A_1596, %parallel_loop3A_1604 : vector<16xf32>
        %parallel_loop3A_1615 = arith.addf %parallel_loop3A_1614, %parallel_loop3A_1612 : vector<16xf32>
        %parallel_loop3A_1616 = arith.constant 0 : i32
        %parallel_loop3A_1617 = arith.constant 0 : i32
        %parallel_loop3A_1618 = arith.index_cast %parallel_loop3A_1616 : i32 to index
        %parallel_loop3A_1619 = arith.index_cast %parallel_loop3A_1617 : i32 to index
        %parallel_loop3A_1620 = arith.index_cast %parallel_loop3A_1532 : i32 to index
        %parallel_loop3A_1621 = arith.constant 48 : index
        %parallel_loop3A_1622 = tpu.vector_load %arg10[%parallel_loop3A_1618, %parallel_loop3A_1619, %parallel_loop3A_1620, %parallel_loop3A_1621] {strides = array<i32>} : memref<2x2x32x128xf32, #tpu.memory_space<vmem>>, vector<1x1x1x16xf32>,
        %parallel_loop3A_1623 = vector.shape_cast %parallel_loop3A_1622 : vector<1x1x1x16xf32> to vector<16xf32>
        %parallel_loop3A_1624 = arith.constant 0 : i32
        %parallel_loop3A_1625 = arith.constant 0 : i32
        %parallel_loop3A_1626 = arith.index_cast %parallel_loop3A_1624 : i32 to index
        %parallel_loop3A_1627 = arith.index_cast %parallel_loop3A_1625 : i32 to index
        %parallel_loop3A_1628 = arith.index_cast %parallel_loop3A_1532 : i32 to index
        %parallel_loop3A_1629 = arith.constant 48 : index
        %parallel_loop3A_1630 = tpu.vector_load %arg11[%parallel_loop3A_1626, %parallel_loop3A_1627, %parallel_loop3A_1628, %parallel_loop3A_1629] {strides = array<i32>} : memref<2x2x32x128xf32, #tpu.memory_space<vmem>>, vector<1x1x1x16xf32>,
        %parallel_loop3A_1631 = vector.shape_cast %parallel_loop3A_1630 : vector<1x1x1x16xf32> to vector<16xf32>
        %parallel_loop3A_1632 = arith.addf %get3A_323, %parallel_loop3A_1623 : vector<16xf32>
        %parallel_loop3A_1633 = arith.addf %parallel_loop3A_1615, %parallel_loop3A_1623 : vector<16xf32>
        %parallel_loop3A_1634 = arith.addf %parallel_loop3A_1633, %parallel_loop3A_1631 : vector<16xf32>
        %parallel_loop3A_1635 = arith.constant 0 : i32
        %parallel_loop3A_1636 = arith.constant 0 : i32
        %parallel_loop3A_1637 = arith.index_cast %parallel_loop3A_1635 : i32 to index
        %parallel_loop3A_1638 = arith.index_cast %parallel_loop3A_1636 : i32 to index
        %parallel_loop3A_1639 = arith.index_cast %parallel_loop3A_1532 : i32 to index
        %parallel_loop3A_1640 = arith.constant 64 : index
        %parallel_loop3A_1641 = tpu.vector_load %arg10[%parallel_loop3A_1637, %parallel_loop3A_1638, %parallel_loop3A_1639, %parallel_loop3A_1640] {strides = array<i32>} : memref<2x2x32x128xf32, #tpu.memory_space<vmem>>, vector<1x1x1x16xf32>,
        %parallel_loop3A_1642 = vector.shape_cast %parallel_loop3A_1641 : vector<1x1x1x16xf32> to vector<16xf32>
        %parallel_loop3A_1643 = arith.constant 0 : i32
        %parallel_loop3A_1644 = arith.constant 0 : i32
        %parallel_loop3A_1645 = arith.index_cast %parallel_loop3A_1643 : i32 to index
        %parallel_loop3A_1646 = arith.index_cast %parallel_loop3A_1644 : i32 to index
        %parallel_loop3A_1647 = arith.index_cast %parallel_loop3A_1532 : i32 to index
        %parallel_loop3A_1648 = arith.constant 64 : index
        %parallel_loop3A_1649 = tpu.vector_load %arg11[%parallel_loop3A_1645, %parallel_loop3A_1646, %parallel_loop3A_1647, %parallel_loop3A_1648] {strides = array<i32>} : memref<2x2x32x128xf32, #tpu.memory_space<vmem>>, vector<1x1x1x16xf32>,
        %parallel_loop3A_1650 = vector.shape_cast %parallel_loop3A_1649 : vector<1x1x1x16xf32> to vector<16xf32>
        %parallel_loop3A_1651 = arith.addf %get3A_330, %parallel_loop3A_1642 : vector<16xf32>
        %parallel_loop3A_1652 = arith.addf %parallel_loop3A_1634, %parallel_loop3A_1642 : vector<16xf32>
        %parallel_loop3A_1653 = arith.addf %parallel_loop3A_1652, %parallel_loop3A_1650 : vector<16xf32>
        %parallel_loop3A_1654 = arith.constant 0 : i32
        %parallel_loop3A_1655 = arith.constant 0 : i32
        %parallel_loop3A_1656 = arith.index_cast %parallel_loop3A_1654 : i32 to index
        %parallel_loop3A_1657 = arith.index_cast %parallel_loop3A_1655 : i32 to index
        %parallel_loop3A_1658 = arith.index_cast %parallel_loop3A_1532 : i32 to index
        %parallel_loop3A_1659 = arith.constant 80 : index
        %parallel_loop3A_1660 = tpu.vector_load %arg10[%parallel_loop3A_1656, %parallel_loop3A_1657, %parallel_loop3A_1658, %parallel_loop3A_1659] {strides = array<i32>} : memref<2x2x32x128xf32, #tpu.memory_space<vmem>>, vector<1x1x1x16xf32>,
        %parallel_loop3A_1661 = vector.shape_cast %parallel_loop3A_1660 : vector<1x1x1x16xf32> to vector<16xf32>
        %parallel_loop3A_1662 = arith.constant 0 : i32
        %parallel_loop3A_1663 = arith.constant 0 : i32
        %parallel_loop3A_1664 = arith.index_cast %parallel_loop3A_1662 : i32 to index
        %parallel_loop3A_1665 = arith.index_cast %parallel_loop3A_1663 : i32 to index
        %parallel_loop3A_1666 = arith.index_cast %parallel_loop3A_1532 : i32 to index
        %parallel_loop3A_1667 = arith.constant 80 : index
        %parallel_loop3A_1668 = tpu.vector_load %arg11[%parallel_loop3A_1664, %parallel_loop3A_1665, %parallel_loop3A_1666, %parallel_loop3A_1667] {strides = array<i32>} : memref<2x2x32x128xf32, #tpu.memory_space<vmem>>, vector<1x1x1x16xf32>,
        %parallel_loop3A_1669 = vector.shape_cast %parallel_loop3A_1668 : vector<1x1x1x16xf32> to vector<16xf32>
        %parallel_loop3A_1670 = arith.addf %get3A_337, %parallel_loop3A_1661 : vector<16xf32>
        %parallel_loop3A_1671 = arith.addf %parallel_loop3A_1653, %parallel_loop3A_1661 : vector<16xf32>
        %parallel_loop3A_1672 = arith.addf %parallel_loop3A_1671, %parallel_loop3A_1669 : vector<16xf32>
        %parallel_loop3A_1673 = arith.constant 0 : i32
        %parallel_loop3A_1674 = arith.constant 0 : i32
        %parallel_loop3A_1675 = arith.index_cast %parallel_loop3A_1673 : i32 to index
        %parallel_loop3A_1676 = arith.index_cast %parallel_loop3A_1674 : i32 to index
        %parallel_loop3A_1677 = arith.index_cast %parallel_loop3A_1532 : i32 to index
        %parallel_loop3A_1678 = arith.constant 96 : index
        %parallel_loop3A_1679 = tpu.vector_load %arg10[%parallel_loop3A_1675, %parallel_loop3A_1676, %parallel_loop3A_1677, %parallel_loop3A_1678] {strides = array<i32>} : memref<2x2x32x128xf32, #tpu.memory_space<vmem>>, vector<1x1x1x16xf32>,
        %parallel_loop3A_1680 = vector.shape_cast %parallel_loop3A_1679 : vector<1x1x1x16xf32> to vector<16xf32>
        %parallel_loop3A_1681 = arith.constant 0 : i32
        %parallel_loop3A_1682 = arith.constant 0 : i32
        %parallel_loop3A_1683 = arith.index_cast %parallel_loop3A_1681 : i32 to index
        %parallel_loop3A_1684 = arith.index_cast %parallel_loop3A_1682 : i32 to index
        %parallel_loop3A_1685 = arith.index_cast %parallel_loop3A_1532 : i32 to index
        %parallel_loop3A_1686 = arith.constant 96 : index
        %parallel_loop3A_1687 = tpu.vector_load %arg11[%parallel_loop3A_1683, %parallel_loop3A_1684, %parallel_loop3A_1685, %parallel_loop3A_1686] {strides = array<i32>} : memref<2x2x32x128xf32, #tpu.memory_space<vmem>>, vector<1x1x1x16xf32>,
        %parallel_loop3A_1688 = vector.shape_cast %parallel_loop3A_1687 : vector<1x1x1x16xf32> to vector<16xf32>
        %parallel_loop3A_1689 = arith.addf %get3A_344, %parallel_loop3A_1680 : vector<16xf32>
        %parallel_loop3A_1690 = arith.addf %parallel_loop3A_1672, %parallel_loop3A_1680 : vector<16xf32>
        %parallel_loop3A_1691 = arith.addf %parallel_loop3A_1690, %parallel_loop3A_1688 : vector<16xf32>
        %parallel_loop3A_1692 = arith.constant 0 : i32
        %parallel_loop3A_1693 = arith.constant 0 : i32
        %parallel_loop3A_1694 = arith.index_cast %parallel_loop3A_1692 : i32 to index
        %parallel_loop3A_1695 = arith.index_cast %parallel_loop3A_1693 : i32 to index
        %parallel_loop3A_1696 = arith.index_cast %parallel_loop3A_1532 : i32 to index
        %parallel_loop3A_1697 = arith.constant 112 : index
        %parallel_loop3A_1698 = tpu.vector_load %arg10[%parallel_loop3A_1694, %parallel_loop3A_1695, %parallel_loop3A_1696, %parallel_loop3A_1697] {strides = array<i32>} : memref<2x2x32x128xf32, #tpu.memory_space<vmem>>, vector<1x1x1x16xf32>,
        %parallel_loop3A_1699 = vector.shape_cast %parallel_loop3A_1698 : vector<1x1x1x16xf32> to vector<16xf32>
        %parallel_loop3A_1700 = arith.constant 0 : i32
        %parallel_loop3A_1701 = arith.constant 0 : i32
        %parallel_loop3A_1702 = arith.index_cast %parallel_loop3A_1700 : i32 to index
        %parallel_loop3A_1703 = arith.index_cast %parallel_loop3A_1701 : i32 to index
        %parallel_loop3A_1704 = arith.index_cast %parallel_loop3A_1532 : i32 to index
        %parallel_loop3A_1705 = arith.constant 112 : index
        %parallel_loop3A_1706 = tpu.vector_load %arg11[%parallel_loop3A_1702, %parallel_loop3A_1703, %parallel_loop3A_1704, %parallel_loop3A_1705] {strides = array<i32>} : memref<2x2x32x128xf32, #tpu.memory_space<vmem>>, vector<1x1x1x16xf32>,
        %parallel_loop3A_1707 = vector.shape_cast %parallel_loop3A_1706 : vector<1x1x1x16xf32> to vector<16xf32>
        %parallel_loop3A_1708 = arith.addf %get3A_351, %parallel_loop3A_1699 : vector<16xf32>
        %parallel_loop3A_1709 = arith.addf %parallel_loop3A_1691, %parallel_loop3A_1699 : vector<16xf32>
        %parallel_loop3A_1710 = arith.addf %parallel_loop3A_1709, %parallel_loop3A_1707 : vector<16xf32>
        %parallel_loop3A_1711 = arith.constant 0 : i32
        %parallel_loop3A_1712 = vector.broadcast %parallel_loop3A_1711 : i32 to vector<16xi32>
        %parallel_loop3A_1713 = arith.cmpi slt, %xor3A_6, %parallel_loop3A_1712 : vector<16xi32>
        %parallel_loop3A_1714 = arith.constant 16 : i32
        %parallel_loop3A_1715 = vector.broadcast %parallel_loop3A_1714 : i32 to vector<16xi32>
        %parallel_loop3A_1716 = arith.addi %xor3A_6, %parallel_loop3A_1715 : vector<16xi32>
        %parallel_loop3A_1717 = arith.select %parallel_loop3A_1713, %parallel_loop3A_1716, %xor3A_6 : vector<16xi1>, vector<16xi32>
        %parallel_loop3A_1718 = vector.shape_cast %parallel_loop3A_1717 : vector<16xi32> to vector<16x1xi32>
        %parallel_loop3A_1719 = vector.shape_cast %parallel_loop3A_1718 : vector<16x1xi32> to vector<16xi32>
        %parallel_loop3A_1720 = tpu.dynamic_gather %parallel_loop3A_1710[%parallel_loop3A_1719] in [0] : vector<16xf32>, vector<16xi32> -> vector<16xf32>
        %parallel_loop3A_1721 = arith.addf %parallel_loop3A_1710, %parallel_loop3A_1720 : vector<16xf32>
        %parallel_loop3A_1722 = arith.constant 0 : i32
        %parallel_loop3A_1723 = vector.broadcast %parallel_loop3A_1722 : i32 to vector<16xi32>
        %parallel_loop3A_1724 = arith.cmpi slt, %xor3A_9, %parallel_loop3A_1723 : vector<16xi32>
        %parallel_loop3A_1725 = arith.constant 16 : i32
        %parallel_loop3A_1726 = vector.broadcast %parallel_loop3A_1725 : i32 to vector<16xi32>
        %parallel_loop3A_1727 = arith.addi %xor3A_9, %parallel_loop3A_1726 : vector<16xi32>
        %parallel_loop3A_1728 = arith.select %parallel_loop3A_1724, %parallel_loop3A_1727, %xor3A_9 : vector<16xi1>, vector<16xi32>
        %parallel_loop3A_1729 = vector.shape_cast %parallel_loop3A_1728 : vector<16xi32> to vector<16x1xi32>
        %parallel_loop3A_1730 = vector.shape_cast %parallel_loop3A_1729 : vector<16x1xi32> to vector<16xi32>
        %parallel_loop3A_1731 = tpu.dynamic_gather %parallel_loop3A_1721[%parallel_loop3A_1730] in [0] : vector<16xf32>, vector<16xi32> -> vector<16xf32>
        %parallel_loop3A_1732 = arith.addf %parallel_loop3A_1721, %parallel_loop3A_1731 : vector<16xf32>
        %parallel_loop3A_1733 = arith.constant 0 : i32
        %parallel_loop3A_1734 = vector.broadcast %parallel_loop3A_1733 : i32 to vector<16xi32>
        %parallel_loop3A_1735 = arith.cmpi slt, %xor3A_12, %parallel_loop3A_1734 : vector<16xi32>
        %parallel_loop3A_1736 = arith.constant 16 : i32
        %parallel_loop3A_1737 = vector.broadcast %parallel_loop3A_1736 : i32 to vector<16xi32>
        %parallel_loop3A_1738 = arith.addi %xor3A_12, %parallel_loop3A_1737 : vector<16xi32>
        %parallel_loop3A_1739 = arith.select %parallel_loop3A_1735, %parallel_loop3A_1738, %xor3A_12 : vector<16xi1>, vector<16xi32>
        %parallel_loop3A_1740 = vector.shape_cast %parallel_loop3A_1739 : vector<16xi32> to vector<16x1xi32>
        %parallel_loop3A_1741 = vector.shape_cast %parallel_loop3A_1740 : vector<16x1xi32> to vector<16xi32>
        %parallel_loop3A_1742 = tpu.dynamic_gather %parallel_loop3A_1732[%parallel_loop3A_1741] in [0] : vector<16xf32>, vector<16xi32> -> vector<16xf32>
        %parallel_loop3A_1743 = arith.addf %parallel_loop3A_1732, %parallel_loop3A_1742 : vector<16xf32>
        %parallel_loop3A_1744 = arith.constant 0 : i32
        %parallel_loop3A_1745 = vector.broadcast %parallel_loop3A_1744 : i32 to vector<16xi32>
        %parallel_loop3A_1746 = arith.cmpi slt, %xor3A_15, %parallel_loop3A_1745 : vector<16xi32>
        %parallel_loop3A_1747 = arith.constant 16 : i32
        %parallel_loop3A_1748 = vector.broadcast %parallel_loop3A_1747 : i32 to vector<16xi32>
        %parallel_loop3A_1749 = arith.addi %xor3A_15, %parallel_loop3A_1748 : vector<16xi32>
        %parallel_loop3A_1750 = arith.select %parallel_loop3A_1746, %parallel_loop3A_1749, %xor3A_15 : vector<16xi1>, vector<16xi32>
        %parallel_loop3A_1751 = vector.shape_cast %parallel_loop3A_1750 : vector<16xi32> to vector<16x1xi32>
        %parallel_loop3A_1752 = vector.shape_cast %parallel_loop3A_1751 : vector<16x1xi32> to vector<16xi32>
        %parallel_loop3A_1753 = tpu.dynamic_gather %parallel_loop3A_1743[%parallel_loop3A_1752] in [0] : vector<16xf32>, vector<16xi32> -> vector<16xf32>
        %parallel_loop3A_1754 = arith.addf %parallel_loop3A_1743, %parallel_loop3A_1753 : vector<16xf32>
        %parallel_loop3A_1755 = arith.addf %parallel_loop3A_1754, %add3A_462 : vector<16xf32>
        %parallel_loop3A_1756 = arith.addf %parallel_loop3A_1755, %parallel_loop3A_1575 : vector<16xf32>
        %parallel_loop3A_1757 = arith.constant 0.00999999977 : f32
        %parallel_loop3A_1758 = vector.broadcast %parallel_loop3A_1757 : f32 to vector<16xf32>
        %parallel_loop3A_1759 = arith.mulf %parallel_loop3A_1758, %parallel_loop3A_1756 : vector<16xf32>
        %parallel_loop3A_1760 = arith.maximumf %parallel_loop3A_1756, %parallel_loop3A_1759 : vector<16xf32>
        %parallel_loop3A_1761 = arith.maximumf %parallel_loop3A_1533, %parallel_loop3A_1760 : vector<16xf32>
        %parallel_loop3A_1762 = arith.subf %parallel_loop3A_1533, %parallel_loop3A_1761 : vector<16xf32>
        %parallel_loop3A_1763 = math.exp %parallel_loop3A_1762 : vector<16xf32>
        %parallel_loop3A_1764 = arith.subf %parallel_loop3A_1760, %parallel_loop3A_1761 : vector<16xf32>
        %parallel_loop3A_1765 = math.exp %parallel_loop3A_1764 : vector<16xf32>
        %parallel_loop3A_1766 = arith.mulf %parallel_loop3A_1541, %parallel_loop3A_1763 : vector<16xf32>
        %parallel_loop3A_1767 = arith.addf %parallel_loop3A_1766, %parallel_loop3A_1765 : vector<16xf32>
        %parallel_loop3A_1768 = arith.constant 0 : i32
        %parallel_loop3A_1769 = arith.constant 0 : i32
        %parallel_loop3A_1770 = arith.index_cast %parallel_loop3A_1768 : i32 to index
        %parallel_loop3A_1771 = arith.index_cast %parallel_loop3A_1769 : i32 to index
        %parallel_loop3A_1772 = arith.index_cast %parallel_loop3A_1532 : i32 to index
        %parallel_loop3A_1773 = arith.constant 0 : index
        %parallel_loop3A_1774 = tpu.vector_load %arg12[%parallel_loop3A_1770, %parallel_loop3A_1771, %parallel_loop3A_1772, %parallel_loop3A_1773] {strides = array<i32>} : memref<2x2x32x128xf32, #tpu.memory_space<vmem>>, vector<1x1x1x16xf32>,
        %parallel_loop3A_1775 = vector.shape_cast %parallel_loop3A_1774 : vector<1x1x1x16xf32> to vector<16xf32>
        %parallel_loop3A_1776 = arith.mulf %parallel_loop3A_1549, %parallel_loop3A_1763 : vector<16xf32>
        %parallel_loop3A_1777 = arith.mulf %parallel_loop3A_1765, %parallel_loop3A_1775 : vector<16xf32>
        %parallel_loop3A_1778 = arith.addf %parallel_loop3A_1776, %parallel_loop3A_1777 : vector<16xf32>
        %parallel_loop3A_1779 = arith.addf %parallel_loop3A_1755, %parallel_loop3A_1594 : vector<16xf32>
        %parallel_loop3A_1780 = arith.constant 0.00999999977 : f32
        %parallel_loop3A_1781 = vector.broadcast %parallel_loop3A_1780 : f32 to vector<16xf32>
        %parallel_loop3A_1782 = arith.mulf %parallel_loop3A_1781, %parallel_loop3A_1779 : vector<16xf32>
        %parallel_loop3A_1783 = arith.maximumf %parallel_loop3A_1779, %parallel_loop3A_1782 : vector<16xf32>
        %parallel_loop3A_1784 = arith.maximumf %parallel_loop3A_1534, %parallel_loop3A_1783 : vector<16xf32>
        %parallel_loop3A_1785 = arith.subf %parallel_loop3A_1534, %parallel_loop3A_1784 : vector<16xf32>
        %parallel_loop3A_1786 = math.exp %parallel_loop3A_1785 : vector<16xf32>
        %parallel_loop3A_1787 = arith.subf %parallel_loop3A_1783, %parallel_loop3A_1784 : vector<16xf32>
        %parallel_loop3A_1788 = math.exp %parallel_loop3A_1787 : vector<16xf32>
        %parallel_loop3A_1789 = arith.mulf %parallel_loop3A_1542, %parallel_loop3A_1786 : vector<16xf32>
        %parallel_loop3A_1790 = arith.addf %parallel_loop3A_1789, %parallel_loop3A_1788 : vector<16xf32>
        %parallel_loop3A_1791 = arith.constant 0 : i32
        %parallel_loop3A_1792 = arith.constant 0 : i32
        %parallel_loop3A_1793 = arith.index_cast %parallel_loop3A_1791 : i32 to index
        %parallel_loop3A_1794 = arith.index_cast %parallel_loop3A_1792 : i32 to index
        %parallel_loop3A_1795 = arith.index_cast %parallel_loop3A_1532 : i32 to index
        %parallel_loop3A_1796 = arith.constant 16 : index
        %parallel_loop3A_1797 = tpu.vector_load %arg12[%parallel_loop3A_1793, %parallel_loop3A_1794, %parallel_loop3A_1795, %parallel_loop3A_1796] {strides = array<i32>} : memref<2x2x32x128xf32, #tpu.memory_space<vmem>>, vector<1x1x1x16xf32>,
        %parallel_loop3A_1798 = vector.shape_cast %parallel_loop3A_1797 : vector<1x1x1x16xf32> to vector<16xf32>
        %parallel_loop3A_1799 = arith.mulf %parallel_loop3A_1550, %parallel_loop3A_1786 : vector<16xf32>
        %parallel_loop3A_1800 = arith.mulf %parallel_loop3A_1788, %parallel_loop3A_1798 : vector<16xf32>
        %parallel_loop3A_1801 = arith.addf %parallel_loop3A_1799, %parallel_loop3A_1800 : vector<16xf32>
        %parallel_loop3A_1802 = arith.addf %parallel_loop3A_1755, %parallel_loop3A_1613 : vector<16xf32>
        %parallel_loop3A_1803 = arith.constant 0.00999999977 : f32
        %parallel_loop3A_1804 = vector.broadcast %parallel_loop3A_1803 : f32 to vector<16xf32>
        %parallel_loop3A_1805 = arith.mulf %parallel_loop3A_1804, %parallel_loop3A_1802 : vector<16xf32>
        %parallel_loop3A_1806 = arith.maximumf %parallel_loop3A_1802, %parallel_loop3A_1805 : vector<16xf32>
        %parallel_loop3A_1807 = arith.maximumf %parallel_loop3A_1535, %parallel_loop3A_1806 : vector<16xf32>
        %parallel_loop3A_1808 = arith.subf %parallel_loop3A_1535, %parallel_loop3A_1807 : vector<16xf32>
        %parallel_loop3A_1809 = math.exp %parallel_loop3A_1808 : vector<16xf32>
        %parallel_loop3A_1810 = arith.subf %parallel_loop3A_1806, %parallel_loop3A_1807 : vector<16xf32>
        %parallel_loop3A_1811 = math.exp %parallel_loop3A_1810 : vector<16xf32>
        %parallel_loop3A_1812 = arith.mulf %parallel_loop3A_1543, %parallel_loop3A_1809 : vector<16xf32>
        %parallel_loop3A_1813 = arith.addf %parallel_loop3A_1812, %parallel_loop3A_1811 : vector<16xf32>
        %parallel_loop3A_1814 = arith.constant 0 : i32
        %parallel_loop3A_1815 = arith.constant 0 : i32
        %parallel_loop3A_1816 = arith.index_cast %parallel_loop3A_1814 : i32 to index
        %parallel_loop3A_1817 = arith.index_cast %parallel_loop3A_1815 : i32 to index
        %parallel_loop3A_1818 = arith.index_cast %parallel_loop3A_1532 : i32 to index
        %parallel_loop3A_1819 = arith.constant 32 : index
        %parallel_loop3A_1820 = tpu.vector_load %arg12[%parallel_loop3A_1816, %parallel_loop3A_1817, %parallel_loop3A_1818, %parallel_loop3A_1819] {strides = array<i32>} : memref<2x2x32x128xf32, #tpu.memory_space<vmem>>, vector<1x1x1x16xf32>,
        %parallel_loop3A_1821 = vector.shape_cast %parallel_loop3A_1820 : vector<1x1x1x16xf32> to vector<16xf32>
        %parallel_loop3A_1822 = arith.mulf %parallel_loop3A_1551, %parallel_loop3A_1809 : vector<16xf32>
        %parallel_loop3A_1823 = arith.mulf %parallel_loop3A_1811, %parallel_loop3A_1821 : vector<16xf32>
        %parallel_loop3A_1824 = arith.addf %parallel_loop3A_1822, %parallel_loop3A_1823 : vector<16xf32>
        %parallel_loop3A_1825 = arith.addf %parallel_loop3A_1755, %parallel_loop3A_1632 : vector<16xf32>
        %parallel_loop3A_1826 = arith.constant 0.00999999977 : f32
        %parallel_loop3A_1827 = vector.broadcast %parallel_loop3A_1826 : f32 to vector<16xf32>
        %parallel_loop3A_1828 = arith.mulf %parallel_loop3A_1827, %parallel_loop3A_1825 : vector<16xf32>
        %parallel_loop3A_1829 = arith.maximumf %parallel_loop3A_1825, %parallel_loop3A_1828 : vector<16xf32>
        %parallel_loop3A_1830 = arith.maximumf %parallel_loop3A_1536, %parallel_loop3A_1829 : vector<16xf32>
        %parallel_loop3A_1831 = arith.subf %parallel_loop3A_1536, %parallel_loop3A_1830 : vector<16xf32>
        %parallel_loop3A_1832 = math.exp %parallel_loop3A_1831 : vector<16xf32>
        %parallel_loop3A_1833 = arith.subf %parallel_loop3A_1829, %parallel_loop3A_1830 : vector<16xf32>
        %parallel_loop3A_1834 = math.exp %parallel_loop3A_1833 : vector<16xf32>
        %parallel_loop3A_1835 = arith.mulf %parallel_loop3A_1544, %parallel_loop3A_1832 : vector<16xf32>
        %parallel_loop3A_1836 = arith.addf %parallel_loop3A_1835, %parallel_loop3A_1834 : vector<16xf32>
        %parallel_loop3A_1837 = arith.constant 0 : i32
        %parallel_loop3A_1838 = arith.constant 0 : i32
        %parallel_loop3A_1839 = arith.index_cast %parallel_loop3A_1837 : i32 to index
        %parallel_loop3A_1840 = arith.index_cast %parallel_loop3A_1838 : i32 to index
        %parallel_loop3A_1841 = arith.index_cast %parallel_loop3A_1532 : i32 to index
        %parallel_loop3A_1842 = arith.constant 48 : index
        %parallel_loop3A_1843 = tpu.vector_load %arg12[%parallel_loop3A_1839, %parallel_loop3A_1840, %parallel_loop3A_1841, %parallel_loop3A_1842] {strides = array<i32>} : memref<2x2x32x128xf32, #tpu.memory_space<vmem>>, vector<1x1x1x16xf32>,
        %parallel_loop3A_1844 = vector.shape_cast %parallel_loop3A_1843 : vector<1x1x1x16xf32> to vector<16xf32>
        %parallel_loop3A_1845 = arith.mulf %parallel_loop3A_1552, %parallel_loop3A_1832 : vector<16xf32>
        %parallel_loop3A_1846 = arith.mulf %parallel_loop3A_1834, %parallel_loop3A_1844 : vector<16xf32>
        %parallel_loop3A_1847 = arith.addf %parallel_loop3A_1845, %parallel_loop3A_1846 : vector<16xf32>
        %parallel_loop3A_1848 = arith.addf %parallel_loop3A_1755, %parallel_loop3A_1651 : vector<16xf32>
        %parallel_loop3A_1849 = arith.constant 0.00999999977 : f32
        %parallel_loop3A_1850 = vector.broadcast %parallel_loop3A_1849 : f32 to vector<16xf32>
        %parallel_loop3A_1851 = arith.mulf %parallel_loop3A_1850, %parallel_loop3A_1848 : vector<16xf32>
        %parallel_loop3A_1852 = arith.maximumf %parallel_loop3A_1848, %parallel_loop3A_1851 : vector<16xf32>
        %parallel_loop3A_1853 = arith.maximumf %parallel_loop3A_1537, %parallel_loop3A_1852 : vector<16xf32>
        %parallel_loop3A_1854 = arith.subf %parallel_loop3A_1537, %parallel_loop3A_1853 : vector<16xf32>
        %parallel_loop3A_1855 = math.exp %parallel_loop3A_1854 : vector<16xf32>
        %parallel_loop3A_1856 = arith.subf %parallel_loop3A_1852, %parallel_loop3A_1853 : vector<16xf32>
        %parallel_loop3A_1857 = math.exp %parallel_loop3A_1856 : vector<16xf32>
        %parallel_loop3A_1858 = arith.mulf %parallel_loop3A_1545, %parallel_loop3A_1855 : vector<16xf32>
        %parallel_loop3A_1859 = arith.addf %parallel_loop3A_1858, %parallel_loop3A_1857 : vector<16xf32>
        %parallel_loop3A_1860 = arith.constant 0 : i32
        %parallel_loop3A_1861 = arith.constant 0 : i32
        %parallel_loop3A_1862 = arith.index_cast %parallel_loop3A_1860 : i32 to index
        %parallel_loop3A_1863 = arith.index_cast %parallel_loop3A_1861 : i32 to index
        %parallel_loop3A_1864 = arith.index_cast %parallel_loop3A_1532 : i32 to index
        %parallel_loop3A_1865 = arith.constant 64 : index
        %parallel_loop3A_1866 = tpu.vector_load %arg12[%parallel_loop3A_1862, %parallel_loop3A_1863, %parallel_loop3A_1864, %parallel_loop3A_1865] {strides = array<i32>} : memref<2x2x32x128xf32, #tpu.memory_space<vmem>>, vector<1x1x1x16xf32>,
        %parallel_loop3A_1867 = vector.shape_cast %parallel_loop3A_1866 : vector<1x1x1x16xf32> to vector<16xf32>
        %parallel_loop3A_1868 = arith.mulf %parallel_loop3A_1553, %parallel_loop3A_1855 : vector<16xf32>
        %parallel_loop3A_1869 = arith.mulf %parallel_loop3A_1857, %parallel_loop3A_1867 : vector<16xf32>
        %parallel_loop3A_1870 = arith.addf %parallel_loop3A_1868, %parallel_loop3A_1869 : vector<16xf32>
        %parallel_loop3A_1871 = arith.addf %parallel_loop3A_1755, %parallel_loop3A_1670 : vector<16xf32>
        %parallel_loop3A_1872 = arith.constant 0.00999999977 : f32
        %parallel_loop3A_1873 = vector.broadcast %parallel_loop3A_1872 : f32 to vector<16xf32>
        %parallel_loop3A_1874 = arith.mulf %parallel_loop3A_1873, %parallel_loop3A_1871 : vector<16xf32>
        %parallel_loop3A_1875 = arith.maximumf %parallel_loop3A_1871, %parallel_loop3A_1874 : vector<16xf32>
        %parallel_loop3A_1876 = arith.maximumf %parallel_loop3A_1538, %parallel_loop3A_1875 : vector<16xf32>
        %parallel_loop3A_1877 = arith.subf %parallel_loop3A_1538, %parallel_loop3A_1876 : vector<16xf32>
        %parallel_loop3A_1878 = math.exp %parallel_loop3A_1877 : vector<16xf32>
        %parallel_loop3A_1879 = arith.subf %parallel_loop3A_1875, %parallel_loop3A_1876 : vector<16xf32>
        %parallel_loop3A_1880 = math.exp %parallel_loop3A_1879 : vector<16xf32>
        %parallel_loop3A_1881 = arith.mulf %parallel_loop3A_1546, %parallel_loop3A_1878 : vector<16xf32>
        %parallel_loop3A_1882 = arith.addf %parallel_loop3A_1881, %parallel_loop3A_1880 : vector<16xf32>
        %parallel_loop3A_1883 = arith.constant 0 : i32
        %parallel_loop3A_1884 = arith.constant 0 : i32
        %parallel_loop3A_1885 = arith.index_cast %parallel_loop3A_1883 : i32 to index
        %parallel_loop3A_1886 = arith.index_cast %parallel_loop3A_1884 : i32 to index
        %parallel_loop3A_1887 = arith.index_cast %parallel_loop3A_1532 : i32 to index
        %parallel_loop3A_1888 = arith.constant 80 : index
        %parallel_loop3A_1889 = tpu.vector_load %arg12[%parallel_loop3A_1885, %parallel_loop3A_1886, %parallel_loop3A_1887, %parallel_loop3A_1888] {strides = array<i32>} : memref<2x2x32x128xf32, #tpu.memory_space<vmem>>, vector<1x1x1x16xf32>,
        %parallel_loop3A_1890 = vector.shape_cast %parallel_loop3A_1889 : vector<1x1x1x16xf32> to vector<16xf32>
        %parallel_loop3A_1891 = arith.mulf %parallel_loop3A_1554, %parallel_loop3A_1878 : vector<16xf32>
        %parallel_loop3A_1892 = arith.mulf %parallel_loop3A_1880, %parallel_loop3A_1890 : vector<16xf32>
        %parallel_loop3A_1893 = arith.addf %parallel_loop3A_1891, %parallel_loop3A_1892 : vector<16xf32>
        %parallel_loop3A_1894 = arith.addf %parallel_loop3A_1755, %parallel_loop3A_1689 : vector<16xf32>
        %parallel_loop3A_1895 = arith.constant 0.00999999977 : f32
        %parallel_loop3A_1896 = vector.broadcast %parallel_loop3A_1895 : f32 to vector<16xf32>
        %parallel_loop3A_1897 = arith.mulf %parallel_loop3A_1896, %parallel_loop3A_1894 : vector<16xf32>
        %parallel_loop3A_1898 = arith.maximumf %parallel_loop3A_1894, %parallel_loop3A_1897 : vector<16xf32>
        %parallel_loop3A_1899 = arith.maximumf %parallel_loop3A_1539, %parallel_loop3A_1898 : vector<16xf32>
        %parallel_loop3A_1900 = arith.subf %parallel_loop3A_1539, %parallel_loop3A_1899 : vector<16xf32>
        %parallel_loop3A_1901 = math.exp %parallel_loop3A_1900 : vector<16xf32>
        %parallel_loop3A_1902 = arith.subf %parallel_loop3A_1898, %parallel_loop3A_1899 : vector<16xf32>
        %parallel_loop3A_1903 = math.exp %parallel_loop3A_1902 : vector<16xf32>
        %parallel_loop3A_1904 = arith.mulf %parallel_loop3A_1547, %parallel_loop3A_1901 : vector<16xf32>
        %parallel_loop3A_1905 = arith.addf %parallel_loop3A_1904, %parallel_loop3A_1903 : vector<16xf32>
        %parallel_loop3A_1906 = arith.constant 0 : i32
        %parallel_loop3A_1907 = arith.constant 0 : i32
        %parallel_loop3A_1908 = arith.index_cast %parallel_loop3A_1906 : i32 to index
        %parallel_loop3A_1909 = arith.index_cast %parallel_loop3A_1907 : i32 to index
        %parallel_loop3A_1910 = arith.index_cast %parallel_loop3A_1532 : i32 to index
        %parallel_loop3A_1911 = arith.constant 96 : index
        %parallel_loop3A_1912 = tpu.vector_load %arg12[%parallel_loop3A_1908, %parallel_loop3A_1909, %parallel_loop3A_1910, %parallel_loop3A_1911] {strides = array<i32>} : memref<2x2x32x128xf32, #tpu.memory_space<vmem>>, vector<1x1x1x16xf32>,
        %parallel_loop3A_1913 = vector.shape_cast %parallel_loop3A_1912 : vector<1x1x1x16xf32> to vector<16xf32>
        %parallel_loop3A_1914 = arith.mulf %parallel_loop3A_1555, %parallel_loop3A_1901 : vector<16xf32>
        %parallel_loop3A_1915 = arith.mulf %parallel_loop3A_1903, %parallel_loop3A_1913 : vector<16xf32>
        %parallel_loop3A_1916 = arith.addf %parallel_loop3A_1914, %parallel_loop3A_1915 : vector<16xf32>
        %parallel_loop3A_1917 = arith.addf %parallel_loop3A_1755, %parallel_loop3A_1708 : vector<16xf32>
        %parallel_loop3A_1918 = arith.constant 0.00999999977 : f32
        %parallel_loop3A_1919 = vector.broadcast %parallel_loop3A_1918 : f32 to vector<16xf32>
        %parallel_loop3A_1920 = arith.mulf %parallel_loop3A_1919, %parallel_loop3A_1917 : vector<16xf32>
        %parallel_loop3A_1921 = arith.maximumf %parallel_loop3A_1917, %parallel_loop3A_1920 : vector<16xf32>
        %parallel_loop3A_1922 = arith.maximumf %parallel_loop3A_1540, %parallel_loop3A_1921 : vector<16xf32>
        %parallel_loop3A_1923 = arith.subf %parallel_loop3A_1540, %parallel_loop3A_1922 : vector<16xf32>
        %parallel_loop3A_1924 = math.exp %parallel_loop3A_1923 : vector<16xf32>
        %parallel_loop3A_1925 = arith.subf %parallel_loop3A_1921, %parallel_loop3A_1922 : vector<16xf32>
        %parallel_loop3A_1926 = math.exp %parallel_loop3A_1925 : vector<16xf32>
        %parallel_loop3A_1927 = arith.mulf %parallel_loop3A_1548, %parallel_loop3A_1924 : vector<16xf32>
        %parallel_loop3A_1928 = arith.addf %parallel_loop3A_1927, %parallel_loop3A_1926 : vector<16xf32>
        %parallel_loop3A_1929 = arith.constant 0 : i32
        %parallel_loop3A_1930 = arith.constant 0 : i32
        %parallel_loop3A_1931 = arith.index_cast %parallel_loop3A_1929 : i32 to index
        %parallel_loop3A_1932 = arith.index_cast %parallel_loop3A_1930 : i32 to index
        %parallel_loop3A_1933 = arith.index_cast %parallel_loop3A_1532 : i32 to index
        %parallel_loop3A_1934 = arith.constant 112 : index
        %parallel_loop3A_1935 = tpu.vector_load %arg12[%parallel_loop3A_1931, %parallel_loop3A_1932, %parallel_loop3A_1933, %parallel_loop3A_1934] {strides = array<i32>} : memref<2x2x32x128xf32, #tpu.memory_space<vmem>>, vector<1x1x1x16xf32>,
        %parallel_loop3A_1936 = vector.shape_cast %parallel_loop3A_1935 : vector<1x1x1x16xf32> to vector<16xf32>
        %parallel_loop3A_1937 = arith.mulf %parallel_loop3A_1556, %parallel_loop3A_1924 : vector<16xf32>
        %parallel_loop3A_1938 = arith.mulf %parallel_loop3A_1926, %parallel_loop3A_1936 : vector<16xf32>
        %parallel_loop3A_1939 = arith.addf %parallel_loop3A_1937, %parallel_loop3A_1938 : vector<16xf32>
        scf.yield %parallel_loop3A_1761, %parallel_loop3A_1784, %parallel_loop3A_1807, %parallel_loop3A_1830, %parallel_loop3A_1853, %parallel_loop3A_1876, %parallel_loop3A_1899, %parallel_loop3A_1922, %parallel_loop3A_1767, %parallel_loop3A_1790, %parallel_loop3A_1813, %parallel_loop3A_1836, %parallel_loop3A_1859, %parallel_loop3A_1882, %parallel_loop3A_1905, %parallel_loop3A_1928, %parallel_loop3A_1778, %parallel_loop3A_1801, %parallel_loop3A_1824, %parallel_loop3A_1847, %parallel_loop3A_1870, %parallel_loop3A_1893, %parallel_loop3A_1916, %parallel_loop3A_1939 : vector<16xf32>, vector<16xf32>, vector<16xf32>, vector<16xf32>, vector<16xf32>, vector<16xf32>, vector<16xf32>, vector<16xf32>, vector<16xf32>, vector<16xf32>, vector<16xf32>, vector<16xf32>, vector<16xf32>, vector<16xf32>, vector<16xf32>, vector<16xf32>, vector<16xf32>, vector<16xf32>, vector<16xf32>, vector<16xf32>, vector<16xf32>, vector<16xf32>, vector<16xf32>, vector<16xf32>
      } {sc.loop_unroll_factor = 1 : i64, sc.parallel_access}
      %div3A = arith.divf %parallel_loop3A_497#16, %parallel_loop3A_497#8 : vector<16xf32>
      %swap3A = arith.constant 0 : i32
      %swap3A_498 = arith.constant 0 : i32
      %swap3A_499 = arith.index_cast %swap3A : i32 to index
      %swap3A_500 = arith.index_cast %swap3A_498 : i32 to index
      %swap3A_501 = arith.constant 0 : index
      %swap3A_502 = tpu.vector_load %arg13[%swap3A_499, %swap3A_500, %swap3A_501] {strides = array<i32>} : memref<2x2x128xf32, #tpu.memory_space<vmem>>, vector<1x1x16xf32>,
      %swap3A_503 = vector.shape_cast %swap3A_502 : vector<1x1x16xf32> to vector<16xf32>
      %swap3A_504 = vector.shape_cast %div3A : vector<16xf32> to vector<1x1x16xf32>
      tpu.vector_store %arg13[%swap3A_499, %swap3A_500, %swap3A_501], %swap3A_504 {strides = array<i32>} : memref<2x2x128xf32, #tpu.memory_space<vmem>>, vector<1x1x16xf32>,
      %div3A_505 = arith.divf %parallel_loop3A_497#17, %parallel_loop3A_497#9 : vector<16xf32>
      %swap3A_506 = arith.constant 0 : i32
      %swap3A_507 = arith.constant 0 : i32
      %swap3A_508 = arith.index_cast %swap3A_506 : i32 to index
      %swap3A_509 = arith.index_cast %swap3A_507 : i32 to index
      %swap3A_510 = arith.constant 16 : index
      %swap3A_511 = tpu.vector_load %arg13[%swap3A_508, %swap3A_509, %swap3A_510] {strides = array<i32>} : memref<2x2x128xf32, #tpu.memory_space<vmem>>, vector<1x1x16xf32>,
      %swap3A_512 = vector.shape_cast %swap3A_511 : vector<1x1x16xf32> to vector<16xf32>
      %swap3A_513 = vector.shape_cast %div3A_505 : vector<16xf32> to vector<1x1x16xf32>
      tpu.vector_store %arg13[%swap3A_508, %swap3A_509, %swap3A_510], %swap3A_513 {strides = array<i32>} : memref<2x2x128xf32, #tpu.memory_space<vmem>>, vector<1x1x16xf32>,
      %div3A_514 = arith.divf %parallel_loop3A_497#18, %parallel_loop3A_497#10 : vector<16xf32>
      %swap3A_515 = arith.constant 0 : i32
      %swap3A_516 = arith.constant 0 : i32
      %swap3A_517 = arith.index_cast %swap3A_515 : i32 to index
      %swap3A_518 = arith.index_cast %swap3A_516 : i32 to index
      %swap3A_519 = arith.constant 32 : index
      %swap3A_520 = tpu.vector_load %arg13[%swap3A_517, %swap3A_518, %swap3A_519] {strides = array<i32>} : memref<2x2x128xf32, #tpu.memory_space<vmem>>, vector<1x1x16xf32>,
      %swap3A_521 = vector.shape_cast %swap3A_520 : vector<1x1x16xf32> to vector<16xf32>
      %swap3A_522 = vector.shape_cast %div3A_514 : vector<16xf32> to vector<1x1x16xf32>
      tpu.vector_store %arg13[%swap3A_517, %swap3A_518, %swap3A_519], %swap3A_522 {strides = array<i32>} : memref<2x2x128xf32, #tpu.memory_space<vmem>>, vector<1x1x16xf32>,
      %div3A_523 = arith.divf %parallel_loop3A_497#19, %parallel_loop3A_497#11 : vector<16xf32>
      %swap3A_524 = arith.constant 0 : i32
      %swap3A_525 = arith.constant 0 : i32
      %swap3A_526 = arith.index_cast %swap3A_524 : i32 to index
      %swap3A_527 = arith.index_cast %swap3A_525 : i32 to index
      %swap3A_528 = arith.constant 48 : index
      %swap3A_529 = tpu.vector_load %arg13[%swap3A_526, %swap3A_527, %swap3A_528] {strides = array<i32>} : memref<2x2x128xf32, #tpu.memory_space<vmem>>, vector<1x1x16xf32>,
      %swap3A_530 = vector.shape_cast %swap3A_529 : vector<1x1x16xf32> to vector<16xf32>
      %swap3A_531 = vector.shape_cast %div3A_523 : vector<16xf32> to vector<1x1x16xf32>
      tpu.vector_store %arg13[%swap3A_526, %swap3A_527, %swap3A_528], %swap3A_531 {strides = array<i32>} : memref<2x2x128xf32, #tpu.memory_space<vmem>>, vector<1x1x16xf32>,
      %div3A_532 = arith.divf %parallel_loop3A_497#20, %parallel_loop3A_497#12 : vector<16xf32>
      %swap3A_533 = arith.constant 0 : i32
      %swap3A_534 = arith.constant 0 : i32
      %swap3A_535 = arith.index_cast %swap3A_533 : i32 to index
      %swap3A_536 = arith.index_cast %swap3A_534 : i32 to index
      %swap3A_537 = arith.constant 64 : index
      %swap3A_538 = tpu.vector_load %arg13[%swap3A_535, %swap3A_536, %swap3A_537] {strides = array<i32>} : memref<2x2x128xf32, #tpu.memory_space<vmem>>, vector<1x1x16xf32>,
      %swap3A_539 = vector.shape_cast %swap3A_538 : vector<1x1x16xf32> to vector<16xf32>
      %swap3A_540 = vector.shape_cast %div3A_532 : vector<16xf32> to vector<1x1x16xf32>
      tpu.vector_store %arg13[%swap3A_535, %swap3A_536, %swap3A_537], %swap3A_540 {strides = array<i32>} : memref<2x2x128xf32, #tpu.memory_space<vmem>>, vector<1x1x16xf32>,
      %div3A_541 = arith.divf %parallel_loop3A_497#21, %parallel_loop3A_497#13 : vector<16xf32>
      %swap3A_542 = arith.constant 0 : i32
      %swap3A_543 = arith.constant 0 : i32
      %swap3A_544 = arith.index_cast %swap3A_542 : i32 to index
      %swap3A_545 = arith.index_cast %swap3A_543 : i32 to index
      %swap3A_546 = arith.constant 80 : index
      %swap3A_547 = tpu.vector_load %arg13[%swap3A_544, %swap3A_545, %swap3A_546] {strides = array<i32>} : memref<2x2x128xf32, #tpu.memory_space<vmem>>, vector<1x1x16xf32>,
      %swap3A_548 = vector.shape_cast %swap3A_547 : vector<1x1x16xf32> to vector<16xf32>
      %swap3A_549 = vector.shape_cast %div3A_541 : vector<16xf32> to vector<1x1x16xf32>
      tpu.vector_store %arg13[%swap3A_544, %swap3A_545, %swap3A_546], %swap3A_549 {strides = array<i32>} : memref<2x2x128xf32, #tpu.memory_space<vmem>>, vector<1x1x16xf32>,
      %div3A_550 = arith.divf %parallel_loop3A_497#22, %parallel_loop3A_497#14 : vector<16xf32>
      %swap3A_551 = arith.constant 0 : i32
      %swap3A_552 = arith.constant 0 : i32
      %swap3A_553 = arith.index_cast %swap3A_551 : i32 to index
      %swap3A_554 = arith.index_cast %swap3A_552 : i32 to index
      %swap3A_555 = arith.constant 96 : index
      %swap3A_556 = tpu.vector_load %arg13[%swap3A_553, %swap3A_554, %swap3A_555] {strides = array<i32>} : memref<2x2x128xf32, #tpu.memory_space<vmem>>, vector<1x1x16xf32>,
      %swap3A_557 = vector.shape_cast %swap3A_556 : vector<1x1x16xf32> to vector<16xf32>
      %swap3A_558 = vector.shape_cast %div3A_550 : vector<16xf32> to vector<1x1x16xf32>
      tpu.vector_store %arg13[%swap3A_553, %swap3A_554, %swap3A_555], %swap3A_558 {strides = array<i32>} : memref<2x2x128xf32, #tpu.memory_space<vmem>>, vector<1x1x16xf32>,
      %div3A_559 = arith.divf %parallel_loop3A_497#23, %parallel_loop3A_497#15 : vector<16xf32>
      %swap3A_560 = arith.constant 0 : i32
      %swap3A_561 = arith.constant 0 : i32
      %swap3A_562 = arith.index_cast %swap3A_560 : i32 to index
      %swap3A_563 = arith.index_cast %swap3A_561 : i32 to index
      %swap3A_564 = arith.constant 112 : index
      %swap3A_565 = tpu.vector_load %arg13[%swap3A_562, %swap3A_563, %swap3A_564] {strides = array<i32>} : memref<2x2x128xf32, #tpu.memory_space<vmem>>, vector<1x1x16xf32>,
      %swap3A_566 = vector.shape_cast %swap3A_565 : vector<1x1x16xf32> to vector<16xf32>
      %swap3A_567 = vector.shape_cast %div3A_559 : vector<16xf32> to vector<1x1x16xf32>
      tpu.vector_store %arg13[%swap3A_562, %swap3A_563, %swap3A_564], %swap3A_567 {strides = array<i32>} : memref<2x2x128xf32, #tpu.memory_space<vmem>>, vector<1x1x16xf32>,
      %get3A_568 = arith.constant 0 : i32
      %get3A_569 = arith.constant 1 : i32
      %get3A_570 = arith.index_cast %get3A_568 : i32 to index
      %get3A_571 = arith.index_cast %get3A_569 : i32 to index
      %get3A_572 = arith.constant 0 : index
      %get3A_573 = tpu.vector_load %arg9[%get3A_570, %get3A_571, %get3A_572] {strides = array<i32>} : memref<2x2x128xf32, #tpu.memory_space<vmem>>, vector<1x1x16xf32>,
      %get3A_574 = vector.shape_cast %get3A_573 : vector<1x1x16xf32> to vector<16xf32>
      %get3A_575 = arith.constant 0 : i32
      %get3A_576 = arith.constant 1 : i32
      %get3A_577 = arith.index_cast %get3A_575 : i32 to index
      %get3A_578 = arith.index_cast %get3A_576 : i32 to index
      %get3A_579 = arith.constant 16 : index
      %get3A_580 = tpu.vector_load %arg9[%get3A_577, %get3A_578, %get3A_579] {strides = array<i32>} : memref<2x2x128xf32, #tpu.memory_space<vmem>>, vector<1x1x16xf32>,
      %get3A_581 = vector.shape_cast %get3A_580 : vector<1x1x16xf32> to vector<16xf32>
      %get3A_582 = arith.constant 0 : i32
      %get3A_583 = arith.constant 1 : i32
      %get3A_584 = arith.index_cast %get3A_582 : i32 to index
      %get3A_585 = arith.index_cast %get3A_583 : i32 to index
      %get3A_586 = arith.constant 32 : index
      %get3A_587 = tpu.vector_load %arg9[%get3A_584, %get3A_585, %get3A_586] {strides = array<i32>} : memref<2x2x128xf32, #tpu.memory_space<vmem>>, vector<1x1x16xf32>,
      %get3A_588 = vector.shape_cast %get3A_587 : vector<1x1x16xf32> to vector<16xf32>
      %get3A_589 = arith.constant 0 : i32
      %get3A_590 = arith.constant 1 : i32
      %get3A_591 = arith.index_cast %get3A_589 : i32 to index
      %get3A_592 = arith.index_cast %get3A_590 : i32 to index
      %get3A_593 = arith.constant 48 : index
      %get3A_594 = tpu.vector_load %arg9[%get3A_591, %get3A_592, %get3A_593] {strides = array<i32>} : memref<2x2x128xf32, #tpu.memory_space<vmem>>, vector<1x1x16xf32>,
      %get3A_595 = vector.shape_cast %get3A_594 : vector<1x1x16xf32> to vector<16xf32>
      %get3A_596 = arith.constant 0 : i32
      %get3A_597 = arith.constant 1 : i32
      %get3A_598 = arith.index_cast %get3A_596 : i32 to index
      %get3A_599 = arith.index_cast %get3A_597 : i32 to index
      %get3A_600 = arith.constant 64 : index
      %get3A_601 = tpu.vector_load %arg9[%get3A_598, %get3A_599, %get3A_600] {strides = array<i32>} : memref<2x2x128xf32, #tpu.memory_space<vmem>>, vector<1x1x16xf32>,
      %get3A_602 = vector.shape_cast %get3A_601 : vector<1x1x16xf32> to vector<16xf32>
      %get3A_603 = arith.constant 0 : i32
      %get3A_604 = arith.constant 1 : i32
      %get3A_605 = arith.index_cast %get3A_603 : i32 to index
      %get3A_606 = arith.index_cast %get3A_604 : i32 to index
      %get3A_607 = arith.constant 80 : index
      %get3A_608 = tpu.vector_load %arg9[%get3A_605, %get3A_606, %get3A_607] {strides = array<i32>} : memref<2x2x128xf32, #tpu.memory_space<vmem>>, vector<1x1x16xf32>,
      %get3A_609 = vector.shape_cast %get3A_608 : vector<1x1x16xf32> to vector<16xf32>
      %get3A_610 = arith.constant 0 : i32
      %get3A_611 = arith.constant 1 : i32
      %get3A_612 = arith.index_cast %get3A_610 : i32 to index
      %get3A_613 = arith.index_cast %get3A_611 : i32 to index
      %get3A_614 = arith.constant 96 : index
      %get3A_615 = tpu.vector_load %arg9[%get3A_612, %get3A_613, %get3A_614] {strides = array<i32>} : memref<2x2x128xf32, #tpu.memory_space<vmem>>, vector<1x1x16xf32>,
      %get3A_616 = vector.shape_cast %get3A_615 : vector<1x1x16xf32> to vector<16xf32>
      %get3A_617 = arith.constant 0 : i32
      %get3A_618 = arith.constant 1 : i32
      %get3A_619 = arith.index_cast %get3A_617 : i32 to index
      %get3A_620 = arith.index_cast %get3A_618 : i32 to index
      %get3A_621 = arith.constant 112 : index
      %get3A_622 = tpu.vector_load %arg9[%get3A_619, %get3A_620, %get3A_621] {strides = array<i32>} : memref<2x2x128xf32, #tpu.memory_space<vmem>>, vector<1x1x16xf32>,
      %get3A_623 = vector.shape_cast %get3A_622 : vector<1x1x16xf32> to vector<16xf32>
      %get3A_624 = arith.constant 0 : i32
      %get3A_625 = arith.constant 1 : i32
      %get3A_626 = arith.index_cast %get3A_624 : i32 to index
      %get3A_627 = arith.index_cast %get3A_625 : i32 to index
      %get3A_628 = arith.constant 0 : index
      %get3A_629 = tpu.vector_load %arg8[%get3A_626, %get3A_627, %get3A_628] {strides = array<i32>} : memref<2x2x128xf32, #tpu.memory_space<vmem>>, vector<1x1x16xf32>,
      %get3A_630 = vector.shape_cast %get3A_629 : vector<1x1x16xf32> to vector<16xf32>
      %add3A_631 = arith.addf %get3A_630, %get3A_574 : vector<16xf32>
      %get3A_632 = arith.constant 0 : i32
      %get3A_633 = arith.constant 1 : i32
      %get3A_634 = arith.index_cast %get3A_632 : i32 to index
      %get3A_635 = arith.index_cast %get3A_633 : i32 to index
      %get3A_636 = arith.constant 16 : index
      %get3A_637 = tpu.vector_load %arg8[%get3A_634, %get3A_635, %get3A_636] {strides = array<i32>} : memref<2x2x128xf32, #tpu.memory_space<vmem>>, vector<1x1x16xf32>,
      %get3A_638 = vector.shape_cast %get3A_637 : vector<1x1x16xf32> to vector<16xf32>
      %add3A_639 = arith.addf %add3A_631, %get3A_638 : vector<16xf32>
      %add3A_640 = arith.addf %add3A_639, %get3A_581 : vector<16xf32>
      %get3A_641 = arith.constant 0 : i32
      %get3A_642 = arith.constant 1 : i32
      %get3A_643 = arith.index_cast %get3A_641 : i32 to index
      %get3A_644 = arith.index_cast %get3A_642 : i32 to index
      %get3A_645 = arith.constant 32 : index
      %get3A_646 = tpu.vector_load %arg8[%get3A_643, %get3A_644, %get3A_645] {strides = array<i32>} : memref<2x2x128xf32, #tpu.memory_space<vmem>>, vector<1x1x16xf32>,
      %get3A_647 = vector.shape_cast %get3A_646 : vector<1x1x16xf32> to vector<16xf32>
      %add3A_648 = arith.addf %add3A_640, %get3A_647 : vector<16xf32>
      %add3A_649 = arith.addf %add3A_648, %get3A_588 : vector<16xf32>
      %get3A_650 = arith.constant 0 : i32
      %get3A_651 = arith.constant 1 : i32
      %get3A_652 = arith.index_cast %get3A_650 : i32 to index
      %get3A_653 = arith.index_cast %get3A_651 : i32 to index
      %get3A_654 = arith.constant 48 : index
      %get3A_655 = tpu.vector_load %arg8[%get3A_652, %get3A_653, %get3A_654] {strides = array<i32>} : memref<2x2x128xf32, #tpu.memory_space<vmem>>, vector<1x1x16xf32>,
      %get3A_656 = vector.shape_cast %get3A_655 : vector<1x1x16xf32> to vector<16xf32>
      %add3A_657 = arith.addf %add3A_649, %get3A_656 : vector<16xf32>
      %add3A_658 = arith.addf %add3A_657, %get3A_595 : vector<16xf32>
      %get3A_659 = arith.constant 0 : i32
      %get3A_660 = arith.constant 1 : i32
      %get3A_661 = arith.index_cast %get3A_659 : i32 to index
      %get3A_662 = arith.index_cast %get3A_660 : i32 to index
      %get3A_663 = arith.constant 64 : index
      %get3A_664 = tpu.vector_load %arg8[%get3A_661, %get3A_662, %get3A_663] {strides = array<i32>} : memref<2x2x128xf32, #tpu.memory_space<vmem>>, vector<1x1x16xf32>,
      %get3A_665 = vector.shape_cast %get3A_664 : vector<1x1x16xf32> to vector<16xf32>
      %add3A_666 = arith.addf %add3A_658, %get3A_665 : vector<16xf32>
      %add3A_667 = arith.addf %add3A_666, %get3A_602 : vector<16xf32>
      %get3A_668 = arith.constant 0 : i32
      %get3A_669 = arith.constant 1 : i32
      %get3A_670 = arith.index_cast %get3A_668 : i32 to index
      %get3A_671 = arith.index_cast %get3A_669 : i32 to index
      %get3A_672 = arith.constant 80 : index
      %get3A_673 = tpu.vector_load %arg8[%get3A_670, %get3A_671, %get3A_672] {strides = array<i32>} : memref<2x2x128xf32, #tpu.memory_space<vmem>>, vector<1x1x16xf32>,
      %get3A_674 = vector.shape_cast %get3A_673 : vector<1x1x16xf32> to vector<16xf32>
      %add3A_675 = arith.addf %add3A_667, %get3A_674 : vector<16xf32>
      %add3A_676 = arith.addf %add3A_675, %get3A_609 : vector<16xf32>
      %get3A_677 = arith.constant 0 : i32
      %get3A_678 = arith.constant 1 : i32
      %get3A_679 = arith.index_cast %get3A_677 : i32 to index
      %get3A_680 = arith.index_cast %get3A_678 : i32 to index
      %get3A_681 = arith.constant 96 : index
      %get3A_682 = tpu.vector_load %arg8[%get3A_679, %get3A_680, %get3A_681] {strides = array<i32>} : memref<2x2x128xf32, #tpu.memory_space<vmem>>, vector<1x1x16xf32>,
      %get3A_683 = vector.shape_cast %get3A_682 : vector<1x1x16xf32> to vector<16xf32>
      %add3A_684 = arith.addf %add3A_676, %get3A_683 : vector<16xf32>
      %add3A_685 = arith.addf %add3A_684, %get3A_616 : vector<16xf32>
      %get3A_686 = arith.constant 0 : i32
      %get3A_687 = arith.constant 1 : i32
      %get3A_688 = arith.index_cast %get3A_686 : i32 to index
      %get3A_689 = arith.index_cast %get3A_687 : i32 to index
      %get3A_690 = arith.constant 112 : index
      %get3A_691 = tpu.vector_load %arg8[%get3A_688, %get3A_689, %get3A_690] {strides = array<i32>} : memref<2x2x128xf32, #tpu.memory_space<vmem>>, vector<1x1x16xf32>,
      %get3A_692 = vector.shape_cast %get3A_691 : vector<1x1x16xf32> to vector<16xf32>
      %add3A_693 = arith.addf %add3A_685, %get3A_692 : vector<16xf32>
      %add3A_694 = arith.addf %add3A_693, %get3A_623 : vector<16xf32>
      %lt3A_695 = arith.constant 0 : i32
      %lt3A_696 = vector.broadcast %lt3A_695 : i32 to vector<16xi32>
      %lt3A_697 = arith.cmpi slt, %xor3A_6, %lt3A_696 : vector<16xi32>
      %add3A_698 = arith.constant 16 : i32
      %add3A_699 = vector.broadcast %add3A_698 : i32 to vector<16xi32>
      %add3A_700 = arith.addi %xor3A_6, %add3A_699 : vector<16xi32>
      %select_n3A_701 = arith.select %lt3A_697, %add3A_700, %xor3A_6 : vector<16xi1>, vector<16xi32>
      %broadcast_in_dim3A_702 = vector.shape_cast %select_n3A_701 : vector<16xi32> to vector<16x1xi32>
      %gather3A_703 = vector.shape_cast %broadcast_in_dim3A_702 : vector<16x1xi32> to vector<16xi32>
      %gather3A_704 = tpu.dynamic_gather %add3A_694[%gather3A_703] in [0] : vector<16xf32>, vector<16xi32> -> vector<16xf32>
      %add3A_705 = arith.addf %add3A_694, %gather3A_704 : vector<16xf32>
      %lt3A_706 = arith.constant 0 : i32
      %lt3A_707 = vector.broadcast %lt3A_706 : i32 to vector<16xi32>
      %lt3A_708 = arith.cmpi slt, %xor3A_9, %lt3A_707 : vector<16xi32>
      %add3A_709 = arith.constant 16 : i32
      %add3A_710 = vector.broadcast %add3A_709 : i32 to vector<16xi32>
      %add3A_711 = arith.addi %xor3A_9, %add3A_710 : vector<16xi32>
      %select_n3A_712 = arith.select %lt3A_708, %add3A_711, %xor3A_9 : vector<16xi1>, vector<16xi32>
      %broadcast_in_dim3A_713 = vector.shape_cast %select_n3A_712 : vector<16xi32> to vector<16x1xi32>
      %gather3A_714 = vector.shape_cast %broadcast_in_dim3A_713 : vector<16x1xi32> to vector<16xi32>
      %gather3A_715 = tpu.dynamic_gather %add3A_705[%gather3A_714] in [0] : vector<16xf32>, vector<16xi32> -> vector<16xf32>
      %add3A_716 = arith.addf %add3A_705, %gather3A_715 : vector<16xf32>
      %lt3A_717 = arith.constant 0 : i32
      %lt3A_718 = vector.broadcast %lt3A_717 : i32 to vector<16xi32>
      %lt3A_719 = arith.cmpi slt, %xor3A_12, %lt3A_718 : vector<16xi32>
      %add3A_720 = arith.constant 16 : i32
      %add3A_721 = vector.broadcast %add3A_720 : i32 to vector<16xi32>
      %add3A_722 = arith.addi %xor3A_12, %add3A_721 : vector<16xi32>
      %select_n3A_723 = arith.select %lt3A_719, %add3A_722, %xor3A_12 : vector<16xi1>, vector<16xi32>
      %broadcast_in_dim3A_724 = vector.shape_cast %select_n3A_723 : vector<16xi32> to vector<16x1xi32>
      %gather3A_725 = vector.shape_cast %broadcast_in_dim3A_724 : vector<16x1xi32> to vector<16xi32>
      %gather3A_726 = tpu.dynamic_gather %add3A_716[%gather3A_725] in [0] : vector<16xf32>, vector<16xi32> -> vector<16xf32>
      %add3A_727 = arith.addf %add3A_716, %gather3A_726 : vector<16xf32>
      %lt3A_728 = arith.constant 0 : i32
      %lt3A_729 = vector.broadcast %lt3A_728 : i32 to vector<16xi32>
      %lt3A_730 = arith.cmpi slt, %xor3A_15, %lt3A_729 : vector<16xi32>
      %add3A_731 = arith.constant 16 : i32
      %add3A_732 = vector.broadcast %add3A_731 : i32 to vector<16xi32>
      %add3A_733 = arith.addi %xor3A_15, %add3A_732 : vector<16xi32>
      %select_n3A_734 = arith.select %lt3A_730, %add3A_733, %xor3A_15 : vector<16xi1>, vector<16xi32>
      %broadcast_in_dim3A_735 = vector.shape_cast %select_n3A_734 : vector<16xi32> to vector<16x1xi32>
      %gather3A_736 = vector.shape_cast %broadcast_in_dim3A_735 : vector<16x1xi32> to vector<16xi32>
      %gather3A_737 = tpu.dynamic_gather %add3A_727[%gather3A_736] in [0] : vector<16xf32>, vector<16xi32> -> vector<16xf32>
      %add3A_738 = arith.addf %add3A_727, %gather3A_737 : vector<16xf32>
      %broadcast_in_dim3A_739 = arith.constant 0xFF800000 : f32
      %broadcast_in_dim3A_740 = vector.broadcast %broadcast_in_dim3A_739 : f32 to vector<16xf32>
      %broadcast_in_dim3A_741 = arith.constant 0xFF800000 : f32
      %broadcast_in_dim3A_742 = vector.broadcast %broadcast_in_dim3A_741 : f32 to vector<16xf32>
      %broadcast_in_dim3A_743 = arith.constant 0xFF800000 : f32
      %broadcast_in_dim3A_744 = vector.broadcast %broadcast_in_dim3A_743 : f32 to vector<16xf32>
      %broadcast_in_dim3A_745 = arith.constant 0xFF800000 : f32
      %broadcast_in_dim3A_746 = vector.broadcast %broadcast_in_dim3A_745 : f32 to vector<16xf32>
      %broadcast_in_dim3A_747 = arith.constant 0xFF800000 : f32
      %broadcast_in_dim3A_748 = vector.broadcast %broadcast_in_dim3A_747 : f32 to vector<16xf32>
      %broadcast_in_dim3A_749 = arith.constant 0xFF800000 : f32
      %broadcast_in_dim3A_750 = vector.broadcast %broadcast_in_dim3A_749 : f32 to vector<16xf32>
      %broadcast_in_dim3A_751 = arith.constant 0xFF800000 : f32
      %broadcast_in_dim3A_752 = vector.broadcast %broadcast_in_dim3A_751 : f32 to vector<16xf32>
      %broadcast_in_dim3A_753 = arith.constant 0xFF800000 : f32
      %broadcast_in_dim3A_754 = vector.broadcast %broadcast_in_dim3A_753 : f32 to vector<16xf32>
      %broadcast_in_dim3A_755 = arith.constant 0.000000e+00 : f32
      %broadcast_in_dim3A_756 = vector.broadcast %broadcast_in_dim3A_755 : f32 to vector<16xf32>
      %broadcast_in_dim3A_757 = arith.constant 0.000000e+00 : f32
      %broadcast_in_dim3A_758 = vector.broadcast %broadcast_in_dim3A_757 : f32 to vector<16xf32>
      %broadcast_in_dim3A_759 = arith.constant 0.000000e+00 : f32
      %broadcast_in_dim3A_760 = vector.broadcast %broadcast_in_dim3A_759 : f32 to vector<16xf32>
      %broadcast_in_dim3A_761 = arith.constant 0.000000e+00 : f32
      %broadcast_in_dim3A_762 = vector.broadcast %broadcast_in_dim3A_761 : f32 to vector<16xf32>
      %broadcast_in_dim3A_763 = arith.constant 0.000000e+00 : f32
      %broadcast_in_dim3A_764 = vector.broadcast %broadcast_in_dim3A_763 : f32 to vector<16xf32>
      %broadcast_in_dim3A_765 = arith.constant 0.000000e+00 : f32
      %broadcast_in_dim3A_766 = vector.broadcast %broadcast_in_dim3A_765 : f32 to vector<16xf32>
      %broadcast_in_dim3A_767 = arith.constant 0.000000e+00 : f32
      %broadcast_in_dim3A_768 = vector.broadcast %broadcast_in_dim3A_767 : f32 to vector<16xf32>
      %broadcast_in_dim3A_769 = arith.constant 0.000000e+00 : f32
      %broadcast_in_dim3A_770 = vector.broadcast %broadcast_in_dim3A_769 : f32 to vector<16xf32>
      %parallel_loop3A_771 = arith.constant 0 : i32
      %parallel_loop3A_772 = arith.constant 32 : i32
      %parallel_loop3A_773 = arith.constant 1 : i32
      %parallel_loop3A_774:24 = scf.for %parallel_loop3A_1532 = %parallel_loop3A_771 to %parallel_loop3A_772 step %parallel_loop3A_773 iter_args(%parallel_loop3A_1533 = %broadcast_in_dim3A_740, %parallel_loop3A_1534 = %broadcast_in_dim3A_742, %parallel_loop3A_1535 = %broadcast_in_dim3A_744, %parallel_loop3A_1536 = %broadcast_in_dim3A_746, %parallel_loop3A_1537 = %broadcast_in_dim3A_748, %parallel_loop3A_1538 = %broadcast_in_dim3A_750, %parallel_loop3A_1539 = %broadcast_in_dim3A_752, %parallel_loop3A_1540 = %broadcast_in_dim3A_754, %parallel_loop3A_1541 = %broadcast_in_dim3A_756, %parallel_loop3A_1542 = %broadcast_in_dim3A_758, %parallel_loop3A_1543 = %broadcast_in_dim3A_760, %parallel_loop3A_1544 = %broadcast_in_dim3A_762, %parallel_loop3A_1545 = %broadcast_in_dim3A_764, %parallel_loop3A_1546 = %broadcast_in_dim3A_766, %parallel_loop3A_1547 = %broadcast_in_dim3A_768, %parallel_loop3A_1548 = %broadcast_in_dim3A_770, %parallel_loop3A_1549 = %broadcast_in_dim3A_756, %parallel_loop3A_1550 = %broadcast_in_dim3A_758, %parallel_loop3A_1551 = %broadcast_in_dim3A_760, %parallel_loop3A_1552 = %broadcast_in_dim3A_762, %parallel_loop3A_1553 = %broadcast_in_dim3A_764, %parallel_loop3A_1554 = %broadcast_in_dim3A_766, %parallel_loop3A_1555 = %broadcast_in_dim3A_768, %parallel_loop3A_1556 = %broadcast_in_dim3A_770) -> (vector<16xf32>, vector<16xf32>, vector<16xf32>, vector<16xf32>, vector<16xf32>, vector<16xf32>, vector<16xf32>, vector<16xf32>, vector<16xf32>, vector<16xf32>, vector<16xf32>, vector<16xf32>, vector<16xf32>, vector<16xf32>, vector<16xf32>, vector<16xf32>, vector<16xf32>, vector<16xf32>, vector<16xf32>, vector<16xf32>, vector<16xf32>, vector<16xf32>, vector<16xf32>, vector<16xf32>)  : i32 {
        %parallel_loop3A_1557 = arith.constant 0.000000e+00 : f32
        %parallel_loop3A_1558 = vector.broadcast %parallel_loop3A_1557 : f32 to vector<16xf32>
        %parallel_loop3A_1559 = arith.constant 0 : i32
        %parallel_loop3A_1560 = arith.constant 1 : i32
        %parallel_loop3A_1561 = arith.index_cast %parallel_loop3A_1559 : i32 to index
        %parallel_loop3A_1562 = arith.index_cast %parallel_loop3A_1560 : i32 to index
        %parallel_loop3A_1563 = arith.index_cast %parallel_loop3A_1532 : i32 to index
        %parallel_loop3A_1564 = arith.constant 0 : index
        %parallel_loop3A_1565 = tpu.vector_load %arg10[%parallel_loop3A_1561, %parallel_loop3A_1562, %parallel_loop3A_1563, %parallel_loop3A_1564] {strides = array<i32>} : memref<2x2x32x128xf32, #tpu.memory_space<vmem>>, vector<1x1x1x16xf32>,
        %parallel_loop3A_1566 = vector.shape_cast %parallel_loop3A_1565 : vector<1x1x1x16xf32> to vector<16xf32>
        %parallel_loop3A_1567 = arith.constant 0 : i32
        %parallel_loop3A_1568 = arith.constant 1 : i32
        %parallel_loop3A_1569 = arith.index_cast %parallel_loop3A_1567 : i32 to index
        %parallel_loop3A_1570 = arith.index_cast %parallel_loop3A_1568 : i32 to index
        %parallel_loop3A_1571 = arith.index_cast %parallel_loop3A_1532 : i32 to index
        %parallel_loop3A_1572 = arith.constant 0 : index
        %parallel_loop3A_1573 = tpu.vector_load %arg11[%parallel_loop3A_1569, %parallel_loop3A_1570, %parallel_loop3A_1571, %parallel_loop3A_1572] {strides = array<i32>} : memref<2x2x32x128xf32, #tpu.memory_space<vmem>>, vector<1x1x1x16xf32>,
        %parallel_loop3A_1574 = vector.shape_cast %parallel_loop3A_1573 : vector<1x1x1x16xf32> to vector<16xf32>
        %parallel_loop3A_1575 = arith.addf %get3A_574, %parallel_loop3A_1566 : vector<16xf32>
        %parallel_loop3A_1576 = arith.addf %parallel_loop3A_1558, %parallel_loop3A_1566 : vector<16xf32>
        %parallel_loop3A_1577 = arith.addf %parallel_loop3A_1576, %parallel_loop3A_1574 : vector<16xf32>
        %parallel_loop3A_1578 = arith.constant 0 : i32
        %parallel_loop3A_1579 = arith.constant 1 : i32
        %parallel_loop3A_1580 = arith.index_cast %parallel_loop3A_1578 : i32 to index
        %parallel_loop3A_1581 = arith.index_cast %parallel_loop3A_1579 : i32 to index
        %parallel_loop3A_1582 = arith.index_cast %parallel_loop3A_1532 : i32 to index
        %parallel_loop3A_1583 = arith.constant 16 : index
        %parallel_loop3A_1584 = tpu.vector_load %arg10[%parallel_loop3A_1580, %parallel_loop3A_1581, %parallel_loop3A_1582, %parallel_loop3A_1583] {strides = array<i32>} : memref<2x2x32x128xf32, #tpu.memory_space<vmem>>, vector<1x1x1x16xf32>,
        %parallel_loop3A_1585 = vector.shape_cast %parallel_loop3A_1584 : vector<1x1x1x16xf32> to vector<16xf32>
        %parallel_loop3A_1586 = arith.constant 0 : i32
        %parallel_loop3A_1587 = arith.constant 1 : i32
        %parallel_loop3A_1588 = arith.index_cast %parallel_loop3A_1586 : i32 to index
        %parallel_loop3A_1589 = arith.index_cast %parallel_loop3A_1587 : i32 to index
        %parallel_loop3A_1590 = arith.index_cast %parallel_loop3A_1532 : i32 to index
        %parallel_loop3A_1591 = arith.constant 16 : index
        %parallel_loop3A_1592 = tpu.vector_load %arg11[%parallel_loop3A_1588, %parallel_loop3A_1589, %parallel_loop3A_1590, %parallel_loop3A_1591] {strides = array<i32>} : memref<2x2x32x128xf32, #tpu.memory_space<vmem>>, vector<1x1x1x16xf32>,
        %parallel_loop3A_1593 = vector.shape_cast %parallel_loop3A_1592 : vector<1x1x1x16xf32> to vector<16xf32>
        %parallel_loop3A_1594 = arith.addf %get3A_581, %parallel_loop3A_1585 : vector<16xf32>
        %parallel_loop3A_1595 = arith.addf %parallel_loop3A_1577, %parallel_loop3A_1585 : vector<16xf32>
        %parallel_loop3A_1596 = arith.addf %parallel_loop3A_1595, %parallel_loop3A_1593 : vector<16xf32>
        %parallel_loop3A_1597 = arith.constant 0 : i32
        %parallel_loop3A_1598 = arith.constant 1 : i32
        %parallel_loop3A_1599 = arith.index_cast %parallel_loop3A_1597 : i32 to index
        %parallel_loop3A_1600 = arith.index_cast %parallel_loop3A_1598 : i32 to index
        %parallel_loop3A_1601 = arith.index_cast %parallel_loop3A_1532 : i32 to index
        %parallel_loop3A_1602 = arith.constant 32 : index
        %parallel_loop3A_1603 = tpu.vector_load %arg10[%parallel_loop3A_1599, %parallel_loop3A_1600, %parallel_loop3A_1601, %parallel_loop3A_1602] {strides = array<i32>} : memref<2x2x32x128xf32, #tpu.memory_space<vmem>>, vector<1x1x1x16xf32>,
        %parallel_loop3A_1604 = vector.shape_cast %parallel_loop3A_1603 : vector<1x1x1x16xf32> to vector<16xf32>
        %parallel_loop3A_1605 = arith.constant 0 : i32
        %parallel_loop3A_1606 = arith.constant 1 : i32
        %parallel_loop3A_1607 = arith.index_cast %parallel_loop3A_1605 : i32 to index
        %parallel_loop3A_1608 = arith.index_cast %parallel_loop3A_1606 : i32 to index
        %parallel_loop3A_1609 = arith.index_cast %parallel_loop3A_1532 : i32 to index
        %parallel_loop3A_1610 = arith.constant 32 : index
        %parallel_loop3A_1611 = tpu.vector_load %arg11[%parallel_loop3A_1607, %parallel_loop3A_1608, %parallel_loop3A_1609, %parallel_loop3A_1610] {strides = array<i32>} : memref<2x2x32x128xf32, #tpu.memory_space<vmem>>, vector<1x1x1x16xf32>,
        %parallel_loop3A_1612 = vector.shape_cast %parallel_loop3A_1611 : vector<1x1x1x16xf32> to vector<16xf32>
        %parallel_loop3A_1613 = arith.addf %get3A_588, %parallel_loop3A_1604 : vector<16xf32>
        %parallel_loop3A_1614 = arith.addf %parallel_loop3A_1596, %parallel_loop3A_1604 : vector<16xf32>
        %parallel_loop3A_1615 = arith.addf %parallel_loop3A_1614, %parallel_loop3A_1612 : vector<16xf32>
        %parallel_loop3A_1616 = arith.constant 0 : i32
        %parallel_loop3A_1617 = arith.constant 1 : i32
        %parallel_loop3A_1618 = arith.index_cast %parallel_loop3A_1616 : i32 to index
        %parallel_loop3A_1619 = arith.index_cast %parallel_loop3A_1617 : i32 to index
        %parallel_loop3A_1620 = arith.index_cast %parallel_loop3A_1532 : i32 to index
        %parallel_loop3A_1621 = arith.constant 48 : index
        %parallel_loop3A_1622 = tpu.vector_load %arg10[%parallel_loop3A_1618, %parallel_loop3A_1619, %parallel_loop3A_1620, %parallel_loop3A_1621] {strides = array<i32>} : memref<2x2x32x128xf32, #tpu.memory_space<vmem>>, vector<1x1x1x16xf32>,
        %parallel_loop3A_1623 = vector.shape_cast %parallel_loop3A_1622 : vector<1x1x1x16xf32> to vector<16xf32>
        %parallel_loop3A_1624 = arith.constant 0 : i32
        %parallel_loop3A_1625 = arith.constant 1 : i32
        %parallel_loop3A_1626 = arith.index_cast %parallel_loop3A_1624 : i32 to index
        %parallel_loop3A_1627 = arith.index_cast %parallel_loop3A_1625 : i32 to index
        %parallel_loop3A_1628 = arith.index_cast %parallel_loop3A_1532 : i32 to index
        %parallel_loop3A_1629 = arith.constant 48 : index
        %parallel_loop3A_1630 = tpu.vector_load %arg11[%parallel_loop3A_1626, %parallel_loop3A_1627, %parallel_loop3A_1628, %parallel_loop3A_1629] {strides = array<i32>} : memref<2x2x32x128xf32, #tpu.memory_space<vmem>>, vector<1x1x1x16xf32>,
        %parallel_loop3A_1631 = vector.shape_cast %parallel_loop3A_1630 : vector<1x1x1x16xf32> to vector<16xf32>
        %parallel_loop3A_1632 = arith.addf %get3A_595, %parallel_loop3A_1623 : vector<16xf32>
        %parallel_loop3A_1633 = arith.addf %parallel_loop3A_1615, %parallel_loop3A_1623 : vector<16xf32>
        %parallel_loop3A_1634 = arith.addf %parallel_loop3A_1633, %parallel_loop3A_1631 : vector<16xf32>
        %parallel_loop3A_1635 = arith.constant 0 : i32
        %parallel_loop3A_1636 = arith.constant 1 : i32
        %parallel_loop3A_1637 = arith.index_cast %parallel_loop3A_1635 : i32 to index
        %parallel_loop3A_1638 = arith.index_cast %parallel_loop3A_1636 : i32 to index
        %parallel_loop3A_1639 = arith.index_cast %parallel_loop3A_1532 : i32 to index
        %parallel_loop3A_1640 = arith.constant 64 : index
        %parallel_loop3A_1641 = tpu.vector_load %arg10[%parallel_loop3A_1637, %parallel_loop3A_1638, %parallel_loop3A_1639, %parallel_loop3A_1640] {strides = array<i32>} : memref<2x2x32x128xf32, #tpu.memory_space<vmem>>, vector<1x1x1x16xf32>,
        %parallel_loop3A_1642 = vector.shape_cast %parallel_loop3A_1641 : vector<1x1x1x16xf32> to vector<16xf32>
        %parallel_loop3A_1643 = arith.constant 0 : i32
        %parallel_loop3A_1644 = arith.constant 1 : i32
        %parallel_loop3A_1645 = arith.index_cast %parallel_loop3A_1643 : i32 to index
        %parallel_loop3A_1646 = arith.index_cast %parallel_loop3A_1644 : i32 to index
        %parallel_loop3A_1647 = arith.index_cast %parallel_loop3A_1532 : i32 to index
        %parallel_loop3A_1648 = arith.constant 64 : index
        %parallel_loop3A_1649 = tpu.vector_load %arg11[%parallel_loop3A_1645, %parallel_loop3A_1646, %parallel_loop3A_1647, %parallel_loop3A_1648] {strides = array<i32>} : memref<2x2x32x128xf32, #tpu.memory_space<vmem>>, vector<1x1x1x16xf32>,
        %parallel_loop3A_1650 = vector.shape_cast %parallel_loop3A_1649 : vector<1x1x1x16xf32> to vector<16xf32>
        %parallel_loop3A_1651 = arith.addf %get3A_602, %parallel_loop3A_1642 : vector<16xf32>
        %parallel_loop3A_1652 = arith.addf %parallel_loop3A_1634, %parallel_loop3A_1642 : vector<16xf32>
        %parallel_loop3A_1653 = arith.addf %parallel_loop3A_1652, %parallel_loop3A_1650 : vector<16xf32>
        %parallel_loop3A_1654 = arith.constant 0 : i32
        %parallel_loop3A_1655 = arith.constant 1 : i32
        %parallel_loop3A_1656 = arith.index_cast %parallel_loop3A_1654 : i32 to index
        %parallel_loop3A_1657 = arith.index_cast %parallel_loop3A_1655 : i32 to index
        %parallel_loop3A_1658 = arith.index_cast %parallel_loop3A_1532 : i32 to index
        %parallel_loop3A_1659 = arith.constant 80 : index
        %parallel_loop3A_1660 = tpu.vector_load %arg10[%parallel_loop3A_1656, %parallel_loop3A_1657, %parallel_loop3A_1658, %parallel_loop3A_1659] {strides = array<i32>} : memref<2x2x32x128xf32, #tpu.memory_space<vmem>>, vector<1x1x1x16xf32>,
        %parallel_loop3A_1661 = vector.shape_cast %parallel_loop3A_1660 : vector<1x1x1x16xf32> to vector<16xf32>
        %parallel_loop3A_1662 = arith.constant 0 : i32
        %parallel_loop3A_1663 = arith.constant 1 : i32
        %parallel_loop3A_1664 = arith.index_cast %parallel_loop3A_1662 : i32 to index
        %parallel_loop3A_1665 = arith.index_cast %parallel_loop3A_1663 : i32 to index
        %parallel_loop3A_1666 = arith.index_cast %parallel_loop3A_1532 : i32 to index
        %parallel_loop3A_1667 = arith.constant 80 : index
        %parallel_loop3A_1668 = tpu.vector_load %arg11[%parallel_loop3A_1664, %parallel_loop3A_1665, %parallel_loop3A_1666, %parallel_loop3A_1667] {strides = array<i32>} : memref<2x2x32x128xf32, #tpu.memory_space<vmem>>, vector<1x1x1x16xf32>,
        %parallel_loop3A_1669 = vector.shape_cast %parallel_loop3A_1668 : vector<1x1x1x16xf32> to vector<16xf32>
        %parallel_loop3A_1670 = arith.addf %get3A_609, %parallel_loop3A_1661 : vector<16xf32>
        %parallel_loop3A_1671 = arith.addf %parallel_loop3A_1653, %parallel_loop3A_1661 : vector<16xf32>
        %parallel_loop3A_1672 = arith.addf %parallel_loop3A_1671, %parallel_loop3A_1669 : vector<16xf32>
        %parallel_loop3A_1673 = arith.constant 0 : i32
        %parallel_loop3A_1674 = arith.constant 1 : i32
        %parallel_loop3A_1675 = arith.index_cast %parallel_loop3A_1673 : i32 to index
        %parallel_loop3A_1676 = arith.index_cast %parallel_loop3A_1674 : i32 to index
        %parallel_loop3A_1677 = arith.index_cast %parallel_loop3A_1532 : i32 to index
        %parallel_loop3A_1678 = arith.constant 96 : index
        %parallel_loop3A_1679 = tpu.vector_load %arg10[%parallel_loop3A_1675, %parallel_loop3A_1676, %parallel_loop3A_1677, %parallel_loop3A_1678] {strides = array<i32>} : memref<2x2x32x128xf32, #tpu.memory_space<vmem>>, vector<1x1x1x16xf32>,
        %parallel_loop3A_1680 = vector.shape_cast %parallel_loop3A_1679 : vector<1x1x1x16xf32> to vector<16xf32>
        %parallel_loop3A_1681 = arith.constant 0 : i32
        %parallel_loop3A_1682 = arith.constant 1 : i32
        %parallel_loop3A_1683 = arith.index_cast %parallel_loop3A_1681 : i32 to index
        %parallel_loop3A_1684 = arith.index_cast %parallel_loop3A_1682 : i32 to index
        %parallel_loop3A_1685 = arith.index_cast %parallel_loop3A_1532 : i32 to index
        %parallel_loop3A_1686 = arith.constant 96 : index
        %parallel_loop3A_1687 = tpu.vector_load %arg11[%parallel_loop3A_1683, %parallel_loop3A_1684, %parallel_loop3A_1685, %parallel_loop3A_1686] {strides = array<i32>} : memref<2x2x32x128xf32, #tpu.memory_space<vmem>>, vector<1x1x1x16xf32>,
        %parallel_loop3A_1688 = vector.shape_cast %parallel_loop3A_1687 : vector<1x1x1x16xf32> to vector<16xf32>
        %parallel_loop3A_1689 = arith.addf %get3A_616, %parallel_loop3A_1680 : vector<16xf32>
        %parallel_loop3A_1690 = arith.addf %parallel_loop3A_1672, %parallel_loop3A_1680 : vector<16xf32>
        %parallel_loop3A_1691 = arith.addf %parallel_loop3A_1690, %parallel_loop3A_1688 : vector<16xf32>
        %parallel_loop3A_1692 = arith.constant 0 : i32
        %parallel_loop3A_1693 = arith.constant 1 : i32
        %parallel_loop3A_1694 = arith.index_cast %parallel_loop3A_1692 : i32 to index
        %parallel_loop3A_1695 = arith.index_cast %parallel_loop3A_1693 : i32 to index
        %parallel_loop3A_1696 = arith.index_cast %parallel_loop3A_1532 : i32 to index
        %parallel_loop3A_1697 = arith.constant 112 : index
        %parallel_loop3A_1698 = tpu.vector_load %arg10[%parallel_loop3A_1694, %parallel_loop3A_1695, %parallel_loop3A_1696, %parallel_loop3A_1697] {strides = array<i32>} : memref<2x2x32x128xf32, #tpu.memory_space<vmem>>, vector<1x1x1x16xf32>,
        %parallel_loop3A_1699 = vector.shape_cast %parallel_loop3A_1698 : vector<1x1x1x16xf32> to vector<16xf32>
        %parallel_loop3A_1700 = arith.constant 0 : i32
        %parallel_loop3A_1701 = arith.constant 1 : i32
        %parallel_loop3A_1702 = arith.index_cast %parallel_loop3A_1700 : i32 to index
        %parallel_loop3A_1703 = arith.index_cast %parallel_loop3A_1701 : i32 to index
        %parallel_loop3A_1704 = arith.index_cast %parallel_loop3A_1532 : i32 to index
        %parallel_loop3A_1705 = arith.constant 112 : index
        %parallel_loop3A_1706 = tpu.vector_load %arg11[%parallel_loop3A_1702, %parallel_loop3A_1703, %parallel_loop3A_1704, %parallel_loop3A_1705] {strides = array<i32>} : memref<2x2x32x128xf32, #tpu.memory_space<vmem>>, vector<1x1x1x16xf32>,
        %parallel_loop3A_1707 = vector.shape_cast %parallel_loop3A_1706 : vector<1x1x1x16xf32> to vector<16xf32>
        %parallel_loop3A_1708 = arith.addf %get3A_623, %parallel_loop3A_1699 : vector<16xf32>
        %parallel_loop3A_1709 = arith.addf %parallel_loop3A_1691, %parallel_loop3A_1699 : vector<16xf32>
        %parallel_loop3A_1710 = arith.addf %parallel_loop3A_1709, %parallel_loop3A_1707 : vector<16xf32>
        %parallel_loop3A_1711 = arith.constant 0 : i32
        %parallel_loop3A_1712 = vector.broadcast %parallel_loop3A_1711 : i32 to vector<16xi32>
        %parallel_loop3A_1713 = arith.cmpi slt, %xor3A_6, %parallel_loop3A_1712 : vector<16xi32>
        %parallel_loop3A_1714 = arith.constant 16 : i32
        %parallel_loop3A_1715 = vector.broadcast %parallel_loop3A_1714 : i32 to vector<16xi32>
        %parallel_loop3A_1716 = arith.addi %xor3A_6, %parallel_loop3A_1715 : vector<16xi32>
        %parallel_loop3A_1717 = arith.select %parallel_loop3A_1713, %parallel_loop3A_1716, %xor3A_6 : vector<16xi1>, vector<16xi32>
        %parallel_loop3A_1718 = vector.shape_cast %parallel_loop3A_1717 : vector<16xi32> to vector<16x1xi32>
        %parallel_loop3A_1719 = vector.shape_cast %parallel_loop3A_1718 : vector<16x1xi32> to vector<16xi32>
        %parallel_loop3A_1720 = tpu.dynamic_gather %parallel_loop3A_1710[%parallel_loop3A_1719] in [0] : vector<16xf32>, vector<16xi32> -> vector<16xf32>
        %parallel_loop3A_1721 = arith.addf %parallel_loop3A_1710, %parallel_loop3A_1720 : vector<16xf32>
        %parallel_loop3A_1722 = arith.constant 0 : i32
        %parallel_loop3A_1723 = vector.broadcast %parallel_loop3A_1722 : i32 to vector<16xi32>
        %parallel_loop3A_1724 = arith.cmpi slt, %xor3A_9, %parallel_loop3A_1723 : vector<16xi32>
        %parallel_loop3A_1725 = arith.constant 16 : i32
        %parallel_loop3A_1726 = vector.broadcast %parallel_loop3A_1725 : i32 to vector<16xi32>
        %parallel_loop3A_1727 = arith.addi %xor3A_9, %parallel_loop3A_1726 : vector<16xi32>
        %parallel_loop3A_1728 = arith.select %parallel_loop3A_1724, %parallel_loop3A_1727, %xor3A_9 : vector<16xi1>, vector<16xi32>
        %parallel_loop3A_1729 = vector.shape_cast %parallel_loop3A_1728 : vector<16xi32> to vector<16x1xi32>
        %parallel_loop3A_1730 = vector.shape_cast %parallel_loop3A_1729 : vector<16x1xi32> to vector<16xi32>
        %parallel_loop3A_1731 = tpu.dynamic_gather %parallel_loop3A_1721[%parallel_loop3A_1730] in [0] : vector<16xf32>, vector<16xi32> -> vector<16xf32>
        %parallel_loop3A_1732 = arith.addf %parallel_loop3A_1721, %parallel_loop3A_1731 : vector<16xf32>
        %parallel_loop3A_1733 = arith.constant 0 : i32
        %parallel_loop3A_1734 = vector.broadcast %parallel_loop3A_1733 : i32 to vector<16xi32>
        %parallel_loop3A_1735 = arith.cmpi slt, %xor3A_12, %parallel_loop3A_1734 : vector<16xi32>
        %parallel_loop3A_1736 = arith.constant 16 : i32
        %parallel_loop3A_1737 = vector.broadcast %parallel_loop3A_1736 : i32 to vector<16xi32>
        %parallel_loop3A_1738 = arith.addi %xor3A_12, %parallel_loop3A_1737 : vector<16xi32>
        %parallel_loop3A_1739 = arith.select %parallel_loop3A_1735, %parallel_loop3A_1738, %xor3A_12 : vector<16xi1>, vector<16xi32>
        %parallel_loop3A_1740 = vector.shape_cast %parallel_loop3A_1739 : vector<16xi32> to vector<16x1xi32>
        %parallel_loop3A_1741 = vector.shape_cast %parallel_loop3A_1740 : vector<16x1xi32> to vector<16xi32>
        %parallel_loop3A_1742 = tpu.dynamic_gather %parallel_loop3A_1732[%parallel_loop3A_1741] in [0] : vector<16xf32>, vector<16xi32> -> vector<16xf32>
        %parallel_loop3A_1743 = arith.addf %parallel_loop3A_1732, %parallel_loop3A_1742 : vector<16xf32>
        %parallel_loop3A_1744 = arith.constant 0 : i32
        %parallel_loop3A_1745 = vector.broadcast %parallel_loop3A_1744 : i32 to vector<16xi32>
        %parallel_loop3A_1746 = arith.cmpi slt, %xor3A_15, %parallel_loop3A_1745 : vector<16xi32>
        %parallel_loop3A_1747 = arith.constant 16 : i32
        %parallel_loop3A_1748 = vector.broadcast %parallel_loop3A_1747 : i32 to vector<16xi32>
        %parallel_loop3A_1749 = arith.addi %xor3A_15, %parallel_loop3A_1748 : vector<16xi32>
        %parallel_loop3A_1750 = arith.select %parallel_loop3A_1746, %parallel_loop3A_1749, %xor3A_15 : vector<16xi1>, vector<16xi32>
        %parallel_loop3A_1751 = vector.shape_cast %parallel_loop3A_1750 : vector<16xi32> to vector<16x1xi32>
        %parallel_loop3A_1752 = vector.shape_cast %parallel_loop3A_1751 : vector<16x1xi32> to vector<16xi32>
        %parallel_loop3A_1753 = tpu.dynamic_gather %parallel_loop3A_1743[%parallel_loop3A_1752] in [0] : vector<16xf32>, vector<16xi32> -> vector<16xf32>
        %parallel_loop3A_1754 = arith.addf %parallel_loop3A_1743, %parallel_loop3A_1753 : vector<16xf32>
        %parallel_loop3A_1755 = arith.addf %parallel_loop3A_1754, %add3A_738 : vector<16xf32>
        %parallel_loop3A_1756 = arith.addf %parallel_loop3A_1755, %parallel_loop3A_1575 : vector<16xf32>
        %parallel_loop3A_1757 = arith.constant 0.00999999977 : f32
        %parallel_loop3A_1758 = vector.broadcast %parallel_loop3A_1757 : f32 to vector<16xf32>
        %parallel_loop3A_1759 = arith.mulf %parallel_loop3A_1758, %parallel_loop3A_1756 : vector<16xf32>
        %parallel_loop3A_1760 = arith.maximumf %parallel_loop3A_1756, %parallel_loop3A_1759 : vector<16xf32>
        %parallel_loop3A_1761 = arith.maximumf %parallel_loop3A_1533, %parallel_loop3A_1760 : vector<16xf32>
        %parallel_loop3A_1762 = arith.subf %parallel_loop3A_1533, %parallel_loop3A_1761 : vector<16xf32>
        %parallel_loop3A_1763 = math.exp %parallel_loop3A_1762 : vector<16xf32>
        %parallel_loop3A_1764 = arith.subf %parallel_loop3A_1760, %parallel_loop3A_1761 : vector<16xf32>
        %parallel_loop3A_1765 = math.exp %parallel_loop3A_1764 : vector<16xf32>
        %parallel_loop3A_1766 = arith.mulf %parallel_loop3A_1541, %parallel_loop3A_1763 : vector<16xf32>
        %parallel_loop3A_1767 = arith.addf %parallel_loop3A_1766, %parallel_loop3A_1765 : vector<16xf32>
        %parallel_loop3A_1768 = arith.constant 0 : i32
        %parallel_loop3A_1769 = arith.constant 1 : i32
        %parallel_loop3A_1770 = arith.index_cast %parallel_loop3A_1768 : i32 to index
        %parallel_loop3A_1771 = arith.index_cast %parallel_loop3A_1769 : i32 to index
        %parallel_loop3A_1772 = arith.index_cast %parallel_loop3A_1532 : i32 to index
        %parallel_loop3A_1773 = arith.constant 0 : index
        %parallel_loop3A_1774 = tpu.vector_load %arg12[%parallel_loop3A_1770, %parallel_loop3A_1771, %parallel_loop3A_1772, %parallel_loop3A_1773] {strides = array<i32>} : memref<2x2x32x128xf32, #tpu.memory_space<vmem>>, vector<1x1x1x16xf32>,
        %parallel_loop3A_1775 = vector.shape_cast %parallel_loop3A_1774 : vector<1x1x1x16xf32> to vector<16xf32>
        %parallel_loop3A_1776 = arith.mulf %parallel_loop3A_1549, %parallel_loop3A_1763 : vector<16xf32>
        %parallel_loop3A_1777 = arith.mulf %parallel_loop3A_1765, %parallel_loop3A_1775 : vector<16xf32>
        %parallel_loop3A_1778 = arith.addf %parallel_loop3A_1776, %parallel_loop3A_1777 : vector<16xf32>
        %parallel_loop3A_1779 = arith.addf %parallel_loop3A_1755, %parallel_loop3A_1594 : vector<16xf32>
        %parallel_loop3A_1780 = arith.constant 0.00999999977 : f32
        %parallel_loop3A_1781 = vector.broadcast %parallel_loop3A_1780 : f32 to vector<16xf32>
        %parallel_loop3A_1782 = arith.mulf %parallel_loop3A_1781, %parallel_loop3A_1779 : vector<16xf32>
        %parallel_loop3A_1783 = arith.maximumf %parallel_loop3A_1779, %parallel_loop3A_1782 : vector<16xf32>
        %parallel_loop3A_1784 = arith.maximumf %parallel_loop3A_1534, %parallel_loop3A_1783 : vector<16xf32>
        %parallel_loop3A_1785 = arith.subf %parallel_loop3A_1534, %parallel_loop3A_1784 : vector<16xf32>
        %parallel_loop3A_1786 = math.exp %parallel_loop3A_1785 : vector<16xf32>
        %parallel_loop3A_1787 = arith.subf %parallel_loop3A_1783, %parallel_loop3A_1784 : vector<16xf32>
        %parallel_loop3A_1788 = math.exp %parallel_loop3A_1787 : vector<16xf32>
        %parallel_loop3A_1789 = arith.mulf %parallel_loop3A_1542, %parallel_loop3A_1786 : vector<16xf32>
        %parallel_loop3A_1790 = arith.addf %parallel_loop3A_1789, %parallel_loop3A_1788 : vector<16xf32>
        %parallel_loop3A_1791 = arith.constant 0 : i32
        %parallel_loop3A_1792 = arith.constant 1 : i32
        %parallel_loop3A_1793 = arith.index_cast %parallel_loop3A_1791 : i32 to index
        %parallel_loop3A_1794 = arith.index_cast %parallel_loop3A_1792 : i32 to index
        %parallel_loop3A_1795 = arith.index_cast %parallel_loop3A_1532 : i32 to index
        %parallel_loop3A_1796 = arith.constant 16 : index
        %parallel_loop3A_1797 = tpu.vector_load %arg12[%parallel_loop3A_1793, %parallel_loop3A_1794, %parallel_loop3A_1795, %parallel_loop3A_1796] {strides = array<i32>} : memref<2x2x32x128xf32, #tpu.memory_space<vmem>>, vector<1x1x1x16xf32>,
        %parallel_loop3A_1798 = vector.shape_cast %parallel_loop3A_1797 : vector<1x1x1x16xf32> to vector<16xf32>
        %parallel_loop3A_1799 = arith.mulf %parallel_loop3A_1550, %parallel_loop3A_1786 : vector<16xf32>
        %parallel_loop3A_1800 = arith.mulf %parallel_loop3A_1788, %parallel_loop3A_1798 : vector<16xf32>
        %parallel_loop3A_1801 = arith.addf %parallel_loop3A_1799, %parallel_loop3A_1800 : vector<16xf32>
        %parallel_loop3A_1802 = arith.addf %parallel_loop3A_1755, %parallel_loop3A_1613 : vector<16xf32>
        %parallel_loop3A_1803 = arith.constant 0.00999999977 : f32
        %parallel_loop3A_1804 = vector.broadcast %parallel_loop3A_1803 : f32 to vector<16xf32>
        %parallel_loop3A_1805 = arith.mulf %parallel_loop3A_1804, %parallel_loop3A_1802 : vector<16xf32>
        %parallel_loop3A_1806 = arith.maximumf %parallel_loop3A_1802, %parallel_loop3A_1805 : vector<16xf32>
        %parallel_loop3A_1807 = arith.maximumf %parallel_loop3A_1535, %parallel_loop3A_1806 : vector<16xf32>
        %parallel_loop3A_1808 = arith.subf %parallel_loop3A_1535, %parallel_loop3A_1807 : vector<16xf32>
        %parallel_loop3A_1809 = math.exp %parallel_loop3A_1808 : vector<16xf32>
        %parallel_loop3A_1810 = arith.subf %parallel_loop3A_1806, %parallel_loop3A_1807 : vector<16xf32>
        %parallel_loop3A_1811 = math.exp %parallel_loop3A_1810 : vector<16xf32>
        %parallel_loop3A_1812 = arith.mulf %parallel_loop3A_1543, %parallel_loop3A_1809 : vector<16xf32>
        %parallel_loop3A_1813 = arith.addf %parallel_loop3A_1812, %parallel_loop3A_1811 : vector<16xf32>
        %parallel_loop3A_1814 = arith.constant 0 : i32
        %parallel_loop3A_1815 = arith.constant 1 : i32
        %parallel_loop3A_1816 = arith.index_cast %parallel_loop3A_1814 : i32 to index
        %parallel_loop3A_1817 = arith.index_cast %parallel_loop3A_1815 : i32 to index
        %parallel_loop3A_1818 = arith.index_cast %parallel_loop3A_1532 : i32 to index
        %parallel_loop3A_1819 = arith.constant 32 : index
        %parallel_loop3A_1820 = tpu.vector_load %arg12[%parallel_loop3A_1816, %parallel_loop3A_1817, %parallel_loop3A_1818, %parallel_loop3A_1819] {strides = array<i32>} : memref<2x2x32x128xf32, #tpu.memory_space<vmem>>, vector<1x1x1x16xf32>,
        %parallel_loop3A_1821 = vector.shape_cast %parallel_loop3A_1820 : vector<1x1x1x16xf32> to vector<16xf32>
        %parallel_loop3A_1822 = arith.mulf %parallel_loop3A_1551, %parallel_loop3A_1809 : vector<16xf32>
        %parallel_loop3A_1823 = arith.mulf %parallel_loop3A_1811, %parallel_loop3A_1821 : vector<16xf32>
        %parallel_loop3A_1824 = arith.addf %parallel_loop3A_1822, %parallel_loop3A_1823 : vector<16xf32>
        %parallel_loop3A_1825 = arith.addf %parallel_loop3A_1755, %parallel_loop3A_1632 : vector<16xf32>
        %parallel_loop3A_1826 = arith.constant 0.00999999977 : f32
        %parallel_loop3A_1827 = vector.broadcast %parallel_loop3A_1826 : f32 to vector<16xf32>
        %parallel_loop3A_1828 = arith.mulf %parallel_loop3A_1827, %parallel_loop3A_1825 : vector<16xf32>
        %parallel_loop3A_1829 = arith.maximumf %parallel_loop3A_1825, %parallel_loop3A_1828 : vector<16xf32>
        %parallel_loop3A_1830 = arith.maximumf %parallel_loop3A_1536, %parallel_loop3A_1829 : vector<16xf32>
        %parallel_loop3A_1831 = arith.subf %parallel_loop3A_1536, %parallel_loop3A_1830 : vector<16xf32>
        %parallel_loop3A_1832 = math.exp %parallel_loop3A_1831 : vector<16xf32>
        %parallel_loop3A_1833 = arith.subf %parallel_loop3A_1829, %parallel_loop3A_1830 : vector<16xf32>
        %parallel_loop3A_1834 = math.exp %parallel_loop3A_1833 : vector<16xf32>
        %parallel_loop3A_1835 = arith.mulf %parallel_loop3A_1544, %parallel_loop3A_1832 : vector<16xf32>
        %parallel_loop3A_1836 = arith.addf %parallel_loop3A_1835, %parallel_loop3A_1834 : vector<16xf32>
        %parallel_loop3A_1837 = arith.constant 0 : i32
        %parallel_loop3A_1838 = arith.constant 1 : i32
        %parallel_loop3A_1839 = arith.index_cast %parallel_loop3A_1837 : i32 to index
        %parallel_loop3A_1840 = arith.index_cast %parallel_loop3A_1838 : i32 to index
        %parallel_loop3A_1841 = arith.index_cast %parallel_loop3A_1532 : i32 to index
        %parallel_loop3A_1842 = arith.constant 48 : index
        %parallel_loop3A_1843 = tpu.vector_load %arg12[%parallel_loop3A_1839, %parallel_loop3A_1840, %parallel_loop3A_1841, %parallel_loop3A_1842] {strides = array<i32>} : memref<2x2x32x128xf32, #tpu.memory_space<vmem>>, vector<1x1x1x16xf32>,
        %parallel_loop3A_1844 = vector.shape_cast %parallel_loop3A_1843 : vector<1x1x1x16xf32> to vector<16xf32>
        %parallel_loop3A_1845 = arith.mulf %parallel_loop3A_1552, %parallel_loop3A_1832 : vector<16xf32>
        %parallel_loop3A_1846 = arith.mulf %parallel_loop3A_1834, %parallel_loop3A_1844 : vector<16xf32>
        %parallel_loop3A_1847 = arith.addf %parallel_loop3A_1845, %parallel_loop3A_1846 : vector<16xf32>
        %parallel_loop3A_1848 = arith.addf %parallel_loop3A_1755, %parallel_loop3A_1651 : vector<16xf32>
        %parallel_loop3A_1849 = arith.constant 0.00999999977 : f32
        %parallel_loop3A_1850 = vector.broadcast %parallel_loop3A_1849 : f32 to vector<16xf32>
        %parallel_loop3A_1851 = arith.mulf %parallel_loop3A_1850, %parallel_loop3A_1848 : vector<16xf32>
        %parallel_loop3A_1852 = arith.maximumf %parallel_loop3A_1848, %parallel_loop3A_1851 : vector<16xf32>
        %parallel_loop3A_1853 = arith.maximumf %parallel_loop3A_1537, %parallel_loop3A_1852 : vector<16xf32>
        %parallel_loop3A_1854 = arith.subf %parallel_loop3A_1537, %parallel_loop3A_1853 : vector<16xf32>
        %parallel_loop3A_1855 = math.exp %parallel_loop3A_1854 : vector<16xf32>
        %parallel_loop3A_1856 = arith.subf %parallel_loop3A_1852, %parallel_loop3A_1853 : vector<16xf32>
        %parallel_loop3A_1857 = math.exp %parallel_loop3A_1856 : vector<16xf32>
        %parallel_loop3A_1858 = arith.mulf %parallel_loop3A_1545, %parallel_loop3A_1855 : vector<16xf32>
        %parallel_loop3A_1859 = arith.addf %parallel_loop3A_1858, %parallel_loop3A_1857 : vector<16xf32>
        %parallel_loop3A_1860 = arith.constant 0 : i32
        %parallel_loop3A_1861 = arith.constant 1 : i32
        %parallel_loop3A_1862 = arith.index_cast %parallel_loop3A_1860 : i32 to index
        %parallel_loop3A_1863 = arith.index_cast %parallel_loop3A_1861 : i32 to index
        %parallel_loop3A_1864 = arith.index_cast %parallel_loop3A_1532 : i32 to index
        %parallel_loop3A_1865 = arith.constant 64 : index
        %parallel_loop3A_1866 = tpu.vector_load %arg12[%parallel_loop3A_1862, %parallel_loop3A_1863, %parallel_loop3A_1864, %parallel_loop3A_1865] {strides = array<i32>} : memref<2x2x32x128xf32, #tpu.memory_space<vmem>>, vector<1x1x1x16xf32>,
        %parallel_loop3A_1867 = vector.shape_cast %parallel_loop3A_1866 : vector<1x1x1x16xf32> to vector<16xf32>
        %parallel_loop3A_1868 = arith.mulf %parallel_loop3A_1553, %parallel_loop3A_1855 : vector<16xf32>
        %parallel_loop3A_1869 = arith.mulf %parallel_loop3A_1857, %parallel_loop3A_1867 : vector<16xf32>
        %parallel_loop3A_1870 = arith.addf %parallel_loop3A_1868, %parallel_loop3A_1869 : vector<16xf32>
        %parallel_loop3A_1871 = arith.addf %parallel_loop3A_1755, %parallel_loop3A_1670 : vector<16xf32>
        %parallel_loop3A_1872 = arith.constant 0.00999999977 : f32
        %parallel_loop3A_1873 = vector.broadcast %parallel_loop3A_1872 : f32 to vector<16xf32>
        %parallel_loop3A_1874 = arith.mulf %parallel_loop3A_1873, %parallel_loop3A_1871 : vector<16xf32>
        %parallel_loop3A_1875 = arith.maximumf %parallel_loop3A_1871, %parallel_loop3A_1874 : vector<16xf32>
        %parallel_loop3A_1876 = arith.maximumf %parallel_loop3A_1538, %parallel_loop3A_1875 : vector<16xf32>
        %parallel_loop3A_1877 = arith.subf %parallel_loop3A_1538, %parallel_loop3A_1876 : vector<16xf32>
        %parallel_loop3A_1878 = math.exp %parallel_loop3A_1877 : vector<16xf32>
        %parallel_loop3A_1879 = arith.subf %parallel_loop3A_1875, %parallel_loop3A_1876 : vector<16xf32>
        %parallel_loop3A_1880 = math.exp %parallel_loop3A_1879 : vector<16xf32>
        %parallel_loop3A_1881 = arith.mulf %parallel_loop3A_1546, %parallel_loop3A_1878 : vector<16xf32>
        %parallel_loop3A_1882 = arith.addf %parallel_loop3A_1881, %parallel_loop3A_1880 : vector<16xf32>
        %parallel_loop3A_1883 = arith.constant 0 : i32
        %parallel_loop3A_1884 = arith.constant 1 : i32
        %parallel_loop3A_1885 = arith.index_cast %parallel_loop3A_1883 : i32 to index
        %parallel_loop3A_1886 = arith.index_cast %parallel_loop3A_1884 : i32 to index
        %parallel_loop3A_1887 = arith.index_cast %parallel_loop3A_1532 : i32 to index
        %parallel_loop3A_1888 = arith.constant 80 : index
        %parallel_loop3A_1889 = tpu.vector_load %arg12[%parallel_loop3A_1885, %parallel_loop3A_1886, %parallel_loop3A_1887, %parallel_loop3A_1888] {strides = array<i32>} : memref<2x2x32x128xf32, #tpu.memory_space<vmem>>, vector<1x1x1x16xf32>,
        %parallel_loop3A_1890 = vector.shape_cast %parallel_loop3A_1889 : vector<1x1x1x16xf32> to vector<16xf32>
        %parallel_loop3A_1891 = arith.mulf %parallel_loop3A_1554, %parallel_loop3A_1878 : vector<16xf32>
        %parallel_loop3A_1892 = arith.mulf %parallel_loop3A_1880, %parallel_loop3A_1890 : vector<16xf32>
        %parallel_loop3A_1893 = arith.addf %parallel_loop3A_1891, %parallel_loop3A_1892 : vector<16xf32>
        %parallel_loop3A_1894 = arith.addf %parallel_loop3A_1755, %parallel_loop3A_1689 : vector<16xf32>
        %parallel_loop3A_1895 = arith.constant 0.00999999977 : f32
        %parallel_loop3A_1896 = vector.broadcast %parallel_loop3A_1895 : f32 to vector<16xf32>
        %parallel_loop3A_1897 = arith.mulf %parallel_loop3A_1896, %parallel_loop3A_1894 : vector<16xf32>
        %parallel_loop3A_1898 = arith.maximumf %parallel_loop3A_1894, %parallel_loop3A_1897 : vector<16xf32>
        %parallel_loop3A_1899 = arith.maximumf %parallel_loop3A_1539, %parallel_loop3A_1898 : vector<16xf32>
        %parallel_loop3A_1900 = arith.subf %parallel_loop3A_1539, %parallel_loop3A_1899 : vector<16xf32>
        %parallel_loop3A_1901 = math.exp %parallel_loop3A_1900 : vector<16xf32>
        %parallel_loop3A_1902 = arith.subf %parallel_loop3A_1898, %parallel_loop3A_1899 : vector<16xf32>
        %parallel_loop3A_1903 = math.exp %parallel_loop3A_1902 : vector<16xf32>
        %parallel_loop3A_1904 = arith.mulf %parallel_loop3A_1547, %parallel_loop3A_1901 : vector<16xf32>
        %parallel_loop3A_1905 = arith.addf %parallel_loop3A_1904, %parallel_loop3A_1903 : vector<16xf32>
        %parallel_loop3A_1906 = arith.constant 0 : i32
        %parallel_loop3A_1907 = arith.constant 1 : i32
        %parallel_loop3A_1908 = arith.index_cast %parallel_loop3A_1906 : i32 to index
        %parallel_loop3A_1909 = arith.index_cast %parallel_loop3A_1907 : i32 to index
        %parallel_loop3A_1910 = arith.index_cast %parallel_loop3A_1532 : i32 to index
        %parallel_loop3A_1911 = arith.constant 96 : index
        %parallel_loop3A_1912 = tpu.vector_load %arg12[%parallel_loop3A_1908, %parallel_loop3A_1909, %parallel_loop3A_1910, %parallel_loop3A_1911] {strides = array<i32>} : memref<2x2x32x128xf32, #tpu.memory_space<vmem>>, vector<1x1x1x16xf32>,
        %parallel_loop3A_1913 = vector.shape_cast %parallel_loop3A_1912 : vector<1x1x1x16xf32> to vector<16xf32>
        %parallel_loop3A_1914 = arith.mulf %parallel_loop3A_1555, %parallel_loop3A_1901 : vector<16xf32>
        %parallel_loop3A_1915 = arith.mulf %parallel_loop3A_1903, %parallel_loop3A_1913 : vector<16xf32>
        %parallel_loop3A_1916 = arith.addf %parallel_loop3A_1914, %parallel_loop3A_1915 : vector<16xf32>
        %parallel_loop3A_1917 = arith.addf %parallel_loop3A_1755, %parallel_loop3A_1708 : vector<16xf32>
        %parallel_loop3A_1918 = arith.constant 0.00999999977 : f32
        %parallel_loop3A_1919 = vector.broadcast %parallel_loop3A_1918 : f32 to vector<16xf32>
        %parallel_loop3A_1920 = arith.mulf %parallel_loop3A_1919, %parallel_loop3A_1917 : vector<16xf32>
        %parallel_loop3A_1921 = arith.maximumf %parallel_loop3A_1917, %parallel_loop3A_1920 : vector<16xf32>
        %parallel_loop3A_1922 = arith.maximumf %parallel_loop3A_1540, %parallel_loop3A_1921 : vector<16xf32>
        %parallel_loop3A_1923 = arith.subf %parallel_loop3A_1540, %parallel_loop3A_1922 : vector<16xf32>
        %parallel_loop3A_1924 = math.exp %parallel_loop3A_1923 : vector<16xf32>
        %parallel_loop3A_1925 = arith.subf %parallel_loop3A_1921, %parallel_loop3A_1922 : vector<16xf32>
        %parallel_loop3A_1926 = math.exp %parallel_loop3A_1925 : vector<16xf32>
        %parallel_loop3A_1927 = arith.mulf %parallel_loop3A_1548, %parallel_loop3A_1924 : vector<16xf32>
        %parallel_loop3A_1928 = arith.addf %parallel_loop3A_1927, %parallel_loop3A_1926 : vector<16xf32>
        %parallel_loop3A_1929 = arith.constant 0 : i32
        %parallel_loop3A_1930 = arith.constant 1 : i32
        %parallel_loop3A_1931 = arith.index_cast %parallel_loop3A_1929 : i32 to index
        %parallel_loop3A_1932 = arith.index_cast %parallel_loop3A_1930 : i32 to index
        %parallel_loop3A_1933 = arith.index_cast %parallel_loop3A_1532 : i32 to index
        %parallel_loop3A_1934 = arith.constant 112 : index
        %parallel_loop3A_1935 = tpu.vector_load %arg12[%parallel_loop3A_1931, %parallel_loop3A_1932, %parallel_loop3A_1933, %parallel_loop3A_1934] {strides = array<i32>} : memref<2x2x32x128xf32, #tpu.memory_space<vmem>>, vector<1x1x1x16xf32>,
        %parallel_loop3A_1936 = vector.shape_cast %parallel_loop3A_1935 : vector<1x1x1x16xf32> to vector<16xf32>
        %parallel_loop3A_1937 = arith.mulf %parallel_loop3A_1556, %parallel_loop3A_1924 : vector<16xf32>
        %parallel_loop3A_1938 = arith.mulf %parallel_loop3A_1926, %parallel_loop3A_1936 : vector<16xf32>
        %parallel_loop3A_1939 = arith.addf %parallel_loop3A_1937, %parallel_loop3A_1938 : vector<16xf32>
        scf.yield %parallel_loop3A_1761, %parallel_loop3A_1784, %parallel_loop3A_1807, %parallel_loop3A_1830, %parallel_loop3A_1853, %parallel_loop3A_1876, %parallel_loop3A_1899, %parallel_loop3A_1922, %parallel_loop3A_1767, %parallel_loop3A_1790, %parallel_loop3A_1813, %parallel_loop3A_1836, %parallel_loop3A_1859, %parallel_loop3A_1882, %parallel_loop3A_1905, %parallel_loop3A_1928, %parallel_loop3A_1778, %parallel_loop3A_1801, %parallel_loop3A_1824, %parallel_loop3A_1847, %parallel_loop3A_1870, %parallel_loop3A_1893, %parallel_loop3A_1916, %parallel_loop3A_1939 : vector<16xf32>, vector<16xf32>, vector<16xf32>, vector<16xf32>, vector<16xf32>, vector<16xf32>, vector<16xf32>, vector<16xf32>, vector<16xf32>, vector<16xf32>, vector<16xf32>, vector<16xf32>, vector<16xf32>, vector<16xf32>, vector<16xf32>, vector<16xf32>, vector<16xf32>, vector<16xf32>, vector<16xf32>, vector<16xf32>, vector<16xf32>, vector<16xf32>, vector<16xf32>, vector<16xf32>
      } {sc.loop_unroll_factor = 1 : i64, sc.parallel_access}
      %div3A_775 = arith.divf %parallel_loop3A_774#16, %parallel_loop3A_774#8 : vector<16xf32>
      %swap3A_776 = arith.constant 0 : i32
      %swap3A_777 = arith.constant 1 : i32
      %swap3A_778 = arith.index_cast %swap3A_776 : i32 to index
      %swap3A_779 = arith.index_cast %swap3A_777 : i32 to index
      %swap3A_780 = arith.constant 0 : index
      %swap3A_781 = tpu.vector_load %arg13[%swap3A_778, %swap3A_779, %swap3A_780] {strides = array<i32>} : memref<2x2x128xf32, #tpu.memory_space<vmem>>, vector<1x1x16xf32>,
      %swap3A_782 = vector.shape_cast %swap3A_781 : vector<1x1x16xf32> to vector<16xf32>
      %swap3A_783 = vector.shape_cast %div3A_775 : vector<16xf32> to vector<1x1x16xf32>
      tpu.vector_store %arg13[%swap3A_778, %swap3A_779, %swap3A_780], %swap3A_783 {strides = array<i32>} : memref<2x2x128xf32, #tpu.memory_space<vmem>>, vector<1x1x16xf32>,
      %div3A_784 = arith.divf %parallel_loop3A_774#17, %parallel_loop3A_774#9 : vector<16xf32>
      %swap3A_785 = arith.constant 0 : i32
      %swap3A_786 = arith.constant 1 : i32
      %swap3A_787 = arith.index_cast %swap3A_785 : i32 to index
      %swap3A_788 = arith.index_cast %swap3A_786 : i32 to index
      %swap3A_789 = arith.constant 16 : index
      %swap3A_790 = tpu.vector_load %arg13[%swap3A_787, %swap3A_788, %swap3A_789] {strides = array<i32>} : memref<2x2x128xf32, #tpu.memory_space<vmem>>, vector<1x1x16xf32>,
      %swap3A_791 = vector.shape_cast %swap3A_790 : vector<1x1x16xf32> to vector<16xf32>
      %swap3A_792 = vector.shape_cast %div3A_784 : vector<16xf32> to vector<1x1x16xf32>
      tpu.vector_store %arg13[%swap3A_787, %swap3A_788, %swap3A_789], %swap3A_792 {strides = array<i32>} : memref<2x2x128xf32, #tpu.memory_space<vmem>>, vector<1x1x16xf32>,
      %div3A_793 = arith.divf %parallel_loop3A_774#18, %parallel_loop3A_774#10 : vector<16xf32>
      %swap3A_794 = arith.constant 0 : i32
      %swap3A_795 = arith.constant 1 : i32
      %swap3A_796 = arith.index_cast %swap3A_794 : i32 to index
      %swap3A_797 = arith.index_cast %swap3A_795 : i32 to index
      %swap3A_798 = arith.constant 32 : index
      %swap3A_799 = tpu.vector_load %arg13[%swap3A_796, %swap3A_797, %swap3A_798] {strides = array<i32>} : memref<2x2x128xf32, #tpu.memory_space<vmem>>, vector<1x1x16xf32>,
      %swap3A_800 = vector.shape_cast %swap3A_799 : vector<1x1x16xf32> to vector<16xf32>
      %swap3A_801 = vector.shape_cast %div3A_793 : vector<16xf32> to vector<1x1x16xf32>
      tpu.vector_store %arg13[%swap3A_796, %swap3A_797, %swap3A_798], %swap3A_801 {strides = array<i32>} : memref<2x2x128xf32, #tpu.memory_space<vmem>>, vector<1x1x16xf32>,
      %div3A_802 = arith.divf %parallel_loop3A_774#19, %parallel_loop3A_774#11 : vector<16xf32>
      %swap3A_803 = arith.constant 0 : i32
      %swap3A_804 = arith.constant 1 : i32
      %swap3A_805 = arith.index_cast %swap3A_803 : i32 to index
      %swap3A_806 = arith.index_cast %swap3A_804 : i32 to index
      %swap3A_807 = arith.constant 48 : index
      %swap3A_808 = tpu.vector_load %arg13[%swap3A_805, %swap3A_806, %swap3A_807] {strides = array<i32>} : memref<2x2x128xf32, #tpu.memory_space<vmem>>, vector<1x1x16xf32>,
      %swap3A_809 = vector.shape_cast %swap3A_808 : vector<1x1x16xf32> to vector<16xf32>
      %swap3A_810 = vector.shape_cast %div3A_802 : vector<16xf32> to vector<1x1x16xf32>
      tpu.vector_store %arg13[%swap3A_805, %swap3A_806, %swap3A_807], %swap3A_810 {strides = array<i32>} : memref<2x2x128xf32, #tpu.memory_space<vmem>>, vector<1x1x16xf32>,
      %div3A_811 = arith.divf %parallel_loop3A_774#20, %parallel_loop3A_774#12 : vector<16xf32>
      %swap3A_812 = arith.constant 0 : i32
      %swap3A_813 = arith.constant 1 : i32
      %swap3A_814 = arith.index_cast %swap3A_812 : i32 to index
      %swap3A_815 = arith.index_cast %swap3A_813 : i32 to index
      %swap3A_816 = arith.constant 64 : index
      %swap3A_817 = tpu.vector_load %arg13[%swap3A_814, %swap3A_815, %swap3A_816] {strides = array<i32>} : memref<2x2x128xf32, #tpu.memory_space<vmem>>, vector<1x1x16xf32>,
      %swap3A_818 = vector.shape_cast %swap3A_817 : vector<1x1x16xf32> to vector<16xf32>
      %swap3A_819 = vector.shape_cast %div3A_811 : vector<16xf32> to vector<1x1x16xf32>
      tpu.vector_store %arg13[%swap3A_814, %swap3A_815, %swap3A_816], %swap3A_819 {strides = array<i32>} : memref<2x2x128xf32, #tpu.memory_space<vmem>>, vector<1x1x16xf32>,
      %div3A_820 = arith.divf %parallel_loop3A_774#21, %parallel_loop3A_774#13 : vector<16xf32>
      %swap3A_821 = arith.constant 0 : i32
      %swap3A_822 = arith.constant 1 : i32
      %swap3A_823 = arith.index_cast %swap3A_821 : i32 to index
      %swap3A_824 = arith.index_cast %swap3A_822 : i32 to index
      %swap3A_825 = arith.constant 80 : index
      %swap3A_826 = tpu.vector_load %arg13[%swap3A_823, %swap3A_824, %swap3A_825] {strides = array<i32>} : memref<2x2x128xf32, #tpu.memory_space<vmem>>, vector<1x1x16xf32>,
      %swap3A_827 = vector.shape_cast %swap3A_826 : vector<1x1x16xf32> to vector<16xf32>
      %swap3A_828 = vector.shape_cast %div3A_820 : vector<16xf32> to vector<1x1x16xf32>
      tpu.vector_store %arg13[%swap3A_823, %swap3A_824, %swap3A_825], %swap3A_828 {strides = array<i32>} : memref<2x2x128xf32, #tpu.memory_space<vmem>>, vector<1x1x16xf32>,
      %div3A_829 = arith.divf %parallel_loop3A_774#22, %parallel_loop3A_774#14 : vector<16xf32>
      %swap3A_830 = arith.constant 0 : i32
      %swap3A_831 = arith.constant 1 : i32
      %swap3A_832 = arith.index_cast %swap3A_830 : i32 to index
      %swap3A_833 = arith.index_cast %swap3A_831 : i32 to index
      %swap3A_834 = arith.constant 96 : index
      %swap3A_835 = tpu.vector_load %arg13[%swap3A_832, %swap3A_833, %swap3A_834] {strides = array<i32>} : memref<2x2x128xf32, #tpu.memory_space<vmem>>, vector<1x1x16xf32>,
      %swap3A_836 = vector.shape_cast %swap3A_835 : vector<1x1x16xf32> to vector<16xf32>
      %swap3A_837 = vector.shape_cast %div3A_829 : vector<16xf32> to vector<1x1x16xf32>
      tpu.vector_store %arg13[%swap3A_832, %swap3A_833, %swap3A_834], %swap3A_837 {strides = array<i32>} : memref<2x2x128xf32, #tpu.memory_space<vmem>>, vector<1x1x16xf32>,
      %div3A_838 = arith.divf %parallel_loop3A_774#23, %parallel_loop3A_774#15 : vector<16xf32>
      %swap3A_839 = arith.constant 0 : i32
      %swap3A_840 = arith.constant 1 : i32
      %swap3A_841 = arith.index_cast %swap3A_839 : i32 to index
      %swap3A_842 = arith.index_cast %swap3A_840 : i32 to index
      %swap3A_843 = arith.constant 112 : index
      %swap3A_844 = tpu.vector_load %arg13[%swap3A_841, %swap3A_842, %swap3A_843] {strides = array<i32>} : memref<2x2x128xf32, #tpu.memory_space<vmem>>, vector<1x1x16xf32>,
      %swap3A_845 = vector.shape_cast %swap3A_844 : vector<1x1x16xf32> to vector<16xf32>
      %swap3A_846 = vector.shape_cast %div3A_838 : vector<16xf32> to vector<1x1x16xf32>
      tpu.vector_store %arg13[%swap3A_841, %swap3A_842, %swap3A_843], %swap3A_846 {strides = array<i32>} : memref<2x2x128xf32, #tpu.memory_space<vmem>>, vector<1x1x16xf32>,
      %mul3A_847 = arith.constant 2 : i32
      %mul3A_848 = arith.muli %mul3A_132, %mul3A_847 : i32
      %add3A_849 = arith.addi %mul3A_2, %mul3A_848 : i32
      %dma_start3A_850 = arith.constant 0 : i32
      %dma_start3A_851 = arith.constant 0 : i32
      %dma_start3A_852 = arith.constant 0 : i32
      %dma_start3A_853 = tpu.memref_slice %arg13[%dma_start3A_850, %dma_start3A_851, %dma_start3A_852] : memref<2x2x128xf32, #tpu.memory_space<vmem>> -> memref<1x2x128xf32, #tpu.memory_space<vmem>>
      %dma_start3A_854 = tpu.memref_squeeze %dma_start3A_853 : memref<1x2x128xf32, #tpu.memory_space<vmem>> -> memref<2x128xf32, #tpu.memory_space<vmem>>
      %dma_start3A_855 = arith.constant 0 : i32
      %dma_start3A_856 = tpu.memref_slice %arg7[%add3A_849, %dma_start3A_855] : memref<4480x128xf32, #tpu.memory_space<hbm>> -> memref<2x128xf32, #tpu.memory_space<hbm>>
      %dma_start3A_857 = arith.constant 0 : i32
      %dma_start3A_858 = tpu.memref_slice %arg7[%add3A_849, %dma_start3A_857] : memref<4480x128xf32, #tpu.memory_space<hbm>> -> memref<2x128xf32, #tpu.memory_space<hbm>>
      %dma_start3A_859 = arith.constant 0 : i32
      %dma_start3A_860 = arith.constant 0 : i32
      %dma_start3A_861 = tpu.memref_slice %arg13[%dma_start3A_850, %dma_start3A_859, %dma_start3A_860] : memref<2x2x128xf32, #tpu.memory_space<vmem>> -> memref<1x2x128xf32, #tpu.memory_space<vmem>>
      %dma_start3A_862 = tpu.memref_squeeze %dma_start3A_861 : memref<1x2x128xf32, #tpu.memory_space<vmem>> -> memref<2x128xf32, #tpu.memory_space<vmem>>
      tpu.enqueue_dma source(%dma_start3A_862 : memref<2x128xf32, #tpu.memory_space<vmem>>) target(%dma_start3A_858 : memref<2x128xf32, #tpu.memory_space<hbm>>) target_semaphore(%arg16 : memref<!tpu.dma_semaphore, #tpu.memory_space<semaphore_mem>>)
      %mul3A_863 = arith.constant 2 : i32
      %mul3A_864 = arith.muli %mul3A_863, %scan3A_129 : i32
      %add3A_865 = arith.constant 1 : i32
      %add3A_866 = arith.addi %mul3A_864, %add3A_865 : i32
      %lt3A_867 = arith.constant 34 : i32
      %lt3A_868 = arith.cmpi slt, %scan3A_129, %lt3A_867 : i32
      %convert_element_type3A_869 = arith.extui %lt3A_868 : i1 to i32
      %cond3A_870 = arith.constant 0 : i32
      %cond3A_871 = arith.cmpi ne, %convert_element_type3A_869, %cond3A_870 : i32
      scf.if %cond3A_871 {
        %add3A_1532 = arith.constant 1 : i32
        %add3A_1533 = arith.addi %add3A_866, %add3A_1532 : i32
        %mul3A_1534 = arith.constant 2 : i32
        %mul3A_1535 = arith.muli %add3A_1533, %mul3A_1534 : i32
        %add3A_1536 = arith.addi %add3A_4, %mul3A_1535 : i32
        %dma_start3A_1537 = arith.constant 0 : i32
        %dma_start3A_1538 = arith.constant 0 : i32
        %dma_start3A_1539 = arith.constant 0 : i32
        %dma_start3A_1540 = tpu.memref_slice %arg8[%dma_start3A_1537, %dma_start3A_1538, %dma_start3A_1539] : memref<2x2x128xf32, #tpu.memory_space<vmem>> -> memref<1x2x128xf32, #tpu.memory_space<vmem>>
        %dma_start3A_1541 = tpu.memref_squeeze %dma_start3A_1540 : memref<1x2x128xf32, #tpu.memory_space<vmem>> -> memref<2x128xf32, #tpu.memory_space<vmem>>
        %dma_start3A_1542 = arith.constant 0 : i32
        %dma_start3A_1543 = tpu.memref_slice %arg2[%add3A_1536, %dma_start3A_1542] : memref<10000x128xf32, #tpu.memory_space<hbm>> -> memref<2x128xf32, #tpu.memory_space<hbm>>
        %dma_start3A_1544 = arith.constant 0 : i32
        %dma_start3A_1545 = arith.constant 0 : i32
        %dma_start3A_1546 = tpu.memref_slice %arg8[%dma_start3A_1537, %dma_start3A_1544, %dma_start3A_1545] : memref<2x2x128xf32, #tpu.memory_space<vmem>> -> memref<1x2x128xf32, #tpu.memory_space<vmem>>
        %dma_start3A_1547 = tpu.memref_squeeze %dma_start3A_1546 : memref<1x2x128xf32, #tpu.memory_space<vmem>> -> memref<2x128xf32, #tpu.memory_space<vmem>>
        %dma_start3A_1548 = arith.constant 0 : i32
        %dma_start3A_1549 = tpu.memref_slice %arg2[%add3A_1536, %dma_start3A_1548] : memref<10000x128xf32, #tpu.memory_space<hbm>> -> memref<2x128xf32, #tpu.memory_space<hbm>>
        tpu.enqueue_dma source(%dma_start3A_1549 : memref<2x128xf32, #tpu.memory_space<hbm>>) target(%dma_start3A_1547 : memref<2x128xf32, #tpu.memory_space<vmem>>) target_semaphore(%arg14 : memref<!tpu.dma_semaphore, #tpu.memory_space<semaphore_mem>>)
        %dma_start3A_1550 = arith.constant 0 : i32
        %dma_start3A_1551 = arith.constant 0 : i32
        %dma_start3A_1552 = arith.constant 0 : i32
        %dma_start3A_1553 = tpu.memref_slice %arg9[%dma_start3A_1550, %dma_start3A_1551, %dma_start3A_1552] : memref<2x2x128xf32, #tpu.memory_space<vmem>> -> memref<1x2x128xf32, #tpu.memory_space<vmem>>
        %dma_start3A_1554 = tpu.memref_squeeze %dma_start3A_1553 : memref<1x2x128xf32, #tpu.memory_space<vmem>> -> memref<2x128xf32, #tpu.memory_space<vmem>>
        %dma_start3A_1555 = arith.constant 0 : i32
        %dma_start3A_1556 = tpu.memref_slice %arg3[%add3A_1536, %dma_start3A_1555] : memref<10000x128xf32, #tpu.memory_space<hbm>> -> memref<2x128xf32, #tpu.memory_space<hbm>>
        %dma_start3A_1557 = arith.constant 0 : i32
        %dma_start3A_1558 = arith.constant 0 : i32
        %dma_start3A_1559 = tpu.memref_slice %arg9[%dma_start3A_1550, %dma_start3A_1557, %dma_start3A_1558] : memref<2x2x128xf32, #tpu.memory_space<vmem>> -> memref<1x2x128xf32, #tpu.memory_space<vmem>>
        %dma_start3A_1560 = tpu.memref_squeeze %dma_start3A_1559 : memref<1x2x128xf32, #tpu.memory_space<vmem>> -> memref<2x128xf32, #tpu.memory_space<vmem>>
        %dma_start3A_1561 = arith.constant 0 : i32
        %dma_start3A_1562 = tpu.memref_slice %arg3[%add3A_1536, %dma_start3A_1561] : memref<10000x128xf32, #tpu.memory_space<hbm>> -> memref<2x128xf32, #tpu.memory_space<hbm>>
        tpu.enqueue_dma source(%dma_start3A_1562 : memref<2x128xf32, #tpu.memory_space<hbm>>) target(%dma_start3A_1560 : memref<2x128xf32, #tpu.memory_space<vmem>>) target_semaphore(%arg14 : memref<!tpu.dma_semaphore, #tpu.memory_space<semaphore_mem>>)
        %dma_start3A_1563 = arith.constant 0 : i32
        %dma_start3A_1564 = arith.constant 0 : i32
        %dma_start3A_1565 = arith.constant 0 : i32
        %dma_start3A_1566 = arith.constant 0 : i32
        %dma_start3A_1567 = tpu.memref_slice %arg10[%dma_start3A_1563, %dma_start3A_1564, %dma_start3A_1565, %dma_start3A_1566] : memref<2x2x32x128xf32, #tpu.memory_space<vmem>> -> memref<1x2x32x128xf32, #tpu.memory_space<vmem>>
        %dma_start3A_1568 = tpu.memref_squeeze %dma_start3A_1567 : memref<1x2x32x128xf32, #tpu.memory_space<vmem>> -> memref<2x32x128xf32, #tpu.memory_space<vmem>>
        %dma_start3A_1569 = arith.constant 0 : i32
        %dma_start3A_1570 = arith.constant 0 : i32
        %dma_start3A_1571 = tpu.memref_slice %arg4[%add3A_1536, %dma_start3A_1569, %dma_start3A_1570] : memref<10000x32x128xf32, #tpu.memory_space<hbm>> -> memref<2x32x128xf32, #tpu.memory_space<hbm>>
        %dma_start3A_1572 = arith.constant 0 : i32
        %dma_start3A_1573 = arith.constant 0 : i32
        %dma_start3A_1574 = arith.constant 0 : i32
        %dma_start3A_1575 = tpu.memref_slice %arg10[%dma_start3A_1563, %dma_start3A_1572, %dma_start3A_1573, %dma_start3A_1574] : memref<2x2x32x128xf32, #tpu.memory_space<vmem>> -> memref<1x2x32x128xf32, #tpu.memory_space<vmem>>
        %dma_start3A_1576 = tpu.memref_squeeze %dma_start3A_1575 : memref<1x2x32x128xf32, #tpu.memory_space<vmem>> -> memref<2x32x128xf32, #tpu.memory_space<vmem>>
        %dma_start3A_1577 = arith.constant 0 : i32
        %dma_start3A_1578 = arith.constant 0 : i32
        %dma_start3A_1579 = tpu.memref_slice %arg4[%add3A_1536, %dma_start3A_1577, %dma_start3A_1578] : memref<10000x32x128xf32, #tpu.memory_space<hbm>> -> memref<2x32x128xf32, #tpu.memory_space<hbm>>
        tpu.enqueue_dma source(%dma_start3A_1579 : memref<2x32x128xf32, #tpu.memory_space<hbm>>) target(%dma_start3A_1576 : memref<2x32x128xf32, #tpu.memory_space<vmem>>) target_semaphore(%arg14 : memref<!tpu.dma_semaphore, #tpu.memory_space<semaphore_mem>>)
        %dma_start3A_1580 = arith.constant 0 : i32
        %dma_start3A_1581 = arith.constant 0 : i32
        %dma_start3A_1582 = arith.constant 0 : i32
        %dma_start3A_1583 = arith.constant 0 : i32
        %dma_start3A_1584 = tpu.memref_slice %arg11[%dma_start3A_1580, %dma_start3A_1581, %dma_start3A_1582, %dma_start3A_1583] : memref<2x2x32x128xf32, #tpu.memory_space<vmem>> -> memref<1x2x32x128xf32, #tpu.memory_space<vmem>>
        %dma_start3A_1585 = tpu.memref_squeeze %dma_start3A_1584 : memref<1x2x32x128xf32, #tpu.memory_space<vmem>> -> memref<2x32x128xf32, #tpu.memory_space<vmem>>
        %dma_start3A_1586 = arith.constant 0 : i32
        %dma_start3A_1587 = arith.constant 0 : i32
        %dma_start3A_1588 = tpu.memref_slice %arg5[%add3A_1536, %dma_start3A_1586, %dma_start3A_1587] : memref<10000x32x128xf32, #tpu.memory_space<hbm>> -> memref<2x32x128xf32, #tpu.memory_space<hbm>>
        %dma_start3A_1589 = arith.constant 0 : i32
        %dma_start3A_1590 = arith.constant 0 : i32
        %dma_start3A_1591 = arith.constant 0 : i32
        %dma_start3A_1592 = tpu.memref_slice %arg11[%dma_start3A_1580, %dma_start3A_1589, %dma_start3A_1590, %dma_start3A_1591] : memref<2x2x32x128xf32, #tpu.memory_space<vmem>> -> memref<1x2x32x128xf32, #tpu.memory_space<vmem>>
        %dma_start3A_1593 = tpu.memref_squeeze %dma_start3A_1592 : memref<1x2x32x128xf32, #tpu.memory_space<vmem>> -> memref<2x32x128xf32, #tpu.memory_space<vmem>>
        %dma_start3A_1594 = arith.constant 0 : i32
        %dma_start3A_1595 = arith.constant 0 : i32
        %dma_start3A_1596 = tpu.memref_slice %arg5[%add3A_1536, %dma_start3A_1594, %dma_start3A_1595] : memref<10000x32x128xf32, #tpu.memory_space<hbm>> -> memref<2x32x128xf32, #tpu.memory_space<hbm>>
        tpu.enqueue_dma source(%dma_start3A_1596 : memref<2x32x128xf32, #tpu.memory_space<hbm>>) target(%dma_start3A_1593 : memref<2x32x128xf32, #tpu.memory_space<vmem>>) target_semaphore(%arg14 : memref<!tpu.dma_semaphore, #tpu.memory_space<semaphore_mem>>)
        %dma_start3A_1597 = arith.constant 0 : i32
        %dma_start3A_1598 = arith.constant 0 : i32
        %dma_start3A_1599 = arith.constant 0 : i32
        %dma_start3A_1600 = arith.constant 0 : i32
        %dma_start3A_1601 = tpu.memref_slice %arg12[%dma_start3A_1597, %dma_start3A_1598, %dma_start3A_1599, %dma_start3A_1600] : memref<2x2x32x128xf32, #tpu.memory_space<vmem>> -> memref<1x2x32x128xf32, #tpu.memory_space<vmem>>
        %dma_start3A_1602 = tpu.memref_squeeze %dma_start3A_1601 : memref<1x2x32x128xf32, #tpu.memory_space<vmem>> -> memref<2x32x128xf32, #tpu.memory_space<vmem>>
        %dma_start3A_1603 = arith.constant 0 : i32
        %dma_start3A_1604 = arith.constant 0 : i32
        %dma_start3A_1605 = tpu.memref_slice %arg6[%add3A_1536, %dma_start3A_1603, %dma_start3A_1604] : memref<10000x32x128xf32, #tpu.memory_space<hbm>> -> memref<2x32x128xf32, #tpu.memory_space<hbm>>
        %dma_start3A_1606 = arith.constant 0 : i32
        %dma_start3A_1607 = arith.constant 0 : i32
        %dma_start3A_1608 = arith.constant 0 : i32
        %dma_start3A_1609 = tpu.memref_slice %arg12[%dma_start3A_1597, %dma_start3A_1606, %dma_start3A_1607, %dma_start3A_1608] : memref<2x2x32x128xf32, #tpu.memory_space<vmem>> -> memref<1x2x32x128xf32, #tpu.memory_space<vmem>>
        %dma_start3A_1610 = tpu.memref_squeeze %dma_start3A_1609 : memref<1x2x32x128xf32, #tpu.memory_space<vmem>> -> memref<2x32x128xf32, #tpu.memory_space<vmem>>
        %dma_start3A_1611 = arith.constant 0 : i32
        %dma_start3A_1612 = arith.constant 0 : i32
        %dma_start3A_1613 = tpu.memref_slice %arg6[%add3A_1536, %dma_start3A_1611, %dma_start3A_1612] : memref<10000x32x128xf32, #tpu.memory_space<hbm>> -> memref<2x32x128xf32, #tpu.memory_space<hbm>>
        tpu.enqueue_dma source(%dma_start3A_1613 : memref<2x32x128xf32, #tpu.memory_space<hbm>>) target(%dma_start3A_1610 : memref<2x32x128xf32, #tpu.memory_space<vmem>>) target_semaphore(%arg14 : memref<!tpu.dma_semaphore, #tpu.memory_space<semaphore_mem>>)
      } else {
      }
      %mul3A_872 = arith.constant 2 : i32
      %mul3A_873 = arith.muli %add3A_866, %mul3A_872 : i32
      %add3A_874 = arith.addi %add3A_4, %mul3A_873 : i32
      %dma_wait3A_875 = arith.constant 1 : i32
      %dma_wait3A_876 = arith.constant 0 : i32
      %dma_wait3A_877 = arith.constant 0 : i32
      %dma_wait3A_878 = tpu.memref_slice %arg8[%dma_wait3A_875, %dma_wait3A_876, %dma_wait3A_877] : memref<2x2x128xf32, #tpu.memory_space<vmem>> -> memref<1x2x128xf32, #tpu.memory_space<vmem>>
      %dma_wait3A_879 = tpu.memref_squeeze %dma_wait3A_878 : memref<1x2x128xf32, #tpu.memory_space<vmem>> -> memref<2x128xf32, #tpu.memory_space<vmem>>
      %dma_wait3A_880 = arith.constant 0 : i32
      %dma_wait3A_881 = tpu.memref_slice %arg2[%add3A_874, %dma_wait3A_880] : memref<10000x128xf32, #tpu.memory_space<hbm>> -> memref<2x128xf32, #tpu.memory_space<hbm>>
      %dma_wait3A_882 = arith.constant 0 : i32
      %dma_wait3A_883 = arith.constant 0 : i32
      %dma_wait3A_884 = tpu.memref_slice %arg8[%dma_wait3A_875, %dma_wait3A_882, %dma_wait3A_883] : memref<2x2x128xf32, #tpu.memory_space<vmem>> -> memref<1x2x128xf32, #tpu.memory_space<vmem>>
      %dma_wait3A_885 = tpu.memref_squeeze %dma_wait3A_884 : memref<1x2x128xf32, #tpu.memory_space<vmem>> -> memref<2x128xf32, #tpu.memory_space<vmem>>
      %dma_wait3A_886 = arith.constant 0 : i32
      %dma_wait3A_887 = tpu.memref_slice %arg2[%add3A_874, %dma_wait3A_886] : memref<10000x128xf32, #tpu.memory_space<hbm>> -> memref<2x128xf32, #tpu.memory_space<hbm>>
      tpu.wait_dma2 semaphore(%arg15 : memref<!tpu.dma_semaphore, #tpu.memory_space<semaphore_mem>>) src(%dma_wait3A_887 : memref<2x128xf32, #tpu.memory_space<hbm>>) dst(%dma_wait3A_885 : memref<2x128xf32, #tpu.memory_space<vmem>>)
      %dma_wait3A_888 = arith.constant 1 : i32
      %dma_wait3A_889 = arith.constant 0 : i32
      %dma_wait3A_890 = arith.constant 0 : i32
      %dma_wait3A_891 = tpu.memref_slice %arg9[%dma_wait3A_888, %dma_wait3A_889, %dma_wait3A_890] : memref<2x2x128xf32, #tpu.memory_space<vmem>> -> memref<1x2x128xf32, #tpu.memory_space<vmem>>
      %dma_wait3A_892 = tpu.memref_squeeze %dma_wait3A_891 : memref<1x2x128xf32, #tpu.memory_space<vmem>> -> memref<2x128xf32, #tpu.memory_space<vmem>>
      %dma_wait3A_893 = arith.constant 0 : i32
      %dma_wait3A_894 = tpu.memref_slice %arg3[%add3A_874, %dma_wait3A_893] : memref<10000x128xf32, #tpu.memory_space<hbm>> -> memref<2x128xf32, #tpu.memory_space<hbm>>
      %dma_wait3A_895 = arith.constant 0 : i32
      %dma_wait3A_896 = arith.constant 0 : i32
      %dma_wait3A_897 = tpu.memref_slice %arg9[%dma_wait3A_888, %dma_wait3A_895, %dma_wait3A_896] : memref<2x2x128xf32, #tpu.memory_space<vmem>> -> memref<1x2x128xf32, #tpu.memory_space<vmem>>
      %dma_wait3A_898 = tpu.memref_squeeze %dma_wait3A_897 : memref<1x2x128xf32, #tpu.memory_space<vmem>> -> memref<2x128xf32, #tpu.memory_space<vmem>>
      %dma_wait3A_899 = arith.constant 0 : i32
      %dma_wait3A_900 = tpu.memref_slice %arg3[%add3A_874, %dma_wait3A_899] : memref<10000x128xf32, #tpu.memory_space<hbm>> -> memref<2x128xf32, #tpu.memory_space<hbm>>
      tpu.wait_dma2 semaphore(%arg15 : memref<!tpu.dma_semaphore, #tpu.memory_space<semaphore_mem>>) src(%dma_wait3A_900 : memref<2x128xf32, #tpu.memory_space<hbm>>) dst(%dma_wait3A_898 : memref<2x128xf32, #tpu.memory_space<vmem>>)
      %dma_wait3A_901 = arith.constant 1 : i32
      %dma_wait3A_902 = arith.constant 0 : i32
      %dma_wait3A_903 = arith.constant 0 : i32
      %dma_wait3A_904 = arith.constant 0 : i32
      %dma_wait3A_905 = tpu.memref_slice %arg10[%dma_wait3A_901, %dma_wait3A_902, %dma_wait3A_903, %dma_wait3A_904] : memref<2x2x32x128xf32, #tpu.memory_space<vmem>> -> memref<1x2x32x128xf32, #tpu.memory_space<vmem>>
      %dma_wait3A_906 = tpu.memref_squeeze %dma_wait3A_905 : memref<1x2x32x128xf32, #tpu.memory_space<vmem>> -> memref<2x32x128xf32, #tpu.memory_space<vmem>>
      %dma_wait3A_907 = arith.constant 0 : i32
      %dma_wait3A_908 = arith.constant 0 : i32
      %dma_wait3A_909 = tpu.memref_slice %arg4[%add3A_874, %dma_wait3A_907, %dma_wait3A_908] : memref<10000x32x128xf32, #tpu.memory_space<hbm>> -> memref<2x32x128xf32, #tpu.memory_space<hbm>>
      %dma_wait3A_910 = arith.constant 0 : i32
      %dma_wait3A_911 = arith.constant 0 : i32
      %dma_wait3A_912 = arith.constant 0 : i32
      %dma_wait3A_913 = tpu.memref_slice %arg10[%dma_wait3A_901, %dma_wait3A_910, %dma_wait3A_911, %dma_wait3A_912] : memref<2x2x32x128xf32, #tpu.memory_space<vmem>> -> memref<1x2x32x128xf32, #tpu.memory_space<vmem>>
      %dma_wait3A_914 = tpu.memref_squeeze %dma_wait3A_913 : memref<1x2x32x128xf32, #tpu.memory_space<vmem>> -> memref<2x32x128xf32, #tpu.memory_space<vmem>>
      %dma_wait3A_915 = arith.constant 0 : i32
      %dma_wait3A_916 = arith.constant 0 : i32
      %dma_wait3A_917 = tpu.memref_slice %arg4[%add3A_874, %dma_wait3A_915, %dma_wait3A_916] : memref<10000x32x128xf32, #tpu.memory_space<hbm>> -> memref<2x32x128xf32, #tpu.memory_space<hbm>>
      tpu.wait_dma2 semaphore(%arg15 : memref<!tpu.dma_semaphore, #tpu.memory_space<semaphore_mem>>) src(%dma_wait3A_917 : memref<2x32x128xf32, #tpu.memory_space<hbm>>) dst(%dma_wait3A_914 : memref<2x32x128xf32, #tpu.memory_space<vmem>>)
      %dma_wait3A_918 = arith.constant 1 : i32
      %dma_wait3A_919 = arith.constant 0 : i32
      %dma_wait3A_920 = arith.constant 0 : i32
      %dma_wait3A_921 = arith.constant 0 : i32
      %dma_wait3A_922 = tpu.memref_slice %arg11[%dma_wait3A_918, %dma_wait3A_919, %dma_wait3A_920, %dma_wait3A_921] : memref<2x2x32x128xf32, #tpu.memory_space<vmem>> -> memref<1x2x32x128xf32, #tpu.memory_space<vmem>>
      %dma_wait3A_923 = tpu.memref_squeeze %dma_wait3A_922 : memref<1x2x32x128xf32, #tpu.memory_space<vmem>> -> memref<2x32x128xf32, #tpu.memory_space<vmem>>
      %dma_wait3A_924 = arith.constant 0 : i32
      %dma_wait3A_925 = arith.constant 0 : i32
      %dma_wait3A_926 = tpu.memref_slice %arg5[%add3A_874, %dma_wait3A_924, %dma_wait3A_925] : memref<10000x32x128xf32, #tpu.memory_space<hbm>> -> memref<2x32x128xf32, #tpu.memory_space<hbm>>
      %dma_wait3A_927 = arith.constant 0 : i32
      %dma_wait3A_928 = arith.constant 0 : i32
      %dma_wait3A_929 = arith.constant 0 : i32
      %dma_wait3A_930 = tpu.memref_slice %arg11[%dma_wait3A_918, %dma_wait3A_927, %dma_wait3A_928, %dma_wait3A_929] : memref<2x2x32x128xf32, #tpu.memory_space<vmem>> -> memref<1x2x32x128xf32, #tpu.memory_space<vmem>>
      %dma_wait3A_931 = tpu.memref_squeeze %dma_wait3A_930 : memref<1x2x32x128xf32, #tpu.memory_space<vmem>> -> memref<2x32x128xf32, #tpu.memory_space<vmem>>
      %dma_wait3A_932 = arith.constant 0 : i32
      %dma_wait3A_933 = arith.constant 0 : i32
      %dma_wait3A_934 = tpu.memref_slice %arg5[%add3A_874, %dma_wait3A_932, %dma_wait3A_933] : memref<10000x32x128xf32, #tpu.memory_space<hbm>> -> memref<2x32x128xf32, #tpu.memory_space<hbm>>
      tpu.wait_dma2 semaphore(%arg15 : memref<!tpu.dma_semaphore, #tpu.memory_space<semaphore_mem>>) src(%dma_wait3A_934 : memref<2x32x128xf32, #tpu.memory_space<hbm>>) dst(%dma_wait3A_931 : memref<2x32x128xf32, #tpu.memory_space<vmem>>)
      %dma_wait3A_935 = arith.constant 1 : i32
      %dma_wait3A_936 = arith.constant 0 : i32
      %dma_wait3A_937 = arith.constant 0 : i32
      %dma_wait3A_938 = arith.constant 0 : i32
      %dma_wait3A_939 = tpu.memref_slice %arg12[%dma_wait3A_935, %dma_wait3A_936, %dma_wait3A_937, %dma_wait3A_938] : memref<2x2x32x128xf32, #tpu.memory_space<vmem>> -> memref<1x2x32x128xf32, #tpu.memory_space<vmem>>
      %dma_wait3A_940 = tpu.memref_squeeze %dma_wait3A_939 : memref<1x2x32x128xf32, #tpu.memory_space<vmem>> -> memref<2x32x128xf32, #tpu.memory_space<vmem>>
      %dma_wait3A_941 = arith.constant 0 : i32
      %dma_wait3A_942 = arith.constant 0 : i32
      %dma_wait3A_943 = tpu.memref_slice %arg6[%add3A_874, %dma_wait3A_941, %dma_wait3A_942] : memref<10000x32x128xf32, #tpu.memory_space<hbm>> -> memref<2x32x128xf32, #tpu.memory_space<hbm>>
      %dma_wait3A_944 = arith.constant 0 : i32
      %dma_wait3A_945 = arith.constant 0 : i32
      %dma_wait3A_946 = arith.constant 0 : i32
      %dma_wait3A_947 = tpu.memref_slice %arg12[%dma_wait3A_935, %dma_wait3A_944, %dma_wait3A_945, %dma_wait3A_946] : memref<2x2x32x128xf32, #tpu.memory_space<vmem>> -> memref<1x2x32x128xf32, #tpu.memory_space<vmem>>
      %dma_wait3A_948 = tpu.memref_squeeze %dma_wait3A_947 : memref<1x2x32x128xf32, #tpu.memory_space<vmem>> -> memref<2x32x128xf32, #tpu.memory_space<vmem>>
      %dma_wait3A_949 = arith.constant 0 : i32
      %dma_wait3A_950 = arith.constant 0 : i32
      %dma_wait3A_951 = tpu.memref_slice %arg6[%add3A_874, %dma_wait3A_949, %dma_wait3A_950] : memref<10000x32x128xf32, #tpu.memory_space<hbm>> -> memref<2x32x128xf32, #tpu.memory_space<hbm>>
      tpu.wait_dma2 semaphore(%arg15 : memref<!tpu.dma_semaphore, #tpu.memory_space<semaphore_mem>>) src(%dma_wait3A_951 : memref<2x32x128xf32, #tpu.memory_space<hbm>>) dst(%dma_wait3A_948 : memref<2x32x128xf32, #tpu.memory_space<vmem>>)
      %gt3A_952 = arith.constant 0 : i32
      %gt3A_953 = arith.cmpi sgt, %scan3A_129, %gt3A_952 : i32
      %convert_element_type3A_954 = arith.extui %gt3A_953 : i1 to i32
      %cond3A_955 = arith.constant 0 : i32
      %cond3A_956 = arith.cmpi ne, %convert_element_type3A_954, %cond3A_955 : i32
      scf.if %cond3A_956 {
        %sub3A = arith.constant 2 : i32
        %sub3A_1532 = arith.subi %add3A_866, %sub3A : i32
        %mul3A_1533 = arith.constant 2 : i32
        %mul3A_1534 = arith.muli %sub3A_1532, %mul3A_1533 : i32
        %add3A_1535 = arith.addi %mul3A_2, %mul3A_1534 : i32
        %dma_wait3A_1536 = arith.constant 1 : i32
        %dma_wait3A_1537 = arith.constant 0 : i32
        %dma_wait3A_1538 = arith.constant 0 : i32
        %dma_wait3A_1539 = tpu.memref_slice %arg13[%dma_wait3A_1536, %dma_wait3A_1537, %dma_wait3A_1538] : memref<2x2x128xf32, #tpu.memory_space<vmem>> -> memref<1x2x128xf32, #tpu.memory_space<vmem>>
        %dma_wait3A_1540 = tpu.memref_squeeze %dma_wait3A_1539 : memref<1x2x128xf32, #tpu.memory_space<vmem>> -> memref<2x128xf32, #tpu.memory_space<vmem>>
        %dma_wait3A_1541 = arith.constant 0 : i32
        %dma_wait3A_1542 = tpu.memref_slice %arg7[%add3A_1535, %dma_wait3A_1541] : memref<4480x128xf32, #tpu.memory_space<hbm>> -> memref<2x128xf32, #tpu.memory_space<hbm>>
        %dma_wait3A_1543 = arith.constant 0 : i32
        %dma_wait3A_1544 = tpu.memref_slice %arg7[%add3A_1535, %dma_wait3A_1543] : memref<4480x128xf32, #tpu.memory_space<hbm>> -> memref<2x128xf32, #tpu.memory_space<hbm>>
        %dma_wait3A_1545 = arith.constant 0 : i32
        %dma_wait3A_1546 = arith.constant 0 : i32
        %dma_wait3A_1547 = tpu.memref_slice %arg13[%dma_wait3A_1536, %dma_wait3A_1545, %dma_wait3A_1546] : memref<2x2x128xf32, #tpu.memory_space<vmem>> -> memref<1x2x128xf32, #tpu.memory_space<vmem>>
        %dma_wait3A_1548 = tpu.memref_squeeze %dma_wait3A_1547 : memref<1x2x128xf32, #tpu.memory_space<vmem>> -> memref<2x128xf32, #tpu.memory_space<vmem>>
        tpu.wait_dma2 semaphore(%arg17 : memref<!tpu.dma_semaphore, #tpu.memory_space<semaphore_mem>>) src(%dma_wait3A_1548 : memref<2x128xf32, #tpu.memory_space<vmem>>) dst(%dma_wait3A_1544 : memref<2x128xf32, #tpu.memory_space<hbm>>)
      } else {
      }
      %get3A_957 = arith.constant 1 : i32
      %get3A_958 = arith.constant 0 : i32
      %get3A_959 = arith.index_cast %get3A_957 : i32 to index
      %get3A_960 = arith.index_cast %get3A_958 : i32 to index
      %get3A_961 = arith.constant 0 : index
      %get3A_962 = tpu.vector_load %arg9[%get3A_959, %get3A_960, %get3A_961] {strides = array<i32>} : memref<2x2x128xf32, #tpu.memory_space<vmem>>, vector<1x1x16xf32>,
      %get3A_963 = vector.shape_cast %get3A_962 : vector<1x1x16xf32> to vector<16xf32>
      %get3A_964 = arith.constant 1 : i32
      %get3A_965 = arith.constant 0 : i32
      %get3A_966 = arith.index_cast %get3A_964 : i32 to index
      %get3A_967 = arith.index_cast %get3A_965 : i32 to index
      %get3A_968 = arith.constant 16 : index
      %get3A_969 = tpu.vector_load %arg9[%get3A_966, %get3A_967, %get3A_968] {strides = array<i32>} : memref<2x2x128xf32, #tpu.memory_space<vmem>>, vector<1x1x16xf32>,
      %get3A_970 = vector.shape_cast %get3A_969 : vector<1x1x16xf32> to vector<16xf32>
      %get3A_971 = arith.constant 1 : i32
      %get3A_972 = arith.constant 0 : i32
      %get3A_973 = arith.index_cast %get3A_971 : i32 to index
      %get3A_974 = arith.index_cast %get3A_972 : i32 to index
      %get3A_975 = arith.constant 32 : index
      %get3A_976 = tpu.vector_load %arg9[%get3A_973, %get3A_974, %get3A_975] {strides = array<i32>} : memref<2x2x128xf32, #tpu.memory_space<vmem>>, vector<1x1x16xf32>,
      %get3A_977 = vector.shape_cast %get3A_976 : vector<1x1x16xf32> to vector<16xf32>
      %get3A_978 = arith.constant 1 : i32
      %get3A_979 = arith.constant 0 : i32
      %get3A_980 = arith.index_cast %get3A_978 : i32 to index
      %get3A_981 = arith.index_cast %get3A_979 : i32 to index
      %get3A_982 = arith.constant 48 : index
      %get3A_983 = tpu.vector_load %arg9[%get3A_980, %get3A_981, %get3A_982] {strides = array<i32>} : memref<2x2x128xf32, #tpu.memory_space<vmem>>, vector<1x1x16xf32>,
      %get3A_984 = vector.shape_cast %get3A_983 : vector<1x1x16xf32> to vector<16xf32>
      %get3A_985 = arith.constant 1 : i32
      %get3A_986 = arith.constant 0 : i32
      %get3A_987 = arith.index_cast %get3A_985 : i32 to index
      %get3A_988 = arith.index_cast %get3A_986 : i32 to index
      %get3A_989 = arith.constant 64 : index
      %get3A_990 = tpu.vector_load %arg9[%get3A_987, %get3A_988, %get3A_989] {strides = array<i32>} : memref<2x2x128xf32, #tpu.memory_space<vmem>>, vector<1x1x16xf32>,
      %get3A_991 = vector.shape_cast %get3A_990 : vector<1x1x16xf32> to vector<16xf32>
      %get3A_992 = arith.constant 1 : i32
      %get3A_993 = arith.constant 0 : i32
      %get3A_994 = arith.index_cast %get3A_992 : i32 to index
      %get3A_995 = arith.index_cast %get3A_993 : i32 to index
      %get3A_996 = arith.constant 80 : index
      %get3A_997 = tpu.vector_load %arg9[%get3A_994, %get3A_995, %get3A_996] {strides = array<i32>} : memref<2x2x128xf32, #tpu.memory_space<vmem>>, vector<1x1x16xf32>,
      %get3A_998 = vector.shape_cast %get3A_997 : vector<1x1x16xf32> to vector<16xf32>
      %get3A_999 = arith.constant 1 : i32
      %get3A_1000 = arith.constant 0 : i32
      %get3A_1001 = arith.index_cast %get3A_999 : i32 to index
      %get3A_1002 = arith.index_cast %get3A_1000 : i32 to index
      %get3A_1003 = arith.constant 96 : index
      %get3A_1004 = tpu.vector_load %arg9[%get3A_1001, %get3A_1002, %get3A_1003] {strides = array<i32>} : memref<2x2x128xf32, #tpu.memory_space<vmem>>, vector<1x1x16xf32>,
      %get3A_1005 = vector.shape_cast %get3A_1004 : vector<1x1x16xf32> to vector<16xf32>
      %get3A_1006 = arith.constant 1 : i32
      %get3A_1007 = arith.constant 0 : i32
      %get3A_1008 = arith.index_cast %get3A_1006 : i32 to index
      %get3A_1009 = arith.index_cast %get3A_1007 : i32 to index
      %get3A_1010 = arith.constant 112 : index
      %get3A_1011 = tpu.vector_load %arg9[%get3A_1008, %get3A_1009, %get3A_1010] {strides = array<i32>} : memref<2x2x128xf32, #tpu.memory_space<vmem>>, vector<1x1x16xf32>,
      %get3A_1012 = vector.shape_cast %get3A_1011 : vector<1x1x16xf32> to vector<16xf32>
      %get3A_1013 = arith.constant 1 : i32
      %get3A_1014 = arith.constant 0 : i32
      %get3A_1015 = arith.index_cast %get3A_1013 : i32 to index
      %get3A_1016 = arith.index_cast %get3A_1014 : i32 to index
      %get3A_1017 = arith.constant 0 : index
      %get3A_1018 = tpu.vector_load %arg8[%get3A_1015, %get3A_1016, %get3A_1017] {strides = array<i32>} : memref<2x2x128xf32, #tpu.memory_space<vmem>>, vector<1x1x16xf32>,
      %get3A_1019 = vector.shape_cast %get3A_1018 : vector<1x1x16xf32> to vector<16xf32>
      %add3A_1020 = arith.addf %get3A_1019, %get3A_963 : vector<16xf32>
      %get3A_1021 = arith.constant 1 : i32
      %get3A_1022 = arith.constant 0 : i32
      %get3A_1023 = arith.index_cast %get3A_1021 : i32 to index
      %get3A_1024 = arith.index_cast %get3A_1022 : i32 to index
      %get3A_1025 = arith.constant 16 : index
      %get3A_1026 = tpu.vector_load %arg8[%get3A_1023, %get3A_1024, %get3A_1025] {strides = array<i32>} : memref<2x2x128xf32, #tpu.memory_space<vmem>>, vector<1x1x16xf32>,
      %get3A_1027 = vector.shape_cast %get3A_1026 : vector<1x1x16xf32> to vector<16xf32>
      %add3A_1028 = arith.addf %add3A_1020, %get3A_1027 : vector<16xf32>
      %add3A_1029 = arith.addf %add3A_1028, %get3A_970 : vector<16xf32>
      %get3A_1030 = arith.constant 1 : i32
      %get3A_1031 = arith.constant 0 : i32
      %get3A_1032 = arith.index_cast %get3A_1030 : i32 to index
      %get3A_1033 = arith.index_cast %get3A_1031 : i32 to index
      %get3A_1034 = arith.constant 32 : index
      %get3A_1035 = tpu.vector_load %arg8[%get3A_1032, %get3A_1033, %get3A_1034] {strides = array<i32>} : memref<2x2x128xf32, #tpu.memory_space<vmem>>, vector<1x1x16xf32>,
      %get3A_1036 = vector.shape_cast %get3A_1035 : vector<1x1x16xf32> to vector<16xf32>
      %add3A_1037 = arith.addf %add3A_1029, %get3A_1036 : vector<16xf32>
      %add3A_1038 = arith.addf %add3A_1037, %get3A_977 : vector<16xf32>
      %get3A_1039 = arith.constant 1 : i32
      %get3A_1040 = arith.constant 0 : i32
      %get3A_1041 = arith.index_cast %get3A_1039 : i32 to index
      %get3A_1042 = arith.index_cast %get3A_1040 : i32 to index
      %get3A_1043 = arith.constant 48 : index
      %get3A_1044 = tpu.vector_load %arg8[%get3A_1041, %get3A_1042, %get3A_1043] {strides = array<i32>} : memref<2x2x128xf32, #tpu.memory_space<vmem>>, vector<1x1x16xf32>,
      %get3A_1045 = vector.shape_cast %get3A_1044 : vector<1x1x16xf32> to vector<16xf32>
      %add3A_1046 = arith.addf %add3A_1038, %get3A_1045 : vector<16xf32>
      %add3A_1047 = arith.addf %add3A_1046, %get3A_984 : vector<16xf32>
      %get3A_1048 = arith.constant 1 : i32
      %get3A_1049 = arith.constant 0 : i32
      %get3A_1050 = arith.index_cast %get3A_1048 : i32 to index
      %get3A_1051 = arith.index_cast %get3A_1049 : i32 to index
      %get3A_1052 = arith.constant 64 : index
      %get3A_1053 = tpu.vector_load %arg8[%get3A_1050, %get3A_1051, %get3A_1052] {strides = array<i32>} : memref<2x2x128xf32, #tpu.memory_space<vmem>>, vector<1x1x16xf32>,
      %get3A_1054 = vector.shape_cast %get3A_1053 : vector<1x1x16xf32> to vector<16xf32>
      %add3A_1055 = arith.addf %add3A_1047, %get3A_1054 : vector<16xf32>
      %add3A_1056 = arith.addf %add3A_1055, %get3A_991 : vector<16xf32>
      %get3A_1057 = arith.constant 1 : i32
      %get3A_1058 = arith.constant 0 : i32
      %get3A_1059 = arith.index_cast %get3A_1057 : i32 to index
      %get3A_1060 = arith.index_cast %get3A_1058 : i32 to index
      %get3A_1061 = arith.constant 80 : index
      %get3A_1062 = tpu.vector_load %arg8[%get3A_1059, %get3A_1060, %get3A_1061] {strides = array<i32>} : memref<2x2x128xf32, #tpu.memory_space<vmem>>, vector<1x1x16xf32>,
      %get3A_1063 = vector.shape_cast %get3A_1062 : vector<1x1x16xf32> to vector<16xf32>
      %add3A_1064 = arith.addf %add3A_1056, %get3A_1063 : vector<16xf32>
      %add3A_1065 = arith.addf %add3A_1064, %get3A_998 : vector<16xf32>
      %get3A_1066 = arith.constant 1 : i32
      %get3A_1067 = arith.constant 0 : i32
      %get3A_1068 = arith.index_cast %get3A_1066 : i32 to index
      %get3A_1069 = arith.index_cast %get3A_1067 : i32 to index
      %get3A_1070 = arith.constant 96 : index
      %get3A_1071 = tpu.vector_load %arg8[%get3A_1068, %get3A_1069, %get3A_1070] {strides = array<i32>} : memref<2x2x128xf32, #tpu.memory_space<vmem>>, vector<1x1x16xf32>,
      %get3A_1072 = vector.shape_cast %get3A_1071 : vector<1x1x16xf32> to vector<16xf32>
      %add3A_1073 = arith.addf %add3A_1065, %get3A_1072 : vector<16xf32>
      %add3A_1074 = arith.addf %add3A_1073, %get3A_1005 : vector<16xf32>
      %get3A_1075 = arith.constant 1 : i32
      %get3A_1076 = arith.constant 0 : i32
      %get3A_1077 = arith.index_cast %get3A_1075 : i32 to index
      %get3A_1078 = arith.index_cast %get3A_1076 : i32 to index
      %get3A_1079 = arith.constant 112 : index
      %get3A_1080 = tpu.vector_load %arg8[%get3A_1077, %get3A_1078, %get3A_1079] {strides = array<i32>} : memref<2x2x128xf32, #tpu.memory_space<vmem>>, vector<1x1x16xf32>,
      %get3A_1081 = vector.shape_cast %get3A_1080 : vector<1x1x16xf32> to vector<16xf32>
      %add3A_1082 = arith.addf %add3A_1074, %get3A_1081 : vector<16xf32>
      %add3A_1083 = arith.addf %add3A_1082, %get3A_1012 : vector<16xf32>
      %lt3A_1084 = arith.constant 0 : i32
      %lt3A_1085 = vector.broadcast %lt3A_1084 : i32 to vector<16xi32>
      %lt3A_1086 = arith.cmpi slt, %xor3A_6, %lt3A_1085 : vector<16xi32>
      %add3A_1087 = arith.constant 16 : i32
      %add3A_1088 = vector.broadcast %add3A_1087 : i32 to vector<16xi32>
      %add3A_1089 = arith.addi %xor3A_6, %add3A_1088 : vector<16xi32>
      %select_n3A_1090 = arith.select %lt3A_1086, %add3A_1089, %xor3A_6 : vector<16xi1>, vector<16xi32>
      %broadcast_in_dim3A_1091 = vector.shape_cast %select_n3A_1090 : vector<16xi32> to vector<16x1xi32>
      %gather3A_1092 = vector.shape_cast %broadcast_in_dim3A_1091 : vector<16x1xi32> to vector<16xi32>
      %gather3A_1093 = tpu.dynamic_gather %add3A_1083[%gather3A_1092] in [0] : vector<16xf32>, vector<16xi32> -> vector<16xf32>
      %add3A_1094 = arith.addf %add3A_1083, %gather3A_1093 : vector<16xf32>
      %lt3A_1095 = arith.constant 0 : i32
      %lt3A_1096 = vector.broadcast %lt3A_1095 : i32 to vector<16xi32>
      %lt3A_1097 = arith.cmpi slt, %xor3A_9, %lt3A_1096 : vector<16xi32>
      %add3A_1098 = arith.constant 16 : i32
      %add3A_1099 = vector.broadcast %add3A_1098 : i32 to vector<16xi32>
      %add3A_1100 = arith.addi %xor3A_9, %add3A_1099 : vector<16xi32>
      %select_n3A_1101 = arith.select %lt3A_1097, %add3A_1100, %xor3A_9 : vector<16xi1>, vector<16xi32>
      %broadcast_in_dim3A_1102 = vector.shape_cast %select_n3A_1101 : vector<16xi32> to vector<16x1xi32>
      %gather3A_1103 = vector.shape_cast %broadcast_in_dim3A_1102 : vector<16x1xi32> to vector<16xi32>
      %gather3A_1104 = tpu.dynamic_gather %add3A_1094[%gather3A_1103] in [0] : vector<16xf32>, vector<16xi32> -> vector<16xf32>
      %add3A_1105 = arith.addf %add3A_1094, %gather3A_1104 : vector<16xf32>
      %lt3A_1106 = arith.constant 0 : i32
      %lt3A_1107 = vector.broadcast %lt3A_1106 : i32 to vector<16xi32>
      %lt3A_1108 = arith.cmpi slt, %xor3A_12, %lt3A_1107 : vector<16xi32>
      %add3A_1109 = arith.constant 16 : i32
      %add3A_1110 = vector.broadcast %add3A_1109 : i32 to vector<16xi32>
      %add3A_1111 = arith.addi %xor3A_12, %add3A_1110 : vector<16xi32>
      %select_n3A_1112 = arith.select %lt3A_1108, %add3A_1111, %xor3A_12 : vector<16xi1>, vector<16xi32>
      %broadcast_in_dim3A_1113 = vector.shape_cast %select_n3A_1112 : vector<16xi32> to vector<16x1xi32>
      %gather3A_1114 = vector.shape_cast %broadcast_in_dim3A_1113 : vector<16x1xi32> to vector<16xi32>
      %gather3A_1115 = tpu.dynamic_gather %add3A_1105[%gather3A_1114] in [0] : vector<16xf32>, vector<16xi32> -> vector<16xf32>
      %add3A_1116 = arith.addf %add3A_1105, %gather3A_1115 : vector<16xf32>
      %lt3A_1117 = arith.constant 0 : i32
      %lt3A_1118 = vector.broadcast %lt3A_1117 : i32 to vector<16xi32>
      %lt3A_1119 = arith.cmpi slt, %xor3A_15, %lt3A_1118 : vector<16xi32>
      %add3A_1120 = arith.constant 16 : i32
      %add3A_1121 = vector.broadcast %add3A_1120 : i32 to vector<16xi32>
      %add3A_1122 = arith.addi %xor3A_15, %add3A_1121 : vector<16xi32>
      %select_n3A_1123 = arith.select %lt3A_1119, %add3A_1122, %xor3A_15 : vector<16xi1>, vector<16xi32>
      %broadcast_in_dim3A_1124 = vector.shape_cast %select_n3A_1123 : vector<16xi32> to vector<16x1xi32>
      %gather3A_1125 = vector.shape_cast %broadcast_in_dim3A_1124 : vector<16x1xi32> to vector<16xi32>
      %gather3A_1126 = tpu.dynamic_gather %add3A_1116[%gather3A_1125] in [0] : vector<16xf32>, vector<16xi32> -> vector<16xf32>
      %add3A_1127 = arith.addf %add3A_1116, %gather3A_1126 : vector<16xf32>
      %broadcast_in_dim3A_1128 = arith.constant 0xFF800000 : f32
      %broadcast_in_dim3A_1129 = vector.broadcast %broadcast_in_dim3A_1128 : f32 to vector<16xf32>
      %broadcast_in_dim3A_1130 = arith.constant 0xFF800000 : f32
      %broadcast_in_dim3A_1131 = vector.broadcast %broadcast_in_dim3A_1130 : f32 to vector<16xf32>
      %broadcast_in_dim3A_1132 = arith.constant 0xFF800000 : f32
      %broadcast_in_dim3A_1133 = vector.broadcast %broadcast_in_dim3A_1132 : f32 to vector<16xf32>
      %broadcast_in_dim3A_1134 = arith.constant 0xFF800000 : f32
      %broadcast_in_dim3A_1135 = vector.broadcast %broadcast_in_dim3A_1134 : f32 to vector<16xf32>
      %broadcast_in_dim3A_1136 = arith.constant 0xFF800000 : f32
      %broadcast_in_dim3A_1137 = vector.broadcast %broadcast_in_dim3A_1136 : f32 to vector<16xf32>
      %broadcast_in_dim3A_1138 = arith.constant 0xFF800000 : f32
      %broadcast_in_dim3A_1139 = vector.broadcast %broadcast_in_dim3A_1138 : f32 to vector<16xf32>
      %broadcast_in_dim3A_1140 = arith.constant 0xFF800000 : f32
      %broadcast_in_dim3A_1141 = vector.broadcast %broadcast_in_dim3A_1140 : f32 to vector<16xf32>
      %broadcast_in_dim3A_1142 = arith.constant 0xFF800000 : f32
      %broadcast_in_dim3A_1143 = vector.broadcast %broadcast_in_dim3A_1142 : f32 to vector<16xf32>
      %broadcast_in_dim3A_1144 = arith.constant 0.000000e+00 : f32
      %broadcast_in_dim3A_1145 = vector.broadcast %broadcast_in_dim3A_1144 : f32 to vector<16xf32>
      %broadcast_in_dim3A_1146 = arith.constant 0.000000e+00 : f32
      %broadcast_in_dim3A_1147 = vector.broadcast %broadcast_in_dim3A_1146 : f32 to vector<16xf32>
      %broadcast_in_dim3A_1148 = arith.constant 0.000000e+00 : f32
      %broadcast_in_dim3A_1149 = vector.broadcast %broadcast_in_dim3A_1148 : f32 to vector<16xf32>
      %broadcast_in_dim3A_1150 = arith.constant 0.000000e+00 : f32
      %broadcast_in_dim3A_1151 = vector.broadcast %broadcast_in_dim3A_1150 : f32 to vector<16xf32>
      %broadcast_in_dim3A_1152 = arith.constant 0.000000e+00 : f32
      %broadcast_in_dim3A_1153 = vector.broadcast %broadcast_in_dim3A_1152 : f32 to vector<16xf32>
      %broadcast_in_dim3A_1154 = arith.constant 0.000000e+00 : f32
      %broadcast_in_dim3A_1155 = vector.broadcast %broadcast_in_dim3A_1154 : f32 to vector<16xf32>
      %broadcast_in_dim3A_1156 = arith.constant 0.000000e+00 : f32
      %broadcast_in_dim3A_1157 = vector.broadcast %broadcast_in_dim3A_1156 : f32 to vector<16xf32>
      %broadcast_in_dim3A_1158 = arith.constant 0.000000e+00 : f32
      %broadcast_in_dim3A_1159 = vector.broadcast %broadcast_in_dim3A_1158 : f32 to vector<16xf32>
      %parallel_loop3A_1160 = arith.constant 0 : i32
      %parallel_loop3A_1161 = arith.constant 32 : i32
      %parallel_loop3A_1162 = arith.constant 1 : i32
      %parallel_loop3A_1163:24 = scf.for %parallel_loop3A_1532 = %parallel_loop3A_1160 to %parallel_loop3A_1161 step %parallel_loop3A_1162 iter_args(%parallel_loop3A_1533 = %broadcast_in_dim3A_1129, %parallel_loop3A_1534 = %broadcast_in_dim3A_1131, %parallel_loop3A_1535 = %broadcast_in_dim3A_1133, %parallel_loop3A_1536 = %broadcast_in_dim3A_1135, %parallel_loop3A_1537 = %broadcast_in_dim3A_1137, %parallel_loop3A_1538 = %broadcast_in_dim3A_1139, %parallel_loop3A_1539 = %broadcast_in_dim3A_1141, %parallel_loop3A_1540 = %broadcast_in_dim3A_1143, %parallel_loop3A_1541 = %broadcast_in_dim3A_1145, %parallel_loop3A_1542 = %broadcast_in_dim3A_1147, %parallel_loop3A_1543 = %broadcast_in_dim3A_1149, %parallel_loop3A_1544 = %broadcast_in_dim3A_1151, %parallel_loop3A_1545 = %broadcast_in_dim3A_1153, %parallel_loop3A_1546 = %broadcast_in_dim3A_1155, %parallel_loop3A_1547 = %broadcast_in_dim3A_1157, %parallel_loop3A_1548 = %broadcast_in_dim3A_1159, %parallel_loop3A_1549 = %broadcast_in_dim3A_1145, %parallel_loop3A_1550 = %broadcast_in_dim3A_1147, %parallel_loop3A_1551 = %broadcast_in_dim3A_1149, %parallel_loop3A_1552 = %broadcast_in_dim3A_1151, %parallel_loop3A_1553 = %broadcast_in_dim3A_1153, %parallel_loop3A_1554 = %broadcast_in_dim3A_1155, %parallel_loop3A_1555 = %broadcast_in_dim3A_1157, %parallel_loop3A_1556 = %broadcast_in_dim3A_1159) -> (vector<16xf32>, vector<16xf32>, vector<16xf32>, vector<16xf32>, vector<16xf32>, vector<16xf32>, vector<16xf32>, vector<16xf32>, vector<16xf32>, vector<16xf32>, vector<16xf32>, vector<16xf32>, vector<16xf32>, vector<16xf32>, vector<16xf32>, vector<16xf32>, vector<16xf32>, vector<16xf32>, vector<16xf32>, vector<16xf32>, vector<16xf32>, vector<16xf32>, vector<16xf32>, vector<16xf32>)  : i32 {
        %parallel_loop3A_1557 = arith.constant 0.000000e+00 : f32
        %parallel_loop3A_1558 = vector.broadcast %parallel_loop3A_1557 : f32 to vector<16xf32>
        %parallel_loop3A_1559 = arith.constant 1 : i32
        %parallel_loop3A_1560 = arith.constant 0 : i32
        %parallel_loop3A_1561 = arith.index_cast %parallel_loop3A_1559 : i32 to index
        %parallel_loop3A_1562 = arith.index_cast %parallel_loop3A_1560 : i32 to index
        %parallel_loop3A_1563 = arith.index_cast %parallel_loop3A_1532 : i32 to index
        %parallel_loop3A_1564 = arith.constant 0 : index
        %parallel_loop3A_1565 = tpu.vector_load %arg10[%parallel_loop3A_1561, %parallel_loop3A_1562, %parallel_loop3A_1563, %parallel_loop3A_1564] {strides = array<i32>} : memref<2x2x32x128xf32, #tpu.memory_space<vmem>>, vector<1x1x1x16xf32>,
        %parallel_loop3A_1566 = vector.shape_cast %parallel_loop3A_1565 : vector<1x1x1x16xf32> to vector<16xf32>
        %parallel_loop3A_1567 = arith.constant 1 : i32
        %parallel_loop3A_1568 = arith.constant 0 : i32
        %parallel_loop3A_1569 = arith.index_cast %parallel_loop3A_1567 : i32 to index
        %parallel_loop3A_1570 = arith.index_cast %parallel_loop3A_1568 : i32 to index
        %parallel_loop3A_1571 = arith.index_cast %parallel_loop3A_1532 : i32 to index
        %parallel_loop3A_1572 = arith.constant 0 : index
        %parallel_loop3A_1573 = tpu.vector_load %arg11[%parallel_loop3A_1569, %parallel_loop3A_1570, %parallel_loop3A_1571, %parallel_loop3A_1572] {strides = array<i32>} : memref<2x2x32x128xf32, #tpu.memory_space<vmem>>, vector<1x1x1x16xf32>,
        %parallel_loop3A_1574 = vector.shape_cast %parallel_loop3A_1573 : vector<1x1x1x16xf32> to vector<16xf32>
        %parallel_loop3A_1575 = arith.addf %get3A_963, %parallel_loop3A_1566 : vector<16xf32>
        %parallel_loop3A_1576 = arith.addf %parallel_loop3A_1558, %parallel_loop3A_1566 : vector<16xf32>
        %parallel_loop3A_1577 = arith.addf %parallel_loop3A_1576, %parallel_loop3A_1574 : vector<16xf32>
        %parallel_loop3A_1578 = arith.constant 1 : i32
        %parallel_loop3A_1579 = arith.constant 0 : i32
        %parallel_loop3A_1580 = arith.index_cast %parallel_loop3A_1578 : i32 to index
        %parallel_loop3A_1581 = arith.index_cast %parallel_loop3A_1579 : i32 to index
        %parallel_loop3A_1582 = arith.index_cast %parallel_loop3A_1532 : i32 to index
        %parallel_loop3A_1583 = arith.constant 16 : index
        %parallel_loop3A_1584 = tpu.vector_load %arg10[%parallel_loop3A_1580, %parallel_loop3A_1581, %parallel_loop3A_1582, %parallel_loop3A_1583] {strides = array<i32>} : memref<2x2x32x128xf32, #tpu.memory_space<vmem>>, vector<1x1x1x16xf32>,
        %parallel_loop3A_1585 = vector.shape_cast %parallel_loop3A_1584 : vector<1x1x1x16xf32> to vector<16xf32>
        %parallel_loop3A_1586 = arith.constant 1 : i32
        %parallel_loop3A_1587 = arith.constant 0 : i32
        %parallel_loop3A_1588 = arith.index_cast %parallel_loop3A_1586 : i32 to index
        %parallel_loop3A_1589 = arith.index_cast %parallel_loop3A_1587 : i32 to index
        %parallel_loop3A_1590 = arith.index_cast %parallel_loop3A_1532 : i32 to index
        %parallel_loop3A_1591 = arith.constant 16 : index
        %parallel_loop3A_1592 = tpu.vector_load %arg11[%parallel_loop3A_1588, %parallel_loop3A_1589, %parallel_loop3A_1590, %parallel_loop3A_1591] {strides = array<i32>} : memref<2x2x32x128xf32, #tpu.memory_space<vmem>>, vector<1x1x1x16xf32>,
        %parallel_loop3A_1593 = vector.shape_cast %parallel_loop3A_1592 : vector<1x1x1x16xf32> to vector<16xf32>
        %parallel_loop3A_1594 = arith.addf %get3A_970, %parallel_loop3A_1585 : vector<16xf32>
        %parallel_loop3A_1595 = arith.addf %parallel_loop3A_1577, %parallel_loop3A_1585 : vector<16xf32>
        %parallel_loop3A_1596 = arith.addf %parallel_loop3A_1595, %parallel_loop3A_1593 : vector<16xf32>
        %parallel_loop3A_1597 = arith.constant 1 : i32
        %parallel_loop3A_1598 = arith.constant 0 : i32
        %parallel_loop3A_1599 = arith.index_cast %parallel_loop3A_1597 : i32 to index
        %parallel_loop3A_1600 = arith.index_cast %parallel_loop3A_1598 : i32 to index
        %parallel_loop3A_1601 = arith.index_cast %parallel_loop3A_1532 : i32 to index
        %parallel_loop3A_1602 = arith.constant 32 : index
        %parallel_loop3A_1603 = tpu.vector_load %arg10[%parallel_loop3A_1599, %parallel_loop3A_1600, %parallel_loop3A_1601, %parallel_loop3A_1602] {strides = array<i32>} : memref<2x2x32x128xf32, #tpu.memory_space<vmem>>, vector<1x1x1x16xf32>,
        %parallel_loop3A_1604 = vector.shape_cast %parallel_loop3A_1603 : vector<1x1x1x16xf32> to vector<16xf32>
        %parallel_loop3A_1605 = arith.constant 1 : i32
        %parallel_loop3A_1606 = arith.constant 0 : i32
        %parallel_loop3A_1607 = arith.index_cast %parallel_loop3A_1605 : i32 to index
        %parallel_loop3A_1608 = arith.index_cast %parallel_loop3A_1606 : i32 to index
        %parallel_loop3A_1609 = arith.index_cast %parallel_loop3A_1532 : i32 to index
        %parallel_loop3A_1610 = arith.constant 32 : index
        %parallel_loop3A_1611 = tpu.vector_load %arg11[%parallel_loop3A_1607, %parallel_loop3A_1608, %parallel_loop3A_1609, %parallel_loop3A_1610] {strides = array<i32>} : memref<2x2x32x128xf32, #tpu.memory_space<vmem>>, vector<1x1x1x16xf32>,
        %parallel_loop3A_1612 = vector.shape_cast %parallel_loop3A_1611 : vector<1x1x1x16xf32> to vector<16xf32>
        %parallel_loop3A_1613 = arith.addf %get3A_977, %parallel_loop3A_1604 : vector<16xf32>
        %parallel_loop3A_1614 = arith.addf %parallel_loop3A_1596, %parallel_loop3A_1604 : vector<16xf32>
        %parallel_loop3A_1615 = arith.addf %parallel_loop3A_1614, %parallel_loop3A_1612 : vector<16xf32>
        %parallel_loop3A_1616 = arith.constant 1 : i32
        %parallel_loop3A_1617 = arith.constant 0 : i32
        %parallel_loop3A_1618 = arith.index_cast %parallel_loop3A_1616 : i32 to index
        %parallel_loop3A_1619 = arith.index_cast %parallel_loop3A_1617 : i32 to index
        %parallel_loop3A_1620 = arith.index_cast %parallel_loop3A_1532 : i32 to index
        %parallel_loop3A_1621 = arith.constant 48 : index
        %parallel_loop3A_1622 = tpu.vector_load %arg10[%parallel_loop3A_1618, %parallel_loop3A_1619, %parallel_loop3A_1620, %parallel_loop3A_1621] {strides = array<i32>} : memref<2x2x32x128xf32, #tpu.memory_space<vmem>>, vector<1x1x1x16xf32>,
        %parallel_loop3A_1623 = vector.shape_cast %parallel_loop3A_1622 : vector<1x1x1x16xf32> to vector<16xf32>
        %parallel_loop3A_1624 = arith.constant 1 : i32
        %parallel_loop3A_1625 = arith.constant 0 : i32
        %parallel_loop3A_1626 = arith.index_cast %parallel_loop3A_1624 : i32 to index
        %parallel_loop3A_1627 = arith.index_cast %parallel_loop3A_1625 : i32 to index
        %parallel_loop3A_1628 = arith.index_cast %parallel_loop3A_1532 : i32 to index
        %parallel_loop3A_1629 = arith.constant 48 : index
        %parallel_loop3A_1630 = tpu.vector_load %arg11[%parallel_loop3A_1626, %parallel_loop3A_1627, %parallel_loop3A_1628, %parallel_loop3A_1629] {strides = array<i32>} : memref<2x2x32x128xf32, #tpu.memory_space<vmem>>, vector<1x1x1x16xf32>,
        %parallel_loop3A_1631 = vector.shape_cast %parallel_loop3A_1630 : vector<1x1x1x16xf32> to vector<16xf32>
        %parallel_loop3A_1632 = arith.addf %get3A_984, %parallel_loop3A_1623 : vector<16xf32>
        %parallel_loop3A_1633 = arith.addf %parallel_loop3A_1615, %parallel_loop3A_1623 : vector<16xf32>
        %parallel_loop3A_1634 = arith.addf %parallel_loop3A_1633, %parallel_loop3A_1631 : vector<16xf32>
        %parallel_loop3A_1635 = arith.constant 1 : i32
        %parallel_loop3A_1636 = arith.constant 0 : i32
        %parallel_loop3A_1637 = arith.index_cast %parallel_loop3A_1635 : i32 to index
        %parallel_loop3A_1638 = arith.index_cast %parallel_loop3A_1636 : i32 to index
        %parallel_loop3A_1639 = arith.index_cast %parallel_loop3A_1532 : i32 to index
        %parallel_loop3A_1640 = arith.constant 64 : index
        %parallel_loop3A_1641 = tpu.vector_load %arg10[%parallel_loop3A_1637, %parallel_loop3A_1638, %parallel_loop3A_1639, %parallel_loop3A_1640] {strides = array<i32>} : memref<2x2x32x128xf32, #tpu.memory_space<vmem>>, vector<1x1x1x16xf32>,
        %parallel_loop3A_1642 = vector.shape_cast %parallel_loop3A_1641 : vector<1x1x1x16xf32> to vector<16xf32>
        %parallel_loop3A_1643 = arith.constant 1 : i32
        %parallel_loop3A_1644 = arith.constant 0 : i32
        %parallel_loop3A_1645 = arith.index_cast %parallel_loop3A_1643 : i32 to index
        %parallel_loop3A_1646 = arith.index_cast %parallel_loop3A_1644 : i32 to index
        %parallel_loop3A_1647 = arith.index_cast %parallel_loop3A_1532 : i32 to index
        %parallel_loop3A_1648 = arith.constant 64 : index
        %parallel_loop3A_1649 = tpu.vector_load %arg11[%parallel_loop3A_1645, %parallel_loop3A_1646, %parallel_loop3A_1647, %parallel_loop3A_1648] {strides = array<i32>} : memref<2x2x32x128xf32, #tpu.memory_space<vmem>>, vector<1x1x1x16xf32>,
        %parallel_loop3A_1650 = vector.shape_cast %parallel_loop3A_1649 : vector<1x1x1x16xf32> to vector<16xf32>
        %parallel_loop3A_1651 = arith.addf %get3A_991, %parallel_loop3A_1642 : vector<16xf32>
        %parallel_loop3A_1652 = arith.addf %parallel_loop3A_1634, %parallel_loop3A_1642 : vector<16xf32>
        %parallel_loop3A_1653 = arith.addf %parallel_loop3A_1652, %parallel_loop3A_1650 : vector<16xf32>
        %parallel_loop3A_1654 = arith.constant 1 : i32
        %parallel_loop3A_1655 = arith.constant 0 : i32
        %parallel_loop3A_1656 = arith.index_cast %parallel_loop3A_1654 : i32 to index
        %parallel_loop3A_1657 = arith.index_cast %parallel_loop3A_1655 : i32 to index
        %parallel_loop3A_1658 = arith.index_cast %parallel_loop3A_1532 : i32 to index
        %parallel_loop3A_1659 = arith.constant 80 : index
        %parallel_loop3A_1660 = tpu.vector_load %arg10[%parallel_loop3A_1656, %parallel_loop3A_1657, %parallel_loop3A_1658, %parallel_loop3A_1659] {strides = array<i32>} : memref<2x2x32x128xf32, #tpu.memory_space<vmem>>, vector<1x1x1x16xf32>,
        %parallel_loop3A_1661 = vector.shape_cast %parallel_loop3A_1660 : vector<1x1x1x16xf32> to vector<16xf32>
        %parallel_loop3A_1662 = arith.constant 1 : i32
        %parallel_loop3A_1663 = arith.constant 0 : i32
        %parallel_loop3A_1664 = arith.index_cast %parallel_loop3A_1662 : i32 to index
        %parallel_loop3A_1665 = arith.index_cast %parallel_loop3A_1663 : i32 to index
        %parallel_loop3A_1666 = arith.index_cast %parallel_loop3A_1532 : i32 to index
        %parallel_loop3A_1667 = arith.constant 80 : index
        %parallel_loop3A_1668 = tpu.vector_load %arg11[%parallel_loop3A_1664, %parallel_loop3A_1665, %parallel_loop3A_1666, %parallel_loop3A_1667] {strides = array<i32>} : memref<2x2x32x128xf32, #tpu.memory_space<vmem>>, vector<1x1x1x16xf32>,
        %parallel_loop3A_1669 = vector.shape_cast %parallel_loop3A_1668 : vector<1x1x1x16xf32> to vector<16xf32>
        %parallel_loop3A_1670 = arith.addf %get3A_998, %parallel_loop3A_1661 : vector<16xf32>
        %parallel_loop3A_1671 = arith.addf %parallel_loop3A_1653, %parallel_loop3A_1661 : vector<16xf32>
        %parallel_loop3A_1672 = arith.addf %parallel_loop3A_1671, %parallel_loop3A_1669 : vector<16xf32>
        %parallel_loop3A_1673 = arith.constant 1 : i32
        %parallel_loop3A_1674 = arith.constant 0 : i32
        %parallel_loop3A_1675 = arith.index_cast %parallel_loop3A_1673 : i32 to index
        %parallel_loop3A_1676 = arith.index_cast %parallel_loop3A_1674 : i32 to index
        %parallel_loop3A_1677 = arith.index_cast %parallel_loop3A_1532 : i32 to index
        %parallel_loop3A_1678 = arith.constant 96 : index
        %parallel_loop3A_1679 = tpu.vector_load %arg10[%parallel_loop3A_1675, %parallel_loop3A_1676, %parallel_loop3A_1677, %parallel_loop3A_1678] {strides = array<i32>} : memref<2x2x32x128xf32, #tpu.memory_space<vmem>>, vector<1x1x1x16xf32>,
        %parallel_loop3A_1680 = vector.shape_cast %parallel_loop3A_1679 : vector<1x1x1x16xf32> to vector<16xf32>
        %parallel_loop3A_1681 = arith.constant 1 : i32
        %parallel_loop3A_1682 = arith.constant 0 : i32
        %parallel_loop3A_1683 = arith.index_cast %parallel_loop3A_1681 : i32 to index
        %parallel_loop3A_1684 = arith.index_cast %parallel_loop3A_1682 : i32 to index
        %parallel_loop3A_1685 = arith.index_cast %parallel_loop3A_1532 : i32 to index
        %parallel_loop3A_1686 = arith.constant 96 : index
        %parallel_loop3A_1687 = tpu.vector_load %arg11[%parallel_loop3A_1683, %parallel_loop3A_1684, %parallel_loop3A_1685, %parallel_loop3A_1686] {strides = array<i32>} : memref<2x2x32x128xf32, #tpu.memory_space<vmem>>, vector<1x1x1x16xf32>,
        %parallel_loop3A_1688 = vector.shape_cast %parallel_loop3A_1687 : vector<1x1x1x16xf32> to vector<16xf32>
        %parallel_loop3A_1689 = arith.addf %get3A_1005, %parallel_loop3A_1680 : vector<16xf32>
        %parallel_loop3A_1690 = arith.addf %parallel_loop3A_1672, %parallel_loop3A_1680 : vector<16xf32>
        %parallel_loop3A_1691 = arith.addf %parallel_loop3A_1690, %parallel_loop3A_1688 : vector<16xf32>
        %parallel_loop3A_1692 = arith.constant 1 : i32
        %parallel_loop3A_1693 = arith.constant 0 : i32
        %parallel_loop3A_1694 = arith.index_cast %parallel_loop3A_1692 : i32 to index
        %parallel_loop3A_1695 = arith.index_cast %parallel_loop3A_1693 : i32 to index
        %parallel_loop3A_1696 = arith.index_cast %parallel_loop3A_1532 : i32 to index
        %parallel_loop3A_1697 = arith.constant 112 : index
        %parallel_loop3A_1698 = tpu.vector_load %arg10[%parallel_loop3A_1694, %parallel_loop3A_1695, %parallel_loop3A_1696, %parallel_loop3A_1697] {strides = array<i32>} : memref<2x2x32x128xf32, #tpu.memory_space<vmem>>, vector<1x1x1x16xf32>,
        %parallel_loop3A_1699 = vector.shape_cast %parallel_loop3A_1698 : vector<1x1x1x16xf32> to vector<16xf32>
        %parallel_loop3A_1700 = arith.constant 1 : i32
        %parallel_loop3A_1701 = arith.constant 0 : i32
        %parallel_loop3A_1702 = arith.index_cast %parallel_loop3A_1700 : i32 to index
        %parallel_loop3A_1703 = arith.index_cast %parallel_loop3A_1701 : i32 to index
        %parallel_loop3A_1704 = arith.index_cast %parallel_loop3A_1532 : i32 to index
        %parallel_loop3A_1705 = arith.constant 112 : index
        %parallel_loop3A_1706 = tpu.vector_load %arg11[%parallel_loop3A_1702, %parallel_loop3A_1703, %parallel_loop3A_1704, %parallel_loop3A_1705] {strides = array<i32>} : memref<2x2x32x128xf32, #tpu.memory_space<vmem>>, vector<1x1x1x16xf32>,
        %parallel_loop3A_1707 = vector.shape_cast %parallel_loop3A_1706 : vector<1x1x1x16xf32> to vector<16xf32>
        %parallel_loop3A_1708 = arith.addf %get3A_1012, %parallel_loop3A_1699 : vector<16xf32>
        %parallel_loop3A_1709 = arith.addf %parallel_loop3A_1691, %parallel_loop3A_1699 : vector<16xf32>
        %parallel_loop3A_1710 = arith.addf %parallel_loop3A_1709, %parallel_loop3A_1707 : vector<16xf32>
        %parallel_loop3A_1711 = arith.constant 0 : i32
        %parallel_loop3A_1712 = vector.broadcast %parallel_loop3A_1711 : i32 to vector<16xi32>
        %parallel_loop3A_1713 = arith.cmpi slt, %xor3A_6, %parallel_loop3A_1712 : vector<16xi32>
        %parallel_loop3A_1714 = arith.constant 16 : i32
        %parallel_loop3A_1715 = vector.broadcast %parallel_loop3A_1714 : i32 to vector<16xi32>
        %parallel_loop3A_1716 = arith.addi %xor3A_6, %parallel_loop3A_1715 : vector<16xi32>
        %parallel_loop3A_1717 = arith.select %parallel_loop3A_1713, %parallel_loop3A_1716, %xor3A_6 : vector<16xi1>, vector<16xi32>
        %parallel_loop3A_1718 = vector.shape_cast %parallel_loop3A_1717 : vector<16xi32> to vector<16x1xi32>
        %parallel_loop3A_1719 = vector.shape_cast %parallel_loop3A_1718 : vector<16x1xi32> to vector<16xi32>
        %parallel_loop3A_1720 = tpu.dynamic_gather %parallel_loop3A_1710[%parallel_loop3A_1719] in [0] : vector<16xf32>, vector<16xi32> -> vector<16xf32>
        %parallel_loop3A_1721 = arith.addf %parallel_loop3A_1710, %parallel_loop3A_1720 : vector<16xf32>
        %parallel_loop3A_1722 = arith.constant 0 : i32
        %parallel_loop3A_1723 = vector.broadcast %parallel_loop3A_1722 : i32 to vector<16xi32>
        %parallel_loop3A_1724 = arith.cmpi slt, %xor3A_9, %parallel_loop3A_1723 : vector<16xi32>
        %parallel_loop3A_1725 = arith.constant 16 : i32
        %parallel_loop3A_1726 = vector.broadcast %parallel_loop3A_1725 : i32 to vector<16xi32>
        %parallel_loop3A_1727 = arith.addi %xor3A_9, %parallel_loop3A_1726 : vector<16xi32>
        %parallel_loop3A_1728 = arith.select %parallel_loop3A_1724, %parallel_loop3A_1727, %xor3A_9 : vector<16xi1>, vector<16xi32>
        %parallel_loop3A_1729 = vector.shape_cast %parallel_loop3A_1728 : vector<16xi32> to vector<16x1xi32>
        %parallel_loop3A_1730 = vector.shape_cast %parallel_loop3A_1729 : vector<16x1xi32> to vector<16xi32>
        %parallel_loop3A_1731 = tpu.dynamic_gather %parallel_loop3A_1721[%parallel_loop3A_1730] in [0] : vector<16xf32>, vector<16xi32> -> vector<16xf32>
        %parallel_loop3A_1732 = arith.addf %parallel_loop3A_1721, %parallel_loop3A_1731 : vector<16xf32>
        %parallel_loop3A_1733 = arith.constant 0 : i32
        %parallel_loop3A_1734 = vector.broadcast %parallel_loop3A_1733 : i32 to vector<16xi32>
        %parallel_loop3A_1735 = arith.cmpi slt, %xor3A_12, %parallel_loop3A_1734 : vector<16xi32>
        %parallel_loop3A_1736 = arith.constant 16 : i32
        %parallel_loop3A_1737 = vector.broadcast %parallel_loop3A_1736 : i32 to vector<16xi32>
        %parallel_loop3A_1738 = arith.addi %xor3A_12, %parallel_loop3A_1737 : vector<16xi32>
        %parallel_loop3A_1739 = arith.select %parallel_loop3A_1735, %parallel_loop3A_1738, %xor3A_12 : vector<16xi1>, vector<16xi32>
        %parallel_loop3A_1740 = vector.shape_cast %parallel_loop3A_1739 : vector<16xi32> to vector<16x1xi32>
        %parallel_loop3A_1741 = vector.shape_cast %parallel_loop3A_1740 : vector<16x1xi32> to vector<16xi32>
        %parallel_loop3A_1742 = tpu.dynamic_gather %parallel_loop3A_1732[%parallel_loop3A_1741] in [0] : vector<16xf32>, vector<16xi32> -> vector<16xf32>
        %parallel_loop3A_1743 = arith.addf %parallel_loop3A_1732, %parallel_loop3A_1742 : vector<16xf32>
        %parallel_loop3A_1744 = arith.constant 0 : i32
        %parallel_loop3A_1745 = vector.broadcast %parallel_loop3A_1744 : i32 to vector<16xi32>
        %parallel_loop3A_1746 = arith.cmpi slt, %xor3A_15, %parallel_loop3A_1745 : vector<16xi32>
        %parallel_loop3A_1747 = arith.constant 16 : i32
        %parallel_loop3A_1748 = vector.broadcast %parallel_loop3A_1747 : i32 to vector<16xi32>
        %parallel_loop3A_1749 = arith.addi %xor3A_15, %parallel_loop3A_1748 : vector<16xi32>
        %parallel_loop3A_1750 = arith.select %parallel_loop3A_1746, %parallel_loop3A_1749, %xor3A_15 : vector<16xi1>, vector<16xi32>
        %parallel_loop3A_1751 = vector.shape_cast %parallel_loop3A_1750 : vector<16xi32> to vector<16x1xi32>
        %parallel_loop3A_1752 = vector.shape_cast %parallel_loop3A_1751 : vector<16x1xi32> to vector<16xi32>
        %parallel_loop3A_1753 = tpu.dynamic_gather %parallel_loop3A_1743[%parallel_loop3A_1752] in [0] : vector<16xf32>, vector<16xi32> -> vector<16xf32>
        %parallel_loop3A_1754 = arith.addf %parallel_loop3A_1743, %parallel_loop3A_1753 : vector<16xf32>
        %parallel_loop3A_1755 = arith.addf %parallel_loop3A_1754, %add3A_1127 : vector<16xf32>
        %parallel_loop3A_1756 = arith.addf %parallel_loop3A_1755, %parallel_loop3A_1575 : vector<16xf32>
        %parallel_loop3A_1757 = arith.constant 0.00999999977 : f32
        %parallel_loop3A_1758 = vector.broadcast %parallel_loop3A_1757 : f32 to vector<16xf32>
        %parallel_loop3A_1759 = arith.mulf %parallel_loop3A_1758, %parallel_loop3A_1756 : vector<16xf32>
        %parallel_loop3A_1760 = arith.maximumf %parallel_loop3A_1756, %parallel_loop3A_1759 : vector<16xf32>
        %parallel_loop3A_1761 = arith.maximumf %parallel_loop3A_1533, %parallel_loop3A_1760 : vector<16xf32>
        %parallel_loop3A_1762 = arith.subf %parallel_loop3A_1533, %parallel_loop3A_1761 : vector<16xf32>
        %parallel_loop3A_1763 = math.exp %parallel_loop3A_1762 : vector<16xf32>
        %parallel_loop3A_1764 = arith.subf %parallel_loop3A_1760, %parallel_loop3A_1761 : vector<16xf32>
        %parallel_loop3A_1765 = math.exp %parallel_loop3A_1764 : vector<16xf32>
        %parallel_loop3A_1766 = arith.mulf %parallel_loop3A_1541, %parallel_loop3A_1763 : vector<16xf32>
        %parallel_loop3A_1767 = arith.addf %parallel_loop3A_1766, %parallel_loop3A_1765 : vector<16xf32>
        %parallel_loop3A_1768 = arith.constant 1 : i32
        %parallel_loop3A_1769 = arith.constant 0 : i32
        %parallel_loop3A_1770 = arith.index_cast %parallel_loop3A_1768 : i32 to index
        %parallel_loop3A_1771 = arith.index_cast %parallel_loop3A_1769 : i32 to index
        %parallel_loop3A_1772 = arith.index_cast %parallel_loop3A_1532 : i32 to index
        %parallel_loop3A_1773 = arith.constant 0 : index
        %parallel_loop3A_1774 = tpu.vector_load %arg12[%parallel_loop3A_1770, %parallel_loop3A_1771, %parallel_loop3A_1772, %parallel_loop3A_1773] {strides = array<i32>} : memref<2x2x32x128xf32, #tpu.memory_space<vmem>>, vector<1x1x1x16xf32>,
        %parallel_loop3A_1775 = vector.shape_cast %parallel_loop3A_1774 : vector<1x1x1x16xf32> to vector<16xf32>
        %parallel_loop3A_1776 = arith.mulf %parallel_loop3A_1549, %parallel_loop3A_1763 : vector<16xf32>
        %parallel_loop3A_1777 = arith.mulf %parallel_loop3A_1765, %parallel_loop3A_1775 : vector<16xf32>
        %parallel_loop3A_1778 = arith.addf %parallel_loop3A_1776, %parallel_loop3A_1777 : vector<16xf32>
        %parallel_loop3A_1779 = arith.addf %parallel_loop3A_1755, %parallel_loop3A_1594 : vector<16xf32>
        %parallel_loop3A_1780 = arith.constant 0.00999999977 : f32
        %parallel_loop3A_1781 = vector.broadcast %parallel_loop3A_1780 : f32 to vector<16xf32>
        %parallel_loop3A_1782 = arith.mulf %parallel_loop3A_1781, %parallel_loop3A_1779 : vector<16xf32>
        %parallel_loop3A_1783 = arith.maximumf %parallel_loop3A_1779, %parallel_loop3A_1782 : vector<16xf32>
        %parallel_loop3A_1784 = arith.maximumf %parallel_loop3A_1534, %parallel_loop3A_1783 : vector<16xf32>
        %parallel_loop3A_1785 = arith.subf %parallel_loop3A_1534, %parallel_loop3A_1784 : vector<16xf32>
        %parallel_loop3A_1786 = math.exp %parallel_loop3A_1785 : vector<16xf32>
        %parallel_loop3A_1787 = arith.subf %parallel_loop3A_1783, %parallel_loop3A_1784 : vector<16xf32>
        %parallel_loop3A_1788 = math.exp %parallel_loop3A_1787 : vector<16xf32>
        %parallel_loop3A_1789 = arith.mulf %parallel_loop3A_1542, %parallel_loop3A_1786 : vector<16xf32>
        %parallel_loop3A_1790 = arith.addf %parallel_loop3A_1789, %parallel_loop3A_1788 : vector<16xf32>
        %parallel_loop3A_1791 = arith.constant 1 : i32
        %parallel_loop3A_1792 = arith.constant 0 : i32
        %parallel_loop3A_1793 = arith.index_cast %parallel_loop3A_1791 : i32 to index
        %parallel_loop3A_1794 = arith.index_cast %parallel_loop3A_1792 : i32 to index
        %parallel_loop3A_1795 = arith.index_cast %parallel_loop3A_1532 : i32 to index
        %parallel_loop3A_1796 = arith.constant 16 : index
        %parallel_loop3A_1797 = tpu.vector_load %arg12[%parallel_loop3A_1793, %parallel_loop3A_1794, %parallel_loop3A_1795, %parallel_loop3A_1796] {strides = array<i32>} : memref<2x2x32x128xf32, #tpu.memory_space<vmem>>, vector<1x1x1x16xf32>,
        %parallel_loop3A_1798 = vector.shape_cast %parallel_loop3A_1797 : vector<1x1x1x16xf32> to vector<16xf32>
        %parallel_loop3A_1799 = arith.mulf %parallel_loop3A_1550, %parallel_loop3A_1786 : vector<16xf32>
        %parallel_loop3A_1800 = arith.mulf %parallel_loop3A_1788, %parallel_loop3A_1798 : vector<16xf32>
        %parallel_loop3A_1801 = arith.addf %parallel_loop3A_1799, %parallel_loop3A_1800 : vector<16xf32>
        %parallel_loop3A_1802 = arith.addf %parallel_loop3A_1755, %parallel_loop3A_1613 : vector<16xf32>
        %parallel_loop3A_1803 = arith.constant 0.00999999977 : f32
        %parallel_loop3A_1804 = vector.broadcast %parallel_loop3A_1803 : f32 to vector<16xf32>
        %parallel_loop3A_1805 = arith.mulf %parallel_loop3A_1804, %parallel_loop3A_1802 : vector<16xf32>
        %parallel_loop3A_1806 = arith.maximumf %parallel_loop3A_1802, %parallel_loop3A_1805 : vector<16xf32>
        %parallel_loop3A_1807 = arith.maximumf %parallel_loop3A_1535, %parallel_loop3A_1806 : vector<16xf32>
        %parallel_loop3A_1808 = arith.subf %parallel_loop3A_1535, %parallel_loop3A_1807 : vector<16xf32>
        %parallel_loop3A_1809 = math.exp %parallel_loop3A_1808 : vector<16xf32>
        %parallel_loop3A_1810 = arith.subf %parallel_loop3A_1806, %parallel_loop3A_1807 : vector<16xf32>
        %parallel_loop3A_1811 = math.exp %parallel_loop3A_1810 : vector<16xf32>
        %parallel_loop3A_1812 = arith.mulf %parallel_loop3A_1543, %parallel_loop3A_1809 : vector<16xf32>
        %parallel_loop3A_1813 = arith.addf %parallel_loop3A_1812, %parallel_loop3A_1811 : vector<16xf32>
        %parallel_loop3A_1814 = arith.constant 1 : i32
        %parallel_loop3A_1815 = arith.constant 0 : i32
        %parallel_loop3A_1816 = arith.index_cast %parallel_loop3A_1814 : i32 to index
        %parallel_loop3A_1817 = arith.index_cast %parallel_loop3A_1815 : i32 to index
        %parallel_loop3A_1818 = arith.index_cast %parallel_loop3A_1532 : i32 to index
        %parallel_loop3A_1819 = arith.constant 32 : index
        %parallel_loop3A_1820 = tpu.vector_load %arg12[%parallel_loop3A_1816, %parallel_loop3A_1817, %parallel_loop3A_1818, %parallel_loop3A_1819] {strides = array<i32>} : memref<2x2x32x128xf32, #tpu.memory_space<vmem>>, vector<1x1x1x16xf32>,
        %parallel_loop3A_1821 = vector.shape_cast %parallel_loop3A_1820 : vector<1x1x1x16xf32> to vector<16xf32>
        %parallel_loop3A_1822 = arith.mulf %parallel_loop3A_1551, %parallel_loop3A_1809 : vector<16xf32>
        %parallel_loop3A_1823 = arith.mulf %parallel_loop3A_1811, %parallel_loop3A_1821 : vector<16xf32>
        %parallel_loop3A_1824 = arith.addf %parallel_loop3A_1822, %parallel_loop3A_1823 : vector<16xf32>
        %parallel_loop3A_1825 = arith.addf %parallel_loop3A_1755, %parallel_loop3A_1632 : vector<16xf32>
        %parallel_loop3A_1826 = arith.constant 0.00999999977 : f32
        %parallel_loop3A_1827 = vector.broadcast %parallel_loop3A_1826 : f32 to vector<16xf32>
        %parallel_loop3A_1828 = arith.mulf %parallel_loop3A_1827, %parallel_loop3A_1825 : vector<16xf32>
        %parallel_loop3A_1829 = arith.maximumf %parallel_loop3A_1825, %parallel_loop3A_1828 : vector<16xf32>
        %parallel_loop3A_1830 = arith.maximumf %parallel_loop3A_1536, %parallel_loop3A_1829 : vector<16xf32>
        %parallel_loop3A_1831 = arith.subf %parallel_loop3A_1536, %parallel_loop3A_1830 : vector<16xf32>
        %parallel_loop3A_1832 = math.exp %parallel_loop3A_1831 : vector<16xf32>
        %parallel_loop3A_1833 = arith.subf %parallel_loop3A_1829, %parallel_loop3A_1830 : vector<16xf32>
        %parallel_loop3A_1834 = math.exp %parallel_loop3A_1833 : vector<16xf32>
        %parallel_loop3A_1835 = arith.mulf %parallel_loop3A_1544, %parallel_loop3A_1832 : vector<16xf32>
        %parallel_loop3A_1836 = arith.addf %parallel_loop3A_1835, %parallel_loop3A_1834 : vector<16xf32>
        %parallel_loop3A_1837 = arith.constant 1 : i32
        %parallel_loop3A_1838 = arith.constant 0 : i32
        %parallel_loop3A_1839 = arith.index_cast %parallel_loop3A_1837 : i32 to index
        %parallel_loop3A_1840 = arith.index_cast %parallel_loop3A_1838 : i32 to index
        %parallel_loop3A_1841 = arith.index_cast %parallel_loop3A_1532 : i32 to index
        %parallel_loop3A_1842 = arith.constant 48 : index
        %parallel_loop3A_1843 = tpu.vector_load %arg12[%parallel_loop3A_1839, %parallel_loop3A_1840, %parallel_loop3A_1841, %parallel_loop3A_1842] {strides = array<i32>} : memref<2x2x32x128xf32, #tpu.memory_space<vmem>>, vector<1x1x1x16xf32>,
        %parallel_loop3A_1844 = vector.shape_cast %parallel_loop3A_1843 : vector<1x1x1x16xf32> to vector<16xf32>
        %parallel_loop3A_1845 = arith.mulf %parallel_loop3A_1552, %parallel_loop3A_1832 : vector<16xf32>
        %parallel_loop3A_1846 = arith.mulf %parallel_loop3A_1834, %parallel_loop3A_1844 : vector<16xf32>
        %parallel_loop3A_1847 = arith.addf %parallel_loop3A_1845, %parallel_loop3A_1846 : vector<16xf32>
        %parallel_loop3A_1848 = arith.addf %parallel_loop3A_1755, %parallel_loop3A_1651 : vector<16xf32>
        %parallel_loop3A_1849 = arith.constant 0.00999999977 : f32
        %parallel_loop3A_1850 = vector.broadcast %parallel_loop3A_1849 : f32 to vector<16xf32>
        %parallel_loop3A_1851 = arith.mulf %parallel_loop3A_1850, %parallel_loop3A_1848 : vector<16xf32>
        %parallel_loop3A_1852 = arith.maximumf %parallel_loop3A_1848, %parallel_loop3A_1851 : vector<16xf32>
        %parallel_loop3A_1853 = arith.maximumf %parallel_loop3A_1537, %parallel_loop3A_1852 : vector<16xf32>
        %parallel_loop3A_1854 = arith.subf %parallel_loop3A_1537, %parallel_loop3A_1853 : vector<16xf32>
        %parallel_loop3A_1855 = math.exp %parallel_loop3A_1854 : vector<16xf32>
        %parallel_loop3A_1856 = arith.subf %parallel_loop3A_1852, %parallel_loop3A_1853 : vector<16xf32>
        %parallel_loop3A_1857 = math.exp %parallel_loop3A_1856 : vector<16xf32>
        %parallel_loop3A_1858 = arith.mulf %parallel_loop3A_1545, %parallel_loop3A_1855 : vector<16xf32>
        %parallel_loop3A_1859 = arith.addf %parallel_loop3A_1858, %parallel_loop3A_1857 : vector<16xf32>
        %parallel_loop3A_1860 = arith.constant 1 : i32
        %parallel_loop3A_1861 = arith.constant 0 : i32
        %parallel_loop3A_1862 = arith.index_cast %parallel_loop3A_1860 : i32 to index
        %parallel_loop3A_1863 = arith.index_cast %parallel_loop3A_1861 : i32 to index
        %parallel_loop3A_1864 = arith.index_cast %parallel_loop3A_1532 : i32 to index
        %parallel_loop3A_1865 = arith.constant 64 : index
        %parallel_loop3A_1866 = tpu.vector_load %arg12[%parallel_loop3A_1862, %parallel_loop3A_1863, %parallel_loop3A_1864, %parallel_loop3A_1865] {strides = array<i32>} : memref<2x2x32x128xf32, #tpu.memory_space<vmem>>, vector<1x1x1x16xf32>,
        %parallel_loop3A_1867 = vector.shape_cast %parallel_loop3A_1866 : vector<1x1x1x16xf32> to vector<16xf32>
        %parallel_loop3A_1868 = arith.mulf %parallel_loop3A_1553, %parallel_loop3A_1855 : vector<16xf32>
        %parallel_loop3A_1869 = arith.mulf %parallel_loop3A_1857, %parallel_loop3A_1867 : vector<16xf32>
        %parallel_loop3A_1870 = arith.addf %parallel_loop3A_1868, %parallel_loop3A_1869 : vector<16xf32>
        %parallel_loop3A_1871 = arith.addf %parallel_loop3A_1755, %parallel_loop3A_1670 : vector<16xf32>
        %parallel_loop3A_1872 = arith.constant 0.00999999977 : f32
        %parallel_loop3A_1873 = vector.broadcast %parallel_loop3A_1872 : f32 to vector<16xf32>
        %parallel_loop3A_1874 = arith.mulf %parallel_loop3A_1873, %parallel_loop3A_1871 : vector<16xf32>
        %parallel_loop3A_1875 = arith.maximumf %parallel_loop3A_1871, %parallel_loop3A_1874 : vector<16xf32>
        %parallel_loop3A_1876 = arith.maximumf %parallel_loop3A_1538, %parallel_loop3A_1875 : vector<16xf32>
        %parallel_loop3A_1877 = arith.subf %parallel_loop3A_1538, %parallel_loop3A_1876 : vector<16xf32>
        %parallel_loop3A_1878 = math.exp %parallel_loop3A_1877 : vector<16xf32>
        %parallel_loop3A_1879 = arith.subf %parallel_loop3A_1875, %parallel_loop3A_1876 : vector<16xf32>
        %parallel_loop3A_1880 = math.exp %parallel_loop3A_1879 : vector<16xf32>
        %parallel_loop3A_1881 = arith.mulf %parallel_loop3A_1546, %parallel_loop3A_1878 : vector<16xf32>
        %parallel_loop3A_1882 = arith.addf %parallel_loop3A_1881, %parallel_loop3A_1880 : vector<16xf32>
        %parallel_loop3A_1883 = arith.constant 1 : i32
        %parallel_loop3A_1884 = arith.constant 0 : i32
        %parallel_loop3A_1885 = arith.index_cast %parallel_loop3A_1883 : i32 to index
        %parallel_loop3A_1886 = arith.index_cast %parallel_loop3A_1884 : i32 to index
        %parallel_loop3A_1887 = arith.index_cast %parallel_loop3A_1532 : i32 to index
        %parallel_loop3A_1888 = arith.constant 80 : index
        %parallel_loop3A_1889 = tpu.vector_load %arg12[%parallel_loop3A_1885, %parallel_loop3A_1886, %parallel_loop3A_1887, %parallel_loop3A_1888] {strides = array<i32>} : memref<2x2x32x128xf32, #tpu.memory_space<vmem>>, vector<1x1x1x16xf32>,
        %parallel_loop3A_1890 = vector.shape_cast %parallel_loop3A_1889 : vector<1x1x1x16xf32> to vector<16xf32>
        %parallel_loop3A_1891 = arith.mulf %parallel_loop3A_1554, %parallel_loop3A_1878 : vector<16xf32>
        %parallel_loop3A_1892 = arith.mulf %parallel_loop3A_1880, %parallel_loop3A_1890 : vector<16xf32>
        %parallel_loop3A_1893 = arith.addf %parallel_loop3A_1891, %parallel_loop3A_1892 : vector<16xf32>
        %parallel_loop3A_1894 = arith.addf %parallel_loop3A_1755, %parallel_loop3A_1689 : vector<16xf32>
        %parallel_loop3A_1895 = arith.constant 0.00999999977 : f32
        %parallel_loop3A_1896 = vector.broadcast %parallel_loop3A_1895 : f32 to vector<16xf32>
        %parallel_loop3A_1897 = arith.mulf %parallel_loop3A_1896, %parallel_loop3A_1894 : vector<16xf32>
        %parallel_loop3A_1898 = arith.maximumf %parallel_loop3A_1894, %parallel_loop3A_1897 : vector<16xf32>
        %parallel_loop3A_1899 = arith.maximumf %parallel_loop3A_1539, %parallel_loop3A_1898 : vector<16xf32>
        %parallel_loop3A_1900 = arith.subf %parallel_loop3A_1539, %parallel_loop3A_1899 : vector<16xf32>
        %parallel_loop3A_1901 = math.exp %parallel_loop3A_1900 : vector<16xf32>
        %parallel_loop3A_1902 = arith.subf %parallel_loop3A_1898, %parallel_loop3A_1899 : vector<16xf32>
        %parallel_loop3A_1903 = math.exp %parallel_loop3A_1902 : vector<16xf32>
        %parallel_loop3A_1904 = arith.mulf %parallel_loop3A_1547, %parallel_loop3A_1901 : vector<16xf32>
        %parallel_loop3A_1905 = arith.addf %parallel_loop3A_1904, %parallel_loop3A_1903 : vector<16xf32>
        %parallel_loop3A_1906 = arith.constant 1 : i32
        %parallel_loop3A_1907 = arith.constant 0 : i32
        %parallel_loop3A_1908 = arith.index_cast %parallel_loop3A_1906 : i32 to index
        %parallel_loop3A_1909 = arith.index_cast %parallel_loop3A_1907 : i32 to index
        %parallel_loop3A_1910 = arith.index_cast %parallel_loop3A_1532 : i32 to index
        %parallel_loop3A_1911 = arith.constant 96 : index
        %parallel_loop3A_1912 = tpu.vector_load %arg12[%parallel_loop3A_1908, %parallel_loop3A_1909, %parallel_loop3A_1910, %parallel_loop3A_1911] {strides = array<i32>} : memref<2x2x32x128xf32, #tpu.memory_space<vmem>>, vector<1x1x1x16xf32>,
        %parallel_loop3A_1913 = vector.shape_cast %parallel_loop3A_1912 : vector<1x1x1x16xf32> to vector<16xf32>
        %parallel_loop3A_1914 = arith.mulf %parallel_loop3A_1555, %parallel_loop3A_1901 : vector<16xf32>
        %parallel_loop3A_1915 = arith.mulf %parallel_loop3A_1903, %parallel_loop3A_1913 : vector<16xf32>
        %parallel_loop3A_1916 = arith.addf %parallel_loop3A_1914, %parallel_loop3A_1915 : vector<16xf32>
        %parallel_loop3A_1917 = arith.addf %parallel_loop3A_1755, %parallel_loop3A_1708 : vector<16xf32>
        %parallel_loop3A_1918 = arith.constant 0.00999999977 : f32
        %parallel_loop3A_1919 = vector.broadcast %parallel_loop3A_1918 : f32 to vector<16xf32>
        %parallel_loop3A_1920 = arith.mulf %parallel_loop3A_1919, %parallel_loop3A_1917 : vector<16xf32>
        %parallel_loop3A_1921 = arith.maximumf %parallel_loop3A_1917, %parallel_loop3A_1920 : vector<16xf32>
        %parallel_loop3A_1922 = arith.maximumf %parallel_loop3A_1540, %parallel_loop3A_1921 : vector<16xf32>
        %parallel_loop3A_1923 = arith.subf %parallel_loop3A_1540, %parallel_loop3A_1922 : vector<16xf32>
        %parallel_loop3A_1924 = math.exp %parallel_loop3A_1923 : vector<16xf32>
        %parallel_loop3A_1925 = arith.subf %parallel_loop3A_1921, %parallel_loop3A_1922 : vector<16xf32>
        %parallel_loop3A_1926 = math.exp %parallel_loop3A_1925 : vector<16xf32>
        %parallel_loop3A_1927 = arith.mulf %parallel_loop3A_1548, %parallel_loop3A_1924 : vector<16xf32>
        %parallel_loop3A_1928 = arith.addf %parallel_loop3A_1927, %parallel_loop3A_1926 : vector<16xf32>
        %parallel_loop3A_1929 = arith.constant 1 : i32
        %parallel_loop3A_1930 = arith.constant 0 : i32
        %parallel_loop3A_1931 = arith.index_cast %parallel_loop3A_1929 : i32 to index
        %parallel_loop3A_1932 = arith.index_cast %parallel_loop3A_1930 : i32 to index
        %parallel_loop3A_1933 = arith.index_cast %parallel_loop3A_1532 : i32 to index
        %parallel_loop3A_1934 = arith.constant 112 : index
        %parallel_loop3A_1935 = tpu.vector_load %arg12[%parallel_loop3A_1931, %parallel_loop3A_1932, %parallel_loop3A_1933, %parallel_loop3A_1934] {strides = array<i32>} : memref<2x2x32x128xf32, #tpu.memory_space<vmem>>, vector<1x1x1x16xf32>,
        %parallel_loop3A_1936 = vector.shape_cast %parallel_loop3A_1935 : vector<1x1x1x16xf32> to vector<16xf32>
        %parallel_loop3A_1937 = arith.mulf %parallel_loop3A_1556, %parallel_loop3A_1924 : vector<16xf32>
        %parallel_loop3A_1938 = arith.mulf %parallel_loop3A_1926, %parallel_loop3A_1936 : vector<16xf32>
        %parallel_loop3A_1939 = arith.addf %parallel_loop3A_1937, %parallel_loop3A_1938 : vector<16xf32>
        scf.yield %parallel_loop3A_1761, %parallel_loop3A_1784, %parallel_loop3A_1807, %parallel_loop3A_1830, %parallel_loop3A_1853, %parallel_loop3A_1876, %parallel_loop3A_1899, %parallel_loop3A_1922, %parallel_loop3A_1767, %parallel_loop3A_1790, %parallel_loop3A_1813, %parallel_loop3A_1836, %parallel_loop3A_1859, %parallel_loop3A_1882, %parallel_loop3A_1905, %parallel_loop3A_1928, %parallel_loop3A_1778, %parallel_loop3A_1801, %parallel_loop3A_1824, %parallel_loop3A_1847, %parallel_loop3A_1870, %parallel_loop3A_1893, %parallel_loop3A_1916, %parallel_loop3A_1939 : vector<16xf32>, vector<16xf32>, vector<16xf32>, vector<16xf32>, vector<16xf32>, vector<16xf32>, vector<16xf32>, vector<16xf32>, vector<16xf32>, vector<16xf32>, vector<16xf32>, vector<16xf32>, vector<16xf32>, vector<16xf32>, vector<16xf32>, vector<16xf32>, vector<16xf32>, vector<16xf32>, vector<16xf32>, vector<16xf32>, vector<16xf32>, vector<16xf32>, vector<16xf32>, vector<16xf32>
      } {sc.loop_unroll_factor = 1 : i64, sc.parallel_access}
      %div3A_1164 = arith.divf %parallel_loop3A_1163#16, %parallel_loop3A_1163#8 : vector<16xf32>
      %swap3A_1165 = arith.constant 1 : i32
      %swap3A_1166 = arith.constant 0 : i32
      %swap3A_1167 = arith.index_cast %swap3A_1165 : i32 to index
      %swap3A_1168 = arith.index_cast %swap3A_1166 : i32 to index
      %swap3A_1169 = arith.constant 0 : index
      %swap3A_1170 = tpu.vector_load %arg13[%swap3A_1167, %swap3A_1168, %swap3A_1169] {strides = array<i32>} : memref<2x2x128xf32, #tpu.memory_space<vmem>>, vector<1x1x16xf32>,
      %swap3A_1171 = vector.shape_cast %swap3A_1170 : vector<1x1x16xf32> to vector<16xf32>
      %swap3A_1172 = vector.shape_cast %div3A_1164 : vector<16xf32> to vector<1x1x16xf32>
      tpu.vector_store %arg13[%swap3A_1167, %swap3A_1168, %swap3A_1169], %swap3A_1172 {strides = array<i32>} : memref<2x2x128xf32, #tpu.memory_space<vmem>>, vector<1x1x16xf32>,
      %div3A_1173 = arith.divf %parallel_loop3A_1163#17, %parallel_loop3A_1163#9 : vector<16xf32>
      %swap3A_1174 = arith.constant 1 : i32
      %swap3A_1175 = arith.constant 0 : i32
      %swap3A_1176 = arith.index_cast %swap3A_1174 : i32 to index
      %swap3A_1177 = arith.index_cast %swap3A_1175 : i32 to index
      %swap3A_1178 = arith.constant 16 : index
      %swap3A_1179 = tpu.vector_load %arg13[%swap3A_1176, %swap3A_1177, %swap3A_1178] {strides = array<i32>} : memref<2x2x128xf32, #tpu.memory_space<vmem>>, vector<1x1x16xf32>,
      %swap3A_1180 = vector.shape_cast %swap3A_1179 : vector<1x1x16xf32> to vector<16xf32>
      %swap3A_1181 = vector.shape_cast %div3A_1173 : vector<16xf32> to vector<1x1x16xf32>
      tpu.vector_store %arg13[%swap3A_1176, %swap3A_1177, %swap3A_1178], %swap3A_1181 {strides = array<i32>} : memref<2x2x128xf32, #tpu.memory_space<vmem>>, vector<1x1x16xf32>,
      %div3A_1182 = arith.divf %parallel_loop3A_1163#18, %parallel_loop3A_1163#10 : vector<16xf32>
      %swap3A_1183 = arith.constant 1 : i32
      %swap3A_1184 = arith.constant 0 : i32
      %swap3A_1185 = arith.index_cast %swap3A_1183 : i32 to index
      %swap3A_1186 = arith.index_cast %swap3A_1184 : i32 to index
      %swap3A_1187 = arith.constant 32 : index
      %swap3A_1188 = tpu.vector_load %arg13[%swap3A_1185, %swap3A_1186, %swap3A_1187] {strides = array<i32>} : memref<2x2x128xf32, #tpu.memory_space<vmem>>, vector<1x1x16xf32>,
      %swap3A_1189 = vector.shape_cast %swap3A_1188 : vector<1x1x16xf32> to vector<16xf32>
      %swap3A_1190 = vector.shape_cast %div3A_1182 : vector<16xf32> to vector<1x1x16xf32>
      tpu.vector_store %arg13[%swap3A_1185, %swap3A_1186, %swap3A_1187], %swap3A_1190 {strides = array<i32>} : memref<2x2x128xf32, #tpu.memory_space<vmem>>, vector<1x1x16xf32>,
      %div3A_1191 = arith.divf %parallel_loop3A_1163#19, %parallel_loop3A_1163#11 : vector<16xf32>
      %swap3A_1192 = arith.constant 1 : i32
      %swap3A_1193 = arith.constant 0 : i32
      %swap3A_1194 = arith.index_cast %swap3A_1192 : i32 to index
      %swap3A_1195 = arith.index_cast %swap3A_1193 : i32 to index
      %swap3A_1196 = arith.constant 48 : index
      %swap3A_1197 = tpu.vector_load %arg13[%swap3A_1194, %swap3A_1195, %swap3A_1196] {strides = array<i32>} : memref<2x2x128xf32, #tpu.memory_space<vmem>>, vector<1x1x16xf32>,
      %swap3A_1198 = vector.shape_cast %swap3A_1197 : vector<1x1x16xf32> to vector<16xf32>
      %swap3A_1199 = vector.shape_cast %div3A_1191 : vector<16xf32> to vector<1x1x16xf32>
      tpu.vector_store %arg13[%swap3A_1194, %swap3A_1195, %swap3A_1196], %swap3A_1199 {strides = array<i32>} : memref<2x2x128xf32, #tpu.memory_space<vmem>>, vector<1x1x16xf32>,
      %div3A_1200 = arith.divf %parallel_loop3A_1163#20, %parallel_loop3A_1163#12 : vector<16xf32>
      %swap3A_1201 = arith.constant 1 : i32
      %swap3A_1202 = arith.constant 0 : i32
      %swap3A_1203 = arith.index_cast %swap3A_1201 : i32 to index
      %swap3A_1204 = arith.index_cast %swap3A_1202 : i32 to index
      %swap3A_1205 = arith.constant 64 : index
      %swap3A_1206 = tpu.vector_load %arg13[%swap3A_1203, %swap3A_1204, %swap3A_1205] {strides = array<i32>} : memref<2x2x128xf32, #tpu.memory_space<vmem>>, vector<1x1x16xf32>,
      %swap3A_1207 = vector.shape_cast %swap3A_1206 : vector<1x1x16xf32> to vector<16xf32>
      %swap3A_1208 = vector.shape_cast %div3A_1200 : vector<16xf32> to vector<1x1x16xf32>
      tpu.vector_store %arg13[%swap3A_1203, %swap3A_1204, %swap3A_1205], %swap3A_1208 {strides = array<i32>} : memref<2x2x128xf32, #tpu.memory_space<vmem>>, vector<1x1x16xf32>,
      %div3A_1209 = arith.divf %parallel_loop3A_1163#21, %parallel_loop3A_1163#13 : vector<16xf32>
      %swap3A_1210 = arith.constant 1 : i32
      %swap3A_1211 = arith.constant 0 : i32
      %swap3A_1212 = arith.index_cast %swap3A_1210 : i32 to index
      %swap3A_1213 = arith.index_cast %swap3A_1211 : i32 to index
      %swap3A_1214 = arith.constant 80 : index
      %swap3A_1215 = tpu.vector_load %arg13[%swap3A_1212, %swap3A_1213, %swap3A_1214] {strides = array<i32>} : memref<2x2x128xf32, #tpu.memory_space<vmem>>, vector<1x1x16xf32>,
      %swap3A_1216 = vector.shape_cast %swap3A_1215 : vector<1x1x16xf32> to vector<16xf32>
      %swap3A_1217 = vector.shape_cast %div3A_1209 : vector<16xf32> to vector<1x1x16xf32>
      tpu.vector_store %arg13[%swap3A_1212, %swap3A_1213, %swap3A_1214], %swap3A_1217 {strides = array<i32>} : memref<2x2x128xf32, #tpu.memory_space<vmem>>, vector<1x1x16xf32>,
      %div3A_1218 = arith.divf %parallel_loop3A_1163#22, %parallel_loop3A_1163#14 : vector<16xf32>
      %swap3A_1219 = arith.constant 1 : i32
      %swap3A_1220 = arith.constant 0 : i32
      %swap3A_1221 = arith.index_cast %swap3A_1219 : i32 to index
      %swap3A_1222 = arith.index_cast %swap3A_1220 : i32 to index
      %swap3A_1223 = arith.constant 96 : index
      %swap3A_1224 = tpu.vector_load %arg13[%swap3A_1221, %swap3A_1222, %swap3A_1223] {strides = array<i32>} : memref<2x2x128xf32, #tpu.memory_space<vmem>>, vector<1x1x16xf32>,
      %swap3A_1225 = vector.shape_cast %swap3A_1224 : vector<1x1x16xf32> to vector<16xf32>
      %swap3A_1226 = vector.shape_cast %div3A_1218 : vector<16xf32> to vector<1x1x16xf32>
      tpu.vector_store %arg13[%swap3A_1221, %swap3A_1222, %swap3A_1223], %swap3A_1226 {strides = array<i32>} : memref<2x2x128xf32, #tpu.memory_space<vmem>>, vector<1x1x16xf32>,
      %div3A_1227 = arith.divf %parallel_loop3A_1163#23, %parallel_loop3A_1163#15 : vector<16xf32>
      %swap3A_1228 = arith.constant 1 : i32
      %swap3A_1229 = arith.constant 0 : i32
      %swap3A_1230 = arith.index_cast %swap3A_1228 : i32 to index
      %swap3A_1231 = arith.index_cast %swap3A_1229 : i32 to index
      %swap3A_1232 = arith.constant 112 : index
      %swap3A_1233 = tpu.vector_load %arg13[%swap3A_1230, %swap3A_1231, %swap3A_1232] {strides = array<i32>} : memref<2x2x128xf32, #tpu.memory_space<vmem>>, vector<1x1x16xf32>,
      %swap3A_1234 = vector.shape_cast %swap3A_1233 : vector<1x1x16xf32> to vector<16xf32>
      %swap3A_1235 = vector.shape_cast %div3A_1227 : vector<16xf32> to vector<1x1x16xf32>
      tpu.vector_store %arg13[%swap3A_1230, %swap3A_1231, %swap3A_1232], %swap3A_1235 {strides = array<i32>} : memref<2x2x128xf32, #tpu.memory_space<vmem>>, vector<1x1x16xf32>,
      %get3A_1236 = arith.constant 1 : i32
      %get3A_1237 = arith.constant 1 : i32
      %get3A_1238 = arith.index_cast %get3A_1236 : i32 to index
      %get3A_1239 = arith.index_cast %get3A_1237 : i32 to index
      %get3A_1240 = arith.constant 0 : index
      %get3A_1241 = tpu.vector_load %arg9[%get3A_1238, %get3A_1239, %get3A_1240] {strides = array<i32>} : memref<2x2x128xf32, #tpu.memory_space<vmem>>, vector<1x1x16xf32>,
      %get3A_1242 = vector.shape_cast %get3A_1241 : vector<1x1x16xf32> to vector<16xf32>
      %get3A_1243 = arith.constant 1 : i32
      %get3A_1244 = arith.constant 1 : i32
      %get3A_1245 = arith.index_cast %get3A_1243 : i32 to index
      %get3A_1246 = arith.index_cast %get3A_1244 : i32 to index
      %get3A_1247 = arith.constant 16 : index
      %get3A_1248 = tpu.vector_load %arg9[%get3A_1245, %get3A_1246, %get3A_1247] {strides = array<i32>} : memref<2x2x128xf32, #tpu.memory_space<vmem>>, vector<1x1x16xf32>,
      %get3A_1249 = vector.shape_cast %get3A_1248 : vector<1x1x16xf32> to vector<16xf32>
      %get3A_1250 = arith.constant 1 : i32
      %get3A_1251 = arith.constant 1 : i32
      %get3A_1252 = arith.index_cast %get3A_1250 : i32 to index
      %get3A_1253 = arith.index_cast %get3A_1251 : i32 to index
      %get3A_1254 = arith.constant 32 : index
      %get3A_1255 = tpu.vector_load %arg9[%get3A_1252, %get3A_1253, %get3A_1254] {strides = array<i32>} : memref<2x2x128xf32, #tpu.memory_space<vmem>>, vector<1x1x16xf32>,
      %get3A_1256 = vector.shape_cast %get3A_1255 : vector<1x1x16xf32> to vector<16xf32>
      %get3A_1257 = arith.constant 1 : i32
      %get3A_1258 = arith.constant 1 : i32
      %get3A_1259 = arith.index_cast %get3A_1257 : i32 to index
      %get3A_1260 = arith.index_cast %get3A_1258 : i32 to index
      %get3A_1261 = arith.constant 48 : index
      %get3A_1262 = tpu.vector_load %arg9[%get3A_1259, %get3A_1260, %get3A_1261] {strides = array<i32>} : memref<2x2x128xf32, #tpu.memory_space<vmem>>, vector<1x1x16xf32>,
      %get3A_1263 = vector.shape_cast %get3A_1262 : vector<1x1x16xf32> to vector<16xf32>
      %get3A_1264 = arith.constant 1 : i32
      %get3A_1265 = arith.constant 1 : i32
      %get3A_1266 = arith.index_cast %get3A_1264 : i32 to index
      %get3A_1267 = arith.index_cast %get3A_1265 : i32 to index
      %get3A_1268 = arith.constant 64 : index
      %get3A_1269 = tpu.vector_load %arg9[%get3A_1266, %get3A_1267, %get3A_1268] {strides = array<i32>} : memref<2x2x128xf32, #tpu.memory_space<vmem>>, vector<1x1x16xf32>,
      %get3A_1270 = vector.shape_cast %get3A_1269 : vector<1x1x16xf32> to vector<16xf32>
      %get3A_1271 = arith.constant 1 : i32
      %get3A_1272 = arith.constant 1 : i32
      %get3A_1273 = arith.index_cast %get3A_1271 : i32 to index
      %get3A_1274 = arith.index_cast %get3A_1272 : i32 to index
      %get3A_1275 = arith.constant 80 : index
      %get3A_1276 = tpu.vector_load %arg9[%get3A_1273, %get3A_1274, %get3A_1275] {strides = array<i32>} : memref<2x2x128xf32, #tpu.memory_space<vmem>>, vector<1x1x16xf32>,
      %get3A_1277 = vector.shape_cast %get3A_1276 : vector<1x1x16xf32> to vector<16xf32>
      %get3A_1278 = arith.constant 1 : i32
      %get3A_1279 = arith.constant 1 : i32
      %get3A_1280 = arith.index_cast %get3A_1278 : i32 to index
      %get3A_1281 = arith.index_cast %get3A_1279 : i32 to index
      %get3A_1282 = arith.constant 96 : index
      %get3A_1283 = tpu.vector_load %arg9[%get3A_1280, %get3A_1281, %get3A_1282] {strides = array<i32>} : memref<2x2x128xf32, #tpu.memory_space<vmem>>, vector<1x1x16xf32>,
      %get3A_1284 = vector.shape_cast %get3A_1283 : vector<1x1x16xf32> to vector<16xf32>
      %get3A_1285 = arith.constant 1 : i32
      %get3A_1286 = arith.constant 1 : i32
      %get3A_1287 = arith.index_cast %get3A_1285 : i32 to index
      %get3A_1288 = arith.index_cast %get3A_1286 : i32 to index
      %get3A_1289 = arith.constant 112 : index
      %get3A_1290 = tpu.vector_load %arg9[%get3A_1287, %get3A_1288, %get3A_1289] {strides = array<i32>} : memref<2x2x128xf32, #tpu.memory_space<vmem>>, vector<1x1x16xf32>,
      %get3A_1291 = vector.shape_cast %get3A_1290 : vector<1x1x16xf32> to vector<16xf32>
      %get3A_1292 = arith.constant 1 : i32
      %get3A_1293 = arith.constant 1 : i32
      %get3A_1294 = arith.index_cast %get3A_1292 : i32 to index
      %get3A_1295 = arith.index_cast %get3A_1293 : i32 to index
      %get3A_1296 = arith.constant 0 : index
      %get3A_1297 = tpu.vector_load %arg8[%get3A_1294, %get3A_1295, %get3A_1296] {strides = array<i32>} : memref<2x2x128xf32, #tpu.memory_space<vmem>>, vector<1x1x16xf32>,
      %get3A_1298 = vector.shape_cast %get3A_1297 : vector<1x1x16xf32> to vector<16xf32>
      %add3A_1299 = arith.addf %get3A_1298, %get3A_1242 : vector<16xf32>
      %get3A_1300 = arith.constant 1 : i32
      %get3A_1301 = arith.constant 1 : i32
      %get3A_1302 = arith.index_cast %get3A_1300 : i32 to index
      %get3A_1303 = arith.index_cast %get3A_1301 : i32 to index
      %get3A_1304 = arith.constant 16 : index
      %get3A_1305 = tpu.vector_load %arg8[%get3A_1302, %get3A_1303, %get3A_1304] {strides = array<i32>} : memref<2x2x128xf32, #tpu.memory_space<vmem>>, vector<1x1x16xf32>,
      %get3A_1306 = vector.shape_cast %get3A_1305 : vector<1x1x16xf32> to vector<16xf32>
      %add3A_1307 = arith.addf %add3A_1299, %get3A_1306 : vector<16xf32>
      %add3A_1308 = arith.addf %add3A_1307, %get3A_1249 : vector<16xf32>
      %get3A_1309 = arith.constant 1 : i32
      %get3A_1310 = arith.constant 1 : i32
      %get3A_1311 = arith.index_cast %get3A_1309 : i32 to index
      %get3A_1312 = arith.index_cast %get3A_1310 : i32 to index
      %get3A_1313 = arith.constant 32 : index
      %get3A_1314 = tpu.vector_load %arg8[%get3A_1311, %get3A_1312, %get3A_1313] {strides = array<i32>} : memref<2x2x128xf32, #tpu.memory_space<vmem>>, vector<1x1x16xf32>,
      %get3A_1315 = vector.shape_cast %get3A_1314 : vector<1x1x16xf32> to vector<16xf32>
      %add3A_1316 = arith.addf %add3A_1308, %get3A_1315 : vector<16xf32>
      %add3A_1317 = arith.addf %add3A_1316, %get3A_1256 : vector<16xf32>
      %get3A_1318 = arith.constant 1 : i32
      %get3A_1319 = arith.constant 1 : i32
      %get3A_1320 = arith.index_cast %get3A_1318 : i32 to index
      %get3A_1321 = arith.index_cast %get3A_1319 : i32 to index
      %get3A_1322 = arith.constant 48 : index
      %get3A_1323 = tpu.vector_load %arg8[%get3A_1320, %get3A_1321, %get3A_1322] {strides = array<i32>} : memref<2x2x128xf32, #tpu.memory_space<vmem>>, vector<1x1x16xf32>,
      %get3A_1324 = vector.shape_cast %get3A_1323 : vector<1x1x16xf32> to vector<16xf32>
      %add3A_1325 = arith.addf %add3A_1317, %get3A_1324 : vector<16xf32>
      %add3A_1326 = arith.addf %add3A_1325, %get3A_1263 : vector<16xf32>
      %get3A_1327 = arith.constant 1 : i32
      %get3A_1328 = arith.constant 1 : i32
      %get3A_1329 = arith.index_cast %get3A_1327 : i32 to index
      %get3A_1330 = arith.index_cast %get3A_1328 : i32 to index
      %get3A_1331 = arith.constant 64 : index
      %get3A_1332 = tpu.vector_load %arg8[%get3A_1329, %get3A_1330, %get3A_1331] {strides = array<i32>} : memref<2x2x128xf32, #tpu.memory_space<vmem>>, vector<1x1x16xf32>,
      %get3A_1333 = vector.shape_cast %get3A_1332 : vector<1x1x16xf32> to vector<16xf32>
      %add3A_1334 = arith.addf %add3A_1326, %get3A_1333 : vector<16xf32>
      %add3A_1335 = arith.addf %add3A_1334, %get3A_1270 : vector<16xf32>
      %get3A_1336 = arith.constant 1 : i32
      %get3A_1337 = arith.constant 1 : i32
      %get3A_1338 = arith.index_cast %get3A_1336 : i32 to index
      %get3A_1339 = arith.index_cast %get3A_1337 : i32 to index
      %get3A_1340 = arith.constant 80 : index
      %get3A_1341 = tpu.vector_load %arg8[%get3A_1338, %get3A_1339, %get3A_1340] {strides = array<i32>} : memref<2x2x128xf32, #tpu.memory_space<vmem>>, vector<1x1x16xf32>,
      %get3A_1342 = vector.shape_cast %get3A_1341 : vector<1x1x16xf32> to vector<16xf32>
      %add3A_1343 = arith.addf %add3A_1335, %get3A_1342 : vector<16xf32>
      %add3A_1344 = arith.addf %add3A_1343, %get3A_1277 : vector<16xf32>
      %get3A_1345 = arith.constant 1 : i32
      %get3A_1346 = arith.constant 1 : i32
      %get3A_1347 = arith.index_cast %get3A_1345 : i32 to index
      %get3A_1348 = arith.index_cast %get3A_1346 : i32 to index
      %get3A_1349 = arith.constant 96 : index
      %get3A_1350 = tpu.vector_load %arg8[%get3A_1347, %get3A_1348, %get3A_1349] {strides = array<i32>} : memref<2x2x128xf32, #tpu.memory_space<vmem>>, vector<1x1x16xf32>,
      %get3A_1351 = vector.shape_cast %get3A_1350 : vector<1x1x16xf32> to vector<16xf32>
      %add3A_1352 = arith.addf %add3A_1344, %get3A_1351 : vector<16xf32>
      %add3A_1353 = arith.addf %add3A_1352, %get3A_1284 : vector<16xf32>
      %get3A_1354 = arith.constant 1 : i32
      %get3A_1355 = arith.constant 1 : i32
      %get3A_1356 = arith.index_cast %get3A_1354 : i32 to index
      %get3A_1357 = arith.index_cast %get3A_1355 : i32 to index
      %get3A_1358 = arith.constant 112 : index
      %get3A_1359 = tpu.vector_load %arg8[%get3A_1356, %get3A_1357, %get3A_1358] {strides = array<i32>} : memref<2x2x128xf32, #tpu.memory_space<vmem>>, vector<1x1x16xf32>,
      %get3A_1360 = vector.shape_cast %get3A_1359 : vector<1x1x16xf32> to vector<16xf32>
      %add3A_1361 = arith.addf %add3A_1353, %get3A_1360 : vector<16xf32>
      %add3A_1362 = arith.addf %add3A_1361, %get3A_1291 : vector<16xf32>
      %lt3A_1363 = arith.constant 0 : i32
      %lt3A_1364 = vector.broadcast %lt3A_1363 : i32 to vector<16xi32>
      %lt3A_1365 = arith.cmpi slt, %xor3A_6, %lt3A_1364 : vector<16xi32>
      %add3A_1366 = arith.constant 16 : i32
      %add3A_1367 = vector.broadcast %add3A_1366 : i32 to vector<16xi32>
      %add3A_1368 = arith.addi %xor3A_6, %add3A_1367 : vector<16xi32>
      %select_n3A_1369 = arith.select %lt3A_1365, %add3A_1368, %xor3A_6 : vector<16xi1>, vector<16xi32>
      %broadcast_in_dim3A_1370 = vector.shape_cast %select_n3A_1369 : vector<16xi32> to vector<16x1xi32>
      %gather3A_1371 = vector.shape_cast %broadcast_in_dim3A_1370 : vector<16x1xi32> to vector<16xi32>
      %gather3A_1372 = tpu.dynamic_gather %add3A_1362[%gather3A_1371] in [0] : vector<16xf32>, vector<16xi32> -> vector<16xf32>
      %add3A_1373 = arith.addf %add3A_1362, %gather3A_1372 : vector<16xf32>
      %lt3A_1374 = arith.constant 0 : i32
      %lt3A_1375 = vector.broadcast %lt3A_1374 : i32 to vector<16xi32>
      %lt3A_1376 = arith.cmpi slt, %xor3A_9, %lt3A_1375 : vector<16xi32>
      %add3A_1377 = arith.constant 16 : i32
      %add3A_1378 = vector.broadcast %add3A_1377 : i32 to vector<16xi32>
      %add3A_1379 = arith.addi %xor3A_9, %add3A_1378 : vector<16xi32>
      %select_n3A_1380 = arith.select %lt3A_1376, %add3A_1379, %xor3A_9 : vector<16xi1>, vector<16xi32>
      %broadcast_in_dim3A_1381 = vector.shape_cast %select_n3A_1380 : vector<16xi32> to vector<16x1xi32>
      %gather3A_1382 = vector.shape_cast %broadcast_in_dim3A_1381 : vector<16x1xi32> to vector<16xi32>
      %gather3A_1383 = tpu.dynamic_gather %add3A_1373[%gather3A_1382] in [0] : vector<16xf32>, vector<16xi32> -> vector<16xf32>
      %add3A_1384 = arith.addf %add3A_1373, %gather3A_1383 : vector<16xf32>
      %lt3A_1385 = arith.constant 0 : i32
      %lt3A_1386 = vector.broadcast %lt3A_1385 : i32 to vector<16xi32>
      %lt3A_1387 = arith.cmpi slt, %xor3A_12, %lt3A_1386 : vector<16xi32>
      %add3A_1388 = arith.constant 16 : i32
      %add3A_1389 = vector.broadcast %add3A_1388 : i32 to vector<16xi32>
      %add3A_1390 = arith.addi %xor3A_12, %add3A_1389 : vector<16xi32>
      %select_n3A_1391 = arith.select %lt3A_1387, %add3A_1390, %xor3A_12 : vector<16xi1>, vector<16xi32>
      %broadcast_in_dim3A_1392 = vector.shape_cast %select_n3A_1391 : vector<16xi32> to vector<16x1xi32>
      %gather3A_1393 = vector.shape_cast %broadcast_in_dim3A_1392 : vector<16x1xi32> to vector<16xi32>
      %gather3A_1394 = tpu.dynamic_gather %add3A_1384[%gather3A_1393] in [0] : vector<16xf32>, vector<16xi32> -> vector<16xf32>
      %add3A_1395 = arith.addf %add3A_1384, %gather3A_1394 : vector<16xf32>
      %lt3A_1396 = arith.constant 0 : i32
      %lt3A_1397 = vector.broadcast %lt3A_1396 : i32 to vector<16xi32>
      %lt3A_1398 = arith.cmpi slt, %xor3A_15, %lt3A_1397 : vector<16xi32>
      %add3A_1399 = arith.constant 16 : i32
      %add3A_1400 = vector.broadcast %add3A_1399 : i32 to vector<16xi32>
      %add3A_1401 = arith.addi %xor3A_15, %add3A_1400 : vector<16xi32>
      %select_n3A_1402 = arith.select %lt3A_1398, %add3A_1401, %xor3A_15 : vector<16xi1>, vector<16xi32>
      %broadcast_in_dim3A_1403 = vector.shape_cast %select_n3A_1402 : vector<16xi32> to vector<16x1xi32>
      %gather3A_1404 = vector.shape_cast %broadcast_in_dim3A_1403 : vector<16x1xi32> to vector<16xi32>
      %gather3A_1405 = tpu.dynamic_gather %add3A_1395[%gather3A_1404] in [0] : vector<16xf32>, vector<16xi32> -> vector<16xf32>
      %add3A_1406 = arith.addf %add3A_1395, %gather3A_1405 : vector<16xf32>
      %broadcast_in_dim3A_1407 = arith.constant 0xFF800000 : f32
      %broadcast_in_dim3A_1408 = vector.broadcast %broadcast_in_dim3A_1407 : f32 to vector<16xf32>
      %broadcast_in_dim3A_1409 = arith.constant 0xFF800000 : f32
      %broadcast_in_dim3A_1410 = vector.broadcast %broadcast_in_dim3A_1409 : f32 to vector<16xf32>
      %broadcast_in_dim3A_1411 = arith.constant 0xFF800000 : f32
      %broadcast_in_dim3A_1412 = vector.broadcast %broadcast_in_dim3A_1411 : f32 to vector<16xf32>
      %broadcast_in_dim3A_1413 = arith.constant 0xFF800000 : f32
      %broadcast_in_dim3A_1414 = vector.broadcast %broadcast_in_dim3A_1413 : f32 to vector<16xf32>
      %broadcast_in_dim3A_1415 = arith.constant 0xFF800000 : f32
      %broadcast_in_dim3A_1416 = vector.broadcast %broadcast_in_dim3A_1415 : f32 to vector<16xf32>
      %broadcast_in_dim3A_1417 = arith.constant 0xFF800000 : f32
      %broadcast_in_dim3A_1418 = vector.broadcast %broadcast_in_dim3A_1417 : f32 to vector<16xf32>
      %broadcast_in_dim3A_1419 = arith.constant 0xFF800000 : f32
      %broadcast_in_dim3A_1420 = vector.broadcast %broadcast_in_dim3A_1419 : f32 to vector<16xf32>
      %broadcast_in_dim3A_1421 = arith.constant 0xFF800000 : f32
      %broadcast_in_dim3A_1422 = vector.broadcast %broadcast_in_dim3A_1421 : f32 to vector<16xf32>
      %broadcast_in_dim3A_1423 = arith.constant 0.000000e+00 : f32
      %broadcast_in_dim3A_1424 = vector.broadcast %broadcast_in_dim3A_1423 : f32 to vector<16xf32>
      %broadcast_in_dim3A_1425 = arith.constant 0.000000e+00 : f32
      %broadcast_in_dim3A_1426 = vector.broadcast %broadcast_in_dim3A_1425 : f32 to vector<16xf32>
      %broadcast_in_dim3A_1427 = arith.constant 0.000000e+00 : f32
      %broadcast_in_dim3A_1428 = vector.broadcast %broadcast_in_dim3A_1427 : f32 to vector<16xf32>
      %broadcast_in_dim3A_1429 = arith.constant 0.000000e+00 : f32
      %broadcast_in_dim3A_1430 = vector.broadcast %broadcast_in_dim3A_1429 : f32 to vector<16xf32>
      %broadcast_in_dim3A_1431 = arith.constant 0.000000e+00 : f32
      %broadcast_in_dim3A_1432 = vector.broadcast %broadcast_in_dim3A_1431 : f32 to vector<16xf32>
      %broadcast_in_dim3A_1433 = arith.constant 0.000000e+00 : f32
      %broadcast_in_dim3A_1434 = vector.broadcast %broadcast_in_dim3A_1433 : f32 to vector<16xf32>
      %broadcast_in_dim3A_1435 = arith.constant 0.000000e+00 : f32
      %broadcast_in_dim3A_1436 = vector.broadcast %broadcast_in_dim3A_1435 : f32 to vector<16xf32>
      %broadcast_in_dim3A_1437 = arith.constant 0.000000e+00 : f32
      %broadcast_in_dim3A_1438 = vector.broadcast %broadcast_in_dim3A_1437 : f32 to vector<16xf32>
      %parallel_loop3A_1439 = arith.constant 0 : i32
      %parallel_loop3A_1440 = arith.constant 32 : i32
      %parallel_loop3A_1441 = arith.constant 1 : i32
      %parallel_loop3A_1442:24 = scf.for %parallel_loop3A_1532 = %parallel_loop3A_1439 to %parallel_loop3A_1440 step %parallel_loop3A_1441 iter_args(%parallel_loop3A_1533 = %broadcast_in_dim3A_1408, %parallel_loop3A_1534 = %broadcast_in_dim3A_1410, %parallel_loop3A_1535 = %broadcast_in_dim3A_1412, %parallel_loop3A_1536 = %broadcast_in_dim3A_1414, %parallel_loop3A_1537 = %broadcast_in_dim3A_1416, %parallel_loop3A_1538 = %broadcast_in_dim3A_1418, %parallel_loop3A_1539 = %broadcast_in_dim3A_1420, %parallel_loop3A_1540 = %broadcast_in_dim3A_1422, %parallel_loop3A_1541 = %broadcast_in_dim3A_1424, %parallel_loop3A_1542 = %broadcast_in_dim3A_1426, %parallel_loop3A_1543 = %broadcast_in_dim3A_1428, %parallel_loop3A_1544 = %broadcast_in_dim3A_1430, %parallel_loop3A_1545 = %broadcast_in_dim3A_1432, %parallel_loop3A_1546 = %broadcast_in_dim3A_1434, %parallel_loop3A_1547 = %broadcast_in_dim3A_1436, %parallel_loop3A_1548 = %broadcast_in_dim3A_1438, %parallel_loop3A_1549 = %broadcast_in_dim3A_1424, %parallel_loop3A_1550 = %broadcast_in_dim3A_1426, %parallel_loop3A_1551 = %broadcast_in_dim3A_1428, %parallel_loop3A_1552 = %broadcast_in_dim3A_1430, %parallel_loop3A_1553 = %broadcast_in_dim3A_1432, %parallel_loop3A_1554 = %broadcast_in_dim3A_1434, %parallel_loop3A_1555 = %broadcast_in_dim3A_1436, %parallel_loop3A_1556 = %broadcast_in_dim3A_1438) -> (vector<16xf32>, vector<16xf32>, vector<16xf32>, vector<16xf32>, vector<16xf32>, vector<16xf32>, vector<16xf32>, vector<16xf32>, vector<16xf32>, vector<16xf32>, vector<16xf32>, vector<16xf32>, vector<16xf32>, vector<16xf32>, vector<16xf32>, vector<16xf32>, vector<16xf32>, vector<16xf32>, vector<16xf32>, vector<16xf32>, vector<16xf32>, vector<16xf32>, vector<16xf32>, vector<16xf32>)  : i32 {
        %parallel_loop3A_1557 = arith.constant 0.000000e+00 : f32
        %parallel_loop3A_1558 = vector.broadcast %parallel_loop3A_1557 : f32 to vector<16xf32>
        %parallel_loop3A_1559 = arith.constant 1 : i32
        %parallel_loop3A_1560 = arith.constant 1 : i32
        %parallel_loop3A_1561 = arith.index_cast %parallel_loop3A_1559 : i32 to index
        %parallel_loop3A_1562 = arith.index_cast %parallel_loop3A_1560 : i32 to index
        %parallel_loop3A_1563 = arith.index_cast %parallel_loop3A_1532 : i32 to index
        %parallel_loop3A_1564 = arith.constant 0 : index
        %parallel_loop3A_1565 = tpu.vector_load %arg10[%parallel_loop3A_1561, %parallel_loop3A_1562, %parallel_loop3A_1563, %parallel_loop3A_1564] {strides = array<i32>} : memref<2x2x32x128xf32, #tpu.memory_space<vmem>>, vector<1x1x1x16xf32>,
        %parallel_loop3A_1566 = vector.shape_cast %parallel_loop3A_1565 : vector<1x1x1x16xf32> to vector<16xf32>
        %parallel_loop3A_1567 = arith.constant 1 : i32
        %parallel_loop3A_1568 = arith.constant 1 : i32
        %parallel_loop3A_1569 = arith.index_cast %parallel_loop3A_1567 : i32 to index
        %parallel_loop3A_1570 = arith.index_cast %parallel_loop3A_1568 : i32 to index
        %parallel_loop3A_1571 = arith.index_cast %parallel_loop3A_1532 : i32 to index
        %parallel_loop3A_1572 = arith.constant 0 : index
        %parallel_loop3A_1573 = tpu.vector_load %arg11[%parallel_loop3A_1569, %parallel_loop3A_1570, %parallel_loop3A_1571, %parallel_loop3A_1572] {strides = array<i32>} : memref<2x2x32x128xf32, #tpu.memory_space<vmem>>, vector<1x1x1x16xf32>,
        %parallel_loop3A_1574 = vector.shape_cast %parallel_loop3A_1573 : vector<1x1x1x16xf32> to vector<16xf32>
        %parallel_loop3A_1575 = arith.addf %get3A_1242, %parallel_loop3A_1566 : vector<16xf32>
        %parallel_loop3A_1576 = arith.addf %parallel_loop3A_1558, %parallel_loop3A_1566 : vector<16xf32>
        %parallel_loop3A_1577 = arith.addf %parallel_loop3A_1576, %parallel_loop3A_1574 : vector<16xf32>
        %parallel_loop3A_1578 = arith.constant 1 : i32
        %parallel_loop3A_1579 = arith.constant 1 : i32
        %parallel_loop3A_1580 = arith.index_cast %parallel_loop3A_1578 : i32 to index
        %parallel_loop3A_1581 = arith.index_cast %parallel_loop3A_1579 : i32 to index
        %parallel_loop3A_1582 = arith.index_cast %parallel_loop3A_1532 : i32 to index
        %parallel_loop3A_1583 = arith.constant 16 : index
        %parallel_loop3A_1584 = tpu.vector_load %arg10[%parallel_loop3A_1580, %parallel_loop3A_1581, %parallel_loop3A_1582, %parallel_loop3A_1583] {strides = array<i32>} : memref<2x2x32x128xf32, #tpu.memory_space<vmem>>, vector<1x1x1x16xf32>,
        %parallel_loop3A_1585 = vector.shape_cast %parallel_loop3A_1584 : vector<1x1x1x16xf32> to vector<16xf32>
        %parallel_loop3A_1586 = arith.constant 1 : i32
        %parallel_loop3A_1587 = arith.constant 1 : i32
        %parallel_loop3A_1588 = arith.index_cast %parallel_loop3A_1586 : i32 to index
        %parallel_loop3A_1589 = arith.index_cast %parallel_loop3A_1587 : i32 to index
        %parallel_loop3A_1590 = arith.index_cast %parallel_loop3A_1532 : i32 to index
        %parallel_loop3A_1591 = arith.constant 16 : index
        %parallel_loop3A_1592 = tpu.vector_load %arg11[%parallel_loop3A_1588, %parallel_loop3A_1589, %parallel_loop3A_1590, %parallel_loop3A_1591] {strides = array<i32>} : memref<2x2x32x128xf32, #tpu.memory_space<vmem>>, vector<1x1x1x16xf32>,
        %parallel_loop3A_1593 = vector.shape_cast %parallel_loop3A_1592 : vector<1x1x1x16xf32> to vector<16xf32>
        %parallel_loop3A_1594 = arith.addf %get3A_1249, %parallel_loop3A_1585 : vector<16xf32>
        %parallel_loop3A_1595 = arith.addf %parallel_loop3A_1577, %parallel_loop3A_1585 : vector<16xf32>
        %parallel_loop3A_1596 = arith.addf %parallel_loop3A_1595, %parallel_loop3A_1593 : vector<16xf32>
        %parallel_loop3A_1597 = arith.constant 1 : i32
        %parallel_loop3A_1598 = arith.constant 1 : i32
        %parallel_loop3A_1599 = arith.index_cast %parallel_loop3A_1597 : i32 to index
        %parallel_loop3A_1600 = arith.index_cast %parallel_loop3A_1598 : i32 to index
        %parallel_loop3A_1601 = arith.index_cast %parallel_loop3A_1532 : i32 to index
        %parallel_loop3A_1602 = arith.constant 32 : index
        %parallel_loop3A_1603 = tpu.vector_load %arg10[%parallel_loop3A_1599, %parallel_loop3A_1600, %parallel_loop3A_1601, %parallel_loop3A_1602] {strides = array<i32>} : memref<2x2x32x128xf32, #tpu.memory_space<vmem>>, vector<1x1x1x16xf32>,
        %parallel_loop3A_1604 = vector.shape_cast %parallel_loop3A_1603 : vector<1x1x1x16xf32> to vector<16xf32>
        %parallel_loop3A_1605 = arith.constant 1 : i32
        %parallel_loop3A_1606 = arith.constant 1 : i32
        %parallel_loop3A_1607 = arith.index_cast %parallel_loop3A_1605 : i32 to index
        %parallel_loop3A_1608 = arith.index_cast %parallel_loop3A_1606 : i32 to index
        %parallel_loop3A_1609 = arith.index_cast %parallel_loop3A_1532 : i32 to index
        %parallel_loop3A_1610 = arith.constant 32 : index
        %parallel_loop3A_1611 = tpu.vector_load %arg11[%parallel_loop3A_1607, %parallel_loop3A_1608, %parallel_loop3A_1609, %parallel_loop3A_1610] {strides = array<i32>} : memref<2x2x32x128xf32, #tpu.memory_space<vmem>>, vector<1x1x1x16xf32>,
        %parallel_loop3A_1612 = vector.shape_cast %parallel_loop3A_1611 : vector<1x1x1x16xf32> to vector<16xf32>
        %parallel_loop3A_1613 = arith.addf %get3A_1256, %parallel_loop3A_1604 : vector<16xf32>
        %parallel_loop3A_1614 = arith.addf %parallel_loop3A_1596, %parallel_loop3A_1604 : vector<16xf32>
        %parallel_loop3A_1615 = arith.addf %parallel_loop3A_1614, %parallel_loop3A_1612 : vector<16xf32>
        %parallel_loop3A_1616 = arith.constant 1 : i32
        %parallel_loop3A_1617 = arith.constant 1 : i32
        %parallel_loop3A_1618 = arith.index_cast %parallel_loop3A_1616 : i32 to index
        %parallel_loop3A_1619 = arith.index_cast %parallel_loop3A_1617 : i32 to index
        %parallel_loop3A_1620 = arith.index_cast %parallel_loop3A_1532 : i32 to index
        %parallel_loop3A_1621 = arith.constant 48 : index
        %parallel_loop3A_1622 = tpu.vector_load %arg10[%parallel_loop3A_1618, %parallel_loop3A_1619, %parallel_loop3A_1620, %parallel_loop3A_1621] {strides = array<i32>} : memref<2x2x32x128xf32, #tpu.memory_space<vmem>>, vector<1x1x1x16xf32>,
        %parallel_loop3A_1623 = vector.shape_cast %parallel_loop3A_1622 : vector<1x1x1x16xf32> to vector<16xf32>
        %parallel_loop3A_1624 = arith.constant 1 : i32
        %parallel_loop3A_1625 = arith.constant 1 : i32
        %parallel_loop3A_1626 = arith.index_cast %parallel_loop3A_1624 : i32 to index
        %parallel_loop3A_1627 = arith.index_cast %parallel_loop3A_1625 : i32 to index
        %parallel_loop3A_1628 = arith.index_cast %parallel_loop3A_1532 : i32 to index
        %parallel_loop3A_1629 = arith.constant 48 : index
        %parallel_loop3A_1630 = tpu.vector_load %arg11[%parallel_loop3A_1626, %parallel_loop3A_1627, %parallel_loop3A_1628, %parallel_loop3A_1629] {strides = array<i32>} : memref<2x2x32x128xf32, #tpu.memory_space<vmem>>, vector<1x1x1x16xf32>,
        %parallel_loop3A_1631 = vector.shape_cast %parallel_loop3A_1630 : vector<1x1x1x16xf32> to vector<16xf32>
        %parallel_loop3A_1632 = arith.addf %get3A_1263, %parallel_loop3A_1623 : vector<16xf32>
        %parallel_loop3A_1633 = arith.addf %parallel_loop3A_1615, %parallel_loop3A_1623 : vector<16xf32>
        %parallel_loop3A_1634 = arith.addf %parallel_loop3A_1633, %parallel_loop3A_1631 : vector<16xf32>
        %parallel_loop3A_1635 = arith.constant 1 : i32
        %parallel_loop3A_1636 = arith.constant 1 : i32
        %parallel_loop3A_1637 = arith.index_cast %parallel_loop3A_1635 : i32 to index
        %parallel_loop3A_1638 = arith.index_cast %parallel_loop3A_1636 : i32 to index
        %parallel_loop3A_1639 = arith.index_cast %parallel_loop3A_1532 : i32 to index
        %parallel_loop3A_1640 = arith.constant 64 : index
        %parallel_loop3A_1641 = tpu.vector_load %arg10[%parallel_loop3A_1637, %parallel_loop3A_1638, %parallel_loop3A_1639, %parallel_loop3A_1640] {strides = array<i32>} : memref<2x2x32x128xf32, #tpu.memory_space<vmem>>, vector<1x1x1x16xf32>,
        %parallel_loop3A_1642 = vector.shape_cast %parallel_loop3A_1641 : vector<1x1x1x16xf32> to vector<16xf32>
        %parallel_loop3A_1643 = arith.constant 1 : i32
        %parallel_loop3A_1644 = arith.constant 1 : i32
        %parallel_loop3A_1645 = arith.index_cast %parallel_loop3A_1643 : i32 to index
        %parallel_loop3A_1646 = arith.index_cast %parallel_loop3A_1644 : i32 to index
        %parallel_loop3A_1647 = arith.index_cast %parallel_loop3A_1532 : i32 to index
        %parallel_loop3A_1648 = arith.constant 64 : index
        %parallel_loop3A_1649 = tpu.vector_load %arg11[%parallel_loop3A_1645, %parallel_loop3A_1646, %parallel_loop3A_1647, %parallel_loop3A_1648] {strides = array<i32>} : memref<2x2x32x128xf32, #tpu.memory_space<vmem>>, vector<1x1x1x16xf32>,
        %parallel_loop3A_1650 = vector.shape_cast %parallel_loop3A_1649 : vector<1x1x1x16xf32> to vector<16xf32>
        %parallel_loop3A_1651 = arith.addf %get3A_1270, %parallel_loop3A_1642 : vector<16xf32>
        %parallel_loop3A_1652 = arith.addf %parallel_loop3A_1634, %parallel_loop3A_1642 : vector<16xf32>
        %parallel_loop3A_1653 = arith.addf %parallel_loop3A_1652, %parallel_loop3A_1650 : vector<16xf32>
        %parallel_loop3A_1654 = arith.constant 1 : i32
        %parallel_loop3A_1655 = arith.constant 1 : i32
        %parallel_loop3A_1656 = arith.index_cast %parallel_loop3A_1654 : i32 to index
        %parallel_loop3A_1657 = arith.index_cast %parallel_loop3A_1655 : i32 to index
        %parallel_loop3A_1658 = arith.index_cast %parallel_loop3A_1532 : i32 to index
        %parallel_loop3A_1659 = arith.constant 80 : index
        %parallel_loop3A_1660 = tpu.vector_load %arg10[%parallel_loop3A_1656, %parallel_loop3A_1657, %parallel_loop3A_1658, %parallel_loop3A_1659] {strides = array<i32>} : memref<2x2x32x128xf32, #tpu.memory_space<vmem>>, vector<1x1x1x16xf32>,
        %parallel_loop3A_1661 = vector.shape_cast %parallel_loop3A_1660 : vector<1x1x1x16xf32> to vector<16xf32>
        %parallel_loop3A_1662 = arith.constant 1 : i32
        %parallel_loop3A_1663 = arith.constant 1 : i32
        %parallel_loop3A_1664 = arith.index_cast %parallel_loop3A_1662 : i32 to index
        %parallel_loop3A_1665 = arith.index_cast %parallel_loop3A_1663 : i32 to index
        %parallel_loop3A_1666 = arith.index_cast %parallel_loop3A_1532 : i32 to index
        %parallel_loop3A_1667 = arith.constant 80 : index
        %parallel_loop3A_1668 = tpu.vector_load %arg11[%parallel_loop3A_1664, %parallel_loop3A_1665, %parallel_loop3A_1666, %parallel_loop3A_1667] {strides = array<i32>} : memref<2x2x32x128xf32, #tpu.memory_space<vmem>>, vector<1x1x1x16xf32>,
        %parallel_loop3A_1669 = vector.shape_cast %parallel_loop3A_1668 : vector<1x1x1x16xf32> to vector<16xf32>
        %parallel_loop3A_1670 = arith.addf %get3A_1277, %parallel_loop3A_1661 : vector<16xf32>
        %parallel_loop3A_1671 = arith.addf %parallel_loop3A_1653, %parallel_loop3A_1661 : vector<16xf32>
        %parallel_loop3A_1672 = arith.addf %parallel_loop3A_1671, %parallel_loop3A_1669 : vector<16xf32>
        %parallel_loop3A_1673 = arith.constant 1 : i32
        %parallel_loop3A_1674 = arith.constant 1 : i32
        %parallel_loop3A_1675 = arith.index_cast %parallel_loop3A_1673 : i32 to index
        %parallel_loop3A_1676 = arith.index_cast %parallel_loop3A_1674 : i32 to index
        %parallel_loop3A_1677 = arith.index_cast %parallel_loop3A_1532 : i32 to index
        %parallel_loop3A_1678 = arith.constant 96 : index
        %parallel_loop3A_1679 = tpu.vector_load %arg10[%parallel_loop3A_1675, %parallel_loop3A_1676, %parallel_loop3A_1677, %parallel_loop3A_1678] {strides = array<i32>} : memref<2x2x32x128xf32, #tpu.memory_space<vmem>>, vector<1x1x1x16xf32>,
        %parallel_loop3A_1680 = vector.shape_cast %parallel_loop3A_1679 : vector<1x1x1x16xf32> to vector<16xf32>
        %parallel_loop3A_1681 = arith.constant 1 : i32
        %parallel_loop3A_1682 = arith.constant 1 : i32
        %parallel_loop3A_1683 = arith.index_cast %parallel_loop3A_1681 : i32 to index
        %parallel_loop3A_1684 = arith.index_cast %parallel_loop3A_1682 : i32 to index
        %parallel_loop3A_1685 = arith.index_cast %parallel_loop3A_1532 : i32 to index
        %parallel_loop3A_1686 = arith.constant 96 : index
        %parallel_loop3A_1687 = tpu.vector_load %arg11[%parallel_loop3A_1683, %parallel_loop3A_1684, %parallel_loop3A_1685, %parallel_loop3A_1686] {strides = array<i32>} : memref<2x2x32x128xf32, #tpu.memory_space<vmem>>, vector<1x1x1x16xf32>,
        %parallel_loop3A_1688 = vector.shape_cast %parallel_loop3A_1687 : vector<1x1x1x16xf32> to vector<16xf32>
        %parallel_loop3A_1689 = arith.addf %get3A_1284, %parallel_loop3A_1680 : vector<16xf32>
        %parallel_loop3A_1690 = arith.addf %parallel_loop3A_1672, %parallel_loop3A_1680 : vector<16xf32>
        %parallel_loop3A_1691 = arith.addf %parallel_loop3A_1690, %parallel_loop3A_1688 : vector<16xf32>
        %parallel_loop3A_1692 = arith.constant 1 : i32
        %parallel_loop3A_1693 = arith.constant 1 : i32
        %parallel_loop3A_1694 = arith.index_cast %parallel_loop3A_1692 : i32 to index
        %parallel_loop3A_1695 = arith.index_cast %parallel_loop3A_1693 : i32 to index
        %parallel_loop3A_1696 = arith.index_cast %parallel_loop3A_1532 : i32 to index
        %parallel_loop3A_1697 = arith.constant 112 : index
        %parallel_loop3A_1698 = tpu.vector_load %arg10[%parallel_loop3A_1694, %parallel_loop3A_1695, %parallel_loop3A_1696, %parallel_loop3A_1697] {strides = array<i32>} : memref<2x2x32x128xf32, #tpu.memory_space<vmem>>, vector<1x1x1x16xf32>,
        %parallel_loop3A_1699 = vector.shape_cast %parallel_loop3A_1698 : vector<1x1x1x16xf32> to vector<16xf32>
        %parallel_loop3A_1700 = arith.constant 1 : i32
        %parallel_loop3A_1701 = arith.constant 1 : i32
        %parallel_loop3A_1702 = arith.index_cast %parallel_loop3A_1700 : i32 to index
        %parallel_loop3A_1703 = arith.index_cast %parallel_loop3A_1701 : i32 to index
        %parallel_loop3A_1704 = arith.index_cast %parallel_loop3A_1532 : i32 to index
        %parallel_loop3A_1705 = arith.constant 112 : index
        %parallel_loop3A_1706 = tpu.vector_load %arg11[%parallel_loop3A_1702, %parallel_loop3A_1703, %parallel_loop3A_1704, %parallel_loop3A_1705] {strides = array<i32>} : memref<2x2x32x128xf32, #tpu.memory_space<vmem>>, vector<1x1x1x16xf32>,
        %parallel_loop3A_1707 = vector.shape_cast %parallel_loop3A_1706 : vector<1x1x1x16xf32> to vector<16xf32>
        %parallel_loop3A_1708 = arith.addf %get3A_1291, %parallel_loop3A_1699 : vector<16xf32>
        %parallel_loop3A_1709 = arith.addf %parallel_loop3A_1691, %parallel_loop3A_1699 : vector<16xf32>
        %parallel_loop3A_1710 = arith.addf %parallel_loop3A_1709, %parallel_loop3A_1707 : vector<16xf32>
        %parallel_loop3A_1711 = arith.constant 0 : i32
        %parallel_loop3A_1712 = vector.broadcast %parallel_loop3A_1711 : i32 to vector<16xi32>
        %parallel_loop3A_1713 = arith.cmpi slt, %xor3A_6, %parallel_loop3A_1712 : vector<16xi32>
        %parallel_loop3A_1714 = arith.constant 16 : i32
        %parallel_loop3A_1715 = vector.broadcast %parallel_loop3A_1714 : i32 to vector<16xi32>
        %parallel_loop3A_1716 = arith.addi %xor3A_6, %parallel_loop3A_1715 : vector<16xi32>
        %parallel_loop3A_1717 = arith.select %parallel_loop3A_1713, %parallel_loop3A_1716, %xor3A_6 : vector<16xi1>, vector<16xi32>
        %parallel_loop3A_1718 = vector.shape_cast %parallel_loop3A_1717 : vector<16xi32> to vector<16x1xi32>
        %parallel_loop3A_1719 = vector.shape_cast %parallel_loop3A_1718 : vector<16x1xi32> to vector<16xi32>
        %parallel_loop3A_1720 = tpu.dynamic_gather %parallel_loop3A_1710[%parallel_loop3A_1719] in [0] : vector<16xf32>, vector<16xi32> -> vector<16xf32>
        %parallel_loop3A_1721 = arith.addf %parallel_loop3A_1710, %parallel_loop3A_1720 : vector<16xf32>
        %parallel_loop3A_1722 = arith.constant 0 : i32
        %parallel_loop3A_1723 = vector.broadcast %parallel_loop3A_1722 : i32 to vector<16xi32>
        %parallel_loop3A_1724 = arith.cmpi slt, %xor3A_9, %parallel_loop3A_1723 : vector<16xi32>
        %parallel_loop3A_1725 = arith.constant 16 : i32
        %parallel_loop3A_1726 = vector.broadcast %parallel_loop3A_1725 : i32 to vector<16xi32>
        %parallel_loop3A_1727 = arith.addi %xor3A_9, %parallel_loop3A_1726 : vector<16xi32>
        %parallel_loop3A_1728 = arith.select %parallel_loop3A_1724, %parallel_loop3A_1727, %xor3A_9 : vector<16xi1>, vector<16xi32>
        %parallel_loop3A_1729 = vector.shape_cast %parallel_loop3A_1728 : vector<16xi32> to vector<16x1xi32>
        %parallel_loop3A_1730 = vector.shape_cast %parallel_loop3A_1729 : vector<16x1xi32> to vector<16xi32>
        %parallel_loop3A_1731 = tpu.dynamic_gather %parallel_loop3A_1721[%parallel_loop3A_1730] in [0] : vector<16xf32>, vector<16xi32> -> vector<16xf32>
        %parallel_loop3A_1732 = arith.addf %parallel_loop3A_1721, %parallel_loop3A_1731 : vector<16xf32>
        %parallel_loop3A_1733 = arith.constant 0 : i32
        %parallel_loop3A_1734 = vector.broadcast %parallel_loop3A_1733 : i32 to vector<16xi32>
        %parallel_loop3A_1735 = arith.cmpi slt, %xor3A_12, %parallel_loop3A_1734 : vector<16xi32>
        %parallel_loop3A_1736 = arith.constant 16 : i32
        %parallel_loop3A_1737 = vector.broadcast %parallel_loop3A_1736 : i32 to vector<16xi32>
        %parallel_loop3A_1738 = arith.addi %xor3A_12, %parallel_loop3A_1737 : vector<16xi32>
        %parallel_loop3A_1739 = arith.select %parallel_loop3A_1735, %parallel_loop3A_1738, %xor3A_12 : vector<16xi1>, vector<16xi32>
        %parallel_loop3A_1740 = vector.shape_cast %parallel_loop3A_1739 : vector<16xi32> to vector<16x1xi32>
        %parallel_loop3A_1741 = vector.shape_cast %parallel_loop3A_1740 : vector<16x1xi32> to vector<16xi32>
        %parallel_loop3A_1742 = tpu.dynamic_gather %parallel_loop3A_1732[%parallel_loop3A_1741] in [0] : vector<16xf32>, vector<16xi32> -> vector<16xf32>
        %parallel_loop3A_1743 = arith.addf %parallel_loop3A_1732, %parallel_loop3A_1742 : vector<16xf32>
        %parallel_loop3A_1744 = arith.constant 0 : i32
        %parallel_loop3A_1745 = vector.broadcast %parallel_loop3A_1744 : i32 to vector<16xi32>
        %parallel_loop3A_1746 = arith.cmpi slt, %xor3A_15, %parallel_loop3A_1745 : vector<16xi32>
        %parallel_loop3A_1747 = arith.constant 16 : i32
        %parallel_loop3A_1748 = vector.broadcast %parallel_loop3A_1747 : i32 to vector<16xi32>
        %parallel_loop3A_1749 = arith.addi %xor3A_15, %parallel_loop3A_1748 : vector<16xi32>
        %parallel_loop3A_1750 = arith.select %parallel_loop3A_1746, %parallel_loop3A_1749, %xor3A_15 : vector<16xi1>, vector<16xi32>
        %parallel_loop3A_1751 = vector.shape_cast %parallel_loop3A_1750 : vector<16xi32> to vector<16x1xi32>
        %parallel_loop3A_1752 = vector.shape_cast %parallel_loop3A_1751 : vector<16x1xi32> to vector<16xi32>
        %parallel_loop3A_1753 = tpu.dynamic_gather %parallel_loop3A_1743[%parallel_loop3A_1752] in [0] : vector<16xf32>, vector<16xi32> -> vector<16xf32>
        %parallel_loop3A_1754 = arith.addf %parallel_loop3A_1743, %parallel_loop3A_1753 : vector<16xf32>
        %parallel_loop3A_1755 = arith.addf %parallel_loop3A_1754, %add3A_1406 : vector<16xf32>
        %parallel_loop3A_1756 = arith.addf %parallel_loop3A_1755, %parallel_loop3A_1575 : vector<16xf32>
        %parallel_loop3A_1757 = arith.constant 0.00999999977 : f32
        %parallel_loop3A_1758 = vector.broadcast %parallel_loop3A_1757 : f32 to vector<16xf32>
        %parallel_loop3A_1759 = arith.mulf %parallel_loop3A_1758, %parallel_loop3A_1756 : vector<16xf32>
        %parallel_loop3A_1760 = arith.maximumf %parallel_loop3A_1756, %parallel_loop3A_1759 : vector<16xf32>
        %parallel_loop3A_1761 = arith.maximumf %parallel_loop3A_1533, %parallel_loop3A_1760 : vector<16xf32>
        %parallel_loop3A_1762 = arith.subf %parallel_loop3A_1533, %parallel_loop3A_1761 : vector<16xf32>
        %parallel_loop3A_1763 = math.exp %parallel_loop3A_1762 : vector<16xf32>
        %parallel_loop3A_1764 = arith.subf %parallel_loop3A_1760, %parallel_loop3A_1761 : vector<16xf32>
        %parallel_loop3A_1765 = math.exp %parallel_loop3A_1764 : vector<16xf32>
        %parallel_loop3A_1766 = arith.mulf %parallel_loop3A_1541, %parallel_loop3A_1763 : vector<16xf32>
        %parallel_loop3A_1767 = arith.addf %parallel_loop3A_1766, %parallel_loop3A_1765 : vector<16xf32>
        %parallel_loop3A_1768 = arith.constant 1 : i32
        %parallel_loop3A_1769 = arith.constant 1 : i32
        %parallel_loop3A_1770 = arith.index_cast %parallel_loop3A_1768 : i32 to index
        %parallel_loop3A_1771 = arith.index_cast %parallel_loop3A_1769 : i32 to index
        %parallel_loop3A_1772 = arith.index_cast %parallel_loop3A_1532 : i32 to index
        %parallel_loop3A_1773 = arith.constant 0 : index
        %parallel_loop3A_1774 = tpu.vector_load %arg12[%parallel_loop3A_1770, %parallel_loop3A_1771, %parallel_loop3A_1772, %parallel_loop3A_1773] {strides = array<i32>} : memref<2x2x32x128xf32, #tpu.memory_space<vmem>>, vector<1x1x1x16xf32>,
        %parallel_loop3A_1775 = vector.shape_cast %parallel_loop3A_1774 : vector<1x1x1x16xf32> to vector<16xf32>
        %parallel_loop3A_1776 = arith.mulf %parallel_loop3A_1549, %parallel_loop3A_1763 : vector<16xf32>
        %parallel_loop3A_1777 = arith.mulf %parallel_loop3A_1765, %parallel_loop3A_1775 : vector<16xf32>
        %parallel_loop3A_1778 = arith.addf %parallel_loop3A_1776, %parallel_loop3A_1777 : vector<16xf32>
        %parallel_loop3A_1779 = arith.addf %parallel_loop3A_1755, %parallel_loop3A_1594 : vector<16xf32>
        %parallel_loop3A_1780 = arith.constant 0.00999999977 : f32
        %parallel_loop3A_1781 = vector.broadcast %parallel_loop3A_1780 : f32 to vector<16xf32>
        %parallel_loop3A_1782 = arith.mulf %parallel_loop3A_1781, %parallel_loop3A_1779 : vector<16xf32>
        %parallel_loop3A_1783 = arith.maximumf %parallel_loop3A_1779, %parallel_loop3A_1782 : vector<16xf32>
        %parallel_loop3A_1784 = arith.maximumf %parallel_loop3A_1534, %parallel_loop3A_1783 : vector<16xf32>
        %parallel_loop3A_1785 = arith.subf %parallel_loop3A_1534, %parallel_loop3A_1784 : vector<16xf32>
        %parallel_loop3A_1786 = math.exp %parallel_loop3A_1785 : vector<16xf32>
        %parallel_loop3A_1787 = arith.subf %parallel_loop3A_1783, %parallel_loop3A_1784 : vector<16xf32>
        %parallel_loop3A_1788 = math.exp %parallel_loop3A_1787 : vector<16xf32>
        %parallel_loop3A_1789 = arith.mulf %parallel_loop3A_1542, %parallel_loop3A_1786 : vector<16xf32>
        %parallel_loop3A_1790 = arith.addf %parallel_loop3A_1789, %parallel_loop3A_1788 : vector<16xf32>
        %parallel_loop3A_1791 = arith.constant 1 : i32
        %parallel_loop3A_1792 = arith.constant 1 : i32
        %parallel_loop3A_1793 = arith.index_cast %parallel_loop3A_1791 : i32 to index
        %parallel_loop3A_1794 = arith.index_cast %parallel_loop3A_1792 : i32 to index
        %parallel_loop3A_1795 = arith.index_cast %parallel_loop3A_1532 : i32 to index
        %parallel_loop3A_1796 = arith.constant 16 : index
        %parallel_loop3A_1797 = tpu.vector_load %arg12[%parallel_loop3A_1793, %parallel_loop3A_1794, %parallel_loop3A_1795, %parallel_loop3A_1796] {strides = array<i32>} : memref<2x2x32x128xf32, #tpu.memory_space<vmem>>, vector<1x1x1x16xf32>,
        %parallel_loop3A_1798 = vector.shape_cast %parallel_loop3A_1797 : vector<1x1x1x16xf32> to vector<16xf32>
        %parallel_loop3A_1799 = arith.mulf %parallel_loop3A_1550, %parallel_loop3A_1786 : vector<16xf32>
        %parallel_loop3A_1800 = arith.mulf %parallel_loop3A_1788, %parallel_loop3A_1798 : vector<16xf32>
        %parallel_loop3A_1801 = arith.addf %parallel_loop3A_1799, %parallel_loop3A_1800 : vector<16xf32>
        %parallel_loop3A_1802 = arith.addf %parallel_loop3A_1755, %parallel_loop3A_1613 : vector<16xf32>
        %parallel_loop3A_1803 = arith.constant 0.00999999977 : f32
        %parallel_loop3A_1804 = vector.broadcast %parallel_loop3A_1803 : f32 to vector<16xf32>
        %parallel_loop3A_1805 = arith.mulf %parallel_loop3A_1804, %parallel_loop3A_1802 : vector<16xf32>
        %parallel_loop3A_1806 = arith.maximumf %parallel_loop3A_1802, %parallel_loop3A_1805 : vector<16xf32>
        %parallel_loop3A_1807 = arith.maximumf %parallel_loop3A_1535, %parallel_loop3A_1806 : vector<16xf32>
        %parallel_loop3A_1808 = arith.subf %parallel_loop3A_1535, %parallel_loop3A_1807 : vector<16xf32>
        %parallel_loop3A_1809 = math.exp %parallel_loop3A_1808 : vector<16xf32>
        %parallel_loop3A_1810 = arith.subf %parallel_loop3A_1806, %parallel_loop3A_1807 : vector<16xf32>
        %parallel_loop3A_1811 = math.exp %parallel_loop3A_1810 : vector<16xf32>
        %parallel_loop3A_1812 = arith.mulf %parallel_loop3A_1543, %parallel_loop3A_1809 : vector<16xf32>
        %parallel_loop3A_1813 = arith.addf %parallel_loop3A_1812, %parallel_loop3A_1811 : vector<16xf32>
        %parallel_loop3A_1814 = arith.constant 1 : i32
        %parallel_loop3A_1815 = arith.constant 1 : i32
        %parallel_loop3A_1816 = arith.index_cast %parallel_loop3A_1814 : i32 to index
        %parallel_loop3A_1817 = arith.index_cast %parallel_loop3A_1815 : i32 to index
        %parallel_loop3A_1818 = arith.index_cast %parallel_loop3A_1532 : i32 to index
        %parallel_loop3A_1819 = arith.constant 32 : index
        %parallel_loop3A_1820 = tpu.vector_load %arg12[%parallel_loop3A_1816, %parallel_loop3A_1817, %parallel_loop3A_1818, %parallel_loop3A_1819] {strides = array<i32>} : memref<2x2x32x128xf32, #tpu.memory_space<vmem>>, vector<1x1x1x16xf32>,
        %parallel_loop3A_1821 = vector.shape_cast %parallel_loop3A_1820 : vector<1x1x1x16xf32> to vector<16xf32>
        %parallel_loop3A_1822 = arith.mulf %parallel_loop3A_1551, %parallel_loop3A_1809 : vector<16xf32>
        %parallel_loop3A_1823 = arith.mulf %parallel_loop3A_1811, %parallel_loop3A_1821 : vector<16xf32>
        %parallel_loop3A_1824 = arith.addf %parallel_loop3A_1822, %parallel_loop3A_1823 : vector<16xf32>
        %parallel_loop3A_1825 = arith.addf %parallel_loop3A_1755, %parallel_loop3A_1632 : vector<16xf32>
        %parallel_loop3A_1826 = arith.constant 0.00999999977 : f32
        %parallel_loop3A_1827 = vector.broadcast %parallel_loop3A_1826 : f32 to vector<16xf32>
        %parallel_loop3A_1828 = arith.mulf %parallel_loop3A_1827, %parallel_loop3A_1825 : vector<16xf32>
        %parallel_loop3A_1829 = arith.maximumf %parallel_loop3A_1825, %parallel_loop3A_1828 : vector<16xf32>
        %parallel_loop3A_1830 = arith.maximumf %parallel_loop3A_1536, %parallel_loop3A_1829 : vector<16xf32>
        %parallel_loop3A_1831 = arith.subf %parallel_loop3A_1536, %parallel_loop3A_1830 : vector<16xf32>
        %parallel_loop3A_1832 = math.exp %parallel_loop3A_1831 : vector<16xf32>
        %parallel_loop3A_1833 = arith.subf %parallel_loop3A_1829, %parallel_loop3A_1830 : vector<16xf32>
        %parallel_loop3A_1834 = math.exp %parallel_loop3A_1833 : vector<16xf32>
        %parallel_loop3A_1835 = arith.mulf %parallel_loop3A_1544, %parallel_loop3A_1832 : vector<16xf32>
        %parallel_loop3A_1836 = arith.addf %parallel_loop3A_1835, %parallel_loop3A_1834 : vector<16xf32>
        %parallel_loop3A_1837 = arith.constant 1 : i32
        %parallel_loop3A_1838 = arith.constant 1 : i32
        %parallel_loop3A_1839 = arith.index_cast %parallel_loop3A_1837 : i32 to index
        %parallel_loop3A_1840 = arith.index_cast %parallel_loop3A_1838 : i32 to index
        %parallel_loop3A_1841 = arith.index_cast %parallel_loop3A_1532 : i32 to index
        %parallel_loop3A_1842 = arith.constant 48 : index
        %parallel_loop3A_1843 = tpu.vector_load %arg12[%parallel_loop3A_1839, %parallel_loop3A_1840, %parallel_loop3A_1841, %parallel_loop3A_1842] {strides = array<i32>} : memref<2x2x32x128xf32, #tpu.memory_space<vmem>>, vector<1x1x1x16xf32>,
        %parallel_loop3A_1844 = vector.shape_cast %parallel_loop3A_1843 : vector<1x1x1x16xf32> to vector<16xf32>
        %parallel_loop3A_1845 = arith.mulf %parallel_loop3A_1552, %parallel_loop3A_1832 : vector<16xf32>
        %parallel_loop3A_1846 = arith.mulf %parallel_loop3A_1834, %parallel_loop3A_1844 : vector<16xf32>
        %parallel_loop3A_1847 = arith.addf %parallel_loop3A_1845, %parallel_loop3A_1846 : vector<16xf32>
        %parallel_loop3A_1848 = arith.addf %parallel_loop3A_1755, %parallel_loop3A_1651 : vector<16xf32>
        %parallel_loop3A_1849 = arith.constant 0.00999999977 : f32
        %parallel_loop3A_1850 = vector.broadcast %parallel_loop3A_1849 : f32 to vector<16xf32>
        %parallel_loop3A_1851 = arith.mulf %parallel_loop3A_1850, %parallel_loop3A_1848 : vector<16xf32>
        %parallel_loop3A_1852 = arith.maximumf %parallel_loop3A_1848, %parallel_loop3A_1851 : vector<16xf32>
        %parallel_loop3A_1853 = arith.maximumf %parallel_loop3A_1537, %parallel_loop3A_1852 : vector<16xf32>
        %parallel_loop3A_1854 = arith.subf %parallel_loop3A_1537, %parallel_loop3A_1853 : vector<16xf32>
        %parallel_loop3A_1855 = math.exp %parallel_loop3A_1854 : vector<16xf32>
        %parallel_loop3A_1856 = arith.subf %parallel_loop3A_1852, %parallel_loop3A_1853 : vector<16xf32>
        %parallel_loop3A_1857 = math.exp %parallel_loop3A_1856 : vector<16xf32>
        %parallel_loop3A_1858 = arith.mulf %parallel_loop3A_1545, %parallel_loop3A_1855 : vector<16xf32>
        %parallel_loop3A_1859 = arith.addf %parallel_loop3A_1858, %parallel_loop3A_1857 : vector<16xf32>
        %parallel_loop3A_1860 = arith.constant 1 : i32
        %parallel_loop3A_1861 = arith.constant 1 : i32
        %parallel_loop3A_1862 = arith.index_cast %parallel_loop3A_1860 : i32 to index
        %parallel_loop3A_1863 = arith.index_cast %parallel_loop3A_1861 : i32 to index
        %parallel_loop3A_1864 = arith.index_cast %parallel_loop3A_1532 : i32 to index
        %parallel_loop3A_1865 = arith.constant 64 : index
        %parallel_loop3A_1866 = tpu.vector_load %arg12[%parallel_loop3A_1862, %parallel_loop3A_1863, %parallel_loop3A_1864, %parallel_loop3A_1865] {strides = array<i32>} : memref<2x2x32x128xf32, #tpu.memory_space<vmem>>, vector<1x1x1x16xf32>,
        %parallel_loop3A_1867 = vector.shape_cast %parallel_loop3A_1866 : vector<1x1x1x16xf32> to vector<16xf32>
        %parallel_loop3A_1868 = arith.mulf %parallel_loop3A_1553, %parallel_loop3A_1855 : vector<16xf32>
        %parallel_loop3A_1869 = arith.mulf %parallel_loop3A_1857, %parallel_loop3A_1867 : vector<16xf32>
        %parallel_loop3A_1870 = arith.addf %parallel_loop3A_1868, %parallel_loop3A_1869 : vector<16xf32>
        %parallel_loop3A_1871 = arith.addf %parallel_loop3A_1755, %parallel_loop3A_1670 : vector<16xf32>
        %parallel_loop3A_1872 = arith.constant 0.00999999977 : f32
        %parallel_loop3A_1873 = vector.broadcast %parallel_loop3A_1872 : f32 to vector<16xf32>
        %parallel_loop3A_1874 = arith.mulf %parallel_loop3A_1873, %parallel_loop3A_1871 : vector<16xf32>
        %parallel_loop3A_1875 = arith.maximumf %parallel_loop3A_1871, %parallel_loop3A_1874 : vector<16xf32>
        %parallel_loop3A_1876 = arith.maximumf %parallel_loop3A_1538, %parallel_loop3A_1875 : vector<16xf32>
        %parallel_loop3A_1877 = arith.subf %parallel_loop3A_1538, %parallel_loop3A_1876 : vector<16xf32>
        %parallel_loop3A_1878 = math.exp %parallel_loop3A_1877 : vector<16xf32>
        %parallel_loop3A_1879 = arith.subf %parallel_loop3A_1875, %parallel_loop3A_1876 : vector<16xf32>
        %parallel_loop3A_1880 = math.exp %parallel_loop3A_1879 : vector<16xf32>
        %parallel_loop3A_1881 = arith.mulf %parallel_loop3A_1546, %parallel_loop3A_1878 : vector<16xf32>
        %parallel_loop3A_1882 = arith.addf %parallel_loop3A_1881, %parallel_loop3A_1880 : vector<16xf32>
        %parallel_loop3A_1883 = arith.constant 1 : i32
        %parallel_loop3A_1884 = arith.constant 1 : i32
        %parallel_loop3A_1885 = arith.index_cast %parallel_loop3A_1883 : i32 to index
        %parallel_loop3A_1886 = arith.index_cast %parallel_loop3A_1884 : i32 to index
        %parallel_loop3A_1887 = arith.index_cast %parallel_loop3A_1532 : i32 to index
        %parallel_loop3A_1888 = arith.constant 80 : index
        %parallel_loop3A_1889 = tpu.vector_load %arg12[%parallel_loop3A_1885, %parallel_loop3A_1886, %parallel_loop3A_1887, %parallel_loop3A_1888] {strides = array<i32>} : memref<2x2x32x128xf32, #tpu.memory_space<vmem>>, vector<1x1x1x16xf32>,
        %parallel_loop3A_1890 = vector.shape_cast %parallel_loop3A_1889 : vector<1x1x1x16xf32> to vector<16xf32>
        %parallel_loop3A_1891 = arith.mulf %parallel_loop3A_1554, %parallel_loop3A_1878 : vector<16xf32>
        %parallel_loop3A_1892 = arith.mulf %parallel_loop3A_1880, %parallel_loop3A_1890 : vector<16xf32>
        %parallel_loop3A_1893 = arith.addf %parallel_loop3A_1891, %parallel_loop3A_1892 : vector<16xf32>
        %parallel_loop3A_1894 = arith.addf %parallel_loop3A_1755, %parallel_loop3A_1689 : vector<16xf32>
        %parallel_loop3A_1895 = arith.constant 0.00999999977 : f32
        %parallel_loop3A_1896 = vector.broadcast %parallel_loop3A_1895 : f32 to vector<16xf32>
        %parallel_loop3A_1897 = arith.mulf %parallel_loop3A_1896, %parallel_loop3A_1894 : vector<16xf32>
        %parallel_loop3A_1898 = arith.maximumf %parallel_loop3A_1894, %parallel_loop3A_1897 : vector<16xf32>
        %parallel_loop3A_1899 = arith.maximumf %parallel_loop3A_1539, %parallel_loop3A_1898 : vector<16xf32>
        %parallel_loop3A_1900 = arith.subf %parallel_loop3A_1539, %parallel_loop3A_1899 : vector<16xf32>
        %parallel_loop3A_1901 = math.exp %parallel_loop3A_1900 : vector<16xf32>
        %parallel_loop3A_1902 = arith.subf %parallel_loop3A_1898, %parallel_loop3A_1899 : vector<16xf32>
        %parallel_loop3A_1903 = math.exp %parallel_loop3A_1902 : vector<16xf32>
        %parallel_loop3A_1904 = arith.mulf %parallel_loop3A_1547, %parallel_loop3A_1901 : vector<16xf32>
        %parallel_loop3A_1905 = arith.addf %parallel_loop3A_1904, %parallel_loop3A_1903 : vector<16xf32>
        %parallel_loop3A_1906 = arith.constant 1 : i32
        %parallel_loop3A_1907 = arith.constant 1 : i32
        %parallel_loop3A_1908 = arith.index_cast %parallel_loop3A_1906 : i32 to index
        %parallel_loop3A_1909 = arith.index_cast %parallel_loop3A_1907 : i32 to index
        %parallel_loop3A_1910 = arith.index_cast %parallel_loop3A_1532 : i32 to index
        %parallel_loop3A_1911 = arith.constant 96 : index
        %parallel_loop3A_1912 = tpu.vector_load %arg12[%parallel_loop3A_1908, %parallel_loop3A_1909, %parallel_loop3A_1910, %parallel_loop3A_1911] {strides = array<i32>} : memref<2x2x32x128xf32, #tpu.memory_space<vmem>>, vector<1x1x1x16xf32>,
        %parallel_loop3A_1913 = vector.shape_cast %parallel_loop3A_1912 : vector<1x1x1x16xf32> to vector<16xf32>
        %parallel_loop3A_1914 = arith.mulf %parallel_loop3A_1555, %parallel_loop3A_1901 : vector<16xf32>
        %parallel_loop3A_1915 = arith.mulf %parallel_loop3A_1903, %parallel_loop3A_1913 : vector<16xf32>
        %parallel_loop3A_1916 = arith.addf %parallel_loop3A_1914, %parallel_loop3A_1915 : vector<16xf32>
        %parallel_loop3A_1917 = arith.addf %parallel_loop3A_1755, %parallel_loop3A_1708 : vector<16xf32>
        %parallel_loop3A_1918 = arith.constant 0.00999999977 : f32
        %parallel_loop3A_1919 = vector.broadcast %parallel_loop3A_1918 : f32 to vector<16xf32>
        %parallel_loop3A_1920 = arith.mulf %parallel_loop3A_1919, %parallel_loop3A_1917 : vector<16xf32>
        %parallel_loop3A_1921 = arith.maximumf %parallel_loop3A_1917, %parallel_loop3A_1920 : vector<16xf32>
        %parallel_loop3A_1922 = arith.maximumf %parallel_loop3A_1540, %parallel_loop3A_1921 : vector<16xf32>
        %parallel_loop3A_1923 = arith.subf %parallel_loop3A_1540, %parallel_loop3A_1922 : vector<16xf32>
        %parallel_loop3A_1924 = math.exp %parallel_loop3A_1923 : vector<16xf32>
        %parallel_loop3A_1925 = arith.subf %parallel_loop3A_1921, %parallel_loop3A_1922 : vector<16xf32>
        %parallel_loop3A_1926 = math.exp %parallel_loop3A_1925 : vector<16xf32>
        %parallel_loop3A_1927 = arith.mulf %parallel_loop3A_1548, %parallel_loop3A_1924 : vector<16xf32>
        %parallel_loop3A_1928 = arith.addf %parallel_loop3A_1927, %parallel_loop3A_1926 : vector<16xf32>
        %parallel_loop3A_1929 = arith.constant 1 : i32
        %parallel_loop3A_1930 = arith.constant 1 : i32
        %parallel_loop3A_1931 = arith.index_cast %parallel_loop3A_1929 : i32 to index
        %parallel_loop3A_1932 = arith.index_cast %parallel_loop3A_1930 : i32 to index
        %parallel_loop3A_1933 = arith.index_cast %parallel_loop3A_1532 : i32 to index
        %parallel_loop3A_1934 = arith.constant 112 : index
        %parallel_loop3A_1935 = tpu.vector_load %arg12[%parallel_loop3A_1931, %parallel_loop3A_1932, %parallel_loop3A_1933, %parallel_loop3A_1934] {strides = array<i32>} : memref<2x2x32x128xf32, #tpu.memory_space<vmem>>, vector<1x1x1x16xf32>,
        %parallel_loop3A_1936 = vector.shape_cast %parallel_loop3A_1935 : vector<1x1x1x16xf32> to vector<16xf32>
        %parallel_loop3A_1937 = arith.mulf %parallel_loop3A_1556, %parallel_loop3A_1924 : vector<16xf32>
        %parallel_loop3A_1938 = arith.mulf %parallel_loop3A_1926, %parallel_loop3A_1936 : vector<16xf32>
        %parallel_loop3A_1939 = arith.addf %parallel_loop3A_1937, %parallel_loop3A_1938 : vector<16xf32>
        scf.yield %parallel_loop3A_1761, %parallel_loop3A_1784, %parallel_loop3A_1807, %parallel_loop3A_1830, %parallel_loop3A_1853, %parallel_loop3A_1876, %parallel_loop3A_1899, %parallel_loop3A_1922, %parallel_loop3A_1767, %parallel_loop3A_1790, %parallel_loop3A_1813, %parallel_loop3A_1836, %parallel_loop3A_1859, %parallel_loop3A_1882, %parallel_loop3A_1905, %parallel_loop3A_1928, %parallel_loop3A_1778, %parallel_loop3A_1801, %parallel_loop3A_1824, %parallel_loop3A_1847, %parallel_loop3A_1870, %parallel_loop3A_1893, %parallel_loop3A_1916, %parallel_loop3A_1939 : vector<16xf32>, vector<16xf32>, vector<16xf32>, vector<16xf32>, vector<16xf32>, vector<16xf32>, vector<16xf32>, vector<16xf32>, vector<16xf32>, vector<16xf32>, vector<16xf32>, vector<16xf32>, vector<16xf32>, vector<16xf32>, vector<16xf32>, vector<16xf32>, vector<16xf32>, vector<16xf32>, vector<16xf32>, vector<16xf32>, vector<16xf32>, vector<16xf32>, vector<16xf32>, vector<16xf32>
      } {sc.loop_unroll_factor = 1 : i64, sc.parallel_access}
      %div3A_1443 = arith.divf %parallel_loop3A_1442#16, %parallel_loop3A_1442#8 : vector<16xf32>
      %swap3A_1444 = arith.constant 1 : i32
      %swap3A_1445 = arith.constant 1 : i32
      %swap3A_1446 = arith.index_cast %swap3A_1444 : i32 to index
      %swap3A_1447 = arith.index_cast %swap3A_1445 : i32 to index
      %swap3A_1448 = arith.constant 0 : index
      %swap3A_1449 = tpu.vector_load %arg13[%swap3A_1446, %swap3A_1447, %swap3A_1448] {strides = array<i32>} : memref<2x2x128xf32, #tpu.memory_space<vmem>>, vector<1x1x16xf32>,
      %swap3A_1450 = vector.shape_cast %swap3A_1449 : vector<1x1x16xf32> to vector<16xf32>
      %swap3A_1451 = vector.shape_cast %div3A_1443 : vector<16xf32> to vector<1x1x16xf32>
      tpu.vector_store %arg13[%swap3A_1446, %swap3A_1447, %swap3A_1448], %swap3A_1451 {strides = array<i32>} : memref<2x2x128xf32, #tpu.memory_space<vmem>>, vector<1x1x16xf32>,
      %div3A_1452 = arith.divf %parallel_loop3A_1442#17, %parallel_loop3A_1442#9 : vector<16xf32>
      %swap3A_1453 = arith.constant 1 : i32
      %swap3A_1454 = arith.constant 1 : i32
      %swap3A_1455 = arith.index_cast %swap3A_1453 : i32 to index
      %swap3A_1456 = arith.index_cast %swap3A_1454 : i32 to index
      %swap3A_1457 = arith.constant 16 : index
      %swap3A_1458 = tpu.vector_load %arg13[%swap3A_1455, %swap3A_1456, %swap3A_1457] {strides = array<i32>} : memref<2x2x128xf32, #tpu.memory_space<vmem>>, vector<1x1x16xf32>,
      %swap3A_1459 = vector.shape_cast %swap3A_1458 : vector<1x1x16xf32> to vector<16xf32>
      %swap3A_1460 = vector.shape_cast %div3A_1452 : vector<16xf32> to vector<1x1x16xf32>
      tpu.vector_store %arg13[%swap3A_1455, %swap3A_1456, %swap3A_1457], %swap3A_1460 {strides = array<i32>} : memref<2x2x128xf32, #tpu.memory_space<vmem>>, vector<1x1x16xf32>,
      %div3A_1461 = arith.divf %parallel_loop3A_1442#18, %parallel_loop3A_1442#10 : vector<16xf32>
      %swap3A_1462 = arith.constant 1 : i32
      %swap3A_1463 = arith.constant 1 : i32
      %swap3A_1464 = arith.index_cast %swap3A_1462 : i32 to index
      %swap3A_1465 = arith.index_cast %swap3A_1463 : i32 to index
      %swap3A_1466 = arith.constant 32 : index
      %swap3A_1467 = tpu.vector_load %arg13[%swap3A_1464, %swap3A_1465, %swap3A_1466] {strides = array<i32>} : memref<2x2x128xf32, #tpu.memory_space<vmem>>, vector<1x1x16xf32>,
      %swap3A_1468 = vector.shape_cast %swap3A_1467 : vector<1x1x16xf32> to vector<16xf32>
      %swap3A_1469 = vector.shape_cast %div3A_1461 : vector<16xf32> to vector<1x1x16xf32>
      tpu.vector_store %arg13[%swap3A_1464, %swap3A_1465, %swap3A_1466], %swap3A_1469 {strides = array<i32>} : memref<2x2x128xf32, #tpu.memory_space<vmem>>, vector<1x1x16xf32>,
      %div3A_1470 = arith.divf %parallel_loop3A_1442#19, %parallel_loop3A_1442#11 : vector<16xf32>
      %swap3A_1471 = arith.constant 1 : i32
      %swap3A_1472 = arith.constant 1 : i32
      %swap3A_1473 = arith.index_cast %swap3A_1471 : i32 to index
      %swap3A_1474 = arith.index_cast %swap3A_1472 : i32 to index
      %swap3A_1475 = arith.constant 48 : index
      %swap3A_1476 = tpu.vector_load %arg13[%swap3A_1473, %swap3A_1474, %swap3A_1475] {strides = array<i32>} : memref<2x2x128xf32, #tpu.memory_space<vmem>>, vector<1x1x16xf32>,
      %swap3A_1477 = vector.shape_cast %swap3A_1476 : vector<1x1x16xf32> to vector<16xf32>
      %swap3A_1478 = vector.shape_cast %div3A_1470 : vector<16xf32> to vector<1x1x16xf32>
      tpu.vector_store %arg13[%swap3A_1473, %swap3A_1474, %swap3A_1475], %swap3A_1478 {strides = array<i32>} : memref<2x2x128xf32, #tpu.memory_space<vmem>>, vector<1x1x16xf32>,
      %div3A_1479 = arith.divf %parallel_loop3A_1442#20, %parallel_loop3A_1442#12 : vector<16xf32>
      %swap3A_1480 = arith.constant 1 : i32
      %swap3A_1481 = arith.constant 1 : i32
      %swap3A_1482 = arith.index_cast %swap3A_1480 : i32 to index
      %swap3A_1483 = arith.index_cast %swap3A_1481 : i32 to index
      %swap3A_1484 = arith.constant 64 : index
      %swap3A_1485 = tpu.vector_load %arg13[%swap3A_1482, %swap3A_1483, %swap3A_1484] {strides = array<i32>} : memref<2x2x128xf32, #tpu.memory_space<vmem>>, vector<1x1x16xf32>,
      %swap3A_1486 = vector.shape_cast %swap3A_1485 : vector<1x1x16xf32> to vector<16xf32>
      %swap3A_1487 = vector.shape_cast %div3A_1479 : vector<16xf32> to vector<1x1x16xf32>
      tpu.vector_store %arg13[%swap3A_1482, %swap3A_1483, %swap3A_1484], %swap3A_1487 {strides = array<i32>} : memref<2x2x128xf32, #tpu.memory_space<vmem>>, vector<1x1x16xf32>,
      %div3A_1488 = arith.divf %parallel_loop3A_1442#21, %parallel_loop3A_1442#13 : vector<16xf32>
      %swap3A_1489 = arith.constant 1 : i32
      %swap3A_1490 = arith.constant 1 : i32
      %swap3A_1491 = arith.index_cast %swap3A_1489 : i32 to index
      %swap3A_1492 = arith.index_cast %swap3A_1490 : i32 to index
      %swap3A_1493 = arith.constant 80 : index
      %swap3A_1494 = tpu.vector_load %arg13[%swap3A_1491, %swap3A_1492, %swap3A_1493] {strides = array<i32>} : memref<2x2x128xf32, #tpu.memory_space<vmem>>, vector<1x1x16xf32>,
      %swap3A_1495 = vector.shape_cast %swap3A_1494 : vector<1x1x16xf32> to vector<16xf32>
      %swap3A_1496 = vector.shape_cast %div3A_1488 : vector<16xf32> to vector<1x1x16xf32>
      tpu.vector_store %arg13[%swap3A_1491, %swap3A_1492, %swap3A_1493], %swap3A_1496 {strides = array<i32>} : memref<2x2x128xf32, #tpu.memory_space<vmem>>, vector<1x1x16xf32>,
      %div3A_1497 = arith.divf %parallel_loop3A_1442#22, %parallel_loop3A_1442#14 : vector<16xf32>
      %swap3A_1498 = arith.constant 1 : i32
      %swap3A_1499 = arith.constant 1 : i32
      %swap3A_1500 = arith.index_cast %swap3A_1498 : i32 to index
      %swap3A_1501 = arith.index_cast %swap3A_1499 : i32 to index
      %swap3A_1502 = arith.constant 96 : index
      %swap3A_1503 = tpu.vector_load %arg13[%swap3A_1500, %swap3A_1501, %swap3A_1502] {strides = array<i32>} : memref<2x2x128xf32, #tpu.memory_space<vmem>>, vector<1x1x16xf32>,
      %swap3A_1504 = vector.shape_cast %swap3A_1503 : vector<1x1x16xf32> to vector<16xf32>
      %swap3A_1505 = vector.shape_cast %div3A_1497 : vector<16xf32> to vector<1x1x16xf32>
      tpu.vector_store %arg13[%swap3A_1500, %swap3A_1501, %swap3A_1502], %swap3A_1505 {strides = array<i32>} : memref<2x2x128xf32, #tpu.memory_space<vmem>>, vector<1x1x16xf32>,
      %div3A_1506 = arith.divf %parallel_loop3A_1442#23, %parallel_loop3A_1442#15 : vector<16xf32>
      %swap3A_1507 = arith.constant 1 : i32
      %swap3A_1508 = arith.constant 1 : i32
      %swap3A_1509 = arith.index_cast %swap3A_1507 : i32 to index
      %swap3A_1510 = arith.index_cast %swap3A_1508 : i32 to index
      %swap3A_1511 = arith.constant 112 : index
      %swap3A_1512 = tpu.vector_load %arg13[%swap3A_1509, %swap3A_1510, %swap3A_1511] {strides = array<i32>} : memref<2x2x128xf32, #tpu.memory_space<vmem>>, vector<1x1x16xf32>,
      %swap3A_1513 = vector.shape_cast %swap3A_1512 : vector<1x1x16xf32> to vector<16xf32>
      %swap3A_1514 = vector.shape_cast %div3A_1506 : vector<16xf32> to vector<1x1x16xf32>
      tpu.vector_store %arg13[%swap3A_1509, %swap3A_1510, %swap3A_1511], %swap3A_1514 {strides = array<i32>} : memref<2x2x128xf32, #tpu.memory_space<vmem>>, vector<1x1x16xf32>,
      %mul3A_1515 = arith.constant 2 : i32
      %mul3A_1516 = arith.muli %add3A_866, %mul3A_1515 : i32
      %add3A_1517 = arith.addi %mul3A_2, %mul3A_1516 : i32
      %dma_start3A_1518 = arith.constant 1 : i32
      %dma_start3A_1519 = arith.constant 0 : i32
      %dma_start3A_1520 = arith.constant 0 : i32
      %dma_start3A_1521 = tpu.memref_slice %arg13[%dma_start3A_1518, %dma_start3A_1519, %dma_start3A_1520] : memref<2x2x128xf32, #tpu.memory_space<vmem>> -> memref<1x2x128xf32, #tpu.memory_space<vmem>>
      %dma_start3A_1522 = tpu.memref_squeeze %dma_start3A_1521 : memref<1x2x128xf32, #tpu.memory_space<vmem>> -> memref<2x128xf32, #tpu.memory_space<vmem>>
      %dma_start3A_1523 = arith.constant 0 : i32
      %dma_start3A_1524 = tpu.memref_slice %arg7[%add3A_1517, %dma_start3A_1523] : memref<4480x128xf32, #tpu.memory_space<hbm>> -> memref<2x128xf32, #tpu.memory_space<hbm>>
      %dma_start3A_1525 = arith.constant 0 : i32
      %dma_start3A_1526 = tpu.memref_slice %arg7[%add3A_1517, %dma_start3A_1525] : memref<4480x128xf32, #tpu.memory_space<hbm>> -> memref<2x128xf32, #tpu.memory_space<hbm>>
      %dma_start3A_1527 = arith.constant 0 : i32
      %dma_start3A_1528 = arith.constant 0 : i32
      %dma_start3A_1529 = tpu.memref_slice %arg13[%dma_start3A_1518, %dma_start3A_1527, %dma_start3A_1528] : memref<2x2x128xf32, #tpu.memory_space<vmem>> -> memref<1x2x128xf32, #tpu.memory_space<vmem>>
      %dma_start3A_1530 = tpu.memref_squeeze %dma_start3A_1529 : memref<1x2x128xf32, #tpu.memory_space<vmem>> -> memref<2x128xf32, #tpu.memory_space<vmem>>
      tpu.enqueue_dma source(%dma_start3A_1530 : memref<2x128xf32, #tpu.memory_space<vmem>>) target(%dma_start3A_1526 : memref<2x128xf32, #tpu.memory_space<hbm>>) target_semaphore(%arg17 : memref<!tpu.dma_semaphore, #tpu.memory_space<semaphore_mem>>)
      %scan3A_1531 = arith.constant 0 : i32
      scf.yield %scan3A_1531 : i32
    }
    %scan3A_99 = arith.constant 35 : i32
    %add3A_100 = arith.constant 136 : i32
    %add3A_101 = arith.addi %mul3A_2, %add3A_100 : i32
    %dma_wait3A = arith.constant 0 : i32
    %dma_wait3A_102 = arith.constant 0 : i32
    %dma_wait3A_103 = arith.constant 0 : i32
    %dma_wait3A_104 = tpu.memref_slice %arg13[%dma_wait3A, %dma_wait3A_102, %dma_wait3A_103] : memref<2x2x128xf32, #tpu.memory_space<vmem>> -> memref<1x2x128xf32, #tpu.memory_space<vmem>>
    %dma_wait3A_105 = tpu.memref_squeeze %dma_wait3A_104 : memref<1x2x128xf32, #tpu.memory_space<vmem>> -> memref<2x128xf32, #tpu.memory_space<vmem>>
    %dma_wait3A_106 = arith.constant 0 : i32
    %dma_wait3A_107 = tpu.memref_slice %arg7[%add3A_101, %dma_wait3A_106] : memref<4480x128xf32, #tpu.memory_space<hbm>> -> memref<2x128xf32, #tpu.memory_space<hbm>>
    %dma_wait3A_108 = arith.constant 0 : i32
    %dma_wait3A_109 = tpu.memref_slice %arg7[%add3A_101, %dma_wait3A_108] : memref<4480x128xf32, #tpu.memory_space<hbm>> -> memref<2x128xf32, #tpu.memory_space<hbm>>
    %dma_wait3A_110 = arith.constant 0 : i32
    %dma_wait3A_111 = arith.constant 0 : i32
    %dma_wait3A_112 = tpu.memref_slice %arg13[%dma_wait3A, %dma_wait3A_110, %dma_wait3A_111] : memref<2x2x128xf32, #tpu.memory_space<vmem>> -> memref<1x2x128xf32, #tpu.memory_space<vmem>>
    %dma_wait3A_113 = tpu.memref_squeeze %dma_wait3A_112 : memref<1x2x128xf32, #tpu.memory_space<vmem>> -> memref<2x128xf32, #tpu.memory_space<vmem>>
    tpu.wait_dma2 semaphore(%arg16 : memref<!tpu.dma_semaphore, #tpu.memory_space<semaphore_mem>>) src(%dma_wait3A_113 : memref<2x128xf32, #tpu.memory_space<vmem>>) dst(%dma_wait3A_109 : memref<2x128xf32, #tpu.memory_space<hbm>>)
    %add3A_114 = arith.constant 138 : i32
    %add3A_115 = arith.addi %mul3A_2, %add3A_114 : i32
    %dma_wait3A_116 = arith.constant 1 : i32
    %dma_wait3A_117 = arith.constant 0 : i32
    %dma_wait3A_118 = arith.constant 0 : i32
    %dma_wait3A_119 = tpu.memref_slice %arg13[%dma_wait3A_116, %dma_wait3A_117, %dma_wait3A_118] : memref<2x2x128xf32, #tpu.memory_space<vmem>> -> memref<1x2x128xf32, #tpu.memory_space<vmem>>
    %dma_wait3A_120 = tpu.memref_squeeze %dma_wait3A_119 : memref<1x2x128xf32, #tpu.memory_space<vmem>> -> memref<2x128xf32, #tpu.memory_space<vmem>>
    %dma_wait3A_121 = arith.constant 0 : i32
    %dma_wait3A_122 = tpu.memref_slice %arg7[%add3A_115, %dma_wait3A_121] : memref<4480x128xf32, #tpu.memory_space<hbm>> -> memref<2x128xf32, #tpu.memory_space<hbm>>
    %dma_wait3A_123 = arith.constant 0 : i32
    %dma_wait3A_124 = tpu.memref_slice %arg7[%add3A_115, %dma_wait3A_123] : memref<4480x128xf32, #tpu.memory_space<hbm>> -> memref<2x128xf32, #tpu.memory_space<hbm>>
    %dma_wait3A_125 = arith.constant 0 : i32
    %dma_wait3A_126 = arith.constant 0 : i32
    %dma_wait3A_127 = tpu.memref_slice %arg13[%dma_wait3A_116, %dma_wait3A_125, %dma_wait3A_126] : memref<2x2x128xf32, #tpu.memory_space<vmem>> -> memref<1x2x128xf32, #tpu.memory_space<vmem>>
    %dma_wait3A_128 = tpu.memref_squeeze %dma_wait3A_127 : memref<1x2x128xf32, #tpu.memory_space<vmem>> -> memref<2x128xf32, #tpu.memory_space<vmem>>
    tpu.wait_dma2 semaphore(%arg17 : memref<!tpu.dma_semaphore, #tpu.memory_space<semaphore_mem>>) src(%dma_wait3A_128 : memref<2x128xf32, #tpu.memory_space<vmem>>) dst(%dma_wait3A_124 : memref<2x128xf32, #tpu.memory_space<hbm>>)
    return
  }
}

module attributes {stable_mosaic.version = 14 : i64} {
  func.func @_gat_block_tc(%arg0: i32, %arg1: memref<80x128xf32, #tpu.memory_space<vmem>>, %arg2: memref<80x128xf32, #tpu.memory_space<vmem>>, %arg3: memref<80x32x128xf32, #tpu.memory_space<vmem>>, %arg4: memref<80x32x128xf32, #tpu.memory_space<vmem>>, %arg5: memref<80x32x128xf32, #tpu.memory_space<vmem>>, %arg6: memref<80x128xf32, #tpu.memory_space<vmem>>) attributes {dimension_semantics = [#tpu.dimension_semantics<arbitrary>], iteration_bounds = array<i64: 69>, scalar_prefetch = 0 : i64, scratch_operands = 0 : i64, tpu.core_type = #tpu.core_type<tc>, window_params = [{transform_indices = @transform_0, window_bounds = array<i64: 80, 128>}, {transform_indices = @transform_1, window_bounds = array<i64: 80, 128>}, {transform_indices = @transform_2, window_bounds = array<i64: 80, 32, 128>}, {transform_indices = @transform_3, window_bounds = array<i64: 80, 32, 128>}, {transform_indices = @transform_4, window_bounds = array<i64: 80, 32, 128>}, {transform_indices = @transform_5, window_bounds = array<i64: 80, 128>}]} {
    %get3A = arith.constant 0 : index
    %get3A_0 = arith.constant 0 : index
    %get3A_1 = vector.load %arg1[%get3A, %get3A_0] : memref<80x128xf32, #tpu.memory_space<vmem>>, vector<80x128xf32>
    %get3A_2 = arith.constant 0 : index
    %get3A_3 = arith.constant 0 : index
    %get3A_4 = vector.load %arg2[%get3A_2, %get3A_3] : memref<80x128xf32, #tpu.memory_space<vmem>>, vector<80x128xf32>
    %get3A_5 = arith.constant 0 : index
    %get3A_6 = arith.constant 0 : index
    %get3A_7 = arith.constant 0 : index
    %get3A_8 = vector.load %arg3[%get3A_5, %get3A_6, %get3A_7] : memref<80x32x128xf32, #tpu.memory_space<vmem>>, vector<80x32x128xf32>
    %get3A_9 = arith.constant 0 : index
    %get3A_10 = arith.constant 0 : index
    %get3A_11 = arith.constant 0 : index
    %get3A_12 = vector.load %arg4[%get3A_9, %get3A_10, %get3A_11] : memref<80x32x128xf32, #tpu.memory_space<vmem>>, vector<80x32x128xf32>
    %broadcast_in_dim3A = vector.shape_cast %get3A_4 : vector<80x128xf32> to vector<80x1x128xf32>
    %add3A = vector.broadcast %broadcast_in_dim3A : vector<80x1x128xf32> to vector<80x32x128xf32>
    %add3A_13 = arith.addf %add3A, %get3A_8 : vector<80x32x128xf32>
    %broadcast_in_dim3A_14 = vector.shape_cast %get3A_1 : vector<80x128xf32> to vector<80x1x128xf32>
    %add3A_15 = vector.broadcast %broadcast_in_dim3A_14 : vector<80x1x128xf32> to vector<80x32x128xf32>
    %add3A_16 = arith.addf %add3A_15, %get3A_12 : vector<80x32x128xf32>
    %add3A_17 = arith.addf %add3A_16, %add3A_13 : vector<80x32x128xf32>
    %reduce_sum3A = arith.constant dense<0.000000e+00> : vector<80x32xf32>
    %reduce_sum3A_18 = vector.multi_reduction <add>, %add3A_17, %reduce_sum3A [2] : vector<80x32x128xf32> to vector<80x32xf32>
    %broadcast_in_dim3A_19 = vector.shape_cast %reduce_sum3A_18 : vector<80x32xf32> to vector<80x32x1xf32>
    %add3A_20 = vector.broadcast %broadcast_in_dim3A_19 : vector<80x32x1xf32> to vector<80x32x128xf32>
    %add3A_21 = arith.addf %add3A_20, %add3A_13 : vector<80x32x128xf32>
    %ge3A = arith.constant 0.000000e+00 : f32
    %ge3A_22 = vector.broadcast %ge3A : f32 to vector<80x32x128xf32>
    %ge3A_23 = arith.cmpf oge, %add3A_21, %ge3A_22 : vector<80x32x128xf32>
    %mul3A = arith.constant 0.00999999977 : f32
    %mul3A_24 = vector.broadcast %mul3A : f32 to vector<80x32x128xf32>
    %mul3A_25 = arith.mulf %mul3A_24, %add3A_21 : vector<80x32x128xf32>
    %select_n3A = arith.select %ge3A_23, %add3A_21, %mul3A_25 : vector<80x32x128xi1>, vector<80x32x128xf32>
    %reduce_max3A = arith.constant dense<0xFF800000> : vector<80x128xf32>
    %reduce_max3A_26 = vector.multi_reduction <maximumf>, %select_n3A, %reduce_max3A [1] : vector<80x32x128xf32> to vector<80x128xf32>
    %broadcast_in_dim3A_27 = vector.shape_cast %reduce_max3A_26 : vector<80x128xf32> to vector<80x1x128xf32>
    %sub3A = vector.broadcast %broadcast_in_dim3A_27 : vector<80x1x128xf32> to vector<80x32x128xf32>
    %sub3A_28 = arith.subf %select_n3A, %sub3A : vector<80x32x128xf32>
    %exp3A = math.exp %sub3A_28 : vector<80x32x128xf32>
    %reduce_sum3A_29 = arith.constant dense<0.000000e+00> : vector<80x128xf32>
    %reduce_sum3A_30 = vector.multi_reduction <add>, %exp3A, %reduce_sum3A_29 [1] : vector<80x32x128xf32> to vector<80x128xf32>
    %get3A_31 = arith.constant 0 : index
    %get3A_32 = arith.constant 0 : index
    %get3A_33 = arith.constant 0 : index
    %get3A_34 = vector.load %arg5[%get3A_31, %get3A_32, %get3A_33] : memref<80x32x128xf32, #tpu.memory_space<vmem>>, vector<80x32x128xf32>
    %mul3A_35 = arith.mulf %exp3A, %get3A_34 : vector<80x32x128xf32>
    %reduce_sum3A_36 = arith.constant dense<0.000000e+00> : vector<80x128xf32>
    %reduce_sum3A_37 = vector.multi_reduction <add>, %mul3A_35, %reduce_sum3A_36 [1] : vector<80x32x128xf32> to vector<80x128xf32>
    %div3A = arith.divf %reduce_sum3A_37, %reduce_sum3A_30 : vector<80x128xf32>
    %swap3A = arith.constant 0 : index
    %swap3A_38 = arith.constant 0 : index
    %swap3A_39 = vector.load %arg6[%swap3A, %swap3A_38] : memref<80x128xf32, #tpu.memory_space<vmem>>, vector<80x128xf32>
    tpu.vector_store %arg6[%swap3A, %swap3A_38], %div3A {strides = array<i32>} : memref<80x128xf32, #tpu.memory_space<vmem>>, vector<80x128xf32>,
    return
  }
  func.func @transform_0(%arg0: i32) -> (i32, i32) {
    %c0_i32 = arith.constant 0 : i32
    %c0_i32_0 = arith.constant 0 : i32
    return %arg0, %c0_i32 : i32, i32
  }
  func.func @transform_1(%arg0: i32) -> (i32, i32) {
    %c0_i32 = arith.constant 0 : i32
    %c0_i32_0 = arith.constant 0 : i32
    return %arg0, %c0_i32 : i32, i32
  }
  func.func @transform_2(%arg0: i32) -> (i32, i32, i32) {
    %c0_i32 = arith.constant 0 : i32
    %c0_i32_0 = arith.constant 0 : i32
    %c0_i32_1 = arith.constant 0 : i32
    return %arg0, %c0_i32, %c0_i32_0 : i32, i32, i32
  }
  func.func @transform_3(%arg0: i32) -> (i32, i32, i32) {
    %c0_i32 = arith.constant 0 : i32
    %c0_i32_0 = arith.constant 0 : i32
    %c0_i32_1 = arith.constant 0 : i32
    return %arg0, %c0_i32, %c0_i32_0 : i32, i32, i32
  }
  func.func @transform_4(%arg0: i32) -> (i32, i32, i32) {
    %c0_i32 = arith.constant 0 : i32
    %c0_i32_0 = arith.constant 0 : i32
    %c0_i32_1 = arith.constant 0 : i32
    return %arg0, %c0_i32, %c0_i32_0 : i32, i32, i32
  }
  func.func @transform_5(%arg0: i32) -> (i32, i32) {
    %c0_i32 = arith.constant 0 : i32
    %c0_i32_0 = arith.constant 0 : i32
    return %arg0, %c0_i32 : i32, i32
  }
}

</mosaic_0001>

<sc_bundles>
// kernel: kernel.4.cloned.1.call-start
scs
__scs_entry_jumppad:
0x0: {  	(pc) =	sbr.rel $0x88, $3  }
0x1: {  	(tag) =	ssettag $0x0;
	lr =	simm.s32 $0x1  }
0x2: {  	[smem:$0x3F9C] =	sst lr;
	_ =	strace $0xD0000000  }
0x3: {  	_ = 	snop  }
0x4: {  	_ = 	snop  }
0x5: {  	_ = 	snop  }
0x6: {  	_ = 	snop  }
0x7: {  	_ = 	snop  }
__scs_overlays_trampoline_lowered:
0x8: {  	[smem:$0x3FAB] =	sst s0  }
0x9: {  	[smem:$0x3FAC] =	sst s1  }
0xa: {  	[smem:$0x3FAD] =	sst s2  }
0xb: {  	[smem:$0x3FAE] =	sst s3  }
0xc: {  	[smem:$0x3FAF] =	sst s4  }
0xd: {  	[smem:$0x3FB0] =	sst s5  }
0xe: {  	[smem:$0x3FB1] =	sst s6  }
0xf: {  	[smem:$0x3FB2] =	sst s7  }
0x10: {  	[smem:$0x3FB3] =	sst s8  }
0x11: {  	[smem:$0x3FB4] =	sst s9;
	s0 =	simm.s32 @!p0 $0x0  }
0x12: {  	s1 =	sld [smem:$0x3F9A];
	s0 =	simm.s32 @p0 $0x1  }
0x13: {  	[smem:$0x3FB5] =	sst s0;
	s0 =	simm.s32 @!p1 $0x0  }
0x14: {  	s2 =	sld [smem:$0x3F99];
	s0 =	simm.s32 @p1 $0x1  }
0x15: {  	[smem:$0x3FB6] =	sst s0;
	s0 =	simm.s32 @!p2 $0x0  }
0x16: {  	s3 =	sld [smem:$0x3FDB];
	s0 =	simm.s32 @p2 $0x1  }
0x17: {  	s4 =	simm.s32 $0x1BF5;
	[smem:$0x3FB8] =	sst s0  }
0x18: {  	s0 =	sld [smem:$0x3F9B];
	_ =	swait.ge [sflag:s4], $0x0  }
0x19: {  	s7 =	sld [smem:$0x3F9C]  }
0x1a: {  	s8 =	sadd.s32 $0xFFFFE003, lr  }
0x1b: {  	s9 =	sadd.s32 $0xFFFFFEF7, lr;
	s5 =	simm.s32 $0xFFFFFFFF;
	p2 =	slt.u32 s8, $0xFFFFF086  }
0x1c: {  	p1 =	slt.u32 s9, $0xF7A;
	s5 =	simm.s32 @!p2 $0x0  }
0x1d: {  	s5 =	simm.s32 @p1 $0x1;
	p0 =	seq.s32 s7, s2  }
0x1e: {  	s7 =	smul.u32 @!p0 $0xF7A, s2;
	p2 =	seq.s32 @!p0 s5, $0x0  }
0x1f: {  	s9 =	smul.u32 $0xF7A, s1;
	s8 =	simm.s32 @!p0 $0x1BF5;
	p2 =	por !p2, p0  }
0x20: {  	[sflag:s8] =	ssyncset.s32 @!p0 $0xFFFFF086;
	s6 =	sadd.s32 @!p0 s3, s7;
	s7 =	simm.s32 @!p0 $0x108  }
0x21: {  	s3 =	sadd.s32 s3, s9;
	s6 =	sadd.s32 @!p0 $0x88, s6;
	s7 =	simm.s32 @p2 $0x1082  }
0x22: {  	[simem:s7], [sflag:s8] =	dma.local @!p0 [hbm:s6], $0xF7A  }
0x23: {  	s9 =	sor.u32 $0xD0000000, s2;
	s6 =	simm.s32 $0x108;
	_ =	swait.ge @!p0 [sflag:s8], $0x0  }
0x24: {  	s3 =	sadd.s32 $0x88, s3;
	s6 =	simm.s32 @!p1 $0x1082;
	[sflag:s4] =	ssyncset.s32 $0xFFFFF086  }
0x25: {  	[simem:s6], [sflag:s4] =	dma.local [hbm:s3], $0xF7A  }
0x26: {  	[smem:$0x3F9C] =	sst s1;
	(tag) =	ssettag s2;
	_ =	strace s9  }
0x27: {  	s1 =	sld [smem:$0x3FAC]  }
0x28: {  	s2 =	sld [smem:$0x3FAD]  }
0x29: {  	s4 =	sld [smem:$0x3FAF]  }
0x2a: {  	p0 =	seq.s32 s5, $0x0;
	s5 =	sld [smem:$0x3FB0]  }
0x2b: {  	s6 =	sld [smem:$0x3FB1]  }
0x2c: {  	s7 =	sld [smem:$0x3FB2]  }
0x2d: {  	s3 =	simm.s32 $0x108;
	s8 =	sld [smem:$0x3FB3]  }
0x2e: {  	s3 =	simm.s32 @!p0 $0x1082;
	s9 =	sld [smem:$0x3FB4]  }
0x2f: {  	lr =	sadd.s32 s0, s3;
	s0 =	sld [smem:$0x3FAB]  }
0x30: {  	s3 =	sld [smem:$0x3FAE]  }
0x31: {  	[smem:$0x3FB7] =	sst s10  }
0x32: {  	s10 =	sld [smem:$0x3FB5];
	_ =	sdelay $0x3  }
0x33: {  	p0 =	seq.s32 s10, $0x1;
	s10 =	sld [smem:$0x3FB7];
	_ =	sdelay $0x3  }
0x34: {  	[smem:$0x3FB7] =	sst s10  }
0x35: {  	s10 =	sld [smem:$0x3FB6];
	_ =	sdelay $0x3  }
0x36: {  	p1 =	seq.s32 s10, $0x1;
	s10 =	sld [smem:$0x3FB7];
	_ =	sdelay $0x3  }
0x37: {  	[smem:$0x3FB7] =	sst s10  }
0x38: {  	s10 =	sld [smem:$0x3FB8]  }
0x39: {  	_ = 	snop;
	(pc) =	sbr.ind lr, $3  }
0x3a: {  	_ = 	snop  }
0x3b: {  	_ = 	snop  }
0x3c: {  	p2 =	seq.s32 s10, $0x1;
	s10 =	sld [smem:$0x3FB7]  }
0x3d: {  	_ =	shalt  }
0x3e: {  	_ =	shalt  }
0x3f: {  	_ =	shalt  }
0x40: {  	_ =	shalt  }
0x41: {  	_ =	shalt  }
0x42: {  	_ =	shalt  }
0x43: {  	_ =	shalt  }
0x44: {  	_ =	shalt  }
0x45: {  	_ =	shalt  }
0x46: {  	_ =	shalt  }
0x47: {  	_ =	shalt  }
0x48: {  	_ =	shalt  }
0x49: {  	_ =	shalt  }
0x4a: {  	_ =	shalt  }
0x4b: {  	_ =	shalt  }
0x4c: {  	_ =	shalt  }
0x4d: {  	_ =	shalt  }
0x4e: {  	_ =	shalt  }
0x4f: {  	_ =	shalt  }
0x50: {  	_ =	shalt  }
0x51: {  	_ =	shalt  }
0x52: {  	_ =	shalt  }
0x53: {  	_ =	shalt  }
0x54: {  	_ =	shalt  }
0x55: {  	_ =	shalt  }
0x56: {  	_ =	shalt  }
0x57: {  	_ =	shalt  }
0x58: {  	_ =	shalt  }
0x59: {  	_ =	shalt  }
0x5a: {  	_ =	shalt  }
0x5b: {  	_ =	shalt  }
0x5c: {  	_ =	shalt  }
0x5d: {  	_ =	shalt  }
0x5e: {  	_ =	shalt  }
0x5f: {  	_ =	shalt  }
0x60: {  	_ =	shalt  }
0x61: {  	_ =	shalt  }
0x62: {  	_ =	shalt  }
0x63: {  	_ =	shalt  }
0x64: {  	_ =	shalt  }
0x65: {  	_ =	shalt  }
0x66: {  	_ =	shalt  }
0x67: {  	_ =	shalt  }
0x68: {  	_ =	shalt  }
0x69: {  	_ =	shalt  }
0x6a: {  	_ =	shalt  }
0x6b: {  	_ =	shalt  }
0x6c: {  	_ =	shalt  }
0x6d: {  	_ =	shalt  }
0x6e: {  	_ =	shalt  }
0x6f: {  	_ =	shalt  }
0x70: {  	_ =	shalt  }
0x71: {  	_ =	shalt  }
0x72: {  	_ =	shalt  }
0x73: {  	_ =	shalt  }
0x74: {  	_ =	shalt  }
0x75: {  	_ =	shalt  }
0x76: {  	_ =	shalt  }
0x77: {  	_ =	shalt  }
0x78: {  	_ =	shalt  }
0x79: {  	_ =	shalt  }
0x7a: {  	_ =	shalt  }
0x7b: {  	_ =	shalt  }
0x7c: {  	_ =	shalt  }
0x7d: {  	_ =	shalt  }
0x7e: {  	_ =	shalt  }
0x7f: {  	_ =	shalt  }
0x80: {  	_ =	shalt  }
0x81: {  	_ =	shalt  }
0x82: {  	_ =	shalt  }
0x83: {  	_ =	shalt  }
0x84: {  	_ =	shalt  }
0x85: {  	_ =	shalt  }
0x86: {  	_ =	shalt  }
0x87: {  	_ =	shalt  }
.Lfunc_end0:
.L_simem_size_0:
called_computation_lowered:
.L_overlay_start_0:
0x88: {  	s2 =	sld [smem:$0x3FD9]  }
0x89: {  	s3 =	sld [smem:$0x3FFE];
	_ =	sdelay $0x1  }
0x8a: {  	s1 =	srdreg.scid  }
0x8b: {  	s0 =	sand.u32 $0x1, s1  }
0x8c: {  	s17 =	sshll.u32 s0, $0xA;
	s2 =	sadd.s32 s3, s2  }
0x8d: {  	s2 =	sadd.s32 s2, s17  }
0x8e: {  	[smem:$0x3FC3] =	sst s2  }
0x8f: {  	_ = 	snop  }
0x90: {  	s2 =	sld [smem:$0x3FC9]  }
0x91: {  	s18 =	sld [smem:$0x3FC8]  }
0x92: {  	s4 =	sld [smem:$0x3FC7]  }
0x93: {  	s5 =	sld [smem:$0x3FC6]  }
0x94: {  	s6 =	sld [smem:$0x3FC5];
	(tm) =	ssettm $0x1  }
0x95: {  	s7 =	sld [smem:$0x3FFB];
	_ =	sdelay $0x3  }
0x96: {  	_ =	strace s7  }
0x97: {  	s7 =	sld [smem:$0x3FFC];
	_ =	sdelay $0x3  }
0x98: {  	_ =	strace s7  }
0x99: {  	s7 =	sld [smem:$0x3FFD];
	_ =	sdelay $0x3  }
0x9a: {  	_ =	strace s7  }
0x9b: {  	_ =	strace $0x8FFFFFFF  }
0x9c: {  	s19 =	sld [smem:$0x3FDB];
	_ =	sdelay $0x1  }
0x9d: {  	s8 =	simm.s32 $_scs_section_size  }
0x9e: {  	s9 =	simm.s32 $_size__tile_overlayer_lowered;
	s10 =	simm.s32 $_tile_overlayer_lowered  }
0x9f: {  	s22 =	simm.s32 $0x1BFF;
	s21 =	sshll.u32 s10, $0x1;
	s7 =	sadd.s32 s8, s19  }
0xa0: {  	s11 =	simm.s32 $0x0;
	s20 =	sshll.u32 s9, $0x1;
	s9 =	sadd.s32 s21, s7  }
0xa1: {  	[timem:s11], [sflag:s22] =	dma.local [hbm:s9], s20  }
0xa2: {  	_ =	swait.ge [sflag:s22], s20  }
0xa3: {  	s8 =	ssub.s32 $0x0, s20;
	[sflag:s22] =	ssyncset.done $0x0  }
0xa4: {  	[sflag:s22] =	ssyncadd.s32 s8;
	_ =	sdelay $0x1  }
0xa5: {  	s23 =	simm.s32 $0x1B8B  }
0xa6: {  	_ =	swait.ge [sflag:s23], $0x1  }
0xa7: {  	[sflag:s23] =	ssyncset.done $0x0  }
0xa8: {  	s25 =	simm.s32 $0x1B8E;
	s24 =	sld [smem:$0x3FFE];
	[sflag:s23] =	ssyncadd.s32 $0xFFFFFFFF  }
0xa9: {  	s26 =	simm.s32 $execute0_lowered;
	[smem:$0x3FD2] =	sst s25  }
0xaa: {  	s9 =	sshll.u32 s26, $0x1;
	_ =	strace $0x80000046;
	[dreg:$0x1] =	wrdreg $0xFFFFFFFF  }
0xab: {  	s28 =	simm.s32 $_size_execute0_lowered;
	s7 =	sadd.s32 s7, s9;
	[dreg:$0x0] =	wrdreg $0x0  }
0xac: {  	s9 =	sshll.u32 s28, $0x1;
	[dreg:$0x2] =	wrdreg s7  }
0xad: {  	[dreg:$0x3] =	wrdreg s9  }
0xae: {  	[dreg:$0x4] =	wrdreg $0xC0  }
0xaf: {  	_ =	task [dreg:s11], $0x5FFFF  }
0xb0: {  	[dreg:$0x1] =	wrdreg $0xFFFFFFFF  }
0xb1: {  	[dreg:$0x0] =	wrdreg $0x60  }
0xb2: {  	[dreg:$0x2] =	wrdreg s2  }
0xb3: {  	[dreg:$0x3] =	wrdreg s18  }
0xb4: {  	[dreg:$0x4] =	wrdreg s4  }
0xb5: {  	[dreg:$0x5] =	wrdreg s5  }
0xb6: {  	[dreg:$0x6] =	wrdreg s6  }
0xb7: {  	[dreg:$0x7] =	wrdreg s24  }
0xb8: {  	[dreg:$0x8] =	wrdreg $0x9  }
0xb9: {  	_ =	task.clear_ibuf [dreg:s11], $0x9FFFF;
	_ =	strace $0x90000046  }
0xba: {  	s29 =	simm.s32 $0x9;
	_ =	strace $0x80000048  }
0xbb: {  	_ =	swait.ge [sflag:s29], $0x1  }
0xbc: {  	[sflag:s29] =	ssyncadd.s32 $0xFFFFFFFF  }
0xbd: {  	_ =	strace $0x90000048  }
0xbe: {  	_ =	sfence  }
0xbf: {  	s30 =	sld [smem:$0x0];
	_ =	sdelay $0x2  }
0xc0: {  	s31 =	sshll.u32 s1, $0xD;
	s1 =	sshrl.u32 s1, $0x2  }
0xc1: {  	s3 =	sand.u32 $0x4000, s31;
	s1 =	sadd.s32 s1, s30  }
0xc2: {  	s0 =	sor.u32 s3, s0;
	s1 =	sshll.u32 s1, $0x11  }
0xc3: {  	s0 =	sor.u32 s1, s0  }
0xc4: {  	s0 =	sadd.s32 $0x8F2B, s0  }
0xc5: {  	[sflag:s0] =	ssyncadd.remote.s32 $0x1  }
0xc6: {  	_ =	sfence.sel $0xFFFF  }
0xc7: {  	[dreg:$0x0] =	wrdreg $0xFFFFFFFF;
	(pc) =	sbr.abs _section_cstart, $3  }
0xc8: {  	[dreg:$0x1] =	wrdreg $0xFFFFFFFF  }
0xc9: {  	_ =	task.clear_ibuf [dreg:s11], $0x2FFFF;
	_ =	strace $0x9FFFFFFF  }
0xca: {  	(tm) =	ssettm $0x7FFFFFFF  }
0xcb: {  	_ =	shalt  }
tec
execute0_lowered:
.L_overlay_start_1:
0x0: {  	(tag) =	ssettag $0x1  }
0x1: {  	s1 =	rddreg [dreg:$0x0]  }
0x2: {  	s2 =	rddreg [dreg:$0x1]  }
0x3: {  	s3 =	rddreg [dreg:$0x2]  }
0x4: {  	s4 =	rddreg [dreg:$0x3]  }
0x5: {  	s0 =	srdreg.scid;
	s6 =	rddreg [dreg:$0x4]  }
0x6: {  	s5 =	stileid.u32;
	s10 =	rddreg [dreg:$0x5];
	v0 =	vimm.s32 $0xFEDCBA98;
	s8 =	simm.s32 $0x0;
	v1 =	vimm.s32 $0x76543210  }
0x7: {  	v2 =	vimm.s32 $0xBA98FEDC;
	v3 =	vimm.s32 $0x32107654;
	s28 =	simm.s32 $0x1;
	s29 =	simm.s32 $0xC400;
	s30 =	simm.s32 $0x2  }
0x8: {  	v4 =	vimm.s32 $0xDCFE98BA;
	v5 =	vimm.s32 $0x54761032;
	s31 =	simm.s32 $0xC500;
	s0 =	sand.u32 $0x1, s0;
	s5 =	sshll.u32 s5, $0x1  }
0x9: {  	v6 =	vimm.s32 $0xEFCDAB89;
	v7 =	vimm.s32 $0x67452301;
	s15 =	simm.s32 $0x0;
	v0 =	vunpack.c.l.s4.s8 v0;
	[smem:$0x7FF] =	sst s8;
	s5 =	sor.u32 s0, s5  }
0xa: {  	s10 =	sadd.s32 $0x800, s10;
	v1 =	vunpack.c.l.s4.s8 v1;
	v2 =	vunpack.c.l.s4.s8 v2;
	v3 =	vunpack.c.l.s4.s8 v3;
	s11 =	ssub.s32 $0x2, s0;
	s7 =	smul.u32 $0x8C, s5  }
0xb: {  	v4 =	vunpack.c.l.s4.s8 v4;
	v5 =	vunpack.c.l.s4.s8 v5;
	v6 =	vunpack.c.l.s4.s8 v6;
	_ =	strace $0x80000047;
	s0 =	sshll.u32 s0, $0x6;
	s12 =	sshrl.u32 s11, $0x1  }
0xc: {  	v7 =	vunpack.c.l.s4.s8 v7;
	v2 =	vunpack.c.0.s8.s32 v2;
	v3 =	vunpack.c.0.s8.s32 v3;
	s11 =	ssub.s32 s11, s12;
	s9 =	sadd.s32 $0x1590, s7;
	s14 =	sadd.s32 $0x1594, s7  }
0xd: {  	v0 =	vunpack.c.0.s8.s32 v0;
	v4 =	vunpack.c.0.s8.s32 v4;
	v5 =	vunpack.c.0.s8.s32 v5;
	s18 =	smax.u32 s11, $0x1;
	s22 =	sshll.u32 s9, $0x4;
	s23 =	sshll.u32 s9, $0x9  }
0xe: {  	v6 =	vunpack.c.0.s8.s32 v6;
	v7 =	vunpack.c.0.s8.s32 v7;
	v2 =	vcombine.low v3, v2;
	s5 =	sand.u32 $0x3FF80, s22;
	s25 =	sadd.s32 s3, s23;
	s26 =	sadd.s32 s4, s23  }
0xf: {  	v1 =	vunpack.c.0.s8.s32 v1;
	v3 =	vcombine.low v5, v4;
	s17 =	sadd.s32 s6, s23;
	s22 =	simm.s32 $0x100;
	[dreg:$0x9] =	wrdreg s25  }
0x10: {  	v0 =	vand.u32 $0xF, v0;
	v4 =	vcombine.low v7, v6;
	s23 =	simm.s32 $0x300;
	[tilespmem:$0x1FFD0] =	vst v2;
	s0 =	sor.u32 s0, s5;
	[dreg:$0xa] =	wrdreg s26  }
0x11: {  	v63 =	vcombine.low v0, v1;
	[tilespmem:$0x1FFE0] =	vst v3;
	s25 =	simm.s32 $0x6400;
	s26 =	simm.s32 $0xA400;
	s24 =	sadd.s32 s1, s0  }
0x12: {  	[tilespmem:$0x1FFF0] =	vst v4;
	s5 =	simm.s32 $0x3;
	s0 =	sadd.s32 s2, s0;
	[dreg:$0x7] =	wrdreg s24  }
0x13: {  	[tilespmem:$0x1FFC0] =	vst v63;
	[dreg:$0x8] =	wrdreg s0;
	s24 =	simm.s32 $0x2400;
	s0 =	simm.s32 $0x4  }
.LBB2_1:
0x14: {  	s11 =	rddreg [dreg:$0x7]  }
0x15: {  	[tilespmem:s8], [sflag:$0x1] =	stream.linear.gather [hbm4b:s11+s8], $0x100, $0x38;
	[tilespmem:$0xC600] =	vst v63  }
0x16: {  	s21 =	rddreg [dreg:$0x8];
	s12 =	simm.s32 $0x200  }
0x17: {  	[tilespmem:s12], [sflag:$0x1] =	stream.linear.gather [hbm4b:s21+s8], $0x100, $0x38;
	[tilespmem:$0xC600] =	vst v63  }
0x18: {  	s13 =	rddreg [dreg:$0x9];
	s16 =	simm.s32 $0x400  }
0x19: {  	[tilespmem:s16], [sflag:$0x1] =	stream.linear.gather [hbm4b:s13+s8], $0x2000, $0x38;
	[tilespmem:$0xC600] =	vst v63  }
0x1a: {  	s19 =	rddreg [dreg:$0xa];
	s20 =	simm.s32 $0x4400  }
0x1b: {  	[tilespmem:s20], [sflag:$0x1] =	stream.linear.gather [hbm4b:s19+s8], $0x2000, $0x38;
	[tilespmem:$0xC600] =	vst v63  }
0x1c: {  	s21 =	simm.s32 $0x8400;
	s19 =	simm.s32 $0x0  }
0x1d: {  	[tilespmem:s21], [sflag:$0x1] =	stream.linear.gather [hbm4b:s17+s8], $0x2000, $0x38;
	[tilespmem:$0xC600] =	vst v63  }
.LBB2_2:
0x1e: {  	s21 =	sshll.u32 s19, $0x2  }
0x1f: {  	s20 =	sor.u32 $0x2, s21  }
0x20: {  	s11 =	sadd.s32 s9, s20  }
0x21: {  	s12 =	sshll.u32 s11, $0x4  }
0x22: {  	s12 =	sand.u32 $0xFFFFFE0, s12  }
0x23: {  	s11 =	sshll.u32 s11, $0x9;
	s13 =	sadd.s32 s1, s12  }
0x24: {  	[tilespmem:s22], [sflag:$0x2] =	stream.linear.gather [hbm4b:s13+s8], $0x100, $0x38;
	[tilespmem:$0xC600] =	vst v63  }
0x25: {  	s11 =	sand.u32 $0x1FFFFC00, s11;
	s12 =	sadd.s32 s2, s12  }
0x26: {  	[tilespmem:s23], [sflag:$0x2] =	stream.linear.gather [hbm4b:s12+s8], $0x100, $0x38;
	[tilespmem:$0xC600] =	vst v63  }
0x27: {  	s13 =	sadd.s32 s3, s11  }
0x28: {  	[tilespmem:s24], [sflag:$0x2] =	stream.linear.gather [hbm4b:s13+s8], $0x2000, $0x38;
	[tilespmem:$0xC600] =	vst v63  }
0x29: {  	s16 =	sadd.s32 s4, s11  }
0x2a: {  	[tilespmem:s25], [sflag:$0x2] =	stream.linear.gather [hbm4b:s16+s8], $0x2000, $0x38;
	[tilespmem:$0xC600] =	vst v63  }
0x2b: {  	s11 =	sadd.s32 s6, s11  }
0x2c: {  	[tilespmem:s26], [sflag:$0x2] =	stream.linear.gather [hbm4b:s11+s8], $0x2000, $0x38;
	[tilespmem:$0xC600] =	vst v63  }
0x2d: {  	_ =	swait.ge [sflag:s28], $0x100  }
0x2e: {  	[sflag:s28] =	ssyncset.done $0x0  }
0x2f: {  	[sflag:s28] =	ssyncadd.s32 $0xFFFFFF00  }
0x30: {  	_ =	swait.ge [sflag:s28], $0x100  }
0x31: {  	[sflag:s28] =	ssyncset.done $0x0  }
0x32: {  	[sflag:s28] =	ssyncadd.s32 $0xFFFFFF00  }
0x33: {  	_ =	swait.ge [sflag:s28], $0x2000  }
0x34: {  	[sflag:s28] =	ssyncset.done $0x0  }
0x35: {  	[sflag:s28] =	ssyncadd.s32 $0xFFFFE000  }
0x36: {  	_ =	swait.ge [sflag:s28], $0x2000  }
0x37: {  	[sflag:s28] =	ssyncset.done $0x0  }
0x38: {  	[sflag:s28] =	ssyncadd.s32 $0xFFFFE000  }
0x39: {  	_ =	swait.ge [sflag:s28], $0x2000  }
0x3a: {  	p0 =	seq.s32 s19, $0x0;
	[sflag:s28] =	ssyncset.done $0x0  }
0x3b: {  	s11 =	simm.s32 @!p0 $0x3;
	[sflag:s28] =	ssyncadd.s32 $0xFFFFE000  }
0x3c: {  	_ =	swait.ge @!p0 [sflag:s11], $0x100  }
0x3d: {  	[sflag:s11] =	ssyncset.done @!p0 $0x0  }
0x3e: {  	[sflag:s11] =	ssyncadd.s32 @!p0 $0xFFFFFF00  }
0x3f: {  	v26 =	vld [tilespmem:$0x200]  }
0x40: {  	v8 =	vld [tilespmem:$0x210]  }
0x41: {  	v10 =	vld [tilespmem:$0x220]  }
0x42: {  	v7 =	vld [tilespmem:$0x230]  }
0x43: {  	v6 =	vld [tilespmem:$0x240]  }
0x44: {  	s12 =	simm.s32 $0x0;
	v0 =	vld [tilespmem:$0x0]  }
0x45: {  	v1 =	vld [tilespmem:s12+$0x400]  }
0x46: {  	v9 =	vld [tilespmem:$0x10]  }
0x47: {  	v12 =	vld [tilespmem:s12+$0x4400]  }
0x48: {  	v5 =	vld [tilespmem:$0x250]  }
0x49: {  	v13 =	vld [tilespmem:s12+$0x410]  }
0x4a: {  	v14 =	vld [tilespmem:$0x20];
	v0 =	vadd.f32 v0, v26;
	v15 =	vadd.f32 $0.0e+00, v1  }
0x4b: {  	v16 =	vld [tilespmem:s12+$0x4410]  }
0x4c: {  	v11 =	vld [tilespmem:$0x260];
	v0 =	vadd.f32 v9, v0;
	v61 =	vadd.f32 v12, v15  }
0x4d: {  	v12 =	vld [tilespmem:s12+$0x420]  }
0x4e: {  	v18 =	vld [tilespmem:s12+$0x4420];
	v0 =	vadd.f32 v0, v8;
	v17 =	vadd.f32 v13, v61  }
0x4f: {  	v15 =	vld [tilespmem:$0x30]  }
0x50: {  	v62 =	vld [tilespmem:$0x270];
	v0 =	vadd.f32 v0, v14;
	v14 =	vadd.f32 v16, v17  }
0x51: {  	v16 =	vld [tilespmem:s12+$0x430]  }
0x52: {  	v19 =	vld [tilespmem:s12+$0x4430];
	v0 =	vadd.f32 v0, v10;
	v14 =	vadd.f32 v12, v14  }
0x53: {  	v17 =	vld [tilespmem:$0x40]  }
0x54: {  	v20 =	vld [tilespmem:s12+$0x440];
	v0 =	vadd.f32 v0, v15;
	v14 =	vadd.f32 v18, v14  }
0x55: {  	s11 =	simm.s32 $0x80;
	v21 =	vld [tilespmem:s12+$0x4440]  }
0x56: {  	v22 =	vld [tilespmem:s11+$0x400];
	v0 =	vadd.f32 v0, v7;
	v14 =	vadd.f32 v16, v14  }
0x57: {  	v15 =	vld [tilespmem:$0x50]  }
0x58: {  	v23 =	vld [tilespmem:s12+$0x4450];
	v0 =	vadd.f32 v0, v17;
	v14 =	vadd.f32 v19, v14  }
0x59: {  	v19 =	vld [tilespmem:s12+$0x450]  }
0x5a: {  	v24 =	vld [tilespmem:s12+$0x460];
	v0 =	vadd.f32 v0, v6;
	v14 =	vadd.f32 v20, v14  }
0x5b: {  	v18 =	vld [tilespmem:$0x60]  }
0x5c: {  	v0 =	vadd.f32 v0, v15;
	v14 =	vadd.f32 v21, v14;
	v15 =	vld [tilespmem:s11+$0x4400]  }
0x5d: {  	v29 =	vld [tilespmem:s11+$0x410]  }
0x5e: {  	v17 =	vld [tilespmem:$0x70];
	v0 =	vadd.f32 v0, v5;
	v14 =	vadd.f32 v19, v14  }
0x5f: {  	v25 =	vadd.f32 $0.0e+00, v22;
	v21 =	vld [tilespmem:s12+$0x4460]  }
0x60: {  	v0 =	vadd.f32 v0, v18;
	v14 =	vadd.f32 v23, v14;
	v18 =	vld [tilespmem:s11+$0x4410]  }
0x61: {  	v23 =	vld [tilespmem:s12+$0x470];
	v15 =	vadd.f32 v15, v25  }
0x62: {  	v31 =	vld [tilespmem:s11+$0x420];
	v0 =	vadd.f32 v0, v11;
	v14 =	vadd.f32 v24, v14  }
0x63: {  	v25 =	vld [tilespmem:s12+$0x4470];
	v15 =	vadd.f32 v29, v15  }
0x64: {  	v0 =	vadd.f32 v0, v17;
	v14 =	vadd.f32 v21, v14;
	v17 =	vld [tilespmem:s11+$0x4420]  }
0x65: {  	v15 =	vadd.f32 v18, v15  }
0x66: {  	v30 =	vld [tilespmem:s11+$0x430];
	v0 =	vadd.f32 v0, v62;
	v14 =	vadd.f32 v23, v14  }
0x67: {  	v15 =	vadd.f32 v31, v15  }
0x68: {  	v21 =	vld [tilespmem:s11+$0x4430];
	v18 =	vperm.xlane v0, v63;
	v14 =	vadd.f32 v25, v14  }
0x69: {  	v15 =	vadd.f32 v17, v15  }
0x6a: {  	v32 =	vld [tilespmem:s11+$0x440];
	v0 =	vadd.f32 v0, v18;
	v17 =	vperm.xlane v14, v63  }
0x6b: {  	v15 =	vadd.f32 v30, v15  }
0x6c: {  	v18 =	vperm.xlane v0, v2;
	v14 =	vadd.f32 v17, v14;
	v17 =	vld [tilespmem:s11+$0x4440]  }
0x6d: {  	v15 =	vadd.f32 v21, v15  }
0x6e: {  	v27 =	vld [tilespmem:s11+$0x450];
	v0 =	vadd.f32 v0, v18;
	v18 =	vperm.xlane v14, v2  }
0x6f: {  	v15 =	vadd.f32 v32, v15  }
0x70: {  	v35 =	vimm.f32 $-Inf;
	v21 =	vperm.xlane v0, v3;
	v14 =	vadd.f32 v18, v14;
	v18 =	vld [tilespmem:s11+$0x4450]  }
0x71: {  	v38 =	vimm.f32 $0.0e+00;
	v48 =	vimm.f32 $-Inf;
	v15 =	vadd.f32 v17, v15  }
0x72: {  	v47 =	vimm.f32 $-Inf;
	v50 =	vld [tilespmem:s11+$0x460];
	v0 =	vadd.f32 v0, v21;
	v17 =	vperm.xlane v14, v3  }
0x73: {  	v46 =	vimm.f32 $-Inf;
	v45 =	vimm.f32 $-Inf;
	v15 =	vadd.f32 v27, v15  }
0x74: {  	v40 =	vimm.f32 $-Inf;
	v21 =	vperm.xlane v0, v4;
	v14 =	vadd.f32 v17, v14;
	v17 =	vld [tilespmem:s11+$0x4460]  }
0x75: {  	v53 =	vimm.f32 $0.0e+00;
	v1 =	vadd.f32 v1, v26;
	v15 =	vadd.f32 v18, v15  }
0x76: {  	v49 =	vld [tilespmem:s11+$0x470];
	v13 =	vadd.f32 v13, v8;
	v18 =	vadd.f32 v0, v21;
	v0 =	vperm.xlane v14, v4  }
0x77: {  	v44 =	vimm.f32 $0.0e+00;
	v12 =	vadd.f32 v12, v10;
	v15 =	vadd.f32 v50, v15  }
0x78: {  	v41 =	vimm.f32 $-Inf;
	v20 =	vadd.f32 v20, v6;
	v0 =	vadd.f32 v0, v14;
	v14 =	vld [tilespmem:s11+$0x4470]  }
0x79: {  	v42 =	vimm.f32 $0.0e+00;
	v24 =	vadd.f32 v24, v11;
	v15 =	vadd.f32 v17, v15  }
0x7a: {  	v43 =	vimm.f32 $0.0e+00;
	v17 =	vadd.f32 v23, v62;
	v0 =	vadd.f32 v0, v18  }
0x7b: {  	v39 =	vimm.f32 $0.0e+00;
	[tilespmem:$0x1FF30] =	vst v18;
	v18 =	vadd.f32 v22, v26;
	v15 =	vadd.f32 v49, v15  }
0x7c: {  	v51 =	vimm.f32 $0.0e+00;
	v13 =	vadd.f32 v0, v13;
	v20 =	vadd.f32 v0, v20  }
0x7d: {  	v36 =	vimm.f32 $0.0e+00;
	v12 =	vadd.f32 v0, v12;
	v14 =	vadd.f32 v14, v15  }
0x7e: {  	v15 =	vadd.f32 v16, v7;
	v16 =	vadd.f32 v19, v5;
	v19 =	vmul.f32 $9.999999770e-03, v13  }
0x7f: {  	v33 =	vimm.f32 $0.0e+00;
	v17 =	vadd.f32 v0, v17;
	v1 =	vadd.f32 v0, v1  }
0x80: {  	v23 =	vmul.f32 $9.999999770e-03, v20;
	v22 =	vperm.xlane v14, v63;
	v13 =	vmax.f32 v13, v19  }
0x81: {  	v16 =	vadd.f32 v0, v16;
	v19 =	vadd.f32 v0, v24;
	v25 =	vmax.f32 v35, v13  }
0x82: {  	[tilespmem:$0x1FF50] =	vst v62;
	v62 =	vmax.f32 v20, v23;
	v14 =	vadd.f32 v22, v14;
	v22 =	vsub.f32 v35, v25  }
0x83: {  	v60 =	vsub.f32 v13, v25;
	v13 =	vadd.f32 v0, v15;
	v15 =	vmul.f32 $9.999999770e-03, v19  }
0x84: {  	[tilespmem:$0x1FF00] =	vst v11;
	v23 =	vimm.f32 $0.0e+00;
	v24 =	vperm.xlane v14, v2;
	v0 =	vmul.f32 $1.442695020e+00, v22  }
0x85: {  	[tilespmem:$0x1FF10] =	vst v10;
	v2 =	vimm.f32 $0.0e+00;
	v22 =	vmul.f32 $9.999999770e-03, v1;
	v28 =	vmul.f32 $9.999999770e-03, v13  }
0x86: {  	[tilespmem:$0x1FF40] =	vst v26;
	v55 =	vmax.f32 v19, v15;
	v15 =	vmul.f32 $9.999999770e-03, v17;
	v19 =	vimm.f32 $0.0e+00  }
0x87: {  	[tilespmem:$0x1FF90] =	vst v2;
	v2 =	vimm.f32 $0.0e+00;
	v14 =	vadd.f32 v24, v14;
	v26 =	vmax.f32 v35, v55  }
0x88: {  	[tilespmem:$0x1FFA0] =	vst v2;
	v2 =	vimm.f32 $0.0e+00;
	(erf) = vpow2.f32 v0;
	v0 =	vmul.f32 $9.999999770e-03, v12  }
0x89: {  	[tilespmem:$0x1FF20] =	vst v8;
	v57 =	vmax.f32 v13, v28;
	v61 =	vmax.f32 v17, v15;
	v13 =	vperm.xlane v14, v3  }
0x8a: {  	[tilespmem:$0x1FF60] =	vst v6;
	v59 =	vsub.f32 v35, v26;
	v17 =	vimm.f32 $0.0e+00;
	v24 =	vmax.f32 v35, v57  }
0x8b: {  	[tilespmem:$0x1FF70] =	vst v7;
	v20 =	vmax.f32 v35, v61;
	v52 =	vadd.f32 v13, v14;
	v13 =	vmax.f32 v1, v22  }
0x8c: {  	[tilespmem:$0x1FF80] =	vst v5;
	v14 =	vmul.f32 $9.999999770e-03, v16;
	v1 =	vmax.f32 v12, v0;
	v15 =	vmax.f32 v35, v13  }
0x8d: {  	v37 =	vmovc v25;
	v22 =	vmax.f32 v35, v62;
	v54 =	vperm.xlane v52, v4;
	v58 =	vsub.f32 v35, v15  }
0x8e: {  	s13 =	simm.s32 $0x400;
	[tilespmem:$0x1FFB0] =	vst v2;
	v34 =	vmovc v26;
	v0 =	vsub.f32 v13, v15;
	v56 =	vmax.f32 v16, v14;
	v16 =	vimm.f32 $0.0e+00;
	v28 =	vmovc v15  }
.LBB2_3:
0x8f: {  	v10 =	vld [tilespmem:$0x1FF00];
	_ =	sdelay $0x1  }
0x90: {  	v2 =	vsub.f32 v48, v24;
	v11 =	vld [tilespmem:$0x1FF10]  }
0x91: {  	s16 =	sshra.s32 s13, $0x2;
	v62 =	vsub.f32 v62, v22;
	v6 =	vmul.f32 $1.442695020e+00, v60;
	v12 =	vld [tilespmem:$0x1FF50];
	v60 =	vmul.f32 $1.442695020e+00, v59  }
0x92: {  	v5 =	vsub.f32 v55, v26;
	v4 =	vld [tilespmem:s16+$0x400];
	v2 =	vmul.f32 $1.442695020e+00, v2  }
0x93: {  	v55 =	vadd.f32 v50, v10;
	v50 =	vmul.f32 $1.442695020e+00, v62;
	v62 =	vld [tilespmem:$0x1FF20];
	v63 =	vpop (erf);
	(erf) = vpow2.f32 v60  }
0x94: {  	(erf) = vpow2.f32 v2;
	v2 =	vld [tilespmem:$0x1FF40];
	_ =	sdelay $0x1  }
0x95: {  	v59 =	vld [tilespmem:s16+$0x4400]  }
0x96: {  	v7 =	vsub.f32 v57, v24;
	v60 =	vadd.f32 v31, v11  }
0x97: {  	v10 =	vld [tilespmem:s16+$0x410];
	v11 =	vadd.f32 v29, v62;
	v62 =	vadd.f32 v49, v12  }
0x98: {  	v35 =	vmax.f32 v35, v1;
	v49 =	vld [tilespmem:$0x1FF70];
	v57 =	vadd.f32 v4, v2;
	v2 =	vadd.f32 $0.0e+00, v4  }
0x99: {  	v3 =	vsub.f32 v47, v22;
	v5 =	vmul.f32 $1.442695020e+00, v5;
	v4 =	vmul.f32 $1.442695020e+00, v7;
	v7 =	vld [tilespmem:s16+$0x4410]  }
0x9a: {  	v9 =	vsub.f32 v45, v20;
	v31 =	vld [tilespmem:s16+$0x420];
	(erf) = vpow2.f32 v50;
	v2 =	vadd.f32 v59, v2  }
0x9b: {  	v61 =	vsub.f32 v61, v20;
	v3 =	vmul.f32 $1.442695020e+00, v3;
	(erf) = vpow2.f32 v5;
	v5 =	vld [tilespmem:s12+$0x8460]  }
0x9c: {  	v8 =	vsub.f32 v46, v35;
	(erf) = vpow2.f32 v4;
	v4 =	vld [tilespmem:s12+$0x8440];
	v2 =	vadd.f32 v10, v2  }
0x9d: {  	v1 =	vsub.f32 v1, v35;
	v50 =	vmul.f32 $1.442695020e+00, v9;
	(erf) = vpow2.f32 v3;
	v3 =	vld [tilespmem:s16+$0x4420]  }
0x9e: {  	v59 =	vadd.f32 v30, v49;
	v49 =	vmul.f32 $1.442695020e+00, v8;
	v30 =	vld [tilespmem:s16+$0x430];
	v2 =	vadd.f32 v7, v2  }
0x9f: {  	v40 =	vmax.f32 v40, v56;
	v12 =	vmul.f32 $1.442695020e+00, v1;
	(erf) = vpow2.f32 v50;
	v50 =	vld [tilespmem:$0x1FF60]  }
0xa0: {  	v29 =	vmovc v10;
	v10 =	vld [tilespmem:s12+$0x8430];
	(erf) = vpow2.f32 v49;
	v7 =	vmul.f32 $1.442695020e+00, v61;
	v2 =	vadd.f32 v31, v2  }
0xa1: {  	v21 =	vsub.f32 v41, v40;
	v8 =	vpop (erf);
	v49 =	vld [tilespmem:s16+$0x4430];
	(erf) = vpow2.f32 v6;
	v61 =	vmul.f32 $1.442695020e+00, v58  }
0xa2: {  	v0 =	vmul.f32 $1.442695020e+00, v0;
	v6 =	vpop (erf);
	(erf) = vpow2.f32 v12;
	v12 =	vld [tilespmem:$0x1FF80];
	v2 =	vadd.f32 v3, v2  }
0xa3: {  	v14 =	vld [tilespmem:$0x1FF30];
	v52 =	vadd.f32 v54, v52;
	v21 =	vmul.f32 $1.442695020e+00, v21;
	v1 =	vpop (erf);
	(erf) = vpow2.f32 v61  }
0xa4: {  	v9 =	vadd.f32 v32, v50;
	v32 =	vld [tilespmem:s16+$0x440];
	v3 =	vmul.f32 v8, v53;
	v2 =	vadd.f32 v30, v2  }
0xa5: {  	v50 =	vld [tilespmem:s16+$0x4440];
	v53 =	vsub.f32 v56, v40;
	v8 =	vmul.f32 v8, v44;
	v56 =	vpop (erf);
	(erf) = vpow2.f32 v0  }
0xa6: {  	v38 =	vmul.f32 v6, v38;
	v5 =	vmul.f32 v56, v5;
	v0 =	vpop (erf);
	v2 =	vadd.f32 v49, v2;
	v49 =	vld [tilespmem:s12+$0x8410]  }
0xa7: {  	v4 =	vmul.f32 v1, v4;
	v61 =	vadd.f32 v27, v12;
	v10 =	vmul.f32 v0, v10;
	v12 =	vpop (erf)  }
0xa8: {  	v53 =	vmul.f32 $1.442695020e+00, v53;
	v27 =	vld [tilespmem:s16+$0x450];
	v38 =	vadd.f32 v38, v0;
	v13 =	vpop (erf);
	v44 =	vadd.f32 v5, v8  }
0xa9: {  	v0 =	vmul.f32 v12, v43;
	v12 =	vmul.f32 v12, v39;
	v8 =	vpop (erf);
	v2 =	vadd.f32 v32, v2  }
0xaa: {  	v54 =	vld [tilespmem:s16+$0x4450];
	v52 =	vadd.f32 v52, v14;
	v36 =	vmul.f32 v63, v36;
	v6 =	vmul.f32 v6, v17;
	v43 =	vpop (erf)  }
0xab: {  	v5 =	vld [tilespmem:s12+$0x8400];
	v39 =	vadd.f32 v4, v12;
	v2 =	vadd.f32 v50, v2;
	v12 =	vmul.f32 v43, v49  }
0xac: {  	v42 =	vmul.f32 v63, v42;
	v17 =	vadd.f32 v10, v6;
	v10 =	vadd.f32 v52, v62;
	v4 =	vpop (erf);
	v50 =	vld [tilespmem:s16+$0x460]  }
0xad: {  	(erf) = vpow2.f32 v53;
	v53 =	vpop (erf);
	v2 =	vadd.f32 v27, v2;
	v36 =	vadd.f32 v12, v36;
	v12 =	vld [tilespmem:$0x1FF90]  }
0xae: {  	v14 =	vld [tilespmem:s16+$0x4460];
	v42 =	vadd.f32 v42, v43;
	v43 =	vadd.f32 v0, v1;
	v0 =	vpop (erf);
	(erf) = vpow2.f32 v21  }
0xaf: {  	v51 =	vmul.f32 v8, v51;
	v8 =	vmul.f32 v8, v23;
	v1 =	vadd.f32 v54, v2  }
0xb0: {  	v16 =	vmul.f32 v53, v16;
	v49 =	vld [tilespmem:s16+$0x470];
	v2 =	vmul.f32 v0, v5;
	v54 =	vadd.f32 v52, v11  }
0xb1: {  	v23 =	vadd.f32 v8, v4;
	(erf) = vpow2.f32 v7;
	v1 =	vadd.f32 v50, v1  }
0xb2: {  	v16 =	vadd.f32 v2, v16;
	v2 =	vmul.f32 $9.999999770e-03, v54;
	v12 =	vmul.f32 v53, v12;
	v53 =	vld [tilespmem:s16+$0x4470]  }
0xb3: {  	v7 =	vadd.f32 v52, v9;
	v9 =	vmul.f32 v13, v19;
	v19 =	vld [tilespmem:$0x1FFA0];
	v1 =	vadd.f32 v14, v1  }
0xb4: {  	v63 =	vld [tilespmem:$0x1FFC0];
	v8 =	vadd.f32 v52, v60;
	v2 =	vmax.f32 v54, v2;
	v14 =	vadd.f32 v52, v55  }
0xb5: {  	v58 =	vld [tilespmem:s12+$0x8420];
	v25 =	vmax.f32 v25, v2;
	v0 =	vadd.f32 v12, v0;
	v1 =	vadd.f32 v49, v1  }
0xb6: {  	v5 =	vld [tilespmem:s12+$0x8450];
	v6 =	vpop (erf);
	v60 =	vsub.f32 v2, v25;
	v2 =	vadd.f32 v52, v61  }
0xb7: {  	v61 =	vld [tilespmem:$0x1FFD0];
	v12 =	vpop (erf);
	v1 =	vadd.f32 v53, v1;
	v53 =	vadd.f32 v3, v56  }
0xb8: {  	v3 =	vadd.f32 v52, v18;
	v21 =	vmul.f32 v12, v19;
	v52 =	vadd.f32 v52, v59;
	v19 =	vld [tilespmem:$0x1FFB0]  }
0xb9: {  	[tilespmem:$0x1FF90] =	vst v0;
	v0 =	vmul.f32 v13, v33;
	v13 =	vperm.xlane v1, v63  }
0xba: {  	v62 =	vmul.f32 $9.999999770e-03, v52  }
0xbb: {  	v58 =	vmul.f32 v4, v58;
	v33 =	vld [tilespmem:s12+$0x8470];
	v1 =	vadd.f32 v13, v1  }
0xbc: {  	v5 =	vmul.f32 v6, v5;
	v18 =	vmov v57;
	v54 =	vpop (erf);
	v57 =	vmax.f32 v52, v62;
	v62 =	vld [tilespmem:$0x1FFE0]  }
0xbd: {  	v12 =	vmul.f32 v12, v19;
	v19 =	vadd.f32 v9, v54;
	v9 =	vperm.xlane v1, v61  }
0xbe: {  	v51 =	vadd.f32 v58, v51;
	v55 =	vmul.f32 $9.999999770e-03, v14  }
0xbf: {  	v11 =	vmul.f32 $9.999999770e-03, v7;
	v5 =	vadd.f32 v5, v21;
	v1 =	vadd.f32 v9, v1  }
0xc0: {  	v55 =	vmax.f32 v14, v55;
	v56 =	vsub.f32 v37, v25;
	v54 =	vmul.f32 v54, v33  }
0xc1: {  	v14 =	vmul.f32 $9.999999770e-03, v10;
	v26 =	vmax.f32 v26, v55;
	[tilespmem:$0x1FFA0] =	vst v5;
	v5 =	vperm.xlane v1, v62  }
0xc2: {  	v59 =	vsub.f32 v34, v26;
	v4 =	vmul.f32 $1.442695020e+00, v56;
	v33 =	vadd.f32 v54, v0  }
0xc3: {  	p1 =	sne.s32 s13, $0x3E00;
	v48 =	vmovc v24;
	v13 =	vmul.f32 $9.999999770e-03, v3;
	v0 =	vadd.f32 v12, v6;
	v52 =	vadd.f32 v5, v1;
	v1 =	vld [tilespmem:$0x1FFF0]  }
.Ltmp0:
0xc4: {  	v47 =	vmovc v22;
	v45 =	vmovc v20;
	(erf) = vpow2.f32 v4;
	v24 =	vmax.f32 v24, v57;
	v61 =	vmax.f32 v10, v14;
	(pc) =	sbr.rel @p1 .LBB2_3-.Ltmp0, $4  }
0xc5: {  	v46 =	vmovc v35;
	v20 =	vmax.f32 v20, v61;
	v9 =	vmul.f32 $9.999999770e-03, v8;
	[tilespmem:$0x1FFB0] =	vst v0;
	v0 =	vmax.f32 v3, v13  }
0xc6: {  	v41 =	vmovc v40;
	v37 =	vmovc v25;
	v3 =	vmul.f32 $9.999999770e-03, v2;
	v62 =	vmax.f32 v7, v11;
	v15 =	vmax.f32 v15, v0  }
0xc7: {  	v34 =	vmovc v26;
	v58 =	vsub.f32 v28, v15;
	v0 =	vsub.f32 v0, v15;
	v22 =	vmax.f32 v22, v62  }
0xc8: {  	s13 =	sadd.s32 $0x200, s13;
	s12 =	smov.u32 s11;
	s11 =	smov.u32 s16;
	v28 =	vmovc v15;
	v56 =	vmax.f32 v2, v3;
	v54 =	vperm.xlane v52, v1;
	v1 =	vmax.f32 v8, v9  }
0xc9: {  	v2 =	vsub.f32 v48, v24  }
0xca: {  	v3 =	vsub.f32 v62, v22;
	v4 =	vmul.f32 $1.442695020e+00, v59  }
0xcb: {  	v5 =	vsub.f32 v55, v26;
	v7 =	vsub.f32 v57, v24;
	v2 =	vmul.f32 $1.442695020e+00, v2  }
0xcc: {  	v12 =	vmax.f32 v35, v1;
	v3 =	vmul.f32 $1.442695020e+00, v3;
	(erf) = vpow2.f32 v4  }
0xcd: {  	v11 =	vld [tilespmem:$0x1FF00];
	v62 =	vmul.f32 $1.442695020e+00, v5;
	(erf) = vpow2.f32 v2;
	v2 =	vsub.f32 v47, v22  }
0xce: {  	v10 =	vsub.f32 v45, v20;
	v9 =	vmul.f32 $1.442695020e+00, v7;
	(erf) = vpow2.f32 v3  }
0xcf: {  	v35 =	vld [tilespmem:$0x1FF10];
	v3 =	vsub.f32 v46, v12;
	(erf) = vpow2.f32 v62;
	v2 =	vmul.f32 $1.442695020e+00, v2  }
0xd0: {  	v45 =	vld [tilespmem:$0x1FF20];
	v46 =	vmul.f32 $1.442695020e+00, v10;
	(erf) = vpow2.f32 v9  }
0xd1: {  	v47 =	vld [tilespmem:$0x1FF50];
	(erf) = vpow2.f32 v2;
	v2 =	vmul.f32 $1.442695020e+00, v3  }
0xd2: {  	v1 =	vsub.f32 v1, v12;
	v13 =	vadd.f32 v50, v11;
	v50 =	vld [tilespmem:$0x1FF60];
	(erf) = vpow2.f32 v46  }
0xd3: {  	v6 =	vmul.f32 $1.442695020e+00, v60;
	(erf) = vpow2.f32 v2;
	v2 =	vld [tilespmem:$0x1FF70]  }
0xd4: {  	v0 =	vmul.f32 $1.442695020e+00, v0;
	v1 =	vmul.f32 $1.442695020e+00, v1;
	v14 =	vadd.f32 v31, v35  }
0xd5: {  	v4 =	vadd.f32 v29, v45;
	v29 =	vpop (erf);
	v11 =	vmul.f32 $1.442695020e+00, v58;
	v9 =	vld [tilespmem:s12+$0x8460];
	v3 =	vsub.f32 v61, v20  }
0xd6: {  	v42 =	vmul.f32 v29, v42;
	v31 =	vadd.f32 v49, v47;
	v49 =	vld [tilespmem:s12+$0x8440];
	(erf) = vpow2.f32 v6  }
0xd7: {  	v10 =	vld [tilespmem:s12+$0x8430];
	v3 =	vmul.f32 $1.442695020e+00, v3;
	v48 =	vpop (erf);
	(erf) = vpow2.f32 v1  }
0xd8: {  	v5 =	vmul.f32 v48, v53;
	v8 =	vpop (erf);
	v2 =	vadd.f32 v30, v2;
	v30 =	vadd.f32 v32, v50;
	v50 =	vld [tilespmem:$0x1FF30]  }
0xd9: {  	(erf) = vpow2.f32 v11;
	v1 =	vmul.f32 v8, v38;
	v35 =	vpop (erf);
	v32 =	vmax.f32 v40, v56  }
0xda: {  	v38 =	vmul.f32 v48, v44;
	(erf) = vpow2.f32 v0;
	v7 =	vpop (erf);
	v21 =	vsub.f32 v56, v32;
	v56 =	vld [tilespmem:$0x1FF80]  }
0xdb: {  	v55 =	vadd.f32 v54, v52;
	v58 =	vld [tilespmem:s12+$0x8410];
	v61 =	vmul.f32 v35, v49;
	v53 =	vmul.f32 v7, v9;
	v0 =	vpop (erf)  }
0xdc: {  	v57 =	vsub.f32 v41, v32;
	v9 =	vmul.f32 v0, v10;
	v60 =	vpop (erf);
	v62 =	vmul.f32 $1.442695020e+00, v21  }
0xdd: {  	v59 =	vld [tilespmem:s12+$0x8420];
	v48 =	vpop (erf);
	v6 =	vadd.f32 v53, v38;
	v38 =	vmul.f32 v60, v43;
	v40 =	vadd.f32 v55, v50  }
0xde: {  	v54 =	vadd.f32 v1, v0;
	v39 =	vmul.f32 v60, v39;
	v52 =	vmul.f32 $1.442695020e+00, v57;
	v43 =	vpop (erf)  }
0xdf: {  	v0 =	vpop (erf);
	(erf) = vpow2.f32 v62;
	v27 =	vadd.f32 v27, v56;
	v53 =	vadd.f32 v40, v4  }
0xe0: {  	v55 =	vadd.f32 v42, v0;
	v0 =	vmul.f32 v0, v58;
	(erf) = vpow2.f32 v52  }
0xe1: {  	v1 =	vpop (erf);
	v4 =	vadd.f32 v61, v39;
	v30 =	vadd.f32 v40, v30;
	v56 =	vmul.f32 $9.999999770e-03, v53  }
0xe2: {  	v57 =	vmul.f32 v1, v59;
	v14 =	vadd.f32 v40, v14;
	v31 =	vadd.f32 v40, v31  }
0xe3: {  	(erf) = vpow2.f32 v3;
	v13 =	vadd.f32 v40, v13;
	v58 =	vmax.f32 v53, v56  }
0xe4: {  	v18 =	vadd.f32 v40, v18;
	v2 =	vadd.f32 v40, v2;
	v25 =	vmax.f32 v25, v58  }
0xe5: {  	v59 =	vmul.f32 $9.999999770e-03, v30;
	v60 =	vmul.f32 $9.999999770e-03, v13;
	v3 =	vsub.f32 v37, v25  }
0xe6: {  	v27 =	vadd.f32 v40, v27;
	v62 =	vmul.f32 $9.999999770e-03, v2;
	v42 =	vmul.f32 $9.999999770e-03, v31  }
0xe7: {  	v61 =	vmul.f32 $9.999999770e-03, v18;
	v13 =	vmax.f32 v13, v60;
	v3 =	vmul.f32 $1.442695020e+00, v3  }
0xe8: {  	v2 =	vmax.f32 v2, v62;
	v31 =	vmax.f32 v31, v42;
	v30 =	vmax.f32 v30, v59  }
0xe9: {  	v44 =	vmax.f32 v24, v2;
	(erf) = vpow2.f32 v3;
	v3 =	vmax.f32 v26, v13  }
0xea: {  	v46 =	vmax.f32 v20, v31;
	v26 =	vmul.f32 $9.999999770e-03, v14;
	v34 =	vsub.f32 v34, v3  }
0xeb: {  	v47 =	vmax.f32 v22, v30;
	v24 =	vsub.f32 v24, v44;
	v3 =	vsub.f32 v13, v3  }
0xec: {  	v14 =	vmax.f32 v14, v26;
	v26 =	vsub.f32 v30, v47;
	v30 =	vmul.f32 $1.442695020e+00, v34  }
0xed: {  	v2 =	vsub.f32 v2, v44;
	v13 =	vmul.f32 $1.442695020e+00, v24;
	v3 =	vmul.f32 $1.442695020e+00, v3  }
0xee: {  	v22 =	vsub.f32 v22, v47;
	v24 =	vmul.f32 $1.442695020e+00, v26;
	(erf) = vpow2.f32 v30  }
0xef: {  	v2 =	vmul.f32 $1.442695020e+00, v2;
	(erf) = vpow2.f32 v13;
	v13 =	vsub.f32 v20, v46  }
0xf0: {  	v22 =	vmul.f32 $1.442695020e+00, v22;
	v49 =	vmax.f32 v12, v14;
	(erf) = vpow2.f32 v24  }
0xf1: {  	v12 =	vsub.f32 v12, v49;
	v20 =	vpop (erf);
	(erf) = vpow2.f32 v3;
	v13 =	vmul.f32 $1.442695020e+00, v13  }
0xf2: {  	v45 =	vmul.f32 $9.999999770e-03, v27;
	v25 =	vsub.f32 v58, v25;
	v3 =	vpop (erf);
	(erf) = vpow2.f32 v2  }
0xf3: {  	v18 =	vmax.f32 v18, v61;
	v12 =	vmul.f32 $1.442695020e+00, v12;
	v2 =	vpop (erf);
	(erf) = vpow2.f32 v22  }
0xf4: {  	v15 =	vmax.f32 v15, v18;
	v25 =	vmul.f32 $1.442695020e+00, v25;
	v24 =	vpop (erf);
	(erf) = vpow2.f32 v13  }
0xf5: {  	v14 =	vsub.f32 v14, v49;
	v13 =	vpop (erf);
	(erf) = vpow2.f32 v12;
	v12 =	vmax.f32 v27, v45  }
0xf6: {  	v26 =	vsub.f32 v28, v15;
	v15 =	vsub.f32 v18, v15;
	v27 =	vmax.f32 v32, v12  }
0xf7: {  	v14 =	vmul.f32 $1.442695020e+00, v14;
	v12 =	vsub.f32 v12, v27;
	v27 =	vsub.f32 v32, v27  }
0xf8: {  	v22 =	vld [tilespmem:s12+$0x8400];
	v18 =	vpop (erf);
	(erf) = vpow2.f32 v25;
	v25 =	vmul.f32 $1.442695020e+00, v26  }
0xf9: {  	v8 =	vmul.f32 v8, v17;
	v17 =	vmul.f32 $1.442695020e+00, v27;
	v27 =	vld [tilespmem:$0x1FF90]  }
0xfa: {  	v26 =	vpop (erf);
	(erf) = vpow2.f32 v14;
	v14 =	vmul.f32 $1.442695020e+00, v15  }
0xfb: {  	v29 =	vmul.f32 v29, v36;
	v23 =	vmul.f32 v43, v23;
	v15 =	vpop (erf)  }
0xfc: {  	v52 =	vld [tilespmem:$0x1FFA0];
	v16 =	vmul.f32 v20, v16;
	(erf) = vpow2.f32 v25;
	v25 =	vpop (erf)  }
0xfd: {  	v1 =	vadd.f32 v23, v1;
	v23 =	vld [tilespmem:s12+$0x8470];
	v22 =	vmul.f32 v3, v22;
	v12 =	vmul.f32 $1.442695020e+00, v12;
	v50 =	vpop (erf)  }
0xfe: {  	v28 =	vld [tilespmem:s12+$0x8450];
	(erf) = vpow2.f32 v14;
	v14 =	vpop (erf);
	v20 =	vmul.f32 v20, v27  }
0xff: {  	v27 =	vpop (erf);
	(erf) = vpow2.f32 v12;
	v12 =	vadd.f32 v22, v16;
	v16 =	vsub.f32 v31, v46;
	v31 =	vld [tilespmem:$0x1FFB0]  }
0x100: {  	v5 =	vadd.f32 v5, v7;
	v21 =	vmul.f32 v43, v51;
	v51 =	vmul.f32 v48, v19  }
0x101: {  	v8 =	vadd.f32 v9, v8;
	v0 =	vadd.f32 v0, v29  }
0x102: {  	v7 =	vmul.f32 v24, v52;
	v9 =	vadd.f32 v51, v13;
	v22 =	vpop (erf);
	(erf) = vpow2.f32 v17  }
0x103: {  	v19 =	vld [tilespmem:s11+$0x8460];
	v13 =	vmul.f32 v13, v23;
	v3 =	vadd.f32 v20, v3;
	v20 =	vmul.f32 v2, v28;
	v28 =	vpop (erf)  }
0x104: {  	v16 =	vmul.f32 $1.442695020e+00, v16;
	v29 =	vpop (erf);
	v24 =	vmul.f32 v24, v31  }
0x105: {  	v10 =	vmul.f32 v18, v55;
	v0 =	vmul.f32 v18, v0;
	v53 =	vpop (erf)  }
0x106: {  	v5 =	vmul.f32 v26, v5;
	v31 =	vld [tilespmem:s11+$0x8430];
	v23 =	vpop (erf);
	(erf) = vpow2.f32 v16  }
0x107: {  	v30 =	vadd.f32 v38, v35;
	v6 =	vmul.f32 v26, v6;
	v3 =	vmul.f32 v23, v3  }
0x108: {  	v11 =	vmul.f32 v15, v54;
	v19 =	vmul.f32 v50, v19;
	v2 =	vadd.f32 v24, v2;
	v24 =	vpop (erf)  }
0x109: {  	v17 =	vmul.f32 v48, v33;
	v1 =	vmul.f32 v28, v1;
	v3 =	vadd.f32 v3, v24  }
0x10a: {  	v30 =	vmul.f32 v27, v30;
	v10 =	vadd.f32 v10, v29;
	v16 =	vadd.f32 v57, v21;
	v21 =	vld [tilespmem:s11+$0x8440];
	v54 =	vpop (erf)  }
0x10b: {  	v1 =	vadd.f32 v1, v53;
	v26 =	vmul.f32 v14, v31;
	v31 =	vld [tilespmem:s11+$0x8410];
	v56 =	vpop (erf);
	(erf) = vrcp.f32 v3  }
0x10c: {  	v55 =	vld [tilespmem:s11+$0x8400];
	v3 =	vadd.f32 v11, v14;
	v2 =	vmul.f32 v56, v2;
	(erf) = vrcp.f32 v10  }
0x10d: {  	v9 =	vmul.f32 v22, v9;
	v58 =	vadd.f32 v30, v25;
	(erf) = vrcp.f32 v1  }
0x10e: {  	v60 =	vmul.f32 v23, v12;
	v1 =	vld [tilespmem:s11+$0x8420];
	v2 =	vadd.f32 v2, v54;
	(erf) = vrcp.f32 v3  }
0x10f: {  	v5 =	vadd.f32 v5, v50;
	v57 =	vmul.f32 v25, v21;
	v21 =	vld [tilespmem:s11+$0x8450];
	v14 =	vpop (erf);
	(erf) = vrcp.f32 v58  }
0x110: {  	v3 =	vmul.f32 v29, v31;
	v9 =	vadd.f32 v9, v14;
	(erf) = vrcp.f32 v2  }
0x111: {  	v59 =	vmul.f32 v24, v55;
	v2 =	vadd.f32 v20, v7;
	(erf) = vrcp.f32 v5  }
0x112: {  	v32 =	vld [tilespmem:s11+$0x8470];
	v0 =	vadd.f32 v3, v0;
	v3 =	vmul.f32 v15, v8;
	(erf) = vrcp.f32 v9  }
0x113: {  	v62 =	vmul.f32 v28, v16;
	v7 =	vadd.f32 v59, v60;
	v1 =	vmul.f32 v53, v1  }
0x114: {  	v12 =	vmul.f32 v54, v21;
	v3 =	vadd.f32 v26, v3;
	v2 =	vmul.f32 v56, v2;
	v33 =	vpop (erf)  }
0x115: {  	v4 =	vmul.f32 v27, v4;
	v1 =	vadd.f32 v1, v62;
	v7 =	vmul.f32 v7, v33;
	v34 =	vpop (erf)  }
0x116: {  	v61 =	vadd.f32 v13, v17;
	v2 =	vadd.f32 v12, v2;
	v0 =	vmul.f32 v0, v34;
	v35 =	vpop (erf)  }
0x117: {  	v4 =	vadd.f32 v57, v4;
	v37 =	vmul.f32 v14, v32;
	[tilespmem:$0xC400] =	vst v7;
	v1 =	vmul.f32 v1, v35;
	v36 =	vpop (erf)  }
0x118: {  	v5 =	vmul.f32 v22, v61;
	[tilespmem:$0xC410] =	vst v0;
	v0 =	vmul.f32 v3, v36;
	v3 =	vpop (erf)  }
0x119: {  	v41 =	vld [tilespmem:$0x2C0];
	v6 =	vadd.f32 v19, v6;
	[tilespmem:$0xC420] =	vst v1;
	v1 =	vmul.f32 v4, v3;
	v3 =	vpop (erf)  }
0x11a: {  	v39 =	vld [tilespmem:$0x290];
	v38 =	vadd.f32 v37, v5;
	[tilespmem:$0xC430] =	vst v0;
	v0 =	vmul.f32 v2, v3;
	v2 =	vpop (erf)  }
0x11b: {  	v40 =	vld [tilespmem:$0x2B0];
	[tilespmem:$0xC440] =	vst v1;
	v1 =	vmul.f32 v6, v2;
	v2 =	vpop (erf)  }
0x11c: {  	v42 =	vld [tilespmem:$0x2D0];
	[tilespmem:$0xC450] =	vst v0;
	v0 =	vmul.f32 v38, v2  }
0x11d: {  	v26 =	vld [tilespmem:$0x280];
	[tilespmem:$0xC460] =	vst v1  }
0x11e: {  	s12 =	simm.s32 $0x0;
	[tilespmem:$0xC470] =	vst v0;
	v0 =	vld [tilespmem:$0x80]  }
0x11f: {  	v1 =	vld [tilespmem:s12+$0x1400]  }
0x120: {  	v2 =	vld [tilespmem:$0x90]  }
0x121: {  	v3 =	vld [tilespmem:s12+$0x5400]  }
0x122: {  	v44 =	vld [tilespmem:$0x2F0]  }
0x123: {  	v12 =	vld [tilespmem:s12+$0x1410]  }
0x124: {  	v13 =	vld [tilespmem:$0xA0];
	v0 =	vadd.f32 v0, v26;
	v43 =	vadd.f32 $0.0e+00, v1  }
0x125: {  	v14 =	vld [tilespmem:s12+$0x5410]  }
0x126: {  	v25 =	vld [tilespmem:$0x2A0];
	v0 =	vadd.f32 v2, v0;
	v2 =	vadd.f32 v3, v43  }
0x127: {  	v3 =	vld [tilespmem:s12+$0x1420]  }
0x128: {  	v15 =	vld [tilespmem:$0xB0];
	v0 =	vadd.f32 v0, v39;
	v2 =	vadd.f32 v12, v2  }
0x129: {  	v16 =	vld [tilespmem:s12+$0x5420]  }
0x12a: {  	v18 =	vld [tilespmem:$0xE0];
	v0 =	vadd.f32 v0, v13;
	v2 =	vadd.f32 v14, v2  }
0x12b: {  	v13 =	vld [tilespmem:s12+$0x1430]  }
0x12c: {  	v17 =	vld [tilespmem:s12+$0x5430];
	v0 =	vadd.f32 v0, v25;
	v2 =	vadd.f32 v3, v2  }
0x12d: {  	v14 =	vld [tilespmem:$0xC0]  }
0x12e: {  	v28 =	vld [tilespmem:$0x2E0];
	v0 =	vadd.f32 v0, v15;
	v2 =	vadd.f32 v16, v2  }
0x12f: {  	v16 =	vld [tilespmem:s12+$0x1440]  }
0x130: {  	v19 =	vld [tilespmem:s12+$0x5440];
	v0 =	vadd.f32 v0, v40;
	v2 =	vadd.f32 v13, v2  }
0x131: {  	s11 =	simm.s32 $0x80;
	v15 =	vld [tilespmem:$0xD0]  }
0x132: {  	v20 =	vld [tilespmem:s11+$0x1400];
	v0 =	vadd.f32 v0, v14;
	v2 =	vadd.f32 v17, v2  }
0x133: {  	v17 =	vld [tilespmem:s12+$0x1450]  }
0x134: {  	v21 =	vld [tilespmem:s12+$0x5450];
	v0 =	vadd.f32 v0, v41;
	v2 =	vadd.f32 v16, v2  }
0x135: {  	v29 =	vld [tilespmem:s11+$0x1410]  }
0x136: {  	v0 =	vadd.f32 v0, v15;
	v15 =	vld [tilespmem:s11+$0x5400];
	v2 =	vadd.f32 v19, v2  }
0x137: {  	v19 =	vld [tilespmem:s12+$0x1460]  }
0x138: {  	v22 =	vld [tilespmem:s12+$0x5460];
	v0 =	vadd.f32 v0, v42;
	v2 =	vadd.f32 v17, v2  }
0x139: {  	v23 =	vadd.f32 $0.0e+00, v20;
	v14 =	vld [tilespmem:$0xF0]  }
0x13a: {  	v0 =	vadd.f32 v0, v18;
	v18 =	vld [tilespmem:s11+$0x5410];
	v2 =	vadd.f32 v21, v2  }
0x13b: {  	v24 =	vld [tilespmem:s12+$0x1470];
	v15 =	vadd.f32 v15, v23  }
0x13c: {  	v31 =	vld [tilespmem:s11+$0x1420];
	v0 =	vadd.f32 v0, v28;
	v2 =	vadd.f32 v19, v2  }
0x13d: {  	v21 =	vld [tilespmem:s12+$0x5470];
	v15 =	vadd.f32 v29, v15  }
0x13e: {  	v0 =	vadd.f32 v0, v14;
	v14 =	vld [tilespmem:s11+$0x5420];
	v2 =	vadd.f32 v22, v2  }
0x13f: {  	v15 =	vadd.f32 v18, v15  }
0x140: {  	v30 =	vld [tilespmem:s11+$0x1430];
	v0 =	vadd.f32 v0, v44;
	v2 =	vadd.f32 v24, v2  }
0x141: {  	v45 =	vld [tilespmem:$0x1FFD0];
	v15 =	vadd.f32 v31, v15  }
0x142: {  	v18 =	vperm.xlane v0, v63;
	v2 =	vadd.f32 v21, v2;
	v21 =	vld [tilespmem:s11+$0x5430]  }
0x143: {  	v14 =	vadd.f32 v14, v15  }
0x144: {  	v32 =	vld [tilespmem:s11+$0x1440];
	v0 =	vadd.f32 v0, v18;
	v15 =	vperm.xlane v2, v63  }
0x145: {  	v46 =	vld [tilespmem:$0x1FFE0];
	v14 =	vadd.f32 v30, v14  }
0x146: {  	v18 =	vperm.xlane v0, v45;
	v2 =	vadd.f32 v15, v2;
	v15 =	vld [tilespmem:s11+$0x5440]  }
0x147: {  	v14 =	vadd.f32 v21, v14  }
0x148: {  	v27 =	vld [tilespmem:s11+$0x1450];
	v0 =	vadd.f32 v0, v18;
	v18 =	vperm.xlane v2, v45  }
0x149: {  	v47 =	vld [tilespmem:$0x1FFF0];
	v14 =	vadd.f32 v32, v14  }
0x14a: {  	v21 =	vperm.xlane v0, v46;
	v2 =	vadd.f32 v18, v2;
	v18 =	vld [tilespmem:s11+$0x5450]  }
0x14b: {  	v14 =	vadd.f32 v15, v14  }
0x14c: {  	v51 =	vimm.f32 $0.0e+00;
	v50 =	vld [tilespmem:s11+$0x1460];
	v0 =	vadd.f32 v0, v21;
	v15 =	vperm.xlane v2, v46  }
0x14d: {  	v48 =	vimm.f32 $-Inf;
	v53 =	vimm.f32 $0.0e+00;
	v14 =	vadd.f32 v27, v14  }
0x14e: {  	v33 =	vimm.f32 $0.0e+00;
	v21 =	vperm.xlane v0, v47;
	v2 =	vadd.f32 v15, v2;
	v15 =	vld [tilespmem:s11+$0x5460]  }
0x14f: {  	v35 =	vimm.f32 $-Inf;
	v1 =	vadd.f32 v1, v26;
	v14 =	vadd.f32 v18, v14  }
0x150: {  	v49 =	vld [tilespmem:s11+$0x1470];
	v12 =	vadd.f32 v12, v39;
	v18 =	vadd.f32 v0, v21;
	v0 =	vperm.xlane v2, v47  }
0x151: {  	v36 =	vimm.f32 $0.0e+00;
	v3 =	vadd.f32 v3, v25;
	v14 =	vadd.f32 v50, v14  }
0x152: {  	v38 =	vimm.f32 $0.0e+00;
	v13 =	vadd.f32 v13, v40;
	v0 =	vadd.f32 v0, v2;
	v2 =	vld [tilespmem:s11+$0x5470]  }
0x153: {  	[tilespmem:$0x1FEA0] =	vst v41;
	v43 =	vimm.f32 $0.0e+00;
	v16 =	vadd.f32 v16, v41;
	v14 =	vadd.f32 v15, v14  }
0x154: {  	[tilespmem:$0x1FE60] =	vst v39;
	v39 =	vimm.f32 $0.0e+00;
	v19 =	vadd.f32 v19, v28;
	v0 =	vadd.f32 v0, v18  }
0x155: {  	[tilespmem:$0x1FEB0] =	vst v40;
	v40 =	vimm.f32 $-Inf;
	v15 =	vadd.f32 v24, v44;
	v14 =	vadd.f32 v49, v14  }
0x156: {  	v41 =	vimm.f32 $-Inf;
	[tilespmem:$0x1FE70] =	vst v18;
	v18 =	vadd.f32 v20, v26;
	v12 =	vadd.f32 v0, v12  }
0x157: {  	[tilespmem:$0x1FE90] =	vst v44;
	v44 =	vimm.f32 $0.0e+00;
	v16 =	vadd.f32 v0, v16;
	v2 =	vadd.f32 v2, v14  }
0x158: {  	v3 =	vadd.f32 v0, v3;
	v14 =	vadd.f32 v17, v42;
	v17 =	vmul.f32 $9.999999770e-03, v12  }
0x159: {  	v15 =	vadd.f32 v0, v15;
	v1 =	vadd.f32 v0, v1;
	v20 =	vperm.xlane v2, v63  }
0x15a: {  	[tilespmem:$0x1FEC0] =	vst v42;
	v42 =	vimm.f32 $0.0e+00;
	v14 =	vadd.f32 v0, v14;
	v12 =	vmax.f32 v12, v17  }
0x15b: {  	[tilespmem:$0x1FE50] =	vst v25;
	v17 =	vadd.f32 v0, v19;
	v25 =	vmax.f32 v35, v12;
	v2 =	vadd.f32 v20, v2  }
0x15c: {  	v20 =	vmul.f32 $9.999999770e-03, v16;
	v19 =	vsub.f32 v35, v25;
	v60 =	vsub.f32 v12, v25  }
0x15d: {  	v12 =	vadd.f32 v0, v13;
	v13 =	vmul.f32 $9.999999770e-03, v17;
	v22 =	vperm.xlane v2, v45  }
0x15e: {  	v62 =	vmax.f32 v16, v20;
	v45 =	vimm.f32 $-Inf;
	v0 =	vmul.f32 $1.442695020e+00, v19  }
0x15f: {  	v16 =	vimm.f32 $0.0e+00;
	v19 =	vmul.f32 $9.999999770e-03, v1;
	v23 =	vmul.f32 $9.999999770e-03, v12  }
0x160: {  	v55 =	vmax.f32 v17, v13;
	v13 =	vmul.f32 $9.999999770e-03, v15;
	v2 =	vadd.f32 v22, v2  }
0x161: {  	[tilespmem:$0x1FE80] =	vst v26;
	v17 =	vimm.f32 $0.0e+00;
	v26 =	vmax.f32 v35, v55;
	v22 =	vmax.f32 v35, v62  }
0x162: {  	(erf) = vpow2.f32 v0;
	v57 =	vmax.f32 v12, v23;
	v12 =	vperm.xlane v2, v46  }
0x163: {  	v0 =	vmul.f32 $9.999999770e-03, v3;
	v61 =	vmax.f32 v15, v13;
	v59 =	vsub.f32 v35, v26  }
0x164: {  	v23 =	vimm.f32 $0.0e+00;
	v52 =	vadd.f32 v12, v2;
	v2 =	vmax.f32 v1, v19  }
0x165: {  	v24 =	vmax.f32 v35, v57;
	v20 =	vmax.f32 v35, v61;
	v15 =	vmax.f32 v35, v2  }
0x166: {  	[tilespmem:$0x1FE40] =	vst v28;
	v1 =	vmax.f32 v3, v0;
	v0 =	vsub.f32 v2, v15;
	v2 =	vimm.f32 $0.0e+00  }
0x167: {  	v46 =	vimm.f32 $-Inf;
	v12 =	vmul.f32 $9.999999770e-03, v14;
	[tilespmem:$0x1FED0] =	vst v2;
	v2 =	vimm.f32 $0.0e+00  }
0x168: {  	v37 =	vmovc v25;
	v19 =	vimm.f32 $0.0e+00;
	v54 =	vperm.xlane v52, v47;
	[tilespmem:$0x1FEE0] =	vst v2;
	v2 =	vimm.f32 $0.0e+00  }
0x169: {  	s13 =	simm.s32 $0x400;
	v34 =	vmovc v26;
	v58 =	vsub.f32 v35, v15;
	v56 =	vmax.f32 v14, v12;
	v47 =	vimm.f32 $-Inf;
	v28 =	vmovc v15;
	[tilespmem:$0x1FEF0] =	vst v2  }
.LBB2_5:
0x16a: {  	v10 =	vld [tilespmem:$0x1FE40];
	_ =	sdelay $0x1  }
0x16b: {  	v2 =	vsub.f32 v48, v24;
	v11 =	vld [tilespmem:$0x1FE50]  }
0x16c: {  	s16 =	sshra.s32 s13, $0x2;
	v62 =	vsub.f32 v62, v22;
	v6 =	vmul.f32 $1.442695020e+00, v60;
	v12 =	vld [tilespmem:$0x1FE90];
	v60 =	vmul.f32 $1.442695020e+00, v59  }
0x16d: {  	v5 =	vsub.f32 v55, v26;
	v4 =	vld [tilespmem:s16+$0x1400];
	v2 =	vmul.f32 $1.442695020e+00, v2  }
0x16e: {  	v55 =	vadd.f32 v50, v10;
	v50 =	vmul.f32 $1.442695020e+00, v62;
	v62 =	vld [tilespmem:$0x1FE60];
	v63 =	vpop (erf);
	(erf) = vpow2.f32 v60  }
0x16f: {  	(erf) = vpow2.f32 v2;
	v2 =	vld [tilespmem:$0x1FE80];
	_ =	sdelay $0x1  }
0x170: {  	v59 =	vld [tilespmem:s16+$0x5400]  }
0x171: {  	v7 =	vsub.f32 v57, v24;
	v60 =	vadd.f32 v31, v11  }
0x172: {  	v10 =	vld [tilespmem:s16+$0x1410];
	v11 =	vadd.f32 v29, v62;
	v62 =	vadd.f32 v49, v12  }
0x173: {  	v35 =	vmax.f32 v35, v1;
	v49 =	vld [tilespmem:$0x1FEB0];
	v57 =	vadd.f32 v4, v2;
	v2 =	vadd.f32 $0.0e+00, v4  }
0x174: {  	v3 =	vsub.f32 v47, v22;
	v5 =	vmul.f32 $1.442695020e+00, v5;
	v4 =	vmul.f32 $1.442695020e+00, v7;
	v7 =	vld [tilespmem:s16+$0x5410]  }
0x175: {  	v9 =	vsub.f32 v45, v20;
	v31 =	vld [tilespmem:s16+$0x1420];
	(erf) = vpow2.f32 v50;
	v2 =	vadd.f32 v59, v2  }
0x176: {  	v61 =	vsub.f32 v61, v20;
	v3 =	vmul.f32 $1.442695020e+00, v3;
	(erf) = vpow2.f32 v5;
	v5 =	vld [tilespmem:s12+$0x9460]  }
0x177: {  	v8 =	vsub.f32 v46, v35;
	(erf) = vpow2.f32 v4;
	v4 =	vld [tilespmem:s12+$0x9440];
	v2 =	vadd.f32 v10, v2  }
0x178: {  	v1 =	vsub.f32 v1, v35;
	v50 =	vmul.f32 $1.442695020e+00, v9;
	(erf) = vpow2.f32 v3;
	v3 =	vld [tilespmem:s16+$0x5420]  }
0x179: {  	v59 =	vadd.f32 v30, v49;
	v49 =	vmul.f32 $1.442695020e+00, v8;
	v30 =	vld [tilespmem:s16+$0x1430];
	v2 =	vadd.f32 v7, v2  }
0x17a: {  	v40 =	vmax.f32 v40, v56;
	v12 =	vmul.f32 $1.442695020e+00, v1;
	(erf) = vpow2.f32 v50;
	v50 =	vld [tilespmem:$0x1FEA0]  }
0x17b: {  	v29 =	vmovc v10;
	v10 =	vld [tilespmem:s12+$0x9430];
	(erf) = vpow2.f32 v49;
	v7 =	vmul.f32 $1.442695020e+00, v61;
	v2 =	vadd.f32 v31, v2  }
0x17c: {  	v21 =	vsub.f32 v41, v40;
	v8 =	vpop (erf);
	v49 =	vld [tilespmem:s16+$0x5430];
	(erf) = vpow2.f32 v6;
	v61 =	vmul.f32 $1.442695020e+00, v58  }
0x17d: {  	v0 =	vmul.f32 $1.442695020e+00, v0;
	v6 =	vpop (erf);
	(erf) = vpow2.f32 v12;
	v12 =	vld [tilespmem:$0x1FEC0];
	v2 =	vadd.f32 v3, v2  }
0x17e: {  	v14 =	vld [tilespmem:$0x1FE70];
	v52 =	vadd.f32 v54, v52;
	v21 =	vmul.f32 $1.442695020e+00, v21;
	v1 =	vpop (erf);
	(erf) = vpow2.f32 v61  }
0x17f: {  	v9 =	vadd.f32 v32, v50;
	v32 =	vld [tilespmem:s16+$0x1440];
	v3 =	vmul.f32 v8, v53;
	v2 =	vadd.f32 v30, v2  }
0x180: {  	v50 =	vld [tilespmem:s16+$0x5440];
	v53 =	vsub.f32 v56, v40;
	v8 =	vmul.f32 v8, v44;
	v56 =	vpop (erf);
	(erf) = vpow2.f32 v0  }
0x181: {  	v38 =	vmul.f32 v6, v38;
	v5 =	vmul.f32 v56, v5;
	v0 =	vpop (erf);
	v2 =	vadd.f32 v49, v2;
	v49 =	vld [tilespmem:s12+$0x9410]  }
0x182: {  	v4 =	vmul.f32 v1, v4;
	v61 =	vadd.f32 v27, v12;
	v10 =	vmul.f32 v0, v10;
	v12 =	vpop (erf)  }
0x183: {  	v53 =	vmul.f32 $1.442695020e+00, v53;
	v27 =	vld [tilespmem:s16+$0x1450];
	v38 =	vadd.f32 v38, v0;
	v13 =	vpop (erf);
	v44 =	vadd.f32 v5, v8  }
0x184: {  	v0 =	vmul.f32 v12, v43;
	v12 =	vmul.f32 v12, v39;
	v8 =	vpop (erf);
	v2 =	vadd.f32 v32, v2  }
0x185: {  	v54 =	vld [tilespmem:s16+$0x5450];
	v52 =	vadd.f32 v52, v14;
	v36 =	vmul.f32 v63, v36;
	v6 =	vmul.f32 v6, v17;
	v43 =	vpop (erf)  }
0x186: {  	v5 =	vld [tilespmem:s12+$0x9400];
	v39 =	vadd.f32 v4, v12;
	v2 =	vadd.f32 v50, v2;
	v12 =	vmul.f32 v43, v49  }
0x187: {  	v42 =	vmul.f32 v63, v42;
	v17 =	vadd.f32 v10, v6;
	v10 =	vadd.f32 v52, v62;
	v4 =	vpop (erf);
	v50 =	vld [tilespmem:s16+$0x1460]  }
0x188: {  	(erf) = vpow2.f32 v53;
	v53 =	vpop (erf);
	v2 =	vadd.f32 v27, v2;
	v36 =	vadd.f32 v12, v36;
	v12 =	vld [tilespmem:$0x1FED0]  }
0x189: {  	v14 =	vld [tilespmem:s16+$0x5460];
	v42 =	vadd.f32 v42, v43;
	v43 =	vadd.f32 v0, v1;
	v0 =	vpop (erf);
	(erf) = vpow2.f32 v21  }
0x18a: {  	v51 =	vmul.f32 v8, v51;
	v8 =	vmul.f32 v8, v23;
	v1 =	vadd.f32 v54, v2  }
0x18b: {  	v16 =	vmul.f32 v53, v16;
	v49 =	vld [tilespmem:s16+$0x1470];
	v2 =	vmul.f32 v0, v5;
	v54 =	vadd.f32 v52, v11  }
0x18c: {  	v23 =	vadd.f32 v8, v4;
	(erf) = vpow2.f32 v7;
	v1 =	vadd.f32 v50, v1  }
0x18d: {  	v16 =	vadd.f32 v2, v16;
	v2 =	vmul.f32 $9.999999770e-03, v54;
	v12 =	vmul.f32 v53, v12;
	v53 =	vld [tilespmem:s16+$0x5470]  }
0x18e: {  	v7 =	vadd.f32 v52, v9;
	v9 =	vmul.f32 v13, v19;
	v19 =	vld [tilespmem:$0x1FEE0];
	v1 =	vadd.f32 v14, v1  }
0x18f: {  	v63 =	vld [tilespmem:$0x1FFC0];
	v8 =	vadd.f32 v52, v60;
	v2 =	vmax.f32 v54, v2;
	v14 =	vadd.f32 v52, v55  }
0x190: {  	v58 =	vld [tilespmem:s12+$0x9420];
	v25 =	vmax.f32 v25, v2;
	v0 =	vadd.f32 v12, v0;
	v1 =	vadd.f32 v49, v1  }
0x191: {  	v5 =	vld [tilespmem:s12+$0x9450];
	v6 =	vpop (erf);
	v60 =	vsub.f32 v2, v25;
	v2 =	vadd.f32 v52, v61  }
0x192: {  	v61 =	vld [tilespmem:$0x1FFD0];
	v12 =	vpop (erf);
	v1 =	vadd.f32 v53, v1;
	v53 =	vadd.f32 v3, v56  }
0x193: {  	v3 =	vadd.f32 v52, v18;
	v21 =	vmul.f32 v12, v19;
	v52 =	vadd.f32 v52, v59;
	v19 =	vld [tilespmem:$0x1FEF0]  }
0x194: {  	[tilespmem:$0x1FED0] =	vst v0;
	v0 =	vmul.f32 v13, v33;
	v13 =	vperm.xlane v1, v63  }
0x195: {  	v62 =	vmul.f32 $9.999999770e-03, v52  }
0x196: {  	v58 =	vmul.f32 v4, v58;
	v33 =	vld [tilespmem:s12+$0x9470];
	v1 =	vadd.f32 v13, v1  }
0x197: {  	v5 =	vmul.f32 v6, v5;
	v18 =	vmov v57;
	v54 =	vpop (erf);
	v57 =	vmax.f32 v52, v62;
	v62 =	vld [tilespmem:$0x1FFE0]  }
0x198: {  	v12 =	vmul.f32 v12, v19;
	v19 =	vadd.f32 v9, v54;
	v9 =	vperm.xlane v1, v61  }
0x199: {  	v51 =	vadd.f32 v58, v51;
	v55 =	vmul.f32 $9.999999770e-03, v14  }
0x19a: {  	v11 =	vmul.f32 $9.999999770e-03, v7;
	v5 =	vadd.f32 v5, v21;
	v1 =	vadd.f32 v9, v1  }
0x19b: {  	v55 =	vmax.f32 v14, v55;
	v56 =	vsub.f32 v37, v25;
	v54 =	vmul.f32 v54, v33  }
0x19c: {  	v14 =	vmul.f32 $9.999999770e-03, v10;
	v26 =	vmax.f32 v26, v55;
	[tilespmem:$0x1FEE0] =	vst v5;
	v5 =	vperm.xlane v1, v62  }
0x19d: {  	v59 =	vsub.f32 v34, v26;
	v4 =	vmul.f32 $1.442695020e+00, v56;
	v33 =	vadd.f32 v54, v0  }
0x19e: {  	p1 =	sne.s32 s13, $0x3E00;
	v48 =	vmovc v24;
	v13 =	vmul.f32 $9.999999770e-03, v3;
	v0 =	vadd.f32 v12, v6;
	v52 =	vadd.f32 v5, v1;
	v1 =	vld [tilespmem:$0x1FFF0]  }
.Ltmp1:
0x19f: {  	v47 =	vmovc v22;
	v45 =	vmovc v20;
	(erf) = vpow2.f32 v4;
	v24 =	vmax.f32 v24, v57;
	v61 =	vmax.f32 v10, v14;
	(pc) =	sbr.rel @p1 .LBB2_5-.Ltmp1, $4  }
0x1a0: {  	v46 =	vmovc v35;
	v20 =	vmax.f32 v20, v61;
	v9 =	vmul.f32 $9.999999770e-03, v8;
	[tilespmem:$0x1FEF0] =	vst v0;
	v0 =	vmax.f32 v3, v13  }
0x1a1: {  	v41 =	vmovc v40;
	v37 =	vmovc v25;
	v3 =	vmul.f32 $9.999999770e-03, v2;
	v62 =	vmax.f32 v7, v11;
	v15 =	vmax.f32 v15, v0  }
0x1a2: {  	v34 =	vmovc v26;
	v58 =	vsub.f32 v28, v15;
	v0 =	vsub.f32 v0, v15;
	v22 =	vmax.f32 v22, v62  }
0x1a3: {  	s13 =	sadd.s32 $0x200, s13;
	s12 =	smov.u32 s11;
	s11 =	smov.u32 s16;
	v28 =	vmovc v15;
	v56 =	vmax.f32 v2, v3;
	v54 =	vperm.xlane v52, v1;
	v1 =	vmax.f32 v8, v9  }
0x1a4: {  	v2 =	vsub.f32 v48, v24  }
0x1a5: {  	v3 =	vsub.f32 v62, v22;
	v4 =	vmul.f32 $1.442695020e+00, v59  }
0x1a6: {  	v5 =	vsub.f32 v55, v26;
	v7 =	vsub.f32 v57, v24;
	v2 =	vmul.f32 $1.442695020e+00, v2  }
0x1a7: {  	v12 =	vmax.f32 v35, v1;
	v3 =	vmul.f32 $1.442695020e+00, v3;
	(erf) = vpow2.f32 v4  }
0x1a8: {  	v11 =	vld [tilespmem:$0x1FE40];
	v62 =	vmul.f32 $1.442695020e+00, v5;
	(erf) = vpow2.f32 v2;
	v2 =	vsub.f32 v47, v22  }
0x1a9: {  	v10 =	vsub.f32 v45, v20;
	v9 =	vmul.f32 $1.442695020e+00, v7;
	(erf) = vpow2.f32 v3  }
0x1aa: {  	v35 =	vld [tilespmem:$0x1FE50];
	v3 =	vsub.f32 v46, v12;
	(erf) = vpow2.f32 v62;
	v2 =	vmul.f32 $1.442695020e+00, v2  }
0x1ab: {  	v45 =	vld [tilespmem:$0x1FE60];
	v46 =	vmul.f32 $1.442695020e+00, v10;
	(erf) = vpow2.f32 v9  }
0x1ac: {  	v47 =	vld [tilespmem:$0x1FE90];
	(erf) = vpow2.f32 v2;
	v2 =	vmul.f32 $1.442695020e+00, v3  }
0x1ad: {  	v1 =	vsub.f32 v1, v12;
	v13 =	vadd.f32 v50, v11;
	v50 =	vld [tilespmem:$0x1FEA0];
	(erf) = vpow2.f32 v46  }
0x1ae: {  	v6 =	vmul.f32 $1.442695020e+00, v60;
	(erf) = vpow2.f32 v2;
	v2 =	vld [tilespmem:$0x1FEB0]  }
0x1af: {  	v0 =	vmul.f32 $1.442695020e+00, v0;
	v1 =	vmul.f32 $1.442695020e+00, v1;
	v14 =	vadd.f32 v31, v35  }
0x1b0: {  	v4 =	vadd.f32 v29, v45;
	v29 =	vpop (erf);
	v11 =	vmul.f32 $1.442695020e+00, v58;
	v9 =	vld [tilespmem:s12+$0x9460];
	v3 =	vsub.f32 v61, v20  }
0x1b1: {  	v42 =	vmul.f32 v29, v42;
	v31 =	vadd.f32 v49, v47;
	v49 =	vld [tilespmem:s12+$0x9440];
	(erf) = vpow2.f32 v6  }
0x1b2: {  	v10 =	vld [tilespmem:s12+$0x9430];
	v3 =	vmul.f32 $1.442695020e+00, v3;
	v48 =	vpop (erf);
	(erf) = vpow2.f32 v1  }
0x1b3: {  	v5 =	vmul.f32 v48, v53;
	v8 =	vpop (erf);
	v2 =	vadd.f32 v30, v2;
	v30 =	vadd.f32 v32, v50;
	v50 =	vld [tilespmem:$0x1FE70]  }
0x1b4: {  	(erf) = vpow2.f32 v11;
	v1 =	vmul.f32 v8, v38;
	v35 =	vpop (erf);
	v32 =	vmax.f32 v40, v56  }
0x1b5: {  	v38 =	vmul.f32 v48, v44;
	(erf) = vpow2.f32 v0;
	v7 =	vpop (erf);
	v21 =	vsub.f32 v56, v32;
	v56 =	vld [tilespmem:$0x1FEC0]  }
0x1b6: {  	v55 =	vadd.f32 v54, v52;
	v58 =	vld [tilespmem:s12+$0x9410];
	v61 =	vmul.f32 v35, v49;
	v53 =	vmul.f32 v7, v9;
	v0 =	vpop (erf)  }
0x1b7: {  	v57 =	vsub.f32 v41, v32;
	v9 =	vmul.f32 v0, v10;
	v60 =	vpop (erf);
	v62 =	vmul.f32 $1.442695020e+00, v21  }
0x1b8: {  	v59 =	vld [tilespmem:s12+$0x9420];
	v48 =	vpop (erf);
	v6 =	vadd.f32 v53, v38;
	v38 =	vmul.f32 v60, v43;
	v40 =	vadd.f32 v55, v50  }
0x1b9: {  	v54 =	vadd.f32 v1, v0;
	v39 =	vmul.f32 v60, v39;
	v52 =	vmul.f32 $1.442695020e+00, v57;
	v43 =	vpop (erf)  }
0x1ba: {  	v0 =	vpop (erf);
	(erf) = vpow2.f32 v62;
	v27 =	vadd.f32 v27, v56;
	v53 =	vadd.f32 v40, v4  }
0x1bb: {  	v55 =	vadd.f32 v42, v0;
	v0 =	vmul.f32 v0, v58;
	(erf) = vpow2.f32 v52  }
0x1bc: {  	v1 =	vpop (erf);
	v4 =	vadd.f32 v61, v39;
	v30 =	vadd.f32 v40, v30;
	v56 =	vmul.f32 $9.999999770e-03, v53  }
0x1bd: {  	v57 =	vmul.f32 v1, v59;
	v14 =	vadd.f32 v40, v14;
	v31 =	vadd.f32 v40, v31  }
0x1be: {  	(erf) = vpow2.f32 v3;
	v13 =	vadd.f32 v40, v13;
	v58 =	vmax.f32 v53, v56  }
0x1bf: {  	v18 =	vadd.f32 v40, v18;
	v2 =	vadd.f32 v40, v2;
	v25 =	vmax.f32 v25, v58  }
0x1c0: {  	v59 =	vmul.f32 $9.999999770e-03, v30;
	v60 =	vmul.f32 $9.999999770e-03, v13;
	v3 =	vsub.f32 v37, v25  }
0x1c1: {  	v27 =	vadd.f32 v40, v27;
	v62 =	vmul.f32 $9.999999770e-03, v2;
	v42 =	vmul.f32 $9.999999770e-03, v31  }
0x1c2: {  	v61 =	vmul.f32 $9.999999770e-03, v18;
	v13 =	vmax.f32 v13, v60;
	v3 =	vmul.f32 $1.442695020e+00, v3  }
0x1c3: {  	v2 =	vmax.f32 v2, v62;
	v31 =	vmax.f32 v31, v42;
	v30 =	vmax.f32 v30, v59  }
0x1c4: {  	v44 =	vmax.f32 v24, v2;
	(erf) = vpow2.f32 v3;
	v3 =	vmax.f32 v26, v13  }
0x1c5: {  	v46 =	vmax.f32 v20, v31;
	v26 =	vmul.f32 $9.999999770e-03, v14;
	v34 =	vsub.f32 v34, v3  }
0x1c6: {  	v47 =	vmax.f32 v22, v30;
	v24 =	vsub.f32 v24, v44;
	v3 =	vsub.f32 v13, v3  }
0x1c7: {  	v14 =	vmax.f32 v14, v26;
	v26 =	vsub.f32 v30, v47;
	v30 =	vmul.f32 $1.442695020e+00, v34  }
0x1c8: {  	v2 =	vsub.f32 v2, v44;
	v13 =	vmul.f32 $1.442695020e+00, v24;
	v3 =	vmul.f32 $1.442695020e+00, v3  }
0x1c9: {  	v22 =	vsub.f32 v22, v47;
	v24 =	vmul.f32 $1.442695020e+00, v26;
	(erf) = vpow2.f32 v30  }
0x1ca: {  	v2 =	vmul.f32 $1.442695020e+00, v2;
	(erf) = vpow2.f32 v13;
	v13 =	vsub.f32 v20, v46  }
0x1cb: {  	v22 =	vmul.f32 $1.442695020e+00, v22;
	v49 =	vmax.f32 v12, v14;
	(erf) = vpow2.f32 v24  }
0x1cc: {  	v12 =	vsub.f32 v12, v49;
	v20 =	vpop (erf);
	(erf) = vpow2.f32 v3;
	v13 =	vmul.f32 $1.442695020e+00, v13  }
0x1cd: {  	v45 =	vmul.f32 $9.999999770e-03, v27;
	v25 =	vsub.f32 v58, v25;
	v3 =	vpop (erf);
	(erf) = vpow2.f32 v2  }
0x1ce: {  	v18 =	vmax.f32 v18, v61;
	v12 =	vmul.f32 $1.442695020e+00, v12;
	v2 =	vpop (erf);
	(erf) = vpow2.f32 v22  }
0x1cf: {  	v15 =	vmax.f32 v15, v18;
	v25 =	vmul.f32 $1.442695020e+00, v25;
	v24 =	vpop (erf);
	(erf) = vpow2.f32 v13  }
0x1d0: {  	v14 =	vsub.f32 v14, v49;
	v13 =	vpop (erf);
	(erf) = vpow2.f32 v12;
	v12 =	vmax.f32 v27, v45  }
0x1d1: {  	v26 =	vsub.f32 v28, v15;
	v15 =	vsub.f32 v18, v15;
	v27 =	vmax.f32 v32, v12  }
0x1d2: {  	v14 =	vmul.f32 $1.442695020e+00, v14;
	v12 =	vsub.f32 v12, v27;
	v27 =	vsub.f32 v32, v27  }
0x1d3: {  	v22 =	vld [tilespmem:s12+$0x9400];
	v18 =	vpop (erf);
	(erf) = vpow2.f32 v25;
	v25 =	vmul.f32 $1.442695020e+00, v26  }
0x1d4: {  	v8 =	vmul.f32 v8, v17;
	v17 =	vmul.f32 $1.442695020e+00, v27;
	v27 =	vld [tilespmem:$0x1FED0]  }
0x1d5: {  	v26 =	vpop (erf);
	(erf) = vpow2.f32 v14;
	v14 =	vmul.f32 $1.442695020e+00, v15  }
0x1d6: {  	v29 =	vmul.f32 v29, v36;
	v23 =	vmul.f32 v43, v23;
	v15 =	vpop (erf)  }
0x1d7: {  	v52 =	vld [tilespmem:$0x1FEE0];
	v16 =	vmul.f32 v20, v16;
	(erf) = vpow2.f32 v25;
	v25 =	vpop (erf)  }
0x1d8: {  	v1 =	vadd.f32 v23, v1;
	v23 =	vld [tilespmem:s12+$0x9470];
	v22 =	vmul.f32 v3, v22;
	v12 =	vmul.f32 $1.442695020e+00, v12;
	v50 =	vpop (erf)  }
0x1d9: {  	v28 =	vld [tilespmem:s12+$0x9450];
	(erf) = vpow2.f32 v14;
	v14 =	vpop (erf);
	v20 =	vmul.f32 v20, v27  }
0x1da: {  	v27 =	vpop (erf);
	(erf) = vpow2.f32 v12;
	v12 =	vadd.f32 v22, v16;
	v16 =	vsub.f32 v31, v46;
	v31 =	vld [tilespmem:$0x1FEF0]  }
0x1db: {  	v5 =	vadd.f32 v5, v7;
	v21 =	vmul.f32 v43, v51;
	v51 =	vmul.f32 v48, v19  }
0x1dc: {  	v8 =	vadd.f32 v9, v8;
	v0 =	vadd.f32 v0, v29  }
0x1dd: {  	v7 =	vmul.f32 v24, v52;
	v9 =	vadd.f32 v51, v13;
	v22 =	vpop (erf);
	(erf) = vpow2.f32 v17  }
0x1de: {  	v19 =	vld [tilespmem:s11+$0x9460];
	v13 =	vmul.f32 v13, v23;
	v3 =	vadd.f32 v20, v3;
	v20 =	vmul.f32 v2, v28;
	v28 =	vpop (erf)  }
0x1df: {  	v16 =	vmul.f32 $1.442695020e+00, v16;
	v29 =	vpop (erf);
	v24 =	vmul.f32 v24, v31  }
0x1e0: {  	v10 =	vmul.f32 v18, v55;
	v0 =	vmul.f32 v18, v0;
	v53 =	vpop (erf)  }
0x1e1: {  	v5 =	vmul.f32 v26, v5;
	v31 =	vld [tilespmem:s11+$0x9430];
	v23 =	vpop (erf);
	(erf) = vpow2.f32 v16  }
0x1e2: {  	v30 =	vadd.f32 v38, v35;
	v6 =	vmul.f32 v26, v6;
	v3 =	vmul.f32 v23, v3  }
0x1e3: {  	v11 =	vmul.f32 v15, v54;
	v19 =	vmul.f32 v50, v19;
	v2 =	vadd.f32 v24, v2;
	v24 =	vpop (erf)  }
0x1e4: {  	v17 =	vmul.f32 v48, v33;
	v1 =	vmul.f32 v28, v1;
	v3 =	vadd.f32 v3, v24  }
0x1e5: {  	v30 =	vmul.f32 v27, v30;
	v10 =	vadd.f32 v10, v29;
	v16 =	vadd.f32 v57, v21;
	v21 =	vld [tilespmem:s11+$0x9440];
	v54 =	vpop (erf)  }
0x1e6: {  	v1 =	vadd.f32 v1, v53;
	v26 =	vmul.f32 v14, v31;
	v31 =	vld [tilespmem:s11+$0x9410];
	v56 =	vpop (erf);
	(erf) = vrcp.f32 v3  }
0x1e7: {  	v55 =	vld [tilespmem:s11+$0x9400];
	v3 =	vadd.f32 v11, v14;
	v2 =	vmul.f32 v56, v2;
	(erf) = vrcp.f32 v10  }
0x1e8: {  	v9 =	vmul.f32 v22, v9;
	v58 =	vadd.f32 v30, v25;
	(erf) = vrcp.f32 v1  }
0x1e9: {  	v60 =	vmul.f32 v23, v12;
	v1 =	vld [tilespmem:s11+$0x9420];
	v2 =	vadd.f32 v2, v54;
	(erf) = vrcp.f32 v3  }
0x1ea: {  	v5 =	vadd.f32 v5, v50;
	v57 =	vmul.f32 v25, v21;
	v21 =	vld [tilespmem:s11+$0x9450];
	v14 =	vpop (erf);
	(erf) = vrcp.f32 v58  }
0x1eb: {  	v3 =	vmul.f32 v29, v31;
	v9 =	vadd.f32 v9, v14;
	(erf) = vrcp.f32 v2  }
0x1ec: {  	v59 =	vmul.f32 v24, v55;
	v2 =	vadd.f32 v20, v7;
	(erf) = vrcp.f32 v5  }
0x1ed: {  	v32 =	vld [tilespmem:s11+$0x9470];
	v0 =	vadd.f32 v3, v0;
	v3 =	vmul.f32 v15, v8;
	(erf) = vrcp.f32 v9  }
0x1ee: {  	v62 =	vmul.f32 v28, v16;
	v7 =	vadd.f32 v59, v60;
	v1 =	vmul.f32 v53, v1  }
0x1ef: {  	v12 =	vmul.f32 v54, v21;
	v3 =	vadd.f32 v26, v3;
	v2 =	vmul.f32 v56, v2;
	v33 =	vpop (erf)  }
0x1f0: {  	v4 =	vmul.f32 v27, v4;
	v1 =	vadd.f32 v1, v62;
	v7 =	vmul.f32 v7, v33;
	v34 =	vpop (erf)  }
0x1f1: {  	v61 =	vadd.f32 v13, v17;
	v2 =	vadd.f32 v12, v2;
	v0 =	vmul.f32 v0, v34;
	v35 =	vpop (erf)  }
0x1f2: {  	v4 =	vadd.f32 v57, v4;
	v37 =	vmul.f32 v14, v32;
	[tilespmem:$0xC480] =	vst v7;
	v1 =	vmul.f32 v1, v35;
	v36 =	vpop (erf)  }
0x1f3: {  	v5 =	vmul.f32 v22, v61;
	[tilespmem:$0xC490] =	vst v0;
	v0 =	vmul.f32 v3, v36;
	v3 =	vpop (erf)  }
0x1f4: {  	v6 =	vadd.f32 v19, v6;
	[tilespmem:$0xC4A0] =	vst v1;
	v1 =	vmul.f32 v4, v3;
	v3 =	vpop (erf)  }
0x1f5: {  	v38 =	vadd.f32 v37, v5;
	[tilespmem:$0xC4B0] =	vst v0;
	v0 =	vmul.f32 v2, v3;
	v2 =	vpop (erf)  }
0x1f6: {  	[tilespmem:$0xC4C0] =	vst v1;
	v1 =	vmul.f32 v6, v2;
	v2 =	vpop (erf)  }
0x1f7: {  	s16 =	sadd.s32 s7, s21;
	[tilespmem:$0xC4D0] =	vst v0;
	v0 =	vmul.f32 v38, v2  }
0x1f8: {  	s11 =	sshll.u32 s16, $0x4;
	[tilespmem:$0xC4E0] =	vst v1  }
0x1f9: {  	p1 =	seq.s32 s19, $0x22;
	s11 =	sadd.s32 s10, s11;
	[tilespmem:$0xC4F0] =	vst v0  }
0x1fa: {  	[hbm4b:s11+s8] =	stream.linear.scatter [tilespmem:s29], [sflag:$0x3], $0x100, $0x38;
	[tilespmem:$0xC600] =	vst v63  }
0x1fb: {  	s11 =	sadd.s32 @!p1 s21, s14  }
0x1fc: {  	s12 =	sshll.u32 @!p1 s11, $0x4  }
0x1fd: {  	s12 =	sand.u32 @!p1 $0xFFFFFC0, s12  }
0x1fe: {  	s16 =	simm.s32 @!p1 $0x0;
	s11 =	sshll.u32 @!p1 s11, $0x9;
	s13 =	sadd.s32 @!p1 s1, s12  }
0x1ff: {  	[tilespmem:s16], [sflag:$0x1] =	stream.linear.gather @!p1 [hbm4b:s13+s16], $0x100, $0x38;
	[tilespmem:$0xC600] =	vst v63  }
0x200: {  	s11 =	sand.u32 @!p1 $0x1FFFF800, s11;
	s12 =	sadd.s32 @!p1 s2, s12;
	s13 =	simm.s32 @!p1 $0x200  }
0x201: {  	[tilespmem:s13], [sflag:$0x1] =	stream.linear.gather @!p1 [hbm4b:s12+s16], $0x100, $0x38;
	[tilespmem:$0xC600] =	vst v63  }
0x202: {  	s12 =	sadd.s32 @!p1 s3, s11;
	s13 =	simm.s32 @!p1 $0x400  }
0x203: {  	[tilespmem:s13], [sflag:$0x1] =	stream.linear.gather @!p1 [hbm4b:s12+s16], $0x2000, $0x38;
	[tilespmem:$0xC600] =	vst v63  }
0x204: {  	s12 =	sadd.s32 @!p1 s4, s11;
	s13 =	simm.s32 @!p1 $0x4400  }
0x205: {  	[tilespmem:s13], [sflag:$0x1] =	stream.linear.gather @!p1 [hbm4b:s12+s16], $0x2000, $0x38;
	[tilespmem:$0xC600] =	vst v63  }
0x206: {  	s11 =	sadd.s32 @!p1 s6, s11;
	s12 =	simm.s32 @!p1 $0x8400  }
0x207: {  	[tilespmem:s12], [sflag:$0x1] =	stream.linear.gather @!p1 [hbm4b:s11+s16], $0x2000, $0x38;
	[tilespmem:$0xC600] =	vst v63  }
0x208: {  	_ =	swait.ge [sflag:s30], $0x100  }
0x209: {  	[sflag:s30] =	ssyncset.done $0x0  }
0x20a: {  	[sflag:s30] =	ssyncadd.s32 $0xFFFFFF00  }
0x20b: {  	_ =	swait.ge [sflag:s30], $0x100  }
0x20c: {  	[sflag:s30] =	ssyncset.done $0x0  }
0x20d: {  	[sflag:s30] =	ssyncadd.s32 $0xFFFFFF00  }
0x20e: {  	_ =	swait.ge [sflag:s30], $0x2000  }
0x20f: {  	[sflag:s30] =	ssyncset.done $0x0  }
0x210: {  	[sflag:s30] =	ssyncadd.s32 $0xFFFFE000  }
0x211: {  	_ =	swait.ge [sflag:s30], $0x2000  }
0x212: {  	[sflag:s30] =	ssyncset.done $0x0  }
0x213: {  	[sflag:s30] =	ssyncadd.s32 $0xFFFFE000  }
0x214: {  	_ =	swait.ge [sflag:s30], $0x2000  }
0x215: {  	[sflag:s30] =	ssyncset.done $0x0  }
0x216: {  	s11 =	simm.s32 @!p0 $0x4;
	[sflag:s30] =	ssyncadd.s32 $0xFFFFE000  }
0x217: {  	_ =	swait.ge @!p0 [sflag:s11], $0x100  }
0x218: {  	[sflag:s11] =	ssyncset.done @!p0 $0x0  }
0x219: {  	[sflag:s11] =	ssyncadd.s32 @!p0 $0xFFFFFF00  }
0x21a: {  	v28 =	vld [tilespmem:$0x300]  }
0x21b: {  	v39 =	vld [tilespmem:$0x310]  }
0x21c: {  	v25 =	vld [tilespmem:$0x320]  }
0x21d: {  	v40 =	vld [tilespmem:$0x330]  }
0x21e: {  	v41 =	vld [tilespmem:$0x340]  }
0x21f: {  	s12 =	simm.s32 $0x0;
	v0 =	vld [tilespmem:$0x100]  }
0x220: {  	v1 =	vld [tilespmem:s12+$0x2400]  }
0x221: {  	v2 =	vld [tilespmem:$0x110]  }
0x222: {  	v3 =	vld [tilespmem:s12+$0x6400]  }
0x223: {  	v42 =	vld [tilespmem:$0x350]  }
0x224: {  	v12 =	vld [tilespmem:s12+$0x2410]  }
0x225: {  	v13 =	vld [tilespmem:$0x120];
	v0 =	vadd.f32 v0, v28;
	v43 =	vadd.f32 $0.0e+00, v1  }
0x226: {  	v14 =	vld [tilespmem:s12+$0x6410]  }
0x227: {  	v26 =	vld [tilespmem:$0x360];
	v0 =	vadd.f32 v2, v0;
	v2 =	vadd.f32 v3, v43  }
0x228: {  	v3 =	vld [tilespmem:s12+$0x2420]  }
0x229: {  	v15 =	vld [tilespmem:$0x130];
	v0 =	vadd.f32 v0, v39;
	v2 =	vadd.f32 v12, v2  }
0x22a: {  	v16 =	vld [tilespmem:s12+$0x6420]  }
0x22b: {  	v44 =	vld [tilespmem:$0x370];
	v0 =	vadd.f32 v0, v13;
	v2 =	vadd.f32 v14, v2  }
0x22c: {  	v13 =	vld [tilespmem:s12+$0x2430]  }
0x22d: {  	v17 =	vld [tilespmem:s12+$0x6430];
	v0 =	vadd.f32 v0, v25;
	v2 =	vadd.f32 v3, v2  }
0x22e: {  	v14 =	vld [tilespmem:$0x140]  }
0x22f: {  	v18 =	vld [tilespmem:$0x160];
	v0 =	vadd.f32 v0, v15;
	v2 =	vadd.f32 v16, v2  }
0x230: {  	v16 =	vld [tilespmem:s12+$0x2440]  }
0x231: {  	v19 =	vld [tilespmem:s12+$0x6440];
	v0 =	vadd.f32 v0, v40;
	v2 =	vadd.f32 v13, v2  }
0x232: {  	s11 =	simm.s32 $0x80;
	v15 =	vld [tilespmem:$0x150]  }
0x233: {  	v20 =	vld [tilespmem:s11+$0x2400];
	v0 =	vadd.f32 v0, v14;
	v2 =	vadd.f32 v17, v2  }
0x234: {  	v17 =	vld [tilespmem:s12+$0x2450]  }
0x235: {  	v21 =	vld [tilespmem:s12+$0x6450];
	v0 =	vadd.f32 v0, v41;
	v2 =	vadd.f32 v16, v2  }
0x236: {  	v29 =	vld [tilespmem:s11+$0x2410]  }
0x237: {  	v0 =	vadd.f32 v0, v15;
	v2 =	vadd.f32 v19, v2;
	v15 =	vld [tilespmem:s11+$0x6400]  }
0x238: {  	v19 =	vld [tilespmem:s12+$0x2460]  }
0x239: {  	v22 =	vld [tilespmem:s12+$0x6460];
	v0 =	vadd.f32 v0, v42;
	v2 =	vadd.f32 v17, v2  }
0x23a: {  	v23 =	vadd.f32 $0.0e+00, v20;
	v14 =	vld [tilespmem:$0x170]  }
0x23b: {  	v0 =	vadd.f32 v0, v18;
	v2 =	vadd.f32 v21, v2;
	v18 =	vld [tilespmem:s11+$0x6410]  }
0x23c: {  	v24 =	vld [tilespmem:s12+$0x2470];
	v15 =	vadd.f32 v15, v23  }
0x23d: {  	v31 =	vld [tilespmem:s11+$0x2420];
	v0 =	vadd.f32 v0, v26;
	v2 =	vadd.f32 v19, v2  }
0x23e: {  	v21 =	vld [tilespmem:s12+$0x6470];
	v15 =	vadd.f32 v29, v15  }
0x23f: {  	v0 =	vadd.f32 v0, v14;
	v2 =	vadd.f32 v22, v2;
	v14 =	vld [tilespmem:s11+$0x6420]  }
0x240: {  	v15 =	vadd.f32 v18, v15  }
0x241: {  	v30 =	vld [tilespmem:s11+$0x2430];
	v0 =	vadd.f32 v0, v44;
	v2 =	vadd.f32 v24, v2  }
0x242: {  	v45 =	vld [tilespmem:$0x1FFD0];
	v15 =	vadd.f32 v31, v15  }
0x243: {  	v18 =	vperm.xlane v0, v63;
	v2 =	vadd.f32 v21, v2;
	v21 =	vld [tilespmem:s11+$0x6430]  }
0x244: {  	v14 =	vadd.f32 v14, v15  }
0x245: {  	v32 =	vld [tilespmem:s11+$0x2440];
	v0 =	vadd.f32 v0, v18;
	v15 =	vperm.xlane v2, v63  }
0x246: {  	v46 =	vld [tilespmem:$0x1FFE0];
	v14 =	vadd.f32 v30, v14  }
0x247: {  	v18 =	vperm.xlane v0, v45;
	v2 =	vadd.f32 v15, v2;
	v15 =	vld [tilespmem:s11+$0x6440]  }
0x248: {  	v14 =	vadd.f32 v21, v14  }
0x249: {  	v27 =	vld [tilespmem:s11+$0x2450];
	v0 =	vadd.f32 v0, v18;
	v18 =	vperm.xlane v2, v45  }
0x24a: {  	v47 =	vld [tilespmem:$0x1FFF0];
	v14 =	vadd.f32 v32, v14  }
0x24b: {  	v21 =	vperm.xlane v0, v46;
	v2 =	vadd.f32 v18, v2;
	v18 =	vld [tilespmem:s11+$0x6450]  }
0x24c: {  	v14 =	vadd.f32 v15, v14  }
0x24d: {  	v51 =	vimm.f32 $0.0e+00;
	v50 =	vld [tilespmem:s11+$0x2460];
	v0 =	vadd.f32 v0, v21;
	v15 =	vperm.xlane v2, v46  }
0x24e: {  	v48 =	vimm.f32 $-Inf;
	v53 =	vimm.f32 $0.0e+00;
	v14 =	vadd.f32 v27, v14  }
0x24f: {  	v33 =	vimm.f32 $0.0e+00;
	v21 =	vperm.xlane v0, v47;
	v2 =	vadd.f32 v15, v2;
	v15 =	vld [tilespmem:s11+$0x6460]  }
0x250: {  	v35 =	vimm.f32 $-Inf;
	v1 =	vadd.f32 v1, v28;
	v14 =	vadd.f32 v18, v14  }
0x251: {  	v49 =	vld [tilespmem:s11+$0x2470];
	v12 =	vadd.f32 v12, v39;
	v18 =	vadd.f32 v0, v21;
	v0 =	vperm.xlane v2, v47  }
0x252: {  	v36 =	vimm.f32 $0.0e+00;
	v3 =	vadd.f32 v3, v25;
	v14 =	vadd.f32 v50, v14  }
0x253: {  	v38 =	vimm.f32 $0.0e+00;
	v13 =	vadd.f32 v13, v40;
	v0 =	vadd.f32 v0, v2;
	v2 =	vld [tilespmem:s11+$0x6470]  }
0x254: {  	[tilespmem:$0x1FDA0] =	vst v39;
	v43 =	vimm.f32 $0.0e+00;
	v16 =	vadd.f32 v16, v41;
	v14 =	vadd.f32 v15, v14  }
0x255: {  	[tilespmem:$0x1FDE0] =	vst v41;
	v39 =	vimm.f32 $0.0e+00;
	v19 =	vadd.f32 v19, v26;
	v0 =	vadd.f32 v0, v18  }
0x256: {  	[tilespmem:$0x1FDF0] =	vst v40;
	v40 =	vimm.f32 $-Inf;
	v15 =	vadd.f32 v24, v44;
	v14 =	vadd.f32 v49, v14  }
0x257: {  	v41 =	vimm.f32 $-Inf;
	[tilespmem:$0x1FDB0] =	vst v18;
	v18 =	vadd.f32 v20, v28;
	v12 =	vadd.f32 v0, v12  }
0x258: {  	[tilespmem:$0x1FDD0] =	vst v44;
	v44 =	vimm.f32 $0.0e+00;
	v16 =	vadd.f32 v0, v16;
	v2 =	vadd.f32 v2, v14  }
0x259: {  	v3 =	vadd.f32 v0, v3;
	v14 =	vadd.f32 v17, v42;
	v17 =	vmul.f32 $9.999999770e-03, v12  }
0x25a: {  	v15 =	vadd.f32 v0, v15;
	v1 =	vadd.f32 v0, v1;
	v20 =	vperm.xlane v2, v63  }
0x25b: {  	[tilespmem:$0x1FE00] =	vst v42;
	v42 =	vimm.f32 $0.0e+00;
	v14 =	vadd.f32 v0, v14;
	v12 =	vmax.f32 v12, v17  }
0x25c: {  	[tilespmem:$0x1FD90] =	vst v25;
	v17 =	vadd.f32 v0, v19;
	v25 =	vmax.f32 v35, v12;
	v2 =	vadd.f32 v20, v2  }
0x25d: {  	v20 =	vmul.f32 $9.999999770e-03, v16;
	v19 =	vsub.f32 v35, v25;
	v60 =	vsub.f32 v12, v25  }
0x25e: {  	v12 =	vadd.f32 v0, v13;
	v13 =	vmul.f32 $9.999999770e-03, v17;
	v22 =	vperm.xlane v2, v45  }
0x25f: {  	v62 =	vmax.f32 v16, v20;
	v45 =	vimm.f32 $-Inf;
	v0 =	vmul.f32 $1.442695020e+00, v19  }
0x260: {  	v16 =	vimm.f32 $0.0e+00;
	v19 =	vmul.f32 $9.999999770e-03, v1;
	v23 =	vmul.f32 $9.999999770e-03, v12  }
0x261: {  	v55 =	vmax.f32 v17, v13;
	v13 =	vmul.f32 $9.999999770e-03, v15;
	v2 =	vadd.f32 v22, v2  }
0x262: {  	[tilespmem:$0x1FD80] =	vst v26;
	v17 =	vimm.f32 $0.0e+00;
	v26 =	vmax.f32 v35, v55;
	v22 =	vmax.f32 v35, v62  }
0x263: {  	(erf) = vpow2.f32 v0;
	v57 =	vmax.f32 v12, v23;
	v12 =	vperm.xlane v2, v46  }
0x264: {  	v0 =	vmul.f32 $9.999999770e-03, v3;
	v61 =	vmax.f32 v15, v13;
	v59 =	vsub.f32 v35, v26  }
0x265: {  	v23 =	vimm.f32 $0.0e+00;
	v52 =	vadd.f32 v12, v2;
	v2 =	vmax.f32 v1, v19  }
0x266: {  	v24 =	vmax.f32 v35, v57;
	v20 =	vmax.f32 v35, v61;
	v15 =	vmax.f32 v35, v2  }
0x267: {  	[tilespmem:$0x1FDC0] =	vst v28;
	v1 =	vmax.f32 v3, v0;
	v0 =	vsub.f32 v2, v15;
	v2 =	vimm.f32 $0.0e+00  }
0x268: {  	v46 =	vimm.f32 $-Inf;
	v12 =	vmul.f32 $9.999999770e-03, v14;
	[tilespmem:$0x1FE10] =	vst v2;
	v2 =	vimm.f32 $0.0e+00  }
0x269: {  	v37 =	vmovc v25;
	v19 =	vimm.f32 $0.0e+00;
	v54 =	vperm.xlane v52, v47;
	[tilespmem:$0x1FE20] =	vst v2;
	v2 =	vimm.f32 $0.0e+00  }
0x26a: {  	s13 =	simm.s32 $0x400;
	v34 =	vmovc v26;
	v58 =	vsub.f32 v35, v15;
	v56 =	vmax.f32 v14, v12;
	v47 =	vimm.f32 $-Inf;
	v28 =	vmovc v15;
	[tilespmem:$0x1FE30] =	vst v2  }
.LBB2_7:
0x26b: {  	v10 =	vld [tilespmem:$0x1FD80];
	_ =	sdelay $0x1  }
0x26c: {  	v2 =	vsub.f32 v48, v24;
	v11 =	vld [tilespmem:$0x1FD90]  }
0x26d: {  	s16 =	sshra.s32 s13, $0x2;
	v62 =	vsub.f32 v62, v22;
	v6 =	vmul.f32 $1.442695020e+00, v60;
	v12 =	vld [tilespmem:$0x1FDD0];
	v60 =	vmul.f32 $1.442695020e+00, v59  }
0x26e: {  	v5 =	vsub.f32 v55, v26;
	v4 =	vld [tilespmem:s16+$0x2400];
	v2 =	vmul.f32 $1.442695020e+00, v2  }
0x26f: {  	v55 =	vadd.f32 v50, v10;
	v50 =	vmul.f32 $1.442695020e+00, v62;
	v62 =	vld [tilespmem:$0x1FDA0];
	v63 =	vpop (erf);
	(erf) = vpow2.f32 v60  }
0x270: {  	(erf) = vpow2.f32 v2;
	v2 =	vld [tilespmem:$0x1FDC0];
	_ =	sdelay $0x1  }
0x271: {  	v59 =	vld [tilespmem:s16+$0x6400]  }
0x272: {  	v7 =	vsub.f32 v57, v24;
	v60 =	vadd.f32 v31, v11  }
0x273: {  	v10 =	vld [tilespmem:s16+$0x2410];
	v11 =	vadd.f32 v29, v62;
	v62 =	vadd.f32 v49, v12  }
0x274: {  	v35 =	vmax.f32 v35, v1;
	v49 =	vld [tilespmem:$0x1FDF0];
	v57 =	vadd.f32 v4, v2;
	v2 =	vadd.f32 $0.0e+00, v4  }
0x275: {  	v3 =	vsub.f32 v47, v22;
	v5 =	vmul.f32 $1.442695020e+00, v5;
	v4 =	vmul.f32 $1.442695020e+00, v7;
	v7 =	vld [tilespmem:s16+$0x6410]  }
0x276: {  	v9 =	vsub.f32 v45, v20;
	v31 =	vld [tilespmem:s16+$0x2420];
	(erf) = vpow2.f32 v50;
	v2 =	vadd.f32 v59, v2  }
0x277: {  	v61 =	vsub.f32 v61, v20;
	v3 =	vmul.f32 $1.442695020e+00, v3;
	(erf) = vpow2.f32 v5;
	v5 =	vld [tilespmem:s12+$0xA460]  }
0x278: {  	v8 =	vsub.f32 v46, v35;
	(erf) = vpow2.f32 v4;
	v4 =	vld [tilespmem:s12+$0xA440];
	v2 =	vadd.f32 v10, v2  }
0x279: {  	v1 =	vsub.f32 v1, v35;
	v50 =	vmul.f32 $1.442695020e+00, v9;
	(erf) = vpow2.f32 v3;
	v3 =	vld [tilespmem:s16+$0x6420]  }
0x27a: {  	v59 =	vadd.f32 v30, v49;
	v49 =	vmul.f32 $1.442695020e+00, v8;
	v30 =	vld [tilespmem:s16+$0x2430];
	v2 =	vadd.f32 v7, v2  }
0x27b: {  	v40 =	vmax.f32 v40, v56;
	v12 =	vmul.f32 $1.442695020e+00, v1;
	(erf) = vpow2.f32 v50;
	v50 =	vld [tilespmem:$0x1FDE0]  }
0x27c: {  	v29 =	vmovc v10;
	v10 =	vld [tilespmem:s12+$0xA430];
	(erf) = vpow2.f32 v49;
	v7 =	vmul.f32 $1.442695020e+00, v61;
	v2 =	vadd.f32 v31, v2  }
0x27d: {  	v21 =	vsub.f32 v41, v40;
	v8 =	vpop (erf);
	v49 =	vld [tilespmem:s16+$0x6430];
	(erf) = vpow2.f32 v6;
	v61 =	vmul.f32 $1.442695020e+00, v58  }
0x27e: {  	v0 =	vmul.f32 $1.442695020e+00, v0;
	v6 =	vpop (erf);
	(erf) = vpow2.f32 v12;
	v12 =	vld [tilespmem:$0x1FE00];
	v2 =	vadd.f32 v3, v2  }
0x27f: {  	v14 =	vld [tilespmem:$0x1FDB0];
	v52 =	vadd.f32 v54, v52;
	v21 =	vmul.f32 $1.442695020e+00, v21;
	v1 =	vpop (erf);
	(erf) = vpow2.f32 v61  }
0x280: {  	v9 =	vadd.f32 v32, v50;
	v32 =	vld [tilespmem:s16+$0x2440];
	v3 =	vmul.f32 v8, v53;
	v2 =	vadd.f32 v30, v2  }
0x281: {  	v50 =	vld [tilespmem:s16+$0x6440];
	v53 =	vsub.f32 v56, v40;
	v8 =	vmul.f32 v8, v44;
	v56 =	vpop (erf);
	(erf) = vpow2.f32 v0  }
0x282: {  	v38 =	vmul.f32 v6, v38;
	v5 =	vmul.f32 v56, v5;
	v0 =	vpop (erf);
	v2 =	vadd.f32 v49, v2;
	v49 =	vld [tilespmem:s12+$0xA410]  }
0x283: {  	v4 =	vmul.f32 v1, v4;
	v61 =	vadd.f32 v27, v12;
	v10 =	vmul.f32 v0, v10;
	v12 =	vpop (erf)  }
0x284: {  	v53 =	vmul.f32 $1.442695020e+00, v53;
	v27 =	vld [tilespmem:s16+$0x2450];
	v38 =	vadd.f32 v38, v0;
	v13 =	vpop (erf);
	v44 =	vadd.f32 v5, v8  }
0x285: {  	v0 =	vmul.f32 v12, v43;
	v12 =	vmul.f32 v12, v39;
	v8 =	vpop (erf);
	v2 =	vadd.f32 v32, v2  }
0x286: {  	v54 =	vld [tilespmem:s16+$0x6450];
	v52 =	vadd.f32 v52, v14;
	v36 =	vmul.f32 v63, v36;
	v6 =	vmul.f32 v6, v17;
	v43 =	vpop (erf)  }
0x287: {  	v5 =	vld [tilespmem:s12+$0xA400];
	v39 =	vadd.f32 v4, v12;
	v2 =	vadd.f32 v50, v2;
	v12 =	vmul.f32 v43, v49  }
0x288: {  	v42 =	vmul.f32 v63, v42;
	v17 =	vadd.f32 v10, v6;
	v10 =	vadd.f32 v52, v62;
	v4 =	vpop (erf);
	v50 =	vld [tilespmem:s16+$0x2460]  }
0x289: {  	(erf) = vpow2.f32 v53;
	v53 =	vpop (erf);
	v2 =	vadd.f32 v27, v2;
	v36 =	vadd.f32 v12, v36;
	v12 =	vld [tilespmem:$0x1FE10]  }
0x28a: {  	v14 =	vld [tilespmem:s16+$0x6460];
	v42 =	vadd.f32 v42, v43;
	v43 =	vadd.f32 v0, v1;
	v0 =	vpop (erf);
	(erf) = vpow2.f32 v21  }
0x28b: {  	v51 =	vmul.f32 v8, v51;
	v8 =	vmul.f32 v8, v23;
	v1 =	vadd.f32 v54, v2  }
0x28c: {  	v16 =	vmul.f32 v53, v16;
	v49 =	vld [tilespmem:s16+$0x2470];
	v2 =	vmul.f32 v0, v5;
	v54 =	vadd.f32 v52, v11  }
0x28d: {  	v23 =	vadd.f32 v8, v4;
	(erf) = vpow2.f32 v7;
	v1 =	vadd.f32 v50, v1  }
0x28e: {  	v16 =	vadd.f32 v2, v16;
	v2 =	vmul.f32 $9.999999770e-03, v54;
	v12 =	vmul.f32 v53, v12;
	v53 =	vld [tilespmem:s16+$0x6470]  }
0x28f: {  	v7 =	vadd.f32 v52, v9;
	v9 =	vmul.f32 v13, v19;
	v19 =	vld [tilespmem:$0x1FE20];
	v1 =	vadd.f32 v14, v1  }
0x290: {  	v63 =	vld [tilespmem:$0x1FFC0];
	v8 =	vadd.f32 v52, v60;
	v2 =	vmax.f32 v54, v2;
	v14 =	vadd.f32 v52, v55  }
0x291: {  	v58 =	vld [tilespmem:s12+$0xA420];
	v25 =	vmax.f32 v25, v2;
	v0 =	vadd.f32 v12, v0;
	v1 =	vadd.f32 v49, v1  }
0x292: {  	v5 =	vld [tilespmem:s12+$0xA450];
	v6 =	vpop (erf);
	v60 =	vsub.f32 v2, v25;
	v2 =	vadd.f32 v52, v61  }
0x293: {  	v61 =	vld [tilespmem:$0x1FFD0];
	v12 =	vpop (erf);
	v1 =	vadd.f32 v53, v1;
	v53 =	vadd.f32 v3, v56  }
0x294: {  	v3 =	vadd.f32 v52, v18;
	v21 =	vmul.f32 v12, v19;
	v52 =	vadd.f32 v52, v59;
	v19 =	vld [tilespmem:$0x1FE30]  }
0x295: {  	[tilespmem:$0x1FE10] =	vst v0;
	v0 =	vmul.f32 v13, v33;
	v13 =	vperm.xlane v1, v63  }
0x296: {  	v62 =	vmul.f32 $9.999999770e-03, v52  }
0x297: {  	v58 =	vmul.f32 v4, v58;
	v33 =	vld [tilespmem:s12+$0xA470];
	v1 =	vadd.f32 v13, v1  }
0x298: {  	v5 =	vmul.f32 v6, v5;
	v18 =	vmov v57;
	v54 =	vpop (erf);
	v57 =	vmax.f32 v52, v62;
	v62 =	vld [tilespmem:$0x1FFE0]  }
0x299: {  	v12 =	vmul.f32 v12, v19;
	v19 =	vadd.f32 v9, v54;
	v9 =	vperm.xlane v1, v61  }
0x29a: {  	v51 =	vadd.f32 v58, v51;
	v55 =	vmul.f32 $9.999999770e-03, v14  }
0x29b: {  	v11 =	vmul.f32 $9.999999770e-03, v7;
	v5 =	vadd.f32 v5, v21;
	v1 =	vadd.f32 v9, v1  }
0x29c: {  	v55 =	vmax.f32 v14, v55;
	v56 =	vsub.f32 v37, v25;
	v54 =	vmul.f32 v54, v33  }
0x29d: {  	v14 =	vmul.f32 $9.999999770e-03, v10;
	v26 =	vmax.f32 v26, v55;
	[tilespmem:$0x1FE20] =	vst v5;
	v5 =	vperm.xlane v1, v62  }
0x29e: {  	v59 =	vsub.f32 v34, v26;
	v4 =	vmul.f32 $1.442695020e+00, v56;
	v33 =	vadd.f32 v54, v0  }
0x29f: {  	p0 =	sne.s32 s13, $0x3E00;
	v48 =	vmovc v24;
	v13 =	vmul.f32 $9.999999770e-03, v3;
	v0 =	vadd.f32 v12, v6;
	v52 =	vadd.f32 v5, v1;
	v1 =	vld [tilespmem:$0x1FFF0]  }
.Ltmp2:
0x2a0: {  	v47 =	vmovc v22;
	v45 =	vmovc v20;
	(erf) = vpow2.f32 v4;
	v24 =	vmax.f32 v24, v57;
	v61 =	vmax.f32 v10, v14;
	(pc) =	sbr.rel @p0 .LBB2_7-.Ltmp2, $4  }
0x2a1: {  	v46 =	vmovc v35;
	v20 =	vmax.f32 v20, v61;
	v9 =	vmul.f32 $9.999999770e-03, v8;
	[tilespmem:$0x1FE30] =	vst v0;
	v0 =	vmax.f32 v3, v13  }
0x2a2: {  	v41 =	vmovc v40;
	v37 =	vmovc v25;
	v3 =	vmul.f32 $9.999999770e-03, v2;
	v62 =	vmax.f32 v7, v11;
	v15 =	vmax.f32 v15, v0  }
0x2a3: {  	v34 =	vmovc v26;
	v58 =	vsub.f32 v28, v15;
	v0 =	vsub.f32 v0, v15;
	v22 =	vmax.f32 v22, v62  }
0x2a4: {  	s13 =	sadd.s32 $0x200, s13;
	s12 =	smov.u32 s11;
	s11 =	smov.u32 s16;
	v28 =	vmovc v15;
	v56 =	vmax.f32 v2, v3;
	v54 =	vperm.xlane v52, v1;
	v1 =	vmax.f32 v8, v9  }
0x2a5: {  	v2 =	vsub.f32 v48, v24  }
0x2a6: {  	v3 =	vsub.f32 v62, v22;
	v4 =	vmul.f32 $1.442695020e+00, v59  }
0x2a7: {  	v5 =	vsub.f32 v55, v26;
	v7 =	vsub.f32 v57, v24;
	v2 =	vmul.f32 $1.442695020e+00, v2  }
0x2a8: {  	v12 =	vmax.f32 v35, v1;
	v3 =	vmul.f32 $1.442695020e+00, v3;
	(erf) = vpow2.f32 v4  }
0x2a9: {  	v11 =	vld [tilespmem:$0x1FD80];
	v62 =	vmul.f32 $1.442695020e+00, v5;
	(erf) = vpow2.f32 v2;
	v2 =	vsub.f32 v47, v22  }
0x2aa: {  	v10 =	vsub.f32 v45, v20;
	v9 =	vmul.f32 $1.442695020e+00, v7;
	(erf) = vpow2.f32 v3  }
0x2ab: {  	v35 =	vld [tilespmem:$0x1FD90];
	v3 =	vsub.f32 v46, v12;
	(erf) = vpow2.f32 v62;
	v2 =	vmul.f32 $1.442695020e+00, v2  }
0x2ac: {  	v45 =	vld [tilespmem:$0x1FDA0];
	v46 =	vmul.f32 $1.442695020e+00, v10;
	(erf) = vpow2.f32 v9  }
0x2ad: {  	v47 =	vld [tilespmem:$0x1FDD0];
	(erf) = vpow2.f32 v2;
	v2 =	vmul.f32 $1.442695020e+00, v3  }
0x2ae: {  	v1 =	vsub.f32 v1, v12;
	v13 =	vadd.f32 v50, v11;
	v50 =	vld [tilespmem:$0x1FDE0];
	(erf) = vpow2.f32 v46  }
0x2af: {  	v6 =	vmul.f32 $1.442695020e+00, v60;
	(erf) = vpow2.f32 v2;
	v2 =	vld [tilespmem:$0x1FDF0]  }
0x2b0: {  	v0 =	vmul.f32 $1.442695020e+00, v0;
	v1 =	vmul.f32 $1.442695020e+00, v1;
	v14 =	vadd.f32 v31, v35  }
0x2b1: {  	v4 =	vadd.f32 v29, v45;
	v29 =	vpop (erf);
	v11 =	vmul.f32 $1.442695020e+00, v58;
	v9 =	vld [tilespmem:s12+$0xA460];
	v3 =	vsub.f32 v61, v20  }
0x2b2: {  	v42 =	vmul.f32 v29, v42;
	v31 =	vadd.f32 v49, v47;
	v49 =	vld [tilespmem:s12+$0xA440];
	(erf) = vpow2.f32 v6  }
0x2b3: {  	v10 =	vld [tilespmem:s12+$0xA430];
	v3 =	vmul.f32 $1.442695020e+00, v3;
	v48 =	vpop (erf);
	(erf) = vpow2.f32 v1  }
0x2b4: {  	v5 =	vmul.f32 v48, v53;
	v8 =	vpop (erf);
	v2 =	vadd.f32 v30, v2;
	v30 =	vadd.f32 v32, v50;
	v50 =	vld [tilespmem:$0x1FDB0]  }
0x2b5: {  	(erf) = vpow2.f32 v11;
	v1 =	vmul.f32 v8, v38;
	v35 =	vpop (erf);
	v32 =	vmax.f32 v40, v56  }
0x2b6: {  	v38 =	vmul.f32 v48, v44;
	(erf) = vpow2.f32 v0;
	v7 =	vpop (erf);
	v21 =	vsub.f32 v56, v32;
	v56 =	vld [tilespmem:$0x1FE00]  }
0x2b7: {  	v55 =	vadd.f32 v54, v52;
	v58 =	vld [tilespmem:s12+$0xA410];
	v61 =	vmul.f32 v35, v49;
	v53 =	vmul.f32 v7, v9;
	v0 =	vpop (erf)  }
0x2b8: {  	v57 =	vsub.f32 v41, v32;
	v9 =	vmul.f32 v0, v10;
	v60 =	vpop (erf);
	v62 =	vmul.f32 $1.442695020e+00, v21  }
0x2b9: {  	v59 =	vld [tilespmem:s12+$0xA420];
	v48 =	vpop (erf);
	v6 =	vadd.f32 v53, v38;
	v38 =	vmul.f32 v60, v43;
	v40 =	vadd.f32 v55, v50  }
0x2ba: {  	v54 =	vadd.f32 v1, v0;
	v39 =	vmul.f32 v60, v39;
	v52 =	vmul.f32 $1.442695020e+00, v57;
	v43 =	vpop (erf)  }
0x2bb: {  	v0 =	vpop (erf);
	(erf) = vpow2.f32 v62;
	v27 =	vadd.f32 v27, v56;
	v53 =	vadd.f32 v40, v4  }
0x2bc: {  	v55 =	vadd.f32 v42, v0;
	v0 =	vmul.f32 v0, v58;
	(erf) = vpow2.f32 v52  }
0x2bd: {  	v1 =	vpop (erf);
	v4 =	vadd.f32 v61, v39;
	v30 =	vadd.f32 v40, v30;
	v56 =	vmul.f32 $9.999999770e-03, v53  }
0x2be: {  	v57 =	vmul.f32 v1, v59;
	v14 =	vadd.f32 v40, v14;
	v31 =	vadd.f32 v40, v31  }
0x2bf: {  	(erf) = vpow2.f32 v3;
	v13 =	vadd.f32 v40, v13;
	v58 =	vmax.f32 v53, v56  }
0x2c0: {  	v18 =	vadd.f32 v40, v18;
	v2 =	vadd.f32 v40, v2;
	v25 =	vmax.f32 v25, v58  }
0x2c1: {  	v59 =	vmul.f32 $9.999999770e-03, v30;
	v60 =	vmul.f32 $9.999999770e-03, v13;
	v3 =	vsub.f32 v37, v25  }
0x2c2: {  	v27 =	vadd.f32 v40, v27;
	v62 =	vmul.f32 $9.999999770e-03, v2;
	v42 =	vmul.f32 $9.999999770e-03, v31  }
0x2c3: {  	v61 =	vmul.f32 $9.999999770e-03, v18;
	v13 =	vmax.f32 v13, v60;
	v3 =	vmul.f32 $1.442695020e+00, v3  }
0x2c4: {  	v2 =	vmax.f32 v2, v62;
	v31 =	vmax.f32 v31, v42;
	v30 =	vmax.f32 v30, v59  }
0x2c5: {  	v44 =	vmax.f32 v24, v2;
	(erf) = vpow2.f32 v3;
	v3 =	vmax.f32 v26, v13  }
0x2c6: {  	v46 =	vmax.f32 v20, v31;
	v26 =	vmul.f32 $9.999999770e-03, v14;
	v34 =	vsub.f32 v34, v3  }
0x2c7: {  	v47 =	vmax.f32 v22, v30;
	v24 =	vsub.f32 v24, v44;
	v3 =	vsub.f32 v13, v3  }
0x2c8: {  	v14 =	vmax.f32 v14, v26;
	v26 =	vsub.f32 v30, v47;
	v30 =	vmul.f32 $1.442695020e+00, v34  }
0x2c9: {  	v2 =	vsub.f32 v2, v44;
	v13 =	vmul.f32 $1.442695020e+00, v24;
	v3 =	vmul.f32 $1.442695020e+00, v3  }
0x2ca: {  	v22 =	vsub.f32 v22, v47;
	v24 =	vmul.f32 $1.442695020e+00, v26;
	(erf) = vpow2.f32 v30  }
0x2cb: {  	v2 =	vmul.f32 $1.442695020e+00, v2;
	(erf) = vpow2.f32 v13;
	v13 =	vsub.f32 v20, v46  }
0x2cc: {  	v22 =	vmul.f32 $1.442695020e+00, v22;
	v49 =	vmax.f32 v12, v14;
	(erf) = vpow2.f32 v24  }
0x2cd: {  	v12 =	vsub.f32 v12, v49;
	v20 =	vpop (erf);
	(erf) = vpow2.f32 v3;
	v13 =	vmul.f32 $1.442695020e+00, v13  }
0x2ce: {  	v45 =	vmul.f32 $9.999999770e-03, v27;
	v25 =	vsub.f32 v58, v25;
	v3 =	vpop (erf);
	(erf) = vpow2.f32 v2  }
0x2cf: {  	v18 =	vmax.f32 v18, v61;
	v12 =	vmul.f32 $1.442695020e+00, v12;
	v2 =	vpop (erf);
	(erf) = vpow2.f32 v22  }
0x2d0: {  	v15 =	vmax.f32 v15, v18;
	v25 =	vmul.f32 $1.442695020e+00, v25;
	v24 =	vpop (erf);
	(erf) = vpow2.f32 v13  }
0x2d1: {  	v14 =	vsub.f32 v14, v49;
	v13 =	vpop (erf);
	(erf) = vpow2.f32 v12;
	v12 =	vmax.f32 v27, v45  }
0x2d2: {  	v26 =	vsub.f32 v28, v15;
	v15 =	vsub.f32 v18, v15;
	v27 =	vmax.f32 v32, v12  }
0x2d3: {  	v14 =	vmul.f32 $1.442695020e+00, v14;
	v12 =	vsub.f32 v12, v27;
	v27 =	vsub.f32 v32, v27  }
0x2d4: {  	v22 =	vld [tilespmem:s12+$0xA400];
	v18 =	vpop (erf);
	(erf) = vpow2.f32 v25;
	v25 =	vmul.f32 $1.442695020e+00, v26  }
0x2d5: {  	v8 =	vmul.f32 v8, v17;
	v17 =	vmul.f32 $1.442695020e+00, v27;
	v27 =	vld [tilespmem:$0x1FE10]  }
0x2d6: {  	v26 =	vpop (erf);
	(erf) = vpow2.f32 v14;
	v14 =	vmul.f32 $1.442695020e+00, v15  }
0x2d7: {  	v29 =	vmul.f32 v29, v36;
	v23 =	vmul.f32 v43, v23;
	v15 =	vpop (erf)  }
0x2d8: {  	v52 =	vld [tilespmem:$0x1FE20];
	v16 =	vmul.f32 v20, v16;
	(erf) = vpow2.f32 v25;
	v25 =	vpop (erf)  }
0x2d9: {  	v1 =	vadd.f32 v23, v1;
	v23 =	vld [tilespmem:s12+$0xA470];
	v22 =	vmul.f32 v3, v22;
	v12 =	vmul.f32 $1.442695020e+00, v12;
	v50 =	vpop (erf)  }
0x2da: {  	v28 =	vld [tilespmem:s12+$0xA450];
	(erf) = vpow2.f32 v14;
	v14 =	vpop (erf);
	v20 =	vmul.f32 v20, v27  }
0x2db: {  	v27 =	vpop (erf);
	(erf) = vpow2.f32 v12;
	v12 =	vadd.f32 v22, v16;
	v16 =	vsub.f32 v31, v46;
	v31 =	vld [tilespmem:$0x1FE30]  }
0x2dc: {  	v5 =	vadd.f32 v5, v7;
	v21 =	vmul.f32 v43, v51;
	v51 =	vmul.f32 v48, v19  }
0x2dd: {  	v8 =	vadd.f32 v9, v8;
	v0 =	vadd.f32 v0, v29  }
0x2de: {  	v7 =	vmul.f32 v24, v52;
	v9 =	vadd.f32 v51, v13;
	v22 =	vpop (erf);
	(erf) = vpow2.f32 v17  }
0x2df: {  	v19 =	vld [tilespmem:s11+$0xA460];
	v13 =	vmul.f32 v13, v23;
	v3 =	vadd.f32 v20, v3;
	v20 =	vmul.f32 v2, v28;
	v28 =	vpop (erf)  }
0x2e0: {  	v16 =	vmul.f32 $1.442695020e+00, v16;
	v29 =	vpop (erf);
	v24 =	vmul.f32 v24, v31  }
0x2e1: {  	v10 =	vmul.f32 v18, v55;
	v0 =	vmul.f32 v18, v0;
	v53 =	vpop (erf)  }
0x2e2: {  	v5 =	vmul.f32 v26, v5;
	v31 =	vld [tilespmem:s11+$0xA430];
	v23 =	vpop (erf);
	(erf) = vpow2.f32 v16  }
0x2e3: {  	v30 =	vadd.f32 v38, v35;
	v6 =	vmul.f32 v26, v6;
	v3 =	vmul.f32 v23, v3  }
0x2e4: {  	v11 =	vmul.f32 v15, v54;
	v19 =	vmul.f32 v50, v19;
	v2 =	vadd.f32 v24, v2;
	v24 =	vpop (erf)  }
0x2e5: {  	v17 =	vmul.f32 v48, v33;
	v1 =	vmul.f32 v28, v1;
	v3 =	vadd.f32 v3, v24  }
0x2e6: {  	v30 =	vmul.f32 v27, v30;
	v10 =	vadd.f32 v10, v29;
	v16 =	vadd.f32 v57, v21;
	v21 =	vld [tilespmem:s11+$0xA440];
	v54 =	vpop (erf)  }
0x2e7: {  	v1 =	vadd.f32 v1, v53;
	v26 =	vmul.f32 v14, v31;
	v31 =	vld [tilespmem:s11+$0xA410];
	v56 =	vpop (erf);
	(erf) = vrcp.f32 v3  }
0x2e8: {  	v55 =	vld [tilespmem:s11+$0xA400];
	v3 =	vadd.f32 v11, v14;
	v2 =	vmul.f32 v56, v2;
	(erf) = vrcp.f32 v10  }
0x2e9: {  	v9 =	vmul.f32 v22, v9;
	v58 =	vadd.f32 v30, v25;
	(erf) = vrcp.f32 v1  }
0x2ea: {  	v60 =	vmul.f32 v23, v12;
	v1 =	vld [tilespmem:s11+$0xA420];
	v2 =	vadd.f32 v2, v54;
	(erf) = vrcp.f32 v3  }
0x2eb: {  	v5 =	vadd.f32 v5, v50;
	v57 =	vmul.f32 v25, v21;
	v21 =	vld [tilespmem:s11+$0xA450];
	v14 =	vpop (erf);
	(erf) = vrcp.f32 v58  }
0x2ec: {  	v3 =	vmul.f32 v29, v31;
	v9 =	vadd.f32 v9, v14;
	(erf) = vrcp.f32 v2  }
0x2ed: {  	v59 =	vmul.f32 v24, v55;
	v2 =	vadd.f32 v20, v7;
	(erf) = vrcp.f32 v5  }
0x2ee: {  	v32 =	vld [tilespmem:s11+$0xA470];
	v0 =	vadd.f32 v3, v0;
	v3 =	vmul.f32 v15, v8;
	(erf) = vrcp.f32 v9  }
0x2ef: {  	v62 =	vmul.f32 v28, v16;
	v7 =	vadd.f32 v59, v60;
	v1 =	vmul.f32 v53, v1  }
0x2f0: {  	v12 =	vmul.f32 v54, v21;
	v3 =	vadd.f32 v26, v3;
	v2 =	vmul.f32 v56, v2;
	v33 =	vpop (erf)  }
0x2f1: {  	v4 =	vmul.f32 v27, v4;
	v1 =	vadd.f32 v1, v62;
	v7 =	vmul.f32 v7, v33;
	v34 =	vpop (erf)  }
0x2f2: {  	v61 =	vadd.f32 v13, v17;
	v2 =	vadd.f32 v12, v2;
	v0 =	vmul.f32 v0, v34;
	v35 =	vpop (erf)  }
0x2f3: {  	v4 =	vadd.f32 v57, v4;
	v37 =	vmul.f32 v14, v32;
	[tilespmem:$0xC500] =	vst v7;
	v1 =	vmul.f32 v1, v35;
	v36 =	vpop (erf)  }
0x2f4: {  	v5 =	vmul.f32 v22, v61;
	[tilespmem:$0xC510] =	vst v0;
	v0 =	vmul.f32 v3, v36;
	v3 =	vpop (erf)  }
0x2f5: {  	v41 =	vld [tilespmem:$0x3C0];
	v6 =	vadd.f32 v19, v6;
	[tilespmem:$0xC520] =	vst v1;
	v1 =	vmul.f32 v4, v3;
	v3 =	vpop (erf)  }
0x2f6: {  	v39 =	vld [tilespmem:$0x390];
	v38 =	vadd.f32 v37, v5;
	[tilespmem:$0xC530] =	vst v0;
	v0 =	vmul.f32 v2, v3;
	v2 =	vpop (erf)  }
0x2f7: {  	v40 =	vld [tilespmem:$0x3B0];
	[tilespmem:$0xC540] =	vst v1;
	v1 =	vmul.f32 v6, v2;
	v2 =	vpop (erf)  }
0x2f8: {  	v42 =	vld [tilespmem:$0x3D0];
	[tilespmem:$0xC550] =	vst v0;
	v0 =	vmul.f32 v38, v2  }
0x2f9: {  	v26 =	vld [tilespmem:$0x380];
	[tilespmem:$0xC560] =	vst v1  }
0x2fa: {  	s12 =	simm.s32 $0x0;
	[tilespmem:$0xC570] =	vst v0;
	v0 =	vld [tilespmem:$0x180]  }
0x2fb: {  	v1 =	vld [tilespmem:s12+$0x3400]  }
0x2fc: {  	v2 =	vld [tilespmem:$0x190]  }
0x2fd: {  	v3 =	vld [tilespmem:s12+$0x7400]  }
0x2fe: {  	v44 =	vld [tilespmem:$0x3F0]  }
0x2ff: {  	v12 =	vld [tilespmem:s12+$0x3410]  }
0x300: {  	v13 =	vld [tilespmem:$0x1A0];
	v0 =	vadd.f32 v0, v26;
	v43 =	vadd.f32 $0.0e+00, v1  }
0x301: {  	v14 =	vld [tilespmem:s12+$0x7410]  }
0x302: {  	v25 =	vld [tilespmem:$0x3A0];
	v0 =	vadd.f32 v2, v0;
	v2 =	vadd.f32 v3, v43  }
0x303: {  	v3 =	vld [tilespmem:s12+$0x3420]  }
0x304: {  	v15 =	vld [tilespmem:$0x1B0];
	v0 =	vadd.f32 v0, v39;
	v2 =	vadd.f32 v12, v2  }
0x305: {  	v16 =	vld [tilespmem:s12+$0x7420]  }
0x306: {  	v18 =	vld [tilespmem:$0x1E0];
	v0 =	vadd.f32 v0, v13;
	v2 =	vadd.f32 v14, v2  }
0x307: {  	v13 =	vld [tilespmem:s12+$0x3430]  }
0x308: {  	v17 =	vld [tilespmem:s12+$0x7430];
	v0 =	vadd.f32 v0, v25;
	v2 =	vadd.f32 v3, v2  }
0x309: {  	v14 =	vld [tilespmem:$0x1C0]  }
0x30a: {  	v28 =	vld [tilespmem:$0x3E0];
	v0 =	vadd.f32 v0, v15;
	v2 =	vadd.f32 v16, v2  }
0x30b: {  	v16 =	vld [tilespmem:s12+$0x3440]  }
0x30c: {  	v19 =	vld [tilespmem:s12+$0x7440];
	v0 =	vadd.f32 v0, v40;
	v2 =	vadd.f32 v13, v2  }
0x30d: {  	s11 =	simm.s32 $0x80;
	v15 =	vld [tilespmem:$0x1D0]  }
0x30e: {  	v20 =	vld [tilespmem:s11+$0x3400];
	v0 =	vadd.f32 v0, v14;
	v2 =	vadd.f32 v17, v2  }
0x30f: {  	v17 =	vld [tilespmem:s12+$0x3450]  }
0x310: {  	v21 =	vld [tilespmem:s12+$0x7450];
	v0 =	vadd.f32 v0, v41;
	v2 =	vadd.f32 v16, v2  }
0x311: {  	v29 =	vld [tilespmem:s11+$0x3410]  }
0x312: {  	v0 =	vadd.f32 v0, v15;
	v15 =	vld [tilespmem:s11+$0x7400];
	v2 =	vadd.f32 v19, v2  }
0x313: {  	v19 =	vld [tilespmem:s12+$0x3460]  }
0x314: {  	v22 =	vld [tilespmem:s12+$0x7460];
	v0 =	vadd.f32 v0, v42;
	v2 =	vadd.f32 v17, v2  }
0x315: {  	v23 =	vadd.f32 $0.0e+00, v20;
	v14 =	vld [tilespmem:$0x1F0]  }
0x316: {  	v0 =	vadd.f32 v0, v18;
	v18 =	vld [tilespmem:s11+$0x7410];
	v2 =	vadd.f32 v21, v2  }
0x317: {  	v24 =	vld [tilespmem:s12+$0x3470];
	v15 =	vadd.f32 v15, v23  }
0x318: {  	v31 =	vld [tilespmem:s11+$0x3420];
	v0 =	vadd.f32 v0, v28;
	v2 =	vadd.f32 v19, v2  }
0x319: {  	v21 =	vld [tilespmem:s12+$0x7470];
	v15 =	vadd.f32 v29, v15  }
0x31a: {  	v0 =	vadd.f32 v0, v14;
	v14 =	vld [tilespmem:s11+$0x7420];
	v2 =	vadd.f32 v22, v2  }
0x31b: {  	v15 =	vadd.f32 v18, v15  }
0x31c: {  	v30 =	vld [tilespmem:s11+$0x3430];
	v0 =	vadd.f32 v0, v44;
	v2 =	vadd.f32 v24, v2  }
0x31d: {  	v45 =	vld [tilespmem:$0x1FFD0];
	v15 =	vadd.f32 v31, v15  }
0x31e: {  	v18 =	vperm.xlane v0, v63;
	v2 =	vadd.f32 v21, v2;
	v21 =	vld [tilespmem:s11+$0x7430]  }
0x31f: {  	v14 =	vadd.f32 v14, v15  }
0x320: {  	v32 =	vld [tilespmem:s11+$0x3440];
	v0 =	vadd.f32 v0, v18;
	v15 =	vperm.xlane v2, v63  }
0x321: {  	v46 =	vld [tilespmem:$0x1FFE0];
	v14 =	vadd.f32 v30, v14  }
0x322: {  	v18 =	vperm.xlane v0, v45;
	v2 =	vadd.f32 v15, v2;
	v15 =	vld [tilespmem:s11+$0x7440]  }
0x323: {  	v14 =	vadd.f32 v21, v14  }
0x324: {  	v27 =	vld [tilespmem:s11+$0x3450];
	v0 =	vadd.f32 v0, v18;
	v18 =	vperm.xlane v2, v45  }
0x325: {  	v47 =	vld [tilespmem:$0x1FFF0];
	v14 =	vadd.f32 v32, v14  }
0x326: {  	v21 =	vperm.xlane v0, v46;
	v2 =	vadd.f32 v18, v2;
	v18 =	vld [tilespmem:s11+$0x7450]  }
0x327: {  	v14 =	vadd.f32 v15, v14  }
0x328: {  	v51 =	vimm.f32 $0.0e+00;
	v50 =	vld [tilespmem:s11+$0x3460];
	v0 =	vadd.f32 v0, v21;
	v15 =	vperm.xlane v2, v46  }
0x329: {  	v48 =	vimm.f32 $-Inf;
	v53 =	vimm.f32 $0.0e+00;
	v14 =	vadd.f32 v27, v14  }
0x32a: {  	v33 =	vimm.f32 $0.0e+00;
	v21 =	vperm.xlane v0, v47;
	v2 =	vadd.f32 v15, v2;
	v15 =	vld [tilespmem:s11+$0x7460]  }
0x32b: {  	v35 =	vimm.f32 $-Inf;
	v1 =	vadd.f32 v1, v26;
	v14 =	vadd.f32 v18, v14  }
0x32c: {  	v49 =	vld [tilespmem:s11+$0x3470];
	v12 =	vadd.f32 v12, v39;
	v18 =	vadd.f32 v0, v21;
	v0 =	vperm.xlane v2, v47  }
0x32d: {  	v36 =	vimm.f32 $0.0e+00;
	v3 =	vadd.f32 v3, v25;
	v14 =	vadd.f32 v50, v14  }
0x32e: {  	v38 =	vimm.f32 $0.0e+00;
	v13 =	vadd.f32 v13, v40;
	v0 =	vadd.f32 v0, v2;
	v2 =	vld [tilespmem:s11+$0x7470]  }
0x32f: {  	[tilespmem:$0x1FD20] =	vst v41;
	v43 =	vimm.f32 $0.0e+00;
	v16 =	vadd.f32 v16, v41;
	v14 =	vadd.f32 v15, v14  }
0x330: {  	[tilespmem:$0x1FCE0] =	vst v39;
	v39 =	vimm.f32 $0.0e+00;
	v19 =	vadd.f32 v19, v28;
	v0 =	vadd.f32 v0, v18  }
0x331: {  	[tilespmem:$0x1FD30] =	vst v40;
	v40 =	vimm.f32 $-Inf;
	v15 =	vadd.f32 v24, v44;
	v14 =	vadd.f32 v49, v14  }
0x332: {  	v41 =	vimm.f32 $-Inf;
	[tilespmem:$0x1FCF0] =	vst v18;
	v18 =	vadd.f32 v20, v26;
	v12 =	vadd.f32 v0, v12  }
0x333: {  	[tilespmem:$0x1FD10] =	vst v44;
	v44 =	vimm.f32 $0.0e+00;
	v16 =	vadd.f32 v0, v16;
	v2 =	vadd.f32 v2, v14  }
0x334: {  	v3 =	vadd.f32 v0, v3;
	v14 =	vadd.f32 v17, v42;
	v17 =	vmul.f32 $9.999999770e-03, v12  }
0x335: {  	v15 =	vadd.f32 v0, v15;
	v1 =	vadd.f32 v0, v1;
	v20 =	vperm.xlane v2, v63  }
0x336: {  	[tilespmem:$0x1FD40] =	vst v42;
	v42 =	vimm.f32 $0.0e+00;
	v14 =	vadd.f32 v0, v14;
	v12 =	vmax.f32 v12, v17  }
0x337: {  	[tilespmem:$0x1FCD0] =	vst v25;
	v17 =	vadd.f32 v0, v19;
	v25 =	vmax.f32 v35, v12;
	v2 =	vadd.f32 v20, v2  }
0x338: {  	v20 =	vmul.f32 $9.999999770e-03, v16;
	v19 =	vsub.f32 v35, v25;
	v60 =	vsub.f32 v12, v25  }
0x339: {  	v12 =	vadd.f32 v0, v13;
	v13 =	vmul.f32 $9.999999770e-03, v17;
	v22 =	vperm.xlane v2, v45  }
0x33a: {  	v62 =	vmax.f32 v16, v20;
	v45 =	vimm.f32 $-Inf;
	v0 =	vmul.f32 $1.442695020e+00, v19  }
0x33b: {  	v16 =	vimm.f32 $0.0e+00;
	v19 =	vmul.f32 $9.999999770e-03, v1;
	v23 =	vmul.f32 $9.999999770e-03, v12  }
0x33c: {  	v55 =	vmax.f32 v17, v13;
	v13 =	vmul.f32 $9.999999770e-03, v15;
	v2 =	vadd.f32 v22, v2  }
0x33d: {  	[tilespmem:$0x1FD00] =	vst v26;
	v17 =	vimm.f32 $0.0e+00;
	v26 =	vmax.f32 v35, v55;
	v22 =	vmax.f32 v35, v62  }
0x33e: {  	(erf) = vpow2.f32 v0;
	v57 =	vmax.f32 v12, v23;
	v12 =	vperm.xlane v2, v46  }
0x33f: {  	v0 =	vmul.f32 $9.999999770e-03, v3;
	v61 =	vmax.f32 v15, v13;
	v59 =	vsub.f32 v35, v26  }
0x340: {  	v23 =	vimm.f32 $0.0e+00;
	v52 =	vadd.f32 v12, v2;
	v2 =	vmax.f32 v1, v19  }
0x341: {  	v24 =	vmax.f32 v35, v57;
	v20 =	vmax.f32 v35, v61;
	v15 =	vmax.f32 v35, v2  }
0x342: {  	[tilespmem:$0x1FCC0] =	vst v28;
	v1 =	vmax.f32 v3, v0;
	v0 =	vsub.f32 v2, v15;
	v2 =	vimm.f32 $0.0e+00  }
0x343: {  	v46 =	vimm.f32 $-Inf;
	v12 =	vmul.f32 $9.999999770e-03, v14;
	[tilespmem:$0x1FD50] =	vst v2;
	v2 =	vimm.f32 $0.0e+00  }
0x344: {  	v37 =	vmovc v25;
	v19 =	vimm.f32 $0.0e+00;
	v54 =	vperm.xlane v52, v47;
	[tilespmem:$0x1FD60] =	vst v2;
	v2 =	vimm.f32 $0.0e+00  }
0x345: {  	s13 =	simm.s32 $0x400;
	v34 =	vmovc v26;
	v58 =	vsub.f32 v35, v15;
	v56 =	vmax.f32 v14, v12;
	v47 =	vimm.f32 $-Inf;
	v28 =	vmovc v15;
	[tilespmem:$0x1FD70] =	vst v2  }
.LBB2_9:
0x346: {  	v10 =	vld [tilespmem:$0x1FCC0];
	_ =	sdelay $0x1  }
0x347: {  	v2 =	vsub.f32 v48, v24;
	v11 =	vld [tilespmem:$0x1FCD0]  }
0x348: {  	s16 =	sshra.s32 s13, $0x2;
	v62 =	vsub.f32 v62, v22;
	v6 =	vmul.f32 $1.442695020e+00, v60;
	v12 =	vld [tilespmem:$0x1FD10];
	v60 =	vmul.f32 $1.442695020e+00, v59  }
0x349: {  	v5 =	vsub.f32 v55, v26;
	v4 =	vld [tilespmem:s16+$0x3400];
	v2 =	vmul.f32 $1.442695020e+00, v2  }
0x34a: {  	v55 =	vadd.f32 v50, v10;
	v50 =	vmul.f32 $1.442695020e+00, v62;
	v62 =	vld [tilespmem:$0x1FCE0];
	v63 =	vpop (erf);
	(erf) = vpow2.f32 v60  }
0x34b: {  	(erf) = vpow2.f32 v2;
	v2 =	vld [tilespmem:$0x1FD00];
	_ =	sdelay $0x1  }
0x34c: {  	v59 =	vld [tilespmem:s16+$0x7400]  }
0x34d: {  	v7 =	vsub.f32 v57, v24;
	v60 =	vadd.f32 v31, v11  }
0x34e: {  	v10 =	vld [tilespmem:s16+$0x3410];
	v11 =	vadd.f32 v29, v62;
	v62 =	vadd.f32 v49, v12  }
0x34f: {  	v35 =	vmax.f32 v35, v1;
	v49 =	vld [tilespmem:$0x1FD30];
	v57 =	vadd.f32 v4, v2;
	v2 =	vadd.f32 $0.0e+00, v4  }
0x350: {  	v3 =	vsub.f32 v47, v22;
	v5 =	vmul.f32 $1.442695020e+00, v5;
	v4 =	vmul.f32 $1.442695020e+00, v7;
	v7 =	vld [tilespmem:s16+$0x7410]  }
0x351: {  	v9 =	vsub.f32 v45, v20;
	v31 =	vld [tilespmem:s16+$0x3420];
	(erf) = vpow2.f32 v50;
	v2 =	vadd.f32 v59, v2  }
0x352: {  	v61 =	vsub.f32 v61, v20;
	v3 =	vmul.f32 $1.442695020e+00, v3;
	(erf) = vpow2.f32 v5;
	v5 =	vld [tilespmem:s12+$0xB460]  }
0x353: {  	v8 =	vsub.f32 v46, v35;
	(erf) = vpow2.f32 v4;
	v4 =	vld [tilespmem:s12+$0xB440];
	v2 =	vadd.f32 v10, v2  }
0x354: {  	v1 =	vsub.f32 v1, v35;
	v50 =	vmul.f32 $1.442695020e+00, v9;
	(erf) = vpow2.f32 v3;
	v3 =	vld [tilespmem:s16+$0x7420]  }
0x355: {  	v59 =	vadd.f32 v30, v49;
	v49 =	vmul.f32 $1.442695020e+00, v8;
	v30 =	vld [tilespmem:s16+$0x3430];
	v2 =	vadd.f32 v7, v2  }
0x356: {  	v40 =	vmax.f32 v40, v56;
	v12 =	vmul.f32 $1.442695020e+00, v1;
	(erf) = vpow2.f32 v50;
	v50 =	vld [tilespmem:$0x1FD20]  }
0x357: {  	v29 =	vmovc v10;
	v10 =	vld [tilespmem:s12+$0xB430];
	(erf) = vpow2.f32 v49;
	v7 =	vmul.f32 $1.442695020e+00, v61;
	v2 =	vadd.f32 v31, v2  }
0x358: {  	v21 =	vsub.f32 v41, v40;
	v8 =	vpop (erf);
	v49 =	vld [tilespmem:s16+$0x7430];
	(erf) = vpow2.f32 v6;
	v61 =	vmul.f32 $1.442695020e+00, v58  }
0x359: {  	v0 =	vmul.f32 $1.442695020e+00, v0;
	v6 =	vpop (erf);
	(erf) = vpow2.f32 v12;
	v12 =	vld [tilespmem:$0x1FD40];
	v2 =	vadd.f32 v3, v2  }
0x35a: {  	v14 =	vld [tilespmem:$0x1FCF0];
	v52 =	vadd.f32 v54, v52;
	v21 =	vmul.f32 $1.442695020e+00, v21;
	v1 =	vpop (erf);
	(erf) = vpow2.f32 v61  }
0x35b: {  	v9 =	vadd.f32 v32, v50;
	v32 =	vld [tilespmem:s16+$0x3440];
	v3 =	vmul.f32 v8, v53;
	v2 =	vadd.f32 v30, v2  }
0x35c: {  	v50 =	vld [tilespmem:s16+$0x7440];
	v53 =	vsub.f32 v56, v40;
	v8 =	vmul.f32 v8, v44;
	v56 =	vpop (erf);
	(erf) = vpow2.f32 v0  }
0x35d: {  	v38 =	vmul.f32 v6, v38;
	v5 =	vmul.f32 v56, v5;
	v0 =	vpop (erf);
	v2 =	vadd.f32 v49, v2;
	v49 =	vld [tilespmem:s12+$0xB410]  }
0x35e: {  	v4 =	vmul.f32 v1, v4;
	v61 =	vadd.f32 v27, v12;
	v10 =	vmul.f32 v0, v10;
	v12 =	vpop (erf)  }
0x35f: {  	v53 =	vmul.f32 $1.442695020e+00, v53;
	v27 =	vld [tilespmem:s16+$0x3450];
	v38 =	vadd.f32 v38, v0;
	v13 =	vpop (erf);
	v44 =	vadd.f32 v5, v8  }
0x360: {  	v0 =	vmul.f32 v12, v43;
	v12 =	vmul.f32 v12, v39;
	v8 =	vpop (erf);
	v2 =	vadd.f32 v32, v2  }
0x361: {  	v54 =	vld [tilespmem:s16+$0x7450];
	v52 =	vadd.f32 v52, v14;
	v36 =	vmul.f32 v63, v36;
	v6 =	vmul.f32 v6, v17;
	v43 =	vpop (erf)  }
0x362: {  	v5 =	vld [tilespmem:s12+$0xB400];
	v39 =	vadd.f32 v4, v12;
	v2 =	vadd.f32 v50, v2;
	v12 =	vmul.f32 v43, v49  }
0x363: {  	v42 =	vmul.f32 v63, v42;
	v17 =	vadd.f32 v10, v6;
	v10 =	vadd.f32 v52, v62;
	v4 =	vpop (erf);
	v50 =	vld [tilespmem:s16+$0x3460]  }
0x364: {  	(erf) = vpow2.f32 v53;
	v53 =	vpop (erf);
	v2 =	vadd.f32 v27, v2;
	v36 =	vadd.f32 v12, v36;
	v12 =	vld [tilespmem:$0x1FD50]  }
0x365: {  	v14 =	vld [tilespmem:s16+$0x7460];
	v42 =	vadd.f32 v42, v43;
	v43 =	vadd.f32 v0, v1;
	v0 =	vpop (erf);
	(erf) = vpow2.f32 v21  }
0x366: {  	v51 =	vmul.f32 v8, v51;
	v8 =	vmul.f32 v8, v23;
	v1 =	vadd.f32 v54, v2  }
0x367: {  	v16 =	vmul.f32 v53, v16;
	v49 =	vld [tilespmem:s16+$0x3470];
	v2 =	vmul.f32 v0, v5;
	v54 =	vadd.f32 v52, v11  }
0x368: {  	v23 =	vadd.f32 v8, v4;
	(erf) = vpow2.f32 v7;
	v1 =	vadd.f32 v50, v1  }
0x369: {  	v16 =	vadd.f32 v2, v16;
	v2 =	vmul.f32 $9.999999770e-03, v54;
	v12 =	vmul.f32 v53, v12;
	v53 =	vld [tilespmem:s16+$0x7470]  }
0x36a: {  	v7 =	vadd.f32 v52, v9;
	v9 =	vmul.f32 v13, v19;
	v19 =	vld [tilespmem:$0x1FD60];
	v1 =	vadd.f32 v14, v1  }
0x36b: {  	v63 =	vld [tilespmem:$0x1FFC0];
	v8 =	vadd.f32 v52, v60;
	v2 =	vmax.f32 v54, v2;
	v14 =	vadd.f32 v52, v55  }
0x36c: {  	v58 =	vld [tilespmem:s12+$0xB420];
	v25 =	vmax.f32 v25, v2;
	v0 =	vadd.f32 v12, v0;
	v1 =	vadd.f32 v49, v1  }
0x36d: {  	v5 =	vld [tilespmem:s12+$0xB450];
	v6 =	vpop (erf);
	v60 =	vsub.f32 v2, v25;
	v2 =	vadd.f32 v52, v61  }
0x36e: {  	v61 =	vld [tilespmem:$0x1FFD0];
	v12 =	vpop (erf);
	v1 =	vadd.f32 v53, v1;
	v53 =	vadd.f32 v3, v56  }
0x36f: {  	v3 =	vadd.f32 v52, v18;
	v21 =	vmul.f32 v12, v19;
	v52 =	vadd.f32 v52, v59;
	v19 =	vld [tilespmem:$0x1FD70]  }
0x370: {  	[tilespmem:$0x1FD50] =	vst v0;
	v0 =	vmul.f32 v13, v33;
	v13 =	vperm.xlane v1, v63  }
0x371: {  	v62 =	vmul.f32 $9.999999770e-03, v52  }
0x372: {  	v58 =	vmul.f32 v4, v58;
	v33 =	vld [tilespmem:s12+$0xB470];
	v1 =	vadd.f32 v13, v1  }
0x373: {  	v5 =	vmul.f32 v6, v5;
	v18 =	vmov v57;
	v54 =	vpop (erf);
	v57 =	vmax.f32 v52, v62;
	v62 =	vld [tilespmem:$0x1FFE0]  }
0x374: {  	v12 =	vmul.f32 v12, v19;
	v19 =	vadd.f32 v9, v54;
	v9 =	vperm.xlane v1, v61  }
0x375: {  	v51 =	vadd.f32 v58, v51;
	v55 =	vmul.f32 $9.999999770e-03, v14  }
0x376: {  	v11 =	vmul.f32 $9.999999770e-03, v7;
	v5 =	vadd.f32 v5, v21;
	v1 =	vadd.f32 v9, v1  }
0x377: {  	v55 =	vmax.f32 v14, v55;
	v56 =	vsub.f32 v37, v25;
	v54 =	vmul.f32 v54, v33  }
0x378: {  	v14 =	vmul.f32 $9.999999770e-03, v10;
	v26 =	vmax.f32 v26, v55;
	[tilespmem:$0x1FD60] =	vst v5;
	v5 =	vperm.xlane v1, v62  }
0x379: {  	v59 =	vsub.f32 v34, v26;
	v4 =	vmul.f32 $1.442695020e+00, v56;
	v33 =	vadd.f32 v54, v0  }
0x37a: {  	p0 =	sne.s32 s13, $0x3E00;
	v48 =	vmovc v24;
	v13 =	vmul.f32 $9.999999770e-03, v3;
	v0 =	vadd.f32 v12, v6;
	v52 =	vadd.f32 v5, v1;
	v1 =	vld [tilespmem:$0x1FFF0]  }
.Ltmp3:
0x37b: {  	v47 =	vmovc v22;
	v45 =	vmovc v20;
	(erf) = vpow2.f32 v4;
	v24 =	vmax.f32 v24, v57;
	v61 =	vmax.f32 v10, v14;
	(pc) =	sbr.rel @p0 .LBB2_9-.Ltmp3, $4  }
0x37c: {  	v46 =	vmovc v35;
	v20 =	vmax.f32 v20, v61;
	v9 =	vmul.f32 $9.999999770e-03, v8;
	[tilespmem:$0x1FD70] =	vst v0;
	v0 =	vmax.f32 v3, v13  }
0x37d: {  	v41 =	vmovc v40;
	v37 =	vmovc v25;
	v3 =	vmul.f32 $9.999999770e-03, v2;
	v62 =	vmax.f32 v7, v11;
	v15 =	vmax.f32 v15, v0  }
0x37e: {  	v34 =	vmovc v26;
	v58 =	vsub.f32 v28, v15;
	v0 =	vsub.f32 v0, v15;
	v22 =	vmax.f32 v22, v62  }
0x37f: {  	s13 =	sadd.s32 $0x200, s13;
	s12 =	smov.u32 s11;
	s11 =	smov.u32 s16;
	v28 =	vmovc v15;
	v56 =	vmax.f32 v2, v3;
	v54 =	vperm.xlane v52, v1;
	v1 =	vmax.f32 v8, v9  }
0x380: {  	v2 =	vsub.f32 v48, v24  }
0x381: {  	v3 =	vsub.f32 v62, v22;
	v4 =	vmul.f32 $1.442695020e+00, v59  }
0x382: {  	v5 =	vsub.f32 v55, v26;
	v2 =	vmul.f32 $1.442695020e+00, v2  }
0x383: {  	v3 =	vmul.f32 $1.442695020e+00, v3;
	(erf) = vpow2.f32 v4  }
0x384: {  	v4 =	vmul.f32 $1.442695020e+00, v5;
	(erf) = vpow2.f32 v2  }
0x385: {  	(erf) = vpow2.f32 v3  }
0x386: {  	v7 =	vsub.f32 v57, v24;
	(erf) = vpow2.f32 v4;
	v4 =	vld [tilespmem:$0x1FCC0]  }
0x387: {  	v2 =	vsub.f32 v47, v22  }
0x388: {  	v5 =	vmul.f32 $1.442695020e+00, v7;
	v7 =	vsub.f32 v45, v20  }
0x389: {  	v2 =	vmul.f32 $1.442695020e+00, v2  }
0x38a: {  	v12 =	vmax.f32 v35, v1;
	(erf) = vpow2.f32 v5;
	v5 =	vmul.f32 $1.442695020e+00, v7  }
0x38b: {  	v3 =	vsub.f32 v46, v12;
	(erf) = vpow2.f32 v2;
	v13 =	vadd.f32 v50, v4;
	v4 =	vld [tilespmem:$0x1FCD0]  }
0x38c: {  	(erf) = vpow2.f32 v5;
	v5 =	vld [tilespmem:$0x1FD10]  }
0x38d: {  	v2 =	vmul.f32 $1.442695020e+00, v3;
	_ =	sdelay $0x1  }
0x38e: {  	(erf) = vpow2.f32 v2;
	v2 =	vld [tilespmem:$0x1FD30]  }
0x38f: {  	v14 =	vadd.f32 v31, v4;
	v4 =	vld [tilespmem:$0x1FCE0]  }
0x390: {  	v1 =	vsub.f32 v1, v12;
	v31 =	vadd.f32 v49, v5;
	v5 =	vld [tilespmem:$0x1FD20]  }
0x391: {  	v6 =	vmul.f32 $1.442695020e+00, v60  }
0x392: {  	v0 =	vmul.f32 $1.442695020e+00, v0;
	v1 =	vmul.f32 $1.442695020e+00, v1;
	v3 =	vsub.f32 v61, v20  }
0x393: {  	v11 =	vmul.f32 $1.442695020e+00, v58;
	v52 =	vadd.f32 v54, v52;
	(erf) = vpow2.f32 v6;
	v6 =	vld [tilespmem:s12+$0xB440]  }
0x394: {  	v3 =	vmul.f32 $1.442695020e+00, v3;
	(erf) = vpow2.f32 v1;
	v4 =	vadd.f32 v29, v4;
	v29 =	vpop (erf)  }
0x395: {  	v9 =	vld [tilespmem:s12+$0xB460];
	v2 =	vadd.f32 v30, v2;
	v30 =	vadd.f32 v32, v5;
	v7 =	vpop (erf);
	(erf) = vpow2.f32 v11  }
0x396: {  	v10 =	vld [tilespmem:s12+$0xB430];
	v32 =	vmax.f32 v40, v56;
	v42 =	vmul.f32 v29, v42;
	v29 =	vmul.f32 v29, v36;
	v8 =	vpop (erf)  }
0x397: {  	v21 =	vsub.f32 v56, v32;
	v5 =	vmul.f32 v7, v53;
	v61 =	vmul.f32 v7, v44;
	v53 =	vld [tilespmem:$0x1FD40];
	v35 =	vpop (erf)  }
0x398: {  	v54 =	vsub.f32 v41, v32;
	(erf) = vpow2.f32 v0;
	v7 =	vpop (erf);
	v58 =	vmul.f32 v35, v6;
	v6 =	vld [tilespmem:$0x1FCF0]  }
0x399: {  	v1 =	vmul.f32 v8, v38;
	v59 =	vmul.f32 $1.442695020e+00, v21;
	v0 =	vpop (erf)  }
0x39a: {  	v60 =	vmul.f32 $1.442695020e+00, v54;
	v62 =	vmul.f32 v7, v9;
	v57 =	vpop (erf)  }
0x39b: {  	v55 =	vld [tilespmem:s12+$0xB410];
	(erf) = vpow2.f32 v59;
	v9 =	vmul.f32 v0, v10;
	v48 =	vpop (erf)  }
0x39c: {  	v11 =	vadd.f32 v1, v0;
	(erf) = vpow2.f32 v60;
	v38 =	vmul.f32 v57, v43;
	v43 =	vpop (erf)  }
0x39d: {  	v56 =	vld [tilespmem:s12+$0xB420];
	v27 =	vadd.f32 v27, v53;
	v39 =	vmul.f32 v57, v39;
	v40 =	vadd.f32 v52, v6;
	v0 =	vpop (erf)  }
0x39e: {  	(erf) = vpow2.f32 v3;
	v6 =	vadd.f32 v62, v61;
	v10 =	vadd.f32 v42, v0  }
0x39f: {  	v21 =	vmul.f32 v43, v51;
	v61 =	vadd.f32 v40, v4;
	v4 =	vadd.f32 v58, v39  }
0x3a0: {  	v0 =	vmul.f32 v0, v55;
	v30 =	vadd.f32 v40, v30;
	v14 =	vadd.f32 v40, v14  }
0x3a1: {  	v1 =	vpop (erf);
	v31 =	vadd.f32 v40, v31;
	v13 =	vadd.f32 v40, v13;
	v62 =	vmul.f32 $9.999999770e-03, v61  }
0x3a2: {  	v39 =	vmul.f32 v1, v56;
	v18 =	vadd.f32 v40, v18;
	v2 =	vadd.f32 v40, v2  }
0x3a3: {  	v27 =	vadd.f32 v40, v27;
	v46 =	vmul.f32 $9.999999770e-03, v30;
	v45 =	vmax.f32 v61, v62  }
0x3a4: {  	v47 =	vmul.f32 $9.999999770e-03, v13;
	v49 =	vmul.f32 $9.999999770e-03, v18;
	v25 =	vmax.f32 v25, v45  }
0x3a5: {  	v50 =	vmul.f32 $9.999999770e-03, v2;
	v51 =	vmul.f32 $9.999999770e-03, v31;
	v3 =	vsub.f32 v37, v25  }
0x3a6: {  	v52 =	vmul.f32 $9.999999770e-03, v14;
	v54 =	vmul.f32 $9.999999770e-03, v27  }
0x3a7: {  	v13 =	vmax.f32 v13, v47;
	v2 =	vmax.f32 v2, v50;
	v3 =	vmul.f32 $1.442695020e+00, v3  }
0x3a8: {  	v31 =	vmax.f32 v31, v51;
	v30 =	vmax.f32 v30, v46;
	v18 =	vmax.f32 v18, v49  }
0x3a9: {  	v14 =	vmax.f32 v14, v52;
	(erf) = vpow2.f32 v3;
	v3 =	vmax.f32 v26, v13  }
0x3aa: {  	v53 =	vmax.f32 v24, v2;
	v55 =	vmax.f32 v22, v30;
	v34 =	vsub.f32 v34, v3  }
0x3ab: {  	v40 =	vmax.f32 v20, v31;
	v24 =	vsub.f32 v24, v53;
	v56 =	vsub.f32 v30, v55  }
0x3ac: {  	v58 =	vmax.f32 v12, v14;
	v3 =	vsub.f32 v13, v3;
	v57 =	vmul.f32 $1.442695020e+00, v34  }
0x3ad: {  	v2 =	vsub.f32 v2, v53;
	v59 =	vmul.f32 $1.442695020e+00, v24;
	v60 =	vmul.f32 $1.442695020e+00, v56  }
0x3ae: {  	v15 =	vmax.f32 v15, v18;
	v3 =	vmul.f32 $1.442695020e+00, v3;
	(erf) = vpow2.f32 v57  }
0x3af: {  	v22 =	vsub.f32 v22, v55;
	v2 =	vmul.f32 $1.442695020e+00, v2;
	(erf) = vpow2.f32 v59  }
0x3b0: {  	v25 =	vsub.f32 v45, v25;
	v61 =	vsub.f32 v20, v40;
	(erf) = vpow2.f32 v60  }
0x3b1: {  	v62 =	vpop (erf);
	v12 =	vsub.f32 v12, v58;
	v22 =	vmul.f32 $1.442695020e+00, v22;
	(erf) = vpow2.f32 v3  }
0x3b2: {  	v14 =	vsub.f32 v14, v58;
	v13 =	vmul.f32 $1.442695020e+00, v61;
	v3 =	vpop (erf);
	(erf) = vpow2.f32 v2  }
0x3b3: {  	v42 =	vsub.f32 v28, v15;
	v12 =	vmul.f32 $1.442695020e+00, v12;
	v2 =	vpop (erf);
	(erf) = vpow2.f32 v22  }
0x3b4: {  	v36 =	vld [tilespmem:s12+$0xB400];
	v15 =	vsub.f32 v18, v15;
	v25 =	vmul.f32 $1.442695020e+00, v25;
	v41 =	vpop (erf);
	(erf) = vpow2.f32 v13  }
0x3b5: {  	v14 =	vmul.f32 $1.442695020e+00, v14;
	v44 =	vpop (erf);
	(erf) = vpow2.f32 v12  }
0x3b6: {  	v45 =	vmax.f32 v27, v54;
	v46 =	vmul.f32 $1.442695020e+00, v42;
	v18 =	vpop (erf);
	(erf) = vpow2.f32 v25  }
0x3b7: {  	v27 =	vmax.f32 v32, v45;
	v49 =	vmul.f32 $1.442695020e+00, v15;
	v47 =	vpop (erf);
	(erf) = vpow2.f32 v14  }
0x3b8: {  	v12 =	vsub.f32 v45, v27;
	v27 =	vsub.f32 v32, v27;
	v15 =	vpop (erf);
	(erf) = vpow2.f32 v46  }
0x3b9: {  	v54 =	vld [tilespmem:$0x1FD50];
	v22 =	vmul.f32 v3, v36;
	v25 =	vpop (erf)  }
0x3ba: {  	v5 =	vadd.f32 v5, v7;
	v7 =	vld [tilespmem:$0x1FD60];
	v32 =	vpop (erf);
	(erf) = vpow2.f32 v49  }
0x3bb: {  	v51 =	vadd.f32 v38, v35;
	v38 =	vld [tilespmem:$0x1FD70];
	v16 =	vmul.f32 v62, v16;
	v12 =	vmul.f32 $1.442695020e+00, v12;
	v52 =	vpop (erf)  }
0x3bc: {  	v8 =	vmul.f32 v8, v17;
	v53 =	vmul.f32 $1.442695020e+00, v27;
	v27 =	vpop (erf)  }
0x3bd: {  	v23 =	vmul.f32 v43, v23;
	(erf) = vpow2.f32 v12;
	v12 =	vadd.f32 v22, v16;
	v22 =	vpop (erf)  }
0x3be: {  	v8 =	vadd.f32 v9, v8;
	v50 =	vld [tilespmem:s12+$0xB450];
	v20 =	vmul.f32 v62, v54;
	(erf) = vpow2.f32 v53;
	v59 =	vpop (erf)  }
0x3bf: {  	v1 =	vadd.f32 v23, v1;
	v55 =	vld [tilespmem:s12+$0xB470];
	v56 =	vsub.f32 v31, v40;
	v62 =	vpop (erf)  }
0x3c0: {  	v3 =	vadd.f32 v20, v3;
	v7 =	vmul.f32 v41, v7;
	v24 =	vmul.f32 v41, v38;
	v41 =	vpop (erf)  }
0x3c1: {  	v0 =	vadd.f32 v0, v29;
	v60 =	vmul.f32 v48, v19;
	v16 =	vmul.f32 $1.442695020e+00, v56;
	v42 =	vpop (erf)  }
0x3c2: {  	v43 =	vadd.f32 v39, v21;
	v57 =	vmul.f32 v48, v33;
	v3 =	vmul.f32 v42, v3  }
0x3c3: {  	v58 =	vmul.f32 v2, v50;
	v9 =	vadd.f32 v60, v44;
	(erf) = vpow2.f32 v16;
	v45 =	vpop (erf)  }
0x3c4: {  	v40 =	vld [tilespmem:s11+$0xB430];
	v13 =	vmul.f32 v44, v55;
	v10 =	vmul.f32 v18, v10;
	v3 =	vadd.f32 v3, v45  }
0x3c5: {  	v2 =	vadd.f32 v24, v2;
	v5 =	vmul.f32 v47, v5;
	v1 =	vmul.f32 v59, v1  }
0x3c6: {  	v11 =	vmul.f32 v15, v11;
	v49 =	vld [tilespmem:s11+$0xB400];
	v10 =	vadd.f32 v10, v62;
	v48 =	vpop (erf);
	(erf) = vrcp.f32 v3  }
0x3c7: {  	v6 =	vmul.f32 v47, v6;
	v30 =	vmul.f32 v27, v51;
	v1 =	vadd.f32 v1, v41;
	v50 =	vpop (erf)  }
0x3c8: {  	v47 =	vld [tilespmem:s11+$0xB410];
	v3 =	vadd.f32 v11, v52;
	v2 =	vmul.f32 v50, v2;
	(erf) = vrcp.f32 v10  }
0x3c9: {  	v46 =	vmul.f32 v52, v40;
	v52 =	vadd.f32 v30, v25;
	(erf) = vrcp.f32 v1  }
0x3ca: {  	v9 =	vmul.f32 v22, v9;
	v2 =	vadd.f32 v2, v48;
	(erf) = vrcp.f32 v3  }
0x3cb: {  	v5 =	vadd.f32 v5, v32;
	v54 =	vmul.f32 v45, v49;
	v1 =	vld [tilespmem:s11+$0xB420];
	(erf) = vrcp.f32 v52  }
0x3cc: {  	v55 =	vld [tilespmem:s11+$0xB450];
	v53 =	vpop (erf);
	(erf) = vrcp.f32 v2;
	v2 =	vadd.f32 v58, v7;
	v7 =	vmul.f32 v42, v12  }
0x3cd: {  	v44 =	vld [tilespmem:s11+$0xB440];
	v0 =	vmul.f32 v18, v0;
	v3 =	vmul.f32 v62, v47;
	v9 =	vadd.f32 v9, v53  }
0x3ce: {  	v61 =	vld [tilespmem:s11+$0xB460];
	v56 =	vmul.f32 v59, v43;
	(erf) = vrcp.f32 v5;
	v7 =	vadd.f32 v54, v7  }
0x3cf: {  	v0 =	vadd.f32 v3, v0;
	v3 =	vmul.f32 v15, v8;
	(erf) = vrcp.f32 v9;
	v58 =	vpop (erf)  }
0x3d0: {  	v5 =	vadd.f32 v13, v57;
	v57 =	vld [tilespmem:s11+$0xB470];
	v1 =	vmul.f32 v41, v1;
	v7 =	vmul.f32 v7, v58  }
0x3d1: {  	v59 =	vmul.f32 v48, v55;
	v3 =	vadd.f32 v46, v3;
	v2 =	vmul.f32 v50, v2  }
0x3d2: {  	v51 =	vmul.f32 v25, v44;
	v4 =	vmul.f32 v27, v4;
	v1 =	vadd.f32 v1, v56;
	v60 =	vpop (erf)  }
0x3d3: {  	v19 =	vmul.f32 v32, v61;
	v2 =	vadd.f32 v59, v2;
	v0 =	vmul.f32 v0, v60;
	v61 =	vpop (erf)  }
0x3d4: {  	v4 =	vadd.f32 v51, v4;
	v5 =	vmul.f32 v22, v5;
	[tilespmem:$0xC580] =	vst v7;
	v1 =	vmul.f32 v1, v61;
	v7 =	vpop (erf)  }
0x3d5: {  	v62 =	vmul.f32 v53, v57;
	[tilespmem:$0xC590] =	vst v0;
	v0 =	vmul.f32 v3, v7;
	v3 =	vpop (erf)  }
0x3d6: {  	s19 =	sadd.s32 $0x1, s19;
	v6 =	vadd.f32 v19, v6;
	[tilespmem:$0xC5A0] =	vst v1;
	v1 =	vmul.f32 v4, v3;
	v3 =	vpop (erf)  }
0x3d7: {  	p0 =	sne.s32 s19, $0x23;
	v4 =	vadd.f32 v62, v5;
	[tilespmem:$0xC5B0] =	vst v0;
	v0 =	vmul.f32 v2, v3;
	v2 =	vpop (erf)  }
.Ltmp4:
0x3d8: {  	s21 =	sadd.s32 s7, s20;
	[tilespmem:$0xC5C0] =	vst v1;
	v1 =	vmul.f32 v6, v2;
	v2 =	vpop (erf);
	(pc) =	sbr.rel @p0 .LBB2_2-.Ltmp4, $4  }
0x3d9: {  	s11 =	sshll.u32 s21, $0x4;
	[tilespmem:$0xC5D0] =	vst v0;
	v0 =	vmul.f32 v4, v2  }
0x3da: {  	s11 =	sand.u32 $0xFFFFFE0, s11;
	v3 =	vld [tilespmem:$0x1FFE0];
	[tilespmem:$0xC5E0] =	vst v1  }
0x3db: {  	s11 =	sadd.s32 s10, s11;
	v2 =	vld [tilespmem:$0x1FFD0];
	[tilespmem:$0xC5F0] =	vst v0  }
0x3dc: {  	v4 =	vld [tilespmem:$0x1FFF0];
	[hbm4b:s11+s8] =	stream.linear.scatter [tilespmem:s31], [sflag:$0x4], $0x100, $0x38  }
0x3dd: {  	s15 =	sadd.s32 $0x1, s15  }
0x3de: {  	_ =	swait.ge [sflag:s5], $0x100;
	p0 =	sne.s32 s15, s18  }
.Ltmp5:
0x3df: {  	[sflag:s5] =	ssyncset.done $0x0;
	(pc) =	sbr.rel @p0 .LBB2_1-.Ltmp5, $4  }
0x3e0: {  	[sflag:s5] =	ssyncadd.s32 $0xFFFFFF00  }
0x3e1: {  	_ =	swait.ge [sflag:s0], $0x100  }
0x3e2: {  	[sflag:s0] =	ssyncset.done $0x0  }
0x3e3: {  	[sflag:s0] =	ssyncadd.s32 $0xFFFFFF00  }
0x3e4: {  	_ =	sfence.sel $0x180000  }
0x3e5: {  	[bflag:$0x0] =	sbarrier.arrive $0xFFFF  }
0x3e6: {  	_ =	strace $0x90000047  }
0x3e7: {  	s0 =	stileid.u32;
	[bflag:$0x2] =	sbarrier.arrive $0xFFFF  }
0x3e8: {  	p0 =	sne.s32 s0, $0x0;
	s0 =	rddreg [dreg:$0x6]  }
0x3e9: {  	s0 =	sadd.s32 @!p0 $0x100000, s0  }
0x3ea: {  	[sflag:s0] =	ssyncadd.tile.s32 @!p0 $0x1;
	_ =	shalt  }
.Lfunc_end2:
_tile_overlayer_lowered:
.L_overlay_start_2:
0x3eb: {  	(tag) =	ssettag $0x2  }
0x3ec: {  	s0 =	rddreg [dreg:$0x0];
	s2 =	stileid.u32  }
0x3ed: {  	s1 =	rddreg [dreg:$0x1];
	p0 =	sne.s32 s2, $0x0  }
0x3ee: {  	s3 =	rddreg [dreg:$0x2];
	[bflag:$0x3] =	sbarrier.arrive $0xFFFF;
	s2 =	simm.s32 @!p0 $0x1C05  }
0x3ef: {  	[timem:s3], [sflag:s2] =	dma.local @!p0 [hbm:s0], s1  }
0x3f0: {  	s0 =	simm.s32 @!p0 $0x5  }
0x3f1: {  	_ =	swait.ge @!p0 [sflag:s0], s1  }
0x3f2: {  	s1 =	ssub.s32 @!p0 $0x0, s1;
	[sflag:s0] =	ssyncset.done @!p0 $0x0  }
0x3f3: {  	[sflag:s0] =	ssyncadd.s32 @!p0 s1  }
0x3f4: {  	[bflag:$0x3] =	sbarrier.arrive $0xFFFF  }
0x3f5: {  	_ =	shalt  }

</sc_bundles>
